<compile_context>
chip_gen: v7x
topology: tpu7x:2x2x1
jax: 0.10.2.dev20260603
libtpu: 0.0.44.dev20260713+nightly
codegen_flags: <defaults>
</compile_context>

<pallas_src>
import functools

import jax
import jax.numpy as jnp
from jax import lax
from jax.experimental import pallas as pl
from jax.experimental.pallas import tpu as pltpu
from jax.experimental.pallas import tpu_sc as plsc

_NUM_CORES = 2
_NUM_SUBCORES = 16
_NUM_WORKERS = _NUM_CORES * _NUM_SUBCORES
_LANES = 16


@functools.partial(jax.jit, static_argnames=("batch", "seq_len"))
def _embed_sc(ids_flat, wte, wpe, *, batch, seq_len):
    n_embd = wte.shape[1]
    k = seq_len // _NUM_WORKERS
    lanes_per_row = n_embd // _LANES

    mesh = plsc.VectorSubcoreMesh(
        core_axis_name="c",
        subcore_axis_name="s",
        num_cores=_NUM_CORES,
        num_subcores=_NUM_SUBCORES,
    )

    @functools.partial(
        pl.kernel,
        out_type=jax.ShapeDtypeStruct((batch * seq_len, n_embd), jnp.float32),
        mesh=mesh,
        scratch_types=[
            pltpu.VMEM((batch * k,), jnp.int32),
            pltpu.VMEM((k, n_embd), jnp.float32),
            pltpu.VMEM((k, n_embd), jnp.float32),
            pltpu.SemaphoreType.DMA,
            pltpu.SemaphoreType.DMA,
        ],
    )
    def body(ids_hbm, wte_hbm, wpe_hbm, out_hbm, idx_v, rows_v, wpe_v,
             sem_g, sem_p):
        wid = lax.axis_index("s") * _NUM_CORES + lax.axis_index("c")
        s0 = wid * k

        wpe_load = pltpu.async_copy(wpe_hbm.at[pl.ds(s0, k), :], wpe_v, sem_p)
        id_loads = [
            pltpu.async_copy(
                ids_hbm.at[pl.ds(b * seq_len + s0, k)],
                idx_v.at[pl.ds(b * k, k)],
                sem_g,
            )
            for b in range(batch)
        ]
        id_loads[0].wait()
        gather = pltpu.async_copy(
            wte_hbm.at[idx_v.at[pl.ds(0, k)]], rows_v, sem_g
        )
        for ld in id_loads[1:]:
            ld.wait()
        wpe_load.wait()

        for b in range(batch):
            base = b * seq_len + s0
            gather.wait()

            def add_row(r):
                for j in range(lanes_per_row):
                    sl = pl.ds(j * _LANES, _LANES)
                    rows_v[r, sl] += wpe_v[r, sl]

            pl.loop(0, k)(add_row)
            pltpu.sync_copy(rows_v, out_hbm.at[pl.ds(base, k), :])
            if b + 1 < batch:
                gather = pltpu.async_copy(
                    wte_hbm.at[idx_v.at[pl.ds((b + 1) * k, k)]], rows_v, sem_g
                )

    return body(ids_flat, wte, wpe)


def kernel(input_ids, wte, wpe):
    batch, seq_len = input_ids.shape
    out = _embed_sc(input_ids.reshape(-1), wte, wpe, batch=batch, seq_len=seq_len)
    return out.reshape(batch, seq_len, wte.shape[1])

# --- scband reference (transcript-rebuilt; emitter-appended) ---
"""Pipeline reference for scband-gptembeddings-54305566491113 (READ-ONLY COPY).

The authoritative reference and input builder live on the scoring server;
editing this copy changes nothing except your own understanding.
"""

import jax, jax.numpy as jnp
import numpy as np

VOCAB_SIZE = 50257
N_EMBD = 768
N_POSITIONS = 2048
BATCH = 4
SEQ_LEN = 2048


def setup_inputs(seed: int = 0) -> dict:
    key = jax.random.key(seed)
    k1, k2, k3 = jax.random.split(key, 3)
    input_ids = jax.random.randint(k1, (BATCH, SEQ_LEN), 0, VOCAB_SIZE, dtype=jnp.int64 if jax.config.jax_enable_x64 else jnp.int32).astype(jnp.int32)
    wte = jax.random.normal(k2, (VOCAB_SIZE, N_EMBD), dtype=jnp.float32) * 0.02
    wpe = jax.random.normal(k3, (N_POSITIONS, N_EMBD), dtype=jnp.float32) * 0.02
    return {"input_ids": input_ids, "wte": wte, "wpe": wpe}


def reference(input_ids, wte, wpe):
    # Token embedding lookup: (B, S) -> (B, S, n_embd)
    tok_emb = jnp.take(wte, input_ids, axis=0)
    # Positional embedding: (S, n_embd) broadcast over batch
    seq_len = input_ids.shape[1]
    positions = jnp.arange(seq_len)
    pos_emb = jnp.take(wpe, positions, axis=0)
    # Combined embeddings (dropout is identity at inference)
    out = tok_emb + pos_emb[None, :, :]
    return out

if __name__ == "__main__":
    import jax
    _d = setup_inputs()
    print(jax.jit(kernel)(*tuple(_d.values())))

</pallas_src>

<mosaic_0001>
#map = affine_map<(d0, d1) -> (0)>
#map1 = affine_map<(d0, d1) -> (0, 0)>
module attributes {stable_mosaic.version = 14 : i64} {
  func.func @body(%arg0: i32, %arg1: i32, %arg2: memref<8192xi32, #tpu.memory_space<hbm>>, %arg3: memref<50257x768xf32, #tpu.memory_space<hbm>>, %arg4: memref<2048x768xf32, #tpu.memory_space<hbm>>, %arg5: memref<8192x768xf32, #tpu.memory_space<hbm>>, %arg6: memref<256xi32, #tpu.memory_space<vmem>>, %arg7: memref<64x768xf32, #tpu.memory_space<vmem>>, %arg8: memref<64x768xf32, #tpu.memory_space<vmem>>, %arg9: memref<!tpu.dma_semaphore, #tpu.memory_space<semaphore_mem>>, %arg10: memref<!tpu.dma_semaphore, #tpu.memory_space<semaphore_mem>>) attributes {dimension_semantics = [#tpu.dimension_semantics<core_parallel>, #tpu.dimension_semantics<subcore_parallel>], iteration_bounds = array<i64: 2, 16>, scalar_prefetch = 0 : i64, scratch_operands = 5 : i64, tpu.core_type = #tpu.core_type<sc_vector_subcore>, window_params = [{transform_indices = #map}, {transform_indices = #map1}, {transform_indices = #map1}, {transform_indices = #map1}]} {
    %mul3A = arith.constant 2 : i32
    %mul3A_0 = arith.muli %arg1, %mul3A : i32
    %add3A = arith.addi %mul3A_0, %arg0 : i32
    %mul3A_1 = arith.constant 64 : i32
    %mul3A_2 = arith.muli %add3A, %mul3A_1 : i32
    %dma_start3A = arith.constant 0 : i32
    %dma_start3A_3 = tpu.memref_slice %arg4[%mul3A_2, %dma_start3A] : memref<2048x768xf32, #tpu.memory_space<hbm>> -> memref<64x768xf32, #tpu.memory_space<hbm>>
    %dma_start3A_4 = arith.constant 0 : i32
    %dma_start3A_5 = tpu.memref_slice %arg4[%mul3A_2, %dma_start3A_4] : memref<2048x768xf32, #tpu.memory_space<hbm>> -> memref<64x768xf32, #tpu.memory_space<hbm>>
    tpu.enqueue_dma source(%dma_start3A_5 : memref<64x768xf32, #tpu.memory_space<hbm>>) target(%arg8 : memref<64x768xf32, #tpu.memory_space<vmem>>) target_semaphore(%arg10 : memref<!tpu.dma_semaphore, #tpu.memory_space<semaphore_mem>>)
    %add3A_6 = arith.constant 0 : i32
    %add3A_7 = arith.addi %add3A_6, %mul3A_2 : i32
    %dma_start3A_8 = arith.constant 0 : i32
    %dma_start3A_9 = tpu.memref_slice %arg6[%dma_start3A_8] : memref<256xi32, #tpu.memory_space<vmem>> -> memref<64xi32, #tpu.memory_space<vmem>>
    %dma_start3A_10 = tpu.memref_slice %arg2[%add3A_7] : memref<8192xi32, #tpu.memory_space<hbm>> -> memref<64xi32, #tpu.memory_space<hbm>>
    %dma_start3A_11 = arith.constant 0 : i32
    %dma_start3A_12 = tpu.memref_slice %arg6[%dma_start3A_11] : memref<256xi32, #tpu.memory_space<vmem>> -> memref<64xi32, #tpu.memory_space<vmem>>
    %dma_start3A_13 = tpu.memref_slice %arg2[%add3A_7] : memref<8192xi32, #tpu.memory_space<hbm>> -> memref<64xi32, #tpu.memory_space<hbm>>
    tpu.enqueue_dma source(%dma_start3A_13 : memref<64xi32, #tpu.memory_space<hbm>>) target(%dma_start3A_12 : memref<64xi32, #tpu.memory_space<vmem>>) target_semaphore(%arg9 : memref<!tpu.dma_semaphore, #tpu.memory_space<semaphore_mem>>)
    %add3A_14 = arith.constant 2048 : i32
    %add3A_15 = arith.addi %add3A_14, %mul3A_2 : i32
    %dma_start3A_16 = arith.constant 64 : i32
    %dma_start3A_17 = tpu.memref_slice %arg6[%dma_start3A_16] : memref<256xi32, #tpu.memory_space<vmem>> -> memref<64xi32, #tpu.memory_space<vmem>>
    %dma_start3A_18 = tpu.memref_slice %arg2[%add3A_15] : memref<8192xi32, #tpu.memory_space<hbm>> -> memref<64xi32, #tpu.memory_space<hbm>>
    %dma_start3A_19 = arith.constant 64 : i32
    %dma_start3A_20 = tpu.memref_slice %arg6[%dma_start3A_19] : memref<256xi32, #tpu.memory_space<vmem>> -> memref<64xi32, #tpu.memory_space<vmem>>
    %dma_start3A_21 = tpu.memref_slice %arg2[%add3A_15] : memref<8192xi32, #tpu.memory_space<hbm>> -> memref<64xi32, #tpu.memory_space<hbm>>
    tpu.enqueue_dma source(%dma_start3A_21 : memref<64xi32, #tpu.memory_space<hbm>>) target(%dma_start3A_20 : memref<64xi32, #tpu.memory_space<vmem>>) target_semaphore(%arg9 : memref<!tpu.dma_semaphore, #tpu.memory_space<semaphore_mem>>)
    %add3A_22 = arith.constant 4096 : i32
    %add3A_23 = arith.addi %add3A_22, %mul3A_2 : i32
    %dma_start3A_24 = arith.constant 128 : i32
    %dma_start3A_25 = tpu.memref_slice %arg6[%dma_start3A_24] : memref<256xi32, #tpu.memory_space<vmem>> -> memref<64xi32, #tpu.memory_space<vmem>>
    %dma_start3A_26 = tpu.memref_slice %arg2[%add3A_23] : memref<8192xi32, #tpu.memory_space<hbm>> -> memref<64xi32, #tpu.memory_space<hbm>>
    %dma_start3A_27 = arith.constant 128 : i32
    %dma_start3A_28 = tpu.memref_slice %arg6[%dma_start3A_27] : memref<256xi32, #tpu.memory_space<vmem>> -> memref<64xi32, #tpu.memory_space<vmem>>
    %dma_start3A_29 = tpu.memref_slice %arg2[%add3A_23] : memref<8192xi32, #tpu.memory_space<hbm>> -> memref<64xi32, #tpu.memory_space<hbm>>
    tpu.enqueue_dma source(%dma_start3A_29 : memref<64xi32, #tpu.memory_space<hbm>>) target(%dma_start3A_28 : memref<64xi32, #tpu.memory_space<vmem>>) target_semaphore(%arg9 : memref<!tpu.dma_semaphore, #tpu.memory_space<semaphore_mem>>)
    %add3A_30 = arith.constant 6144 : i32
    %add3A_31 = arith.addi %add3A_30, %mul3A_2 : i32
    %dma_start3A_32 = arith.constant 192 : i32
    %dma_start3A_33 = tpu.memref_slice %arg6[%dma_start3A_32] : memref<256xi32, #tpu.memory_space<vmem>> -> memref<64xi32, #tpu.memory_space<vmem>>
    %dma_start3A_34 = tpu.memref_slice %arg2[%add3A_31] : memref<8192xi32, #tpu.memory_space<hbm>> -> memref<64xi32, #tpu.memory_space<hbm>>
    %dma_start3A_35 = arith.constant 192 : i32
    %dma_start3A_36 = tpu.memref_slice %arg6[%dma_start3A_35] : memref<256xi32, #tpu.memory_space<vmem>> -> memref<64xi32, #tpu.memory_space<vmem>>
    %dma_start3A_37 = tpu.memref_slice %arg2[%add3A_31] : memref<8192xi32, #tpu.memory_space<hbm>> -> memref<64xi32, #tpu.memory_space<hbm>>
    tpu.enqueue_dma source(%dma_start3A_37 : memref<64xi32, #tpu.memory_space<hbm>>) target(%dma_start3A_36 : memref<64xi32, #tpu.memory_space<vmem>>) target_semaphore(%arg9 : memref<!tpu.dma_semaphore, #tpu.memory_space<semaphore_mem>>)
    %dma_wait3A = arith.constant 0 : i32
    %dma_wait3A_38 = tpu.memref_slice %arg6[%dma_wait3A] : memref<256xi32, #tpu.memory_space<vmem>> -> memref<64xi32, #tpu.memory_space<vmem>>
    %dma_wait3A_39 = tpu.memref_slice %arg2[%add3A_7] : memref<8192xi32, #tpu.memory_space<hbm>> -> memref<64xi32, #tpu.memory_space<hbm>>
    %dma_wait3A_40 = arith.constant 0 : i32
    %dma_wait3A_41 = tpu.memref_slice %arg6[%dma_wait3A_40] : memref<256xi32, #tpu.memory_space<vmem>> -> memref<64xi32, #tpu.memory_space<vmem>>
    %dma_wait3A_42 = tpu.memref_slice %arg2[%add3A_7] : memref<8192xi32, #tpu.memory_space<hbm>> -> memref<64xi32, #tpu.memory_space<hbm>>
    tpu.wait_dma2 semaphore(%arg9 : memref<!tpu.dma_semaphore, #tpu.memory_space<semaphore_mem>>) src(%dma_wait3A_42 : memref<64xi32, #tpu.memory_space<hbm>>) dst(%dma_wait3A_41 : memref<64xi32, #tpu.memory_space<vmem>>)
    %dma_start3A_43 = arith.constant 0 : i32
    %dma_start3A_44 = tpu.memref_slice %arg6[%dma_start3A_43] : memref<256xi32, #tpu.memory_space<vmem>> -> memref<64xi32, #tpu.memory_space<vmem>>
    %dma_start3A_45 = arith.constant 0 : i32
    %dma_start3A_46 = arith.constant 0 : i32
    %dma_start3A_47 = tpu.memref_slice %arg3[%dma_start3A_45, %dma_start3A_46] : memref<50257x768xf32, #tpu.memory_space<hbm>> -> memref<50257x768xf32, #tpu.memory_space<hbm>>
    tpu.enqueue_indirect_dma source(%dma_start3A_47 : memref<50257x768xf32, #tpu.memory_space<hbm>>) target(%arg7 : memref<64x768xf32, #tpu.memory_space<vmem>>) offsets(%dma_start3A_44 : memref<64xi32, #tpu.memory_space<vmem>>) semaphore(%arg9 : memref<!tpu.dma_semaphore, #tpu.memory_space<semaphore_mem>>)
    %dma_wait3A_48 = arith.constant 64 : i32
    %dma_wait3A_49 = tpu.memref_slice %arg6[%dma_wait3A_48] : memref<256xi32, #tpu.memory_space<vmem>> -> memref<64xi32, #tpu.memory_space<vmem>>
    %dma_wait3A_50 = tpu.memref_slice %arg2[%add3A_15] : memref<8192xi32, #tpu.memory_space<hbm>> -> memref<64xi32, #tpu.memory_space<hbm>>
    %dma_wait3A_51 = arith.constant 64 : i32
    %dma_wait3A_52 = tpu.memref_slice %arg6[%dma_wait3A_51] : memref<256xi32, #tpu.memory_space<vmem>> -> memref<64xi32, #tpu.memory_space<vmem>>
    %dma_wait3A_53 = tpu.memref_slice %arg2[%add3A_15] : memref<8192xi32, #tpu.memory_space<hbm>> -> memref<64xi32, #tpu.memory_space<hbm>>
    tpu.wait_dma2 semaphore(%arg9 : memref<!tpu.dma_semaphore, #tpu.memory_space<semaphore_mem>>) src(%dma_wait3A_53 : memref<64xi32, #tpu.memory_space<hbm>>) dst(%dma_wait3A_52 : memref<64xi32, #tpu.memory_space<vmem>>)
    %dma_wait3A_54 = arith.constant 128 : i32
    %dma_wait3A_55 = tpu.memref_slice %arg6[%dma_wait3A_54] : memref<256xi32, #tpu.memory_space<vmem>> -> memref<64xi32, #tpu.memory_space<vmem>>
    %dma_wait3A_56 = tpu.memref_slice %arg2[%add3A_23] : memref<8192xi32, #tpu.memory_space<hbm>> -> memref<64xi32, #tpu.memory_space<hbm>>
    %dma_wait3A_57 = arith.constant 128 : i32
    %dma_wait3A_58 = tpu.memref_slice %arg6[%dma_wait3A_57] : memref<256xi32, #tpu.memory_space<vmem>> -> memref<64xi32, #tpu.memory_space<vmem>>
    %dma_wait3A_59 = tpu.memref_slice %arg2[%add3A_23] : memref<8192xi32, #tpu.memory_space<hbm>> -> memref<64xi32, #tpu.memory_space<hbm>>
    tpu.wait_dma2 semaphore(%arg9 : memref<!tpu.dma_semaphore, #tpu.memory_space<semaphore_mem>>) src(%dma_wait3A_59 : memref<64xi32, #tpu.memory_space<hbm>>) dst(%dma_wait3A_58 : memref<64xi32, #tpu.memory_space<vmem>>)
    %dma_wait3A_60 = arith.constant 192 : i32
    %dma_wait3A_61 = tpu.memref_slice %arg6[%dma_wait3A_60] : memref<256xi32, #tpu.memory_space<vmem>> -> memref<64xi32, #tpu.memory_space<vmem>>
    %dma_wait3A_62 = tpu.memref_slice %arg2[%add3A_31] : memref<8192xi32, #tpu.memory_space<hbm>> -> memref<64xi32, #tpu.memory_space<hbm>>
    %dma_wait3A_63 = arith.constant 192 : i32
    %dma_wait3A_64 = tpu.memref_slice %arg6[%dma_wait3A_63] : memref<256xi32, #tpu.memory_space<vmem>> -> memref<64xi32, #tpu.memory_space<vmem>>
    %dma_wait3A_65 = tpu.memref_slice %arg2[%add3A_31] : memref<8192xi32, #tpu.memory_space<hbm>> -> memref<64xi32, #tpu.memory_space<hbm>>
    tpu.wait_dma2 semaphore(%arg9 : memref<!tpu.dma_semaphore, #tpu.memory_space<semaphore_mem>>) src(%dma_wait3A_65 : memref<64xi32, #tpu.memory_space<hbm>>) dst(%dma_wait3A_64 : memref<64xi32, #tpu.memory_space<vmem>>)
    %dma_wait3A_66 = arith.constant 0 : i32
    %dma_wait3A_67 = tpu.memref_slice %arg4[%mul3A_2, %dma_wait3A_66] : memref<2048x768xf32, #tpu.memory_space<hbm>> -> memref<64x768xf32, #tpu.memory_space<hbm>>
    %dma_wait3A_68 = arith.constant 0 : i32
    %dma_wait3A_69 = tpu.memref_slice %arg4[%mul3A_2, %dma_wait3A_68] : memref<2048x768xf32, #tpu.memory_space<hbm>> -> memref<64x768xf32, #tpu.memory_space<hbm>>
    tpu.wait_dma2 semaphore(%arg10 : memref<!tpu.dma_semaphore, #tpu.memory_space<semaphore_mem>>) src(%dma_wait3A_69 : memref<64x768xf32, #tpu.memory_space<hbm>>) dst(%arg8 : memref<64x768xf32, #tpu.memory_space<vmem>>)
    %add3A_70 = arith.constant 0 : i32
    %add3A_71 = arith.addi %add3A_70, %mul3A_2 : i32
    %dma_wait3A_72 = arith.constant 0 : i32
    %dma_wait3A_73 = tpu.memref_slice %arg6[%dma_wait3A_72] : memref<256xi32, #tpu.memory_space<vmem>> -> memref<64xi32, #tpu.memory_space<vmem>>
    %dma_wait3A_74 = arith.constant 0 : i32
    %dma_wait3A_75 = arith.constant 0 : i32
    %dma_wait3A_76 = tpu.memref_slice %arg3[%dma_wait3A_74, %dma_wait3A_75] : memref<50257x768xf32, #tpu.memory_space<hbm>> -> memref<50257x768xf32, #tpu.memory_space<hbm>>
    tpu.wait_indirect_dma semaphore(%arg9 : memref<!tpu.dma_semaphore, #tpu.memory_space<semaphore_mem>>) src(%dma_wait3A_76 : memref<50257x768xf32, #tpu.memory_space<hbm>>) dst(%arg7 : memref<64x768xf32, #tpu.memory_space<vmem>>)
    %scan3A = arith.constant 0 : i32
    %scan3A_77 = arith.constant 64 : i32
    %scan3A_78 = arith.addi %scan3A, %scan3A_77 : i32
    %scan3A_79 = arith.constant 1 : i32
    scf.for %scan3A_132 = %scan3A to %scan3A_78 step %scan3A_79  : i32 {
      %mul3A_133 = arith.constant 1 : i32
      %mul3A_134 = arith.muli %scan3A_132, %mul3A_133 : i32
      %add3A_135 = arith.constant 0 : i32
      %add3A_136 = arith.addi %add3A_135, %mul3A_134 : i32
      %get3A = arith.index_cast %add3A_136 : i32 to index
      %get3A_137 = arith.constant 0 : index
      %get3A_138 = tpu.vector_load %arg7[%get3A, %get3A_137] {strides = array<i32>} : memref<64x768xf32, #tpu.memory_space<vmem>>, vector<1x16xf32>,
      %get3A_139 = vector.shape_cast %get3A_138 : vector<1x16xf32> to vector<16xf32>
      %get3A_140 = arith.index_cast %add3A_136 : i32 to index
      %get3A_141 = arith.constant 0 : index
      %get3A_142 = tpu.vector_load %arg8[%get3A_140, %get3A_141] {strides = array<i32>} : memref<64x768xf32, #tpu.memory_space<vmem>>, vector<1x16xf32>,
      %get3A_143 = vector.shape_cast %get3A_142 : vector<1x16xf32> to vector<16xf32>
      %add3A_144 = arith.addf %get3A_139, %get3A_143 : vector<16xf32>
      %swap3A = arith.index_cast %add3A_136 : i32 to index
      %swap3A_145 = arith.constant 0 : index
      %swap3A_146 = tpu.vector_load %arg7[%swap3A, %swap3A_145] {strides = array<i32>} : memref<64x768xf32, #tpu.memory_space<vmem>>, vector<1x16xf32>,
      %swap3A_147 = vector.shape_cast %swap3A_146 : vector<1x16xf32> to vector<16xf32>
      %swap3A_148 = vector.shape_cast %add3A_144 : vector<16xf32> to vector<1x16xf32>
      tpu.vector_store %arg7[%swap3A, %swap3A_145], %swap3A_148 {strides = array<i32>} : memref<64x768xf32, #tpu.memory_space<vmem>>, vector<1x16xf32>,
      %get3A_149 = arith.index_cast %add3A_136 : i32 to index
      %get3A_150 = arith.constant 16 : index
      %get3A_151 = tpu.vector_load %arg7[%get3A_149, %get3A_150] {strides = array<i32>} : memref<64x768xf32, #tpu.memory_space<vmem>>, vector<1x16xf32>,
      %get3A_152 = vector.shape_cast %get3A_151 : vector<1x16xf32> to vector<16xf32>
      %get3A_153 = arith.index_cast %add3A_136 : i32 to index
      %get3A_154 = arith.constant 16 : index
      %get3A_155 = tpu.vector_load %arg8[%get3A_153, %get3A_154] {strides = array<i32>} : memref<64x768xf32, #tpu.memory_space<vmem>>, vector<1x16xf32>,
      %get3A_156 = vector.shape_cast %get3A_155 : vector<1x16xf32> to vector<16xf32>
      %add3A_157 = arith.addf %get3A_152, %get3A_156 : vector<16xf32>
      %swap3A_158 = arith.index_cast %add3A_136 : i32 to index
      %swap3A_159 = arith.constant 16 : index
      %swap3A_160 = tpu.vector_load %arg7[%swap3A_158, %swap3A_159] {strides = array<i32>} : memref<64x768xf32, #tpu.memory_space<vmem>>, vector<1x16xf32>,
      %swap3A_161 = vector.shape_cast %swap3A_160 : vector<1x16xf32> to vector<16xf32>
      %swap3A_162 = vector.shape_cast %add3A_157 : vector<16xf32> to vector<1x16xf32>
      tpu.vector_store %arg7[%swap3A_158, %swap3A_159], %swap3A_162 {strides = array<i32>} : memref<64x768xf32, #tpu.memory_space<vmem>>, vector<1x16xf32>,
      %get3A_163 = arith.index_cast %add3A_136 : i32 to index
      %get3A_164 = arith.constant 32 : index
      %get3A_165 = tpu.vector_load %arg7[%get3A_163, %get3A_164] {strides = array<i32>} : memref<64x768xf32, #tpu.memory_space<vmem>>, vector<1x16xf32>,
      %get3A_166 = vector.shape_cast %get3A_165 : vector<1x16xf32> to vector<16xf32>
      %get3A_167 = arith.index_cast %add3A_136 : i32 to index
      %get3A_168 = arith.constant 32 : index
      %get3A_169 = tpu.vector_load %arg8[%get3A_167, %get3A_168] {strides = array<i32>} : memref<64x768xf32, #tpu.memory_space<vmem>>, vector<1x16xf32>,
      %get3A_170 = vector.shape_cast %get3A_169 : vector<1x16xf32> to vector<16xf32>
      %add3A_171 = arith.addf %get3A_166, %get3A_170 : vector<16xf32>
      %swap3A_172 = arith.index_cast %add3A_136 : i32 to index
      %swap3A_173 = arith.constant 32 : index
      %swap3A_174 = tpu.vector_load %arg7[%swap3A_172, %swap3A_173] {strides = array<i32>} : memref<64x768xf32, #tpu.memory_space<vmem>>, vector<1x16xf32>,
      %swap3A_175 = vector.shape_cast %swap3A_174 : vector<1x16xf32> to vector<16xf32>
      %swap3A_176 = vector.shape_cast %add3A_171 : vector<16xf32> to vector<1x16xf32>
      tpu.vector_store %arg7[%swap3A_172, %swap3A_173], %swap3A_176 {strides = array<i32>} : memref<64x768xf32, #tpu.memory_space<vmem>>, vector<1x16xf32>,
      %get3A_177 = arith.index_cast %add3A_136 : i32 to index
      %get3A_178 = arith.constant 48 : index
      %get3A_179 = tpu.vector_load %arg7[%get3A_177, %get3A_178] {strides = array<i32>} : memref<64x768xf32, #tpu.memory_space<vmem>>, vector<1x16xf32>,
      %get3A_180 = vector.shape_cast %get3A_179 : vector<1x16xf32> to vector<16xf32>
      %get3A_181 = arith.index_cast %add3A_136 : i32 to index
      %get3A_182 = arith.constant 48 : index
      %get3A_183 = tpu.vector_load %arg8[%get3A_181, %get3A_182] {strides = array<i32>} : memref<64x768xf32, #tpu.memory_space<vmem>>, vector<1x16xf32>,
      %get3A_184 = vector.shape_cast %get3A_183 : vector<1x16xf32> to vector<16xf32>
      %add3A_185 = arith.addf %get3A_180, %get3A_184 : vector<16xf32>
      %swap3A_186 = arith.index_cast %add3A_136 : i32 to index
      %swap3A_187 = arith.constant 48 : index
      %swap3A_188 = tpu.vector_load %arg7[%swap3A_186, %swap3A_187] {strides = array<i32>} : memref<64x768xf32, #tpu.memory_space<vmem>>, vector<1x16xf32>,
      %swap3A_189 = vector.shape_cast %swap3A_188 : vector<1x16xf32> to vector<16xf32>
      %swap3A_190 = vector.shape_cast %add3A_185 : vector<16xf32> to vector<1x16xf32>
      tpu.vector_store %arg7[%swap3A_186, %swap3A_187], %swap3A_190 {strides = array<i32>} : memref<64x768xf32, #tpu.memory_space<vmem>>, vector<1x16xf32>,
      %get3A_191 = arith.index_cast %add3A_136 : i32 to index
      %get3A_192 = arith.constant 64 : index
      %get3A_193 = tpu.vector_load %arg7[%get3A_191, %get3A_192] {strides = array<i32>} : memref<64x768xf32, #tpu.memory_space<vmem>>, vector<1x16xf32>,
      %get3A_194 = vector.shape_cast %get3A_193 : vector<1x16xf32> to vector<16xf32>
      %get3A_195 = arith.index_cast %add3A_136 : i32 to index
      %get3A_196 = arith.constant 64 : index
      %get3A_197 = tpu.vector_load %arg8[%get3A_195, %get3A_196] {strides = array<i32>} : memref<64x768xf32, #tpu.memory_space<vmem>>, vector<1x16xf32>,
      %get3A_198 = vector.shape_cast %get3A_197 : vector<1x16xf32> to vector<16xf32>
      %add3A_199 = arith.addf %get3A_194, %get3A_198 : vector<16xf32>
      %swap3A_200 = arith.index_cast %add3A_136 : i32 to index
      %swap3A_201 = arith.constant 64 : index
      %swap3A_202 = tpu.vector_load %arg7[%swap3A_200, %swap3A_201] {strides = array<i32>} : memref<64x768xf32, #tpu.memory_space<vmem>>, vector<1x16xf32>,
      %swap3A_203 = vector.shape_cast %swap3A_202 : vector<1x16xf32> to vector<16xf32>
      %swap3A_204 = vector.shape_cast %add3A_199 : vector<16xf32> to vector<1x16xf32>
      tpu.vector_store %arg7[%swap3A_200, %swap3A_201], %swap3A_204 {strides = array<i32>} : memref<64x768xf32, #tpu.memory_space<vmem>>, vector<1x16xf32>,
      %get3A_205 = arith.index_cast %add3A_136 : i32 to index
      %get3A_206 = arith.constant 80 : index
      %get3A_207 = tpu.vector_load %arg7[%get3A_205, %get3A_206] {strides = array<i32>} : memref<64x768xf32, #tpu.memory_space<vmem>>, vector<1x16xf32>,
      %get3A_208 = vector.shape_cast %get3A_207 : vector<1x16xf32> to vector<16xf32>
      %get3A_209 = arith.index_cast %add3A_136 : i32 to index
      %get3A_210 = arith.constant 80 : index
      %get3A_211 = tpu.vector_load %arg8[%get3A_209, %get3A_210] {strides = array<i32>} : memref<64x768xf32, #tpu.memory_space<vmem>>, vector<1x16xf32>,
      %get3A_212 = vector.shape_cast %get3A_211 : vector<1x16xf32> to vector<16xf32>
      %add3A_213 = arith.addf %get3A_208, %get3A_212 : vector<16xf32>
      %swap3A_214 = arith.index_cast %add3A_136 : i32 to index
      %swap3A_215 = arith.constant 80 : index
      %swap3A_216 = tpu.vector_load %arg7[%swap3A_214, %swap3A_215] {strides = array<i32>} : memref<64x768xf32, #tpu.memory_space<vmem>>, vector<1x16xf32>,
      %swap3A_217 = vector.shape_cast %swap3A_216 : vector<1x16xf32> to vector<16xf32>
      %swap3A_218 = vector.shape_cast %add3A_213 : vector<16xf32> to vector<1x16xf32>
      tpu.vector_store %arg7[%swap3A_214, %swap3A_215], %swap3A_218 {strides = array<i32>} : memref<64x768xf32, #tpu.memory_space<vmem>>, vector<1x16xf32>,
      %get3A_219 = arith.index_cast %add3A_136 : i32 to index
      %get3A_220 = arith.constant 96 : index
      %get3A_221 = tpu.vector_load %arg7[%get3A_219, %get3A_220] {strides = array<i32>} : memref<64x768xf32, #tpu.memory_space<vmem>>, vector<1x16xf32>,
      %get3A_222 = vector.shape_cast %get3A_221 : vector<1x16xf32> to vector<16xf32>
      %get3A_223 = arith.index_cast %add3A_136 : i32 to index
      %get3A_224 = arith.constant 96 : index
      %get3A_225 = tpu.vector_load %arg8[%get3A_223, %get3A_224] {strides = array<i32>} : memref<64x768xf32, #tpu.memory_space<vmem>>, vector<1x16xf32>,
      %get3A_226 = vector.shape_cast %get3A_225 : vector<1x16xf32> to vector<16xf32>
      %add3A_227 = arith.addf %get3A_222, %get3A_226 : vector<16xf32>
      %swap3A_228 = arith.index_cast %add3A_136 : i32 to index
      %swap3A_229 = arith.constant 96 : index
      %swap3A_230 = tpu.vector_load %arg7[%swap3A_228, %swap3A_229] {strides = array<i32>} : memref<64x768xf32, #tpu.memory_space<vmem>>, vector<1x16xf32>,
      %swap3A_231 = vector.shape_cast %swap3A_230 : vector<1x16xf32> to vector<16xf32>
      %swap3A_232 = vector.shape_cast %add3A_227 : vector<16xf32> to vector<1x16xf32>
      tpu.vector_store %arg7[%swap3A_228, %swap3A_229], %swap3A_232 {strides = array<i32>} : memref<64x768xf32, #tpu.memory_space<vmem>>, vector<1x16xf32>,
      %get3A_233 = arith.index_cast %add3A_136 : i32 to index
      %get3A_234 = arith.constant 112 : index
      %get3A_235 = tpu.vector_load %arg7[%get3A_233, %get3A_234] {strides = array<i32>} : memref<64x768xf32, #tpu.memory_space<vmem>>, vector<1x16xf32>,
      %get3A_236 = vector.shape_cast %get3A_235 : vector<1x16xf32> to vector<16xf32>
      %get3A_237 = arith.index_cast %add3A_136 : i32 to index
      %get3A_238 = arith.constant 112 : index
      %get3A_239 = tpu.vector_load %arg8[%get3A_237, %get3A_238] {strides = array<i32>} : memref<64x768xf32, #tpu.memory_space<vmem>>, vector<1x16xf32>,
      %get3A_240 = vector.shape_cast %get3A_239 : vector<1x16xf32> to vector<16xf32>
      %add3A_241 = arith.addf %get3A_236, %get3A_240 : vector<16xf32>
      %swap3A_242 = arith.index_cast %add3A_136 : i32 to index
      %swap3A_243 = arith.constant 112 : index
      %swap3A_244 = tpu.vector_load %arg7[%swap3A_242, %swap3A_243] {strides = array<i32>} : memref<64x768xf32, #tpu.memory_space<vmem>>, vector<1x16xf32>,
      %swap3A_245 = vector.shape_cast %swap3A_244 : vector<1x16xf32> to vector<16xf32>
      %swap3A_246 = vector.shape_cast %add3A_241 : vector<16xf32> to vector<1x16xf32>
      tpu.vector_store %arg7[%swap3A_242, %swap3A_243], %swap3A_246 {strides = array<i32>} : memref<64x768xf32, #tpu.memory_space<vmem>>, vector<1x16xf32>,
      %get3A_247 = arith.index_cast %add3A_136 : i32 to index
      %get3A_248 = arith.constant 128 : index
      %get3A_249 = tpu.vector_load %arg7[%get3A_247, %get3A_248] {strides = array<i32>} : memref<64x768xf32, #tpu.memory_space<vmem>>, vector<1x16xf32>,
      %get3A_250 = vector.shape_cast %get3A_249 : vector<1x16xf32> to vector<16xf32>
      %get3A_251 = arith.index_cast %add3A_136 : i32 to index
      %get3A_252 = arith.constant 128 : index
      %get3A_253 = tpu.vector_load %arg8[%get3A_251, %get3A_252] {strides = array<i32>} : memref<64x768xf32, #tpu.memory_space<vmem>>, vector<1x16xf32>,
      %get3A_254 = vector.shape_cast %get3A_253 : vector<1x16xf32> to vector<16xf32>
      %add3A_255 = arith.addf %get3A_250, %get3A_254 : vector<16xf32>
      %swap3A_256 = arith.index_cast %add3A_136 : i32 to index
      %swap3A_257 = arith.constant 128 : index
      %swap3A_258 = tpu.vector_load %arg7[%swap3A_256, %swap3A_257] {strides = array<i32>} : memref<64x768xf32, #tpu.memory_space<vmem>>, vector<1x16xf32>,
      %swap3A_259 = vector.shape_cast %swap3A_258 : vector<1x16xf32> to vector<16xf32>
      %swap3A_260 = vector.shape_cast %add3A_255 : vector<16xf32> to vector<1x16xf32>
      tpu.vector_store %arg7[%swap3A_256, %swap3A_257], %swap3A_260 {strides = array<i32>} : memref<64x768xf32, #tpu.memory_space<vmem>>, vector<1x16xf32>,
      %get3A_261 = arith.index_cast %add3A_136 : i32 to index
      %get3A_262 = arith.constant 144 : index
      %get3A_263 = tpu.vector_load %arg7[%get3A_261, %get3A_262] {strides = array<i32>} : memref<64x768xf32, #tpu.memory_space<vmem>>, vector<1x16xf32>,
      %get3A_264 = vector.shape_cast %get3A_263 : vector<1x16xf32> to vector<16xf32>
      %get3A_265 = arith.index_cast %add3A_136 : i32 to index
      %get3A_266 = arith.constant 144 : index
      %get3A_267 = tpu.vector_load %arg8[%get3A_265, %get3A_266] {strides = array<i32>} : memref<64x768xf32, #tpu.memory_space<vmem>>, vector<1x16xf32>,
      %get3A_268 = vector.shape_cast %get3A_267 : vector<1x16xf32> to vector<16xf32>
      %add3A_269 = arith.addf %get3A_264, %get3A_268 : vector<16xf32>
      %swap3A_270 = arith.index_cast %add3A_136 : i32 to index
      %swap3A_271 = arith.constant 144 : index
      %swap3A_272 = tpu.vector_load %arg7[%swap3A_270, %swap3A_271] {strides = array<i32>} : memref<64x768xf32, #tpu.memory_space<vmem>>, vector<1x16xf32>,
      %swap3A_273 = vector.shape_cast %swap3A_272 : vector<1x16xf32> to vector<16xf32>
      %swap3A_274 = vector.shape_cast %add3A_269 : vector<16xf32> to vector<1x16xf32>
      tpu.vector_store %arg7[%swap3A_270, %swap3A_271], %swap3A_274 {strides = array<i32>} : memref<64x768xf32, #tpu.memory_space<vmem>>, vector<1x16xf32>,
      %get3A_275 = arith.index_cast %add3A_136 : i32 to index
      %get3A_276 = arith.constant 160 : index
      %get3A_277 = tpu.vector_load %arg7[%get3A_275, %get3A_276] {strides = array<i32>} : memref<64x768xf32, #tpu.memory_space<vmem>>, vector<1x16xf32>,
      %get3A_278 = vector.shape_cast %get3A_277 : vector<1x16xf32> to vector<16xf32>
      %get3A_279 = arith.index_cast %add3A_136 : i32 to index
      %get3A_280 = arith.constant 160 : index
      %get3A_281 = tpu.vector_load %arg8[%get3A_279, %get3A_280] {strides = array<i32>} : memref<64x768xf32, #tpu.memory_space<vmem>>, vector<1x16xf32>,
      %get3A_282 = vector.shape_cast %get3A_281 : vector<1x16xf32> to vector<16xf32>
      %add3A_283 = arith.addf %get3A_278, %get3A_282 : vector<16xf32>
      %swap3A_284 = arith.index_cast %add3A_136 : i32 to index
      %swap3A_285 = arith.constant 160 : index
      %swap3A_286 = tpu.vector_load %arg7[%swap3A_284, %swap3A_285] {strides = array<i32>} : memref<64x768xf32, #tpu.memory_space<vmem>>, vector<1x16xf32>,
      %swap3A_287 = vector.shape_cast %swap3A_286 : vector<1x16xf32> to vector<16xf32>
      %swap3A_288 = vector.shape_cast %add3A_283 : vector<16xf32> to vector<1x16xf32>
      tpu.vector_store %arg7[%swap3A_284, %swap3A_285], %swap3A_288 {strides = array<i32>} : memref<64x768xf32, #tpu.memory_space<vmem>>, vector<1x16xf32>,
      %get3A_289 = arith.index_cast %add3A_136 : i32 to index
      %get3A_290 = arith.constant 176 : index
      %get3A_291 = tpu.vector_load %arg7[%get3A_289, %get3A_290] {strides = array<i32>} : memref<64x768xf32, #tpu.memory_space<vmem>>, vector<1x16xf32>,
      %get3A_292 = vector.shape_cast %get3A_291 : vector<1x16xf32> to vector<16xf32>
      %get3A_293 = arith.index_cast %add3A_136 : i32 to index
      %get3A_294 = arith.constant 176 : index
      %get3A_295 = tpu.vector_load %arg8[%get3A_293, %get3A_294] {strides = array<i32>} : memref<64x768xf32, #tpu.memory_space<vmem>>, vector<1x16xf32>,
      %get3A_296 = vector.shape_cast %get3A_295 : vector<1x16xf32> to vector<16xf32>
      %add3A_297 = arith.addf %get3A_292, %get3A_296 : vector<16xf32>
      %swap3A_298 = arith.index_cast %add3A_136 : i32 to index
      %swap3A_299 = arith.constant 176 : index
      %swap3A_300 = tpu.vector_load %arg7[%swap3A_298, %swap3A_299] {strides = array<i32>} : memref<64x768xf32, #tpu.memory_space<vmem>>, vector<1x16xf32>,
      %swap3A_301 = vector.shape_cast %swap3A_300 : vector<1x16xf32> to vector<16xf32>
      %swap3A_302 = vector.shape_cast %add3A_297 : vector<16xf32> to vector<1x16xf32>
      tpu.vector_store %arg7[%swap3A_298, %swap3A_299], %swap3A_302 {strides = array<i32>} : memref<64x768xf32, #tpu.memory_space<vmem>>, vector<1x16xf32>,
      %get3A_303 = arith.index_cast %add3A_136 : i32 to index
      %get3A_304 = arith.constant 192 : index
      %get3A_305 = tpu.vector_load %arg7[%get3A_303, %get3A_304] {strides = array<i32>} : memref<64x768xf32, #tpu.memory_space<vmem>>, vector<1x16xf32>,
      %get3A_306 = vector.shape_cast %get3A_305 : vector<1x16xf32> to vector<16xf32>
      %get3A_307 = arith.index_cast %add3A_136 : i32 to index
      %get3A_308 = arith.constant 192 : index
      %get3A_309 = tpu.vector_load %arg8[%get3A_307, %get3A_308] {strides = array<i32>} : memref<64x768xf32, #tpu.memory_space<vmem>>, vector<1x16xf32>,
      %get3A_310 = vector.shape_cast %get3A_309 : vector<1x16xf32> to vector<16xf32>
      %add3A_311 = arith.addf %get3A_306, %get3A_310 : vector<16xf32>
      %swap3A_312 = arith.index_cast %add3A_136 : i32 to index
      %swap3A_313 = arith.constant 192 : index
      %swap3A_314 = tpu.vector_load %arg7[%swap3A_312, %swap3A_313] {strides = array<i32>} : memref<64x768xf32, #tpu.memory_space<vmem>>, vector<1x16xf32>,
      %swap3A_315 = vector.shape_cast %swap3A_314 : vector<1x16xf32> to vector<16xf32>
      %swap3A_316 = vector.shape_cast %add3A_311 : vector<16xf32> to vector<1x16xf32>
      tpu.vector_store %arg7[%swap3A_312, %swap3A_313], %swap3A_316 {strides = array<i32>} : memref<64x768xf32, #tpu.memory_space<vmem>>, vector<1x16xf32>,
      %get3A_317 = arith.index_cast %add3A_136 : i32 to index
      %get3A_318 = arith.constant 208 : index
      %get3A_319 = tpu.vector_load %arg7[%get3A_317, %get3A_318] {strides = array<i32>} : memref<64x768xf32, #tpu.memory_space<vmem>>, vector<1x16xf32>,
      %get3A_320 = vector.shape_cast %get3A_319 : vector<1x16xf32> to vector<16xf32>
      %get3A_321 = arith.index_cast %add3A_136 : i32 to index
      %get3A_322 = arith.constant 208 : index
      %get3A_323 = tpu.vector_load %arg8[%get3A_321, %get3A_322] {strides = array<i32>} : memref<64x768xf32, #tpu.memory_space<vmem>>, vector<1x16xf32>,
      %get3A_324 = vector.shape_cast %get3A_323 : vector<1x16xf32> to vector<16xf32>
      %add3A_325 = arith.addf %get3A_320, %get3A_324 : vector<16xf32>
      %swap3A_326 = arith.index_cast %add3A_136 : i32 to index
      %swap3A_327 = arith.constant 208 : index
      %swap3A_328 = tpu.vector_load %arg7[%swap3A_326, %swap3A_327] {strides = array<i32>} : memref<64x768xf32, #tpu.memory_space<vmem>>, vector<1x16xf32>,
      %swap3A_329 = vector.shape_cast %swap3A_328 : vector<1x16xf32> to vector<16xf32>
      %swap3A_330 = vector.shape_cast %add3A_325 : vector<16xf32> to vector<1x16xf32>
      tpu.vector_store %arg7[%swap3A_326, %swap3A_327], %swap3A_330 {strides = array<i32>} : memref<64x768xf32, #tpu.memory_space<vmem>>, vector<1x16xf32>,
      %get3A_331 = arith.index_cast %add3A_136 : i32 to index
      %get3A_332 = arith.constant 224 : index
      %get3A_333 = tpu.vector_load %arg7[%get3A_331, %get3A_332] {strides = array<i32>} : memref<64x768xf32, #tpu.memory_space<vmem>>, vector<1x16xf32>,
      %get3A_334 = vector.shape_cast %get3A_333 : vector<1x16xf32> to vector<16xf32>
      %get3A_335 = arith.index_cast %add3A_136 : i32 to index
      %get3A_336 = arith.constant 224 : index
      %get3A_337 = tpu.vector_load %arg8[%get3A_335, %get3A_336] {strides = array<i32>} : memref<64x768xf32, #tpu.memory_space<vmem>>, vector<1x16xf32>,
      %get3A_338 = vector.shape_cast %get3A_337 : vector<1x16xf32> to vector<16xf32>
      %add3A_339 = arith.addf %get3A_334, %get3A_338 : vector<16xf32>
      %swap3A_340 = arith.index_cast %add3A_136 : i32 to index
      %swap3A_341 = arith.constant 224 : index
      %swap3A_342 = tpu.vector_load %arg7[%swap3A_340, %swap3A_341] {strides = array<i32>} : memref<64x768xf32, #tpu.memory_space<vmem>>, vector<1x16xf32>,
      %swap3A_343 = vector.shape_cast %swap3A_342 : vector<1x16xf32> to vector<16xf32>
      %swap3A_344 = vector.shape_cast %add3A_339 : vector<16xf32> to vector<1x16xf32>
      tpu.vector_store %arg7[%swap3A_340, %swap3A_341], %swap3A_344 {strides = array<i32>} : memref<64x768xf32, #tpu.memory_space<vmem>>, vector<1x16xf32>,
      %get3A_345 = arith.index_cast %add3A_136 : i32 to index
      %get3A_346 = arith.constant 240 : index
      %get3A_347 = tpu.vector_load %arg7[%get3A_345, %get3A_346] {strides = array<i32>} : memref<64x768xf32, #tpu.memory_space<vmem>>, vector<1x16xf32>,
      %get3A_348 = vector.shape_cast %get3A_347 : vector<1x16xf32> to vector<16xf32>
      %get3A_349 = arith.index_cast %add3A_136 : i32 to index
      %get3A_350 = arith.constant 240 : index
      %get3A_351 = tpu.vector_load %arg8[%get3A_349, %get3A_350] {strides = array<i32>} : memref<64x768xf32, #tpu.memory_space<vmem>>, vector<1x16xf32>,
      %get3A_352 = vector.shape_cast %get3A_351 : vector<1x16xf32> to vector<16xf32>
      %add3A_353 = arith.addf %get3A_348, %get3A_352 : vector<16xf32>
      %swap3A_354 = arith.index_cast %add3A_136 : i32 to index
      %swap3A_355 = arith.constant 240 : index
      %swap3A_356 = tpu.vector_load %arg7[%swap3A_354, %swap3A_355] {strides = array<i32>} : memref<64x768xf32, #tpu.memory_space<vmem>>, vector<1x16xf32>,
      %swap3A_357 = vector.shape_cast %swap3A_356 : vector<1x16xf32> to vector<16xf32>
      %swap3A_358 = vector.shape_cast %add3A_353 : vector<16xf32> to vector<1x16xf32>
      tpu.vector_store %arg7[%swap3A_354, %swap3A_355], %swap3A_358 {strides = array<i32>} : memref<64x768xf32, #tpu.memory_space<vmem>>, vector<1x16xf32>,
      %get3A_359 = arith.index_cast %add3A_136 : i32 to index
      %get3A_360 = arith.constant 256 : index
      %get3A_361 = tpu.vector_load %arg7[%get3A_359, %get3A_360] {strides = array<i32>} : memref<64x768xf32, #tpu.memory_space<vmem>>, vector<1x16xf32>,
      %get3A_362 = vector.shape_cast %get3A_361 : vector<1x16xf32> to vector<16xf32>
      %get3A_363 = arith.index_cast %add3A_136 : i32 to index
      %get3A_364 = arith.constant 256 : index
      %get3A_365 = tpu.vector_load %arg8[%get3A_363, %get3A_364] {strides = array<i32>} : memref<64x768xf32, #tpu.memory_space<vmem>>, vector<1x16xf32>,
      %get3A_366 = vector.shape_cast %get3A_365 : vector<1x16xf32> to vector<16xf32>
      %add3A_367 = arith.addf %get3A_362, %get3A_366 : vector<16xf32>
      %swap3A_368 = arith.index_cast %add3A_136 : i32 to index
      %swap3A_369 = arith.constant 256 : index
      %swap3A_370 = tpu.vector_load %arg7[%swap3A_368, %swap3A_369] {strides = array<i32>} : memref<64x768xf32, #tpu.memory_space<vmem>>, vector<1x16xf32>,
      %swap3A_371 = vector.shape_cast %swap3A_370 : vector<1x16xf32> to vector<16xf32>
      %swap3A_372 = vector.shape_cast %add3A_367 : vector<16xf32> to vector<1x16xf32>
      tpu.vector_store %arg7[%swap3A_368, %swap3A_369], %swap3A_372 {strides = array<i32>} : memref<64x768xf32, #tpu.memory_space<vmem>>, vector<1x16xf32>,
      %get3A_373 = arith.index_cast %add3A_136 : i32 to index
      %get3A_374 = arith.constant 272 : index
      %get3A_375 = tpu.vector_load %arg7[%get3A_373, %get3A_374] {strides = array<i32>} : memref<64x768xf32, #tpu.memory_space<vmem>>, vector<1x16xf32>,
      %get3A_376 = vector.shape_cast %get3A_375 : vector<1x16xf32> to vector<16xf32>
      %get3A_377 = arith.index_cast %add3A_136 : i32 to index
      %get3A_378 = arith.constant 272 : index
      %get3A_379 = tpu.vector_load %arg8[%get3A_377, %get3A_378] {strides = array<i32>} : memref<64x768xf32, #tpu.memory_space<vmem>>, vector<1x16xf32>,
      %get3A_380 = vector.shape_cast %get3A_379 : vector<1x16xf32> to vector<16xf32>
      %add3A_381 = arith.addf %get3A_376, %get3A_380 : vector<16xf32>
      %swap3A_382 = arith.index_cast %add3A_136 : i32 to index
      %swap3A_383 = arith.constant 272 : index
      %swap3A_384 = tpu.vector_load %arg7[%swap3A_382, %swap3A_383] {strides = array<i32>} : memref<64x768xf32, #tpu.memory_space<vmem>>, vector<1x16xf32>,
      %swap3A_385 = vector.shape_cast %swap3A_384 : vector<1x16xf32> to vector<16xf32>
      %swap3A_386 = vector.shape_cast %add3A_381 : vector<16xf32> to vector<1x16xf32>
      tpu.vector_store %arg7[%swap3A_382, %swap3A_383], %swap3A_386 {strides = array<i32>} : memref<64x768xf32, #tpu.memory_space<vmem>>, vector<1x16xf32>,
      %get3A_387 = arith.index_cast %add3A_136 : i32 to index
      %get3A_388 = arith.constant 288 : index
      %get3A_389 = tpu.vector_load %arg7[%get3A_387, %get3A_388] {strides = array<i32>} : memref<64x768xf32, #tpu.memory_space<vmem>>, vector<1x16xf32>,
      %get3A_390 = vector.shape_cast %get3A_389 : vector<1x16xf32> to vector<16xf32>
      %get3A_391 = arith.index_cast %add3A_136 : i32 to index
      %get3A_392 = arith.constant 288 : index
      %get3A_393 = tpu.vector_load %arg8[%get3A_391, %get3A_392] {strides = array<i32>} : memref<64x768xf32, #tpu.memory_space<vmem>>, vector<1x16xf32>,
      %get3A_394 = vector.shape_cast %get3A_393 : vector<1x16xf32> to vector<16xf32>
      %add3A_395 = arith.addf %get3A_390, %get3A_394 : vector<16xf32>
      %swap3A_396 = arith.index_cast %add3A_136 : i32 to index
      %swap3A_397 = arith.constant 288 : index
      %swap3A_398 = tpu.vector_load %arg7[%swap3A_396, %swap3A_397] {strides = array<i32>} : memref<64x768xf32, #tpu.memory_space<vmem>>, vector<1x16xf32>,
      %swap3A_399 = vector.shape_cast %swap3A_398 : vector<1x16xf32> to vector<16xf32>
      %swap3A_400 = vector.shape_cast %add3A_395 : vector<16xf32> to vector<1x16xf32>
      tpu.vector_store %arg7[%swap3A_396, %swap3A_397], %swap3A_400 {strides = array<i32>} : memref<64x768xf32, #tpu.memory_space<vmem>>, vector<1x16xf32>,
      %get3A_401 = arith.index_cast %add3A_136 : i32 to index
      %get3A_402 = arith.constant 304 : index
      %get3A_403 = tpu.vector_load %arg7[%get3A_401, %get3A_402] {strides = array<i32>} : memref<64x768xf32, #tpu.memory_space<vmem>>, vector<1x16xf32>,
      %get3A_404 = vector.shape_cast %get3A_403 : vector<1x16xf32> to vector<16xf32>
      %get3A_405 = arith.index_cast %add3A_136 : i32 to index
      %get3A_406 = arith.constant 304 : index
      %get3A_407 = tpu.vector_load %arg8[%get3A_405, %get3A_406] {strides = array<i32>} : memref<64x768xf32, #tpu.memory_space<vmem>>, vector<1x16xf32>,
      %get3A_408 = vector.shape_cast %get3A_407 : vector<1x16xf32> to vector<16xf32>
      %add3A_409 = arith.addf %get3A_404, %get3A_408 : vector<16xf32>
      %swap3A_410 = arith.index_cast %add3A_136 : i32 to index
      %swap3A_411 = arith.constant 304 : index
      %swap3A_412 = tpu.vector_load %arg7[%swap3A_410, %swap3A_411] {strides = array<i32>} : memref<64x768xf32, #tpu.memory_space<vmem>>, vector<1x16xf32>,
      %swap3A_413 = vector.shape_cast %swap3A_412 : vector<1x16xf32> to vector<16xf32>
      %swap3A_414 = vector.shape_cast %add3A_409 : vector<16xf32> to vector<1x16xf32>
      tpu.vector_store %arg7[%swap3A_410, %swap3A_411], %swap3A_414 {strides = array<i32>} : memref<64x768xf32, #tpu.memory_space<vmem>>, vector<1x16xf32>,
      %get3A_415 = arith.index_cast %add3A_136 : i32 to index
      %get3A_416 = arith.constant 320 : index
      %get3A_417 = tpu.vector_load %arg7[%get3A_415, %get3A_416] {strides = array<i32>} : memref<64x768xf32, #tpu.memory_space<vmem>>, vector<1x16xf32>,
      %get3A_418 = vector.shape_cast %get3A_417 : vector<1x16xf32> to vector<16xf32>
      %get3A_419 = arith.index_cast %add3A_136 : i32 to index
      %get3A_420 = arith.constant 320 : index
      %get3A_421 = tpu.vector_load %arg8[%get3A_419, %get3A_420] {strides = array<i32>} : memref<64x768xf32, #tpu.memory_space<vmem>>, vector<1x16xf32>,
      %get3A_422 = vector.shape_cast %get3A_421 : vector<1x16xf32> to vector<16xf32>
      %add3A_423 = arith.addf %get3A_418, %get3A_422 : vector<16xf32>
      %swap3A_424 = arith.index_cast %add3A_136 : i32 to index
      %swap3A_425 = arith.constant 320 : index
      %swap3A_426 = tpu.vector_load %arg7[%swap3A_424, %swap3A_425] {strides = array<i32>} : memref<64x768xf32, #tpu.memory_space<vmem>>, vector<1x16xf32>,
      %swap3A_427 = vector.shape_cast %swap3A_426 : vector<1x16xf32> to vector<16xf32>
      %swap3A_428 = vector.shape_cast %add3A_423 : vector<16xf32> to vector<1x16xf32>
      tpu.vector_store %arg7[%swap3A_424, %swap3A_425], %swap3A_428 {strides = array<i32>} : memref<64x768xf32, #tpu.memory_space<vmem>>, vector<1x16xf32>,
      %get3A_429 = arith.index_cast %add3A_136 : i32 to index
      %get3A_430 = arith.constant 336 : index
      %get3A_431 = tpu.vector_load %arg7[%get3A_429, %get3A_430] {strides = array<i32>} : memref<64x768xf32, #tpu.memory_space<vmem>>, vector<1x16xf32>,
      %get3A_432 = vector.shape_cast %get3A_431 : vector<1x16xf32> to vector<16xf32>
      %get3A_433 = arith.index_cast %add3A_136 : i32 to index
      %get3A_434 = arith.constant 336 : index
      %get3A_435 = tpu.vector_load %arg8[%get3A_433, %get3A_434] {strides = array<i32>} : memref<64x768xf32, #tpu.memory_space<vmem>>, vector<1x16xf32>,
      %get3A_436 = vector.shape_cast %get3A_435 : vector<1x16xf32> to vector<16xf32>
      %add3A_437 = arith.addf %get3A_432, %get3A_436 : vector<16xf32>
      %swap3A_438 = arith.index_cast %add3A_136 : i32 to index
      %swap3A_439 = arith.constant 336 : index
      %swap3A_440 = tpu.vector_load %arg7[%swap3A_438, %swap3A_439] {strides = array<i32>} : memref<64x768xf32, #tpu.memory_space<vmem>>, vector<1x16xf32>,
      %swap3A_441 = vector.shape_cast %swap3A_440 : vector<1x16xf32> to vector<16xf32>
      %swap3A_442 = vector.shape_cast %add3A_437 : vector<16xf32> to vector<1x16xf32>
      tpu.vector_store %arg7[%swap3A_438, %swap3A_439], %swap3A_442 {strides = array<i32>} : memref<64x768xf32, #tpu.memory_space<vmem>>, vector<1x16xf32>,
      %get3A_443 = arith.index_cast %add3A_136 : i32 to index
      %get3A_444 = arith.constant 352 : index
      %get3A_445 = tpu.vector_load %arg7[%get3A_443, %get3A_444] {strides = array<i32>} : memref<64x768xf32, #tpu.memory_space<vmem>>, vector<1x16xf32>,
      %get3A_446 = vector.shape_cast %get3A_445 : vector<1x16xf32> to vector<16xf32>
      %get3A_447 = arith.index_cast %add3A_136 : i32 to index
      %get3A_448 = arith.constant 352 : index
      %get3A_449 = tpu.vector_load %arg8[%get3A_447, %get3A_448] {strides = array<i32>} : memref<64x768xf32, #tpu.memory_space<vmem>>, vector<1x16xf32>,
      %get3A_450 = vector.shape_cast %get3A_449 : vector<1x16xf32> to vector<16xf32>
      %add3A_451 = arith.addf %get3A_446, %get3A_450 : vector<16xf32>
      %swap3A_452 = arith.index_cast %add3A_136 : i32 to index
      %swap3A_453 = arith.constant 352 : index
      %swap3A_454 = tpu.vector_load %arg7[%swap3A_452, %swap3A_453] {strides = array<i32>} : memref<64x768xf32, #tpu.memory_space<vmem>>, vector<1x16xf32>,
      %swap3A_455 = vector.shape_cast %swap3A_454 : vector<1x16xf32> to vector<16xf32>
      %swap3A_456 = vector.shape_cast %add3A_451 : vector<16xf32> to vector<1x16xf32>
      tpu.vector_store %arg7[%swap3A_452, %swap3A_453], %swap3A_456 {strides = array<i32>} : memref<64x768xf32, #tpu.memory_space<vmem>>, vector<1x16xf32>,
      %get3A_457 = arith.index_cast %add3A_136 : i32 to index
      %get3A_458 = arith.constant 368 : index
      %get3A_459 = tpu.vector_load %arg7[%get3A_457, %get3A_458] {strides = array<i32>} : memref<64x768xf32, #tpu.memory_space<vmem>>, vector<1x16xf32>,
      %get3A_460 = vector.shape_cast %get3A_459 : vector<1x16xf32> to vector<16xf32>
      %get3A_461 = arith.index_cast %add3A_136 : i32 to index
      %get3A_462 = arith.constant 368 : index
      %get3A_463 = tpu.vector_load %arg8[%get3A_461, %get3A_462] {strides = array<i32>} : memref<64x768xf32, #tpu.memory_space<vmem>>, vector<1x16xf32>,
      %get3A_464 = vector.shape_cast %get3A_463 : vector<1x16xf32> to vector<16xf32>
      %add3A_465 = arith.addf %get3A_460, %get3A_464 : vector<16xf32>
      %swap3A_466 = arith.index_cast %add3A_136 : i32 to index
      %swap3A_467 = arith.constant 368 : index
      %swap3A_468 = tpu.vector_load %arg7[%swap3A_466, %swap3A_467] {strides = array<i32>} : memref<64x768xf32, #tpu.memory_space<vmem>>, vector<1x16xf32>,
      %swap3A_469 = vector.shape_cast %swap3A_468 : vector<1x16xf32> to vector<16xf32>
      %swap3A_470 = vector.shape_cast %add3A_465 : vector<16xf32> to vector<1x16xf32>
      tpu.vector_store %arg7[%swap3A_466, %swap3A_467], %swap3A_470 {strides = array<i32>} : memref<64x768xf32, #tpu.memory_space<vmem>>, vector<1x16xf32>,
      %get3A_471 = arith.index_cast %add3A_136 : i32 to index
      %get3A_472 = arith.constant 384 : index
      %get3A_473 = tpu.vector_load %arg7[%get3A_471, %get3A_472] {strides = array<i32>} : memref<64x768xf32, #tpu.memory_space<vmem>>, vector<1x16xf32>,
      %get3A_474 = vector.shape_cast %get3A_473 : vector<1x16xf32> to vector<16xf32>
      %get3A_475 = arith.index_cast %add3A_136 : i32 to index
      %get3A_476 = arith.constant 384 : index
      %get3A_477 = tpu.vector_load %arg8[%get3A_475, %get3A_476] {strides = array<i32>} : memref<64x768xf32, #tpu.memory_space<vmem>>, vector<1x16xf32>,
      %get3A_478 = vector.shape_cast %get3A_477 : vector<1x16xf32> to vector<16xf32>
      %add3A_479 = arith.addf %get3A_474, %get3A_478 : vector<16xf32>
      %swap3A_480 = arith.index_cast %add3A_136 : i32 to index
      %swap3A_481 = arith.constant 384 : index
      %swap3A_482 = tpu.vector_load %arg7[%swap3A_480, %swap3A_481] {strides = array<i32>} : memref<64x768xf32, #tpu.memory_space<vmem>>, vector<1x16xf32>,
      %swap3A_483 = vector.shape_cast %swap3A_482 : vector<1x16xf32> to vector<16xf32>
      %swap3A_484 = vector.shape_cast %add3A_479 : vector<16xf32> to vector<1x16xf32>
      tpu.vector_store %arg7[%swap3A_480, %swap3A_481], %swap3A_484 {strides = array<i32>} : memref<64x768xf32, #tpu.memory_space<vmem>>, vector<1x16xf32>,
      %get3A_485 = arith.index_cast %add3A_136 : i32 to index
      %get3A_486 = arith.constant 400 : index
      %get3A_487 = tpu.vector_load %arg7[%get3A_485, %get3A_486] {strides = array<i32>} : memref<64x768xf32, #tpu.memory_space<vmem>>, vector<1x16xf32>,
      %get3A_488 = vector.shape_cast %get3A_487 : vector<1x16xf32> to vector<16xf32>
      %get3A_489 = arith.index_cast %add3A_136 : i32 to index
      %get3A_490 = arith.constant 400 : index
      %get3A_491 = tpu.vector_load %arg8[%get3A_489, %get3A_490] {strides = array<i32>} : memref<64x768xf32, #tpu.memory_space<vmem>>, vector<1x16xf32>,
      %get3A_492 = vector.shape_cast %get3A_491 : vector<1x16xf32> to vector<16xf32>
      %add3A_493 = arith.addf %get3A_488, %get3A_492 : vector<16xf32>
      %swap3A_494 = arith.index_cast %add3A_136 : i32 to index
      %swap3A_495 = arith.constant 400 : index
      %swap3A_496 = tpu.vector_load %arg7[%swap3A_494, %swap3A_495] {strides = array<i32>} : memref<64x768xf32, #tpu.memory_space<vmem>>, vector<1x16xf32>,
      %swap3A_497 = vector.shape_cast %swap3A_496 : vector<1x16xf32> to vector<16xf32>
      %swap3A_498 = vector.shape_cast %add3A_493 : vector<16xf32> to vector<1x16xf32>
      tpu.vector_store %arg7[%swap3A_494, %swap3A_495], %swap3A_498 {strides = array<i32>} : memref<64x768xf32, #tpu.memory_space<vmem>>, vector<1x16xf32>,
      %get3A_499 = arith.index_cast %add3A_136 : i32 to index
      %get3A_500 = arith.constant 416 : index
      %get3A_501 = tpu.vector_load %arg7[%get3A_499, %get3A_500] {strides = array<i32>} : memref<64x768xf32, #tpu.memory_space<vmem>>, vector<1x16xf32>,
      %get3A_502 = vector.shape_cast %get3A_501 : vector<1x16xf32> to vector<16xf32>
      %get3A_503 = arith.index_cast %add3A_136 : i32 to index
      %get3A_504 = arith.constant 416 : index
      %get3A_505 = tpu.vector_load %arg8[%get3A_503, %get3A_504] {strides = array<i32>} : memref<64x768xf32, #tpu.memory_space<vmem>>, vector<1x16xf32>,
      %get3A_506 = vector.shape_cast %get3A_505 : vector<1x16xf32> to vector<16xf32>
      %add3A_507 = arith.addf %get3A_502, %get3A_506 : vector<16xf32>
      %swap3A_508 = arith.index_cast %add3A_136 : i32 to index
      %swap3A_509 = arith.constant 416 : index
      %swap3A_510 = tpu.vector_load %arg7[%swap3A_508, %swap3A_509] {strides = array<i32>} : memref<64x768xf32, #tpu.memory_space<vmem>>, vector<1x16xf32>,
      %swap3A_511 = vector.shape_cast %swap3A_510 : vector<1x16xf32> to vector<16xf32>
      %swap3A_512 = vector.shape_cast %add3A_507 : vector<16xf32> to vector<1x16xf32>
      tpu.vector_store %arg7[%swap3A_508, %swap3A_509], %swap3A_512 {strides = array<i32>} : memref<64x768xf32, #tpu.memory_space<vmem>>, vector<1x16xf32>,
      %get3A_513 = arith.index_cast %add3A_136 : i32 to index
      %get3A_514 = arith.constant 432 : index
      %get3A_515 = tpu.vector_load %arg7[%get3A_513, %get3A_514] {strides = array<i32>} : memref<64x768xf32, #tpu.memory_space<vmem>>, vector<1x16xf32>,
      %get3A_516 = vector.shape_cast %get3A_515 : vector<1x16xf32> to vector<16xf32>
      %get3A_517 = arith.index_cast %add3A_136 : i32 to index
      %get3A_518 = arith.constant 432 : index
      %get3A_519 = tpu.vector_load %arg8[%get3A_517, %get3A_518] {strides = array<i32>} : memref<64x768xf32, #tpu.memory_space<vmem>>, vector<1x16xf32>,
      %get3A_520 = vector.shape_cast %get3A_519 : vector<1x16xf32> to vector<16xf32>
      %add3A_521 = arith.addf %get3A_516, %get3A_520 : vector<16xf32>
      %swap3A_522 = arith.index_cast %add3A_136 : i32 to index
      %swap3A_523 = arith.constant 432 : index
      %swap3A_524 = tpu.vector_load %arg7[%swap3A_522, %swap3A_523] {strides = array<i32>} : memref<64x768xf32, #tpu.memory_space<vmem>>, vector<1x16xf32>,
      %swap3A_525 = vector.shape_cast %swap3A_524 : vector<1x16xf32> to vector<16xf32>
      %swap3A_526 = vector.shape_cast %add3A_521 : vector<16xf32> to vector<1x16xf32>
      tpu.vector_store %arg7[%swap3A_522, %swap3A_523], %swap3A_526 {strides = array<i32>} : memref<64x768xf32, #tpu.memory_space<vmem>>, vector<1x16xf32>,
      %get3A_527 = arith.index_cast %add3A_136 : i32 to index
      %get3A_528 = arith.constant 448 : index
      %get3A_529 = tpu.vector_load %arg7[%get3A_527, %get3A_528] {strides = array<i32>} : memref<64x768xf32, #tpu.memory_space<vmem>>, vector<1x16xf32>,
      %get3A_530 = vector.shape_cast %get3A_529 : vector<1x16xf32> to vector<16xf32>
      %get3A_531 = arith.index_cast %add3A_136 : i32 to index
      %get3A_532 = arith.constant 448 : index
      %get3A_533 = tpu.vector_load %arg8[%get3A_531, %get3A_532] {strides = array<i32>} : memref<64x768xf32, #tpu.memory_space<vmem>>, vector<1x16xf32>,
      %get3A_534 = vector.shape_cast %get3A_533 : vector<1x16xf32> to vector<16xf32>
      %add3A_535 = arith.addf %get3A_530, %get3A_534 : vector<16xf32>
      %swap3A_536 = arith.index_cast %add3A_136 : i32 to index
      %swap3A_537 = arith.constant 448 : index
      %swap3A_538 = tpu.vector_load %arg7[%swap3A_536, %swap3A_537] {strides = array<i32>} : memref<64x768xf32, #tpu.memory_space<vmem>>, vector<1x16xf32>,
      %swap3A_539 = vector.shape_cast %swap3A_538 : vector<1x16xf32> to vector<16xf32>
      %swap3A_540 = vector.shape_cast %add3A_535 : vector<16xf32> to vector<1x16xf32>
      tpu.vector_store %arg7[%swap3A_536, %swap3A_537], %swap3A_540 {strides = array<i32>} : memref<64x768xf32, #tpu.memory_space<vmem>>, vector<1x16xf32>,
      %get3A_541 = arith.index_cast %add3A_136 : i32 to index
      %get3A_542 = arith.constant 464 : index
      %get3A_543 = tpu.vector_load %arg7[%get3A_541, %get3A_542] {strides = array<i32>} : memref<64x768xf32, #tpu.memory_space<vmem>>, vector<1x16xf32>,
      %get3A_544 = vector.shape_cast %get3A_543 : vector<1x16xf32> to vector<16xf32>
      %get3A_545 = arith.index_cast %add3A_136 : i32 to index
      %get3A_546 = arith.constant 464 : index
      %get3A_547 = tpu.vector_load %arg8[%get3A_545, %get3A_546] {strides = array<i32>} : memref<64x768xf32, #tpu.memory_space<vmem>>, vector<1x16xf32>,
      %get3A_548 = vector.shape_cast %get3A_547 : vector<1x16xf32> to vector<16xf32>
      %add3A_549 = arith.addf %get3A_544, %get3A_548 : vector<16xf32>
      %swap3A_550 = arith.index_cast %add3A_136 : i32 to index
      %swap3A_551 = arith.constant 464 : index
      %swap3A_552 = tpu.vector_load %arg7[%swap3A_550, %swap3A_551] {strides = array<i32>} : memref<64x768xf32, #tpu.memory_space<vmem>>, vector<1x16xf32>,
      %swap3A_553 = vector.shape_cast %swap3A_552 : vector<1x16xf32> to vector<16xf32>
      %swap3A_554 = vector.shape_cast %add3A_549 : vector<16xf32> to vector<1x16xf32>
      tpu.vector_store %arg7[%swap3A_550, %swap3A_551], %swap3A_554 {strides = array<i32>} : memref<64x768xf32, #tpu.memory_space<vmem>>, vector<1x16xf32>,
      %get3A_555 = arith.index_cast %add3A_136 : i32 to index
      %get3A_556 = arith.constant 480 : index
      %get3A_557 = tpu.vector_load %arg7[%get3A_555, %get3A_556] {strides = array<i32>} : memref<64x768xf32, #tpu.memory_space<vmem>>, vector<1x16xf32>,
      %get3A_558 = vector.shape_cast %get3A_557 : vector<1x16xf32> to vector<16xf32>
      %get3A_559 = arith.index_cast %add3A_136 : i32 to index
      %get3A_560 = arith.constant 480 : index
      %get3A_561 = tpu.vector_load %arg8[%get3A_559, %get3A_560] {strides = array<i32>} : memref<64x768xf32, #tpu.memory_space<vmem>>, vector<1x16xf32>,
      %get3A_562 = vector.shape_cast %get3A_561 : vector<1x16xf32> to vector<16xf32>
      %add3A_563 = arith.addf %get3A_558, %get3A_562 : vector<16xf32>
      %swap3A_564 = arith.index_cast %add3A_136 : i32 to index
      %swap3A_565 = arith.constant 480 : index
      %swap3A_566 = tpu.vector_load %arg7[%swap3A_564, %swap3A_565] {strides = array<i32>} : memref<64x768xf32, #tpu.memory_space<vmem>>, vector<1x16xf32>,
      %swap3A_567 = vector.shape_cast %swap3A_566 : vector<1x16xf32> to vector<16xf32>
      %swap3A_568 = vector.shape_cast %add3A_563 : vector<16xf32> to vector<1x16xf32>
      tpu.vector_store %arg7[%swap3A_564, %swap3A_565], %swap3A_568 {strides = array<i32>} : memref<64x768xf32, #tpu.memory_space<vmem>>, vector<1x16xf32>,
      %get3A_569 = arith.index_cast %add3A_136 : i32 to index
      %get3A_570 = arith.constant 496 : index
      %get3A_571 = tpu.vector_load %arg7[%get3A_569, %get3A_570] {strides = array<i32>} : memref<64x768xf32, #tpu.memory_space<vmem>>, vector<1x16xf32>,
      %get3A_572 = vector.shape_cast %get3A_571 : vector<1x16xf32> to vector<16xf32>
      %get3A_573 = arith.index_cast %add3A_136 : i32 to index
      %get3A_574 = arith.constant 496 : index
      %get3A_575 = tpu.vector_load %arg8[%get3A_573, %get3A_574] {strides = array<i32>} : memref<64x768xf32, #tpu.memory_space<vmem>>, vector<1x16xf32>,
      %get3A_576 = vector.shape_cast %get3A_575 : vector<1x16xf32> to vector<16xf32>
      %add3A_577 = arith.addf %get3A_572, %get3A_576 : vector<16xf32>
      %swap3A_578 = arith.index_cast %add3A_136 : i32 to index
      %swap3A_579 = arith.constant 496 : index
      %swap3A_580 = tpu.vector_load %arg7[%swap3A_578, %swap3A_579] {strides = array<i32>} : memref<64x768xf32, #tpu.memory_space<vmem>>, vector<1x16xf32>,
      %swap3A_581 = vector.shape_cast %swap3A_580 : vector<1x16xf32> to vector<16xf32>
      %swap3A_582 = vector.shape_cast %add3A_577 : vector<16xf32> to vector<1x16xf32>
      tpu.vector_store %arg7[%swap3A_578, %swap3A_579], %swap3A_582 {strides = array<i32>} : memref<64x768xf32, #tpu.memory_space<vmem>>, vector<1x16xf32>,
      %get3A_583 = arith.index_cast %add3A_136 : i32 to index
      %get3A_584 = arith.constant 512 : index
      %get3A_585 = tpu.vector_load %arg7[%get3A_583, %get3A_584] {strides = array<i32>} : memref<64x768xf32, #tpu.memory_space<vmem>>, vector<1x16xf32>,
      %get3A_586 = vector.shape_cast %get3A_585 : vector<1x16xf32> to vector<16xf32>
      %get3A_587 = arith.index_cast %add3A_136 : i32 to index
      %get3A_588 = arith.constant 512 : index
      %get3A_589 = tpu.vector_load %arg8[%get3A_587, %get3A_588] {strides = array<i32>} : memref<64x768xf32, #tpu.memory_space<vmem>>, vector<1x16xf32>,
      %get3A_590 = vector.shape_cast %get3A_589 : vector<1x16xf32> to vector<16xf32>
      %add3A_591 = arith.addf %get3A_586, %get3A_590 : vector<16xf32>
      %swap3A_592 = arith.index_cast %add3A_136 : i32 to index
      %swap3A_593 = arith.constant 512 : index
      %swap3A_594 = tpu.vector_load %arg7[%swap3A_592, %swap3A_593] {strides = array<i32>} : memref<64x768xf32, #tpu.memory_space<vmem>>, vector<1x16xf32>,
      %swap3A_595 = vector.shape_cast %swap3A_594 : vector<1x16xf32> to vector<16xf32>
      %swap3A_596 = vector.shape_cast %add3A_591 : vector<16xf32> to vector<1x16xf32>
      tpu.vector_store %arg7[%swap3A_592, %swap3A_593], %swap3A_596 {strides = array<i32>} : memref<64x768xf32, #tpu.memory_space<vmem>>, vector<1x16xf32>,
      %get3A_597 = arith.index_cast %add3A_136 : i32 to index
      %get3A_598 = arith.constant 528 : index
      %get3A_599 = tpu.vector_load %arg7[%get3A_597, %get3A_598] {strides = array<i32>} : memref<64x768xf32, #tpu.memory_space<vmem>>, vector<1x16xf32>,
      %get3A_600 = vector.shape_cast %get3A_599 : vector<1x16xf32> to vector<16xf32>
      %get3A_601 = arith.index_cast %add3A_136 : i32 to index
      %get3A_602 = arith.constant 528 : index
      %get3A_603 = tpu.vector_load %arg8[%get3A_601, %get3A_602] {strides = array<i32>} : memref<64x768xf32, #tpu.memory_space<vmem>>, vector<1x16xf32>,
      %get3A_604 = vector.shape_cast %get3A_603 : vector<1x16xf32> to vector<16xf32>
      %add3A_605 = arith.addf %get3A_600, %get3A_604 : vector<16xf32>
      %swap3A_606 = arith.index_cast %add3A_136 : i32 to index
      %swap3A_607 = arith.constant 528 : index
      %swap3A_608 = tpu.vector_load %arg7[%swap3A_606, %swap3A_607] {strides = array<i32>} : memref<64x768xf32, #tpu.memory_space<vmem>>, vector<1x16xf32>,
      %swap3A_609 = vector.shape_cast %swap3A_608 : vector<1x16xf32> to vector<16xf32>
      %swap3A_610 = vector.shape_cast %add3A_605 : vector<16xf32> to vector<1x16xf32>
      tpu.vector_store %arg7[%swap3A_606, %swap3A_607], %swap3A_610 {strides = array<i32>} : memref<64x768xf32, #tpu.memory_space<vmem>>, vector<1x16xf32>,
      %get3A_611 = arith.index_cast %add3A_136 : i32 to index
      %get3A_612 = arith.constant 544 : index
      %get3A_613 = tpu.vector_load %arg7[%get3A_611, %get3A_612] {strides = array<i32>} : memref<64x768xf32, #tpu.memory_space<vmem>>, vector<1x16xf32>,
      %get3A_614 = vector.shape_cast %get3A_613 : vector<1x16xf32> to vector<16xf32>
      %get3A_615 = arith.index_cast %add3A_136 : i32 to index
      %get3A_616 = arith.constant 544 : index
      %get3A_617 = tpu.vector_load %arg8[%get3A_615, %get3A_616] {strides = array<i32>} : memref<64x768xf32, #tpu.memory_space<vmem>>, vector<1x16xf32>,
      %get3A_618 = vector.shape_cast %get3A_617 : vector<1x16xf32> to vector<16xf32>
      %add3A_619 = arith.addf %get3A_614, %get3A_618 : vector<16xf32>
      %swap3A_620 = arith.index_cast %add3A_136 : i32 to index
      %swap3A_621 = arith.constant 544 : index
      %swap3A_622 = tpu.vector_load %arg7[%swap3A_620, %swap3A_621] {strides = array<i32>} : memref<64x768xf32, #tpu.memory_space<vmem>>, vector<1x16xf32>,
      %swap3A_623 = vector.shape_cast %swap3A_622 : vector<1x16xf32> to vector<16xf32>
      %swap3A_624 = vector.shape_cast %add3A_619 : vector<16xf32> to vector<1x16xf32>
      tpu.vector_store %arg7[%swap3A_620, %swap3A_621], %swap3A_624 {strides = array<i32>} : memref<64x768xf32, #tpu.memory_space<vmem>>, vector<1x16xf32>,
      %get3A_625 = arith.index_cast %add3A_136 : i32 to index
      %get3A_626 = arith.constant 560 : index
      %get3A_627 = tpu.vector_load %arg7[%get3A_625, %get3A_626] {strides = array<i32>} : memref<64x768xf32, #tpu.memory_space<vmem>>, vector<1x16xf32>,
      %get3A_628 = vector.shape_cast %get3A_627 : vector<1x16xf32> to vector<16xf32>
      %get3A_629 = arith.index_cast %add3A_136 : i32 to index
      %get3A_630 = arith.constant 560 : index
      %get3A_631 = tpu.vector_load %arg8[%get3A_629, %get3A_630] {strides = array<i32>} : memref<64x768xf32, #tpu.memory_space<vmem>>, vector<1x16xf32>,
      %get3A_632 = vector.shape_cast %get3A_631 : vector<1x16xf32> to vector<16xf32>
      %add3A_633 = arith.addf %get3A_628, %get3A_632 : vector<16xf32>
      %swap3A_634 = arith.index_cast %add3A_136 : i32 to index
      %swap3A_635 = arith.constant 560 : index
      %swap3A_636 = tpu.vector_load %arg7[%swap3A_634, %swap3A_635] {strides = array<i32>} : memref<64x768xf32, #tpu.memory_space<vmem>>, vector<1x16xf32>,
      %swap3A_637 = vector.shape_cast %swap3A_636 : vector<1x16xf32> to vector<16xf32>
      %swap3A_638 = vector.shape_cast %add3A_633 : vector<16xf32> to vector<1x16xf32>
      tpu.vector_store %arg7[%swap3A_634, %swap3A_635], %swap3A_638 {strides = array<i32>} : memref<64x768xf32, #tpu.memory_space<vmem>>, vector<1x16xf32>,
      %get3A_639 = arith.index_cast %add3A_136 : i32 to index
      %get3A_640 = arith.constant 576 : index
      %get3A_641 = tpu.vector_load %arg7[%get3A_639, %get3A_640] {strides = array<i32>} : memref<64x768xf32, #tpu.memory_space<vmem>>, vector<1x16xf32>,
      %get3A_642 = vector.shape_cast %get3A_641 : vector<1x16xf32> to vector<16xf32>
      %get3A_643 = arith.index_cast %add3A_136 : i32 to index
      %get3A_644 = arith.constant 576 : index
      %get3A_645 = tpu.vector_load %arg8[%get3A_643, %get3A_644] {strides = array<i32>} : memref<64x768xf32, #tpu.memory_space<vmem>>, vector<1x16xf32>,
      %get3A_646 = vector.shape_cast %get3A_645 : vector<1x16xf32> to vector<16xf32>
      %add3A_647 = arith.addf %get3A_642, %get3A_646 : vector<16xf32>
      %swap3A_648 = arith.index_cast %add3A_136 : i32 to index
      %swap3A_649 = arith.constant 576 : index
      %swap3A_650 = tpu.vector_load %arg7[%swap3A_648, %swap3A_649] {strides = array<i32>} : memref<64x768xf32, #tpu.memory_space<vmem>>, vector<1x16xf32>,
      %swap3A_651 = vector.shape_cast %swap3A_650 : vector<1x16xf32> to vector<16xf32>
      %swap3A_652 = vector.shape_cast %add3A_647 : vector<16xf32> to vector<1x16xf32>
      tpu.vector_store %arg7[%swap3A_648, %swap3A_649], %swap3A_652 {strides = array<i32>} : memref<64x768xf32, #tpu.memory_space<vmem>>, vector<1x16xf32>,
      %get3A_653 = arith.index_cast %add3A_136 : i32 to index
      %get3A_654 = arith.constant 592 : index
      %get3A_655 = tpu.vector_load %arg7[%get3A_653, %get3A_654] {strides = array<i32>} : memref<64x768xf32, #tpu.memory_space<vmem>>, vector<1x16xf32>,
      %get3A_656 = vector.shape_cast %get3A_655 : vector<1x16xf32> to vector<16xf32>
      %get3A_657 = arith.index_cast %add3A_136 : i32 to index
      %get3A_658 = arith.constant 592 : index
      %get3A_659 = tpu.vector_load %arg8[%get3A_657, %get3A_658] {strides = array<i32>} : memref<64x768xf32, #tpu.memory_space<vmem>>, vector<1x16xf32>,
      %get3A_660 = vector.shape_cast %get3A_659 : vector<1x16xf32> to vector<16xf32>
      %add3A_661 = arith.addf %get3A_656, %get3A_660 : vector<16xf32>
      %swap3A_662 = arith.index_cast %add3A_136 : i32 to index
      %swap3A_663 = arith.constant 592 : index
      %swap3A_664 = tpu.vector_load %arg7[%swap3A_662, %swap3A_663] {strides = array<i32>} : memref<64x768xf32, #tpu.memory_space<vmem>>, vector<1x16xf32>,
      %swap3A_665 = vector.shape_cast %swap3A_664 : vector<1x16xf32> to vector<16xf32>
      %swap3A_666 = vector.shape_cast %add3A_661 : vector<16xf32> to vector<1x16xf32>
      tpu.vector_store %arg7[%swap3A_662, %swap3A_663], %swap3A_666 {strides = array<i32>} : memref<64x768xf32, #tpu.memory_space<vmem>>, vector<1x16xf32>,
      %get3A_667 = arith.index_cast %add3A_136 : i32 to index
      %get3A_668 = arith.constant 608 : index
      %get3A_669 = tpu.vector_load %arg7[%get3A_667, %get3A_668] {strides = array<i32>} : memref<64x768xf32, #tpu.memory_space<vmem>>, vector<1x16xf32>,
      %get3A_670 = vector.shape_cast %get3A_669 : vector<1x16xf32> to vector<16xf32>
      %get3A_671 = arith.index_cast %add3A_136 : i32 to index
      %get3A_672 = arith.constant 608 : index
      %get3A_673 = tpu.vector_load %arg8[%get3A_671, %get3A_672] {strides = array<i32>} : memref<64x768xf32, #tpu.memory_space<vmem>>, vector<1x16xf32>,
      %get3A_674 = vector.shape_cast %get3A_673 : vector<1x16xf32> to vector<16xf32>
      %add3A_675 = arith.addf %get3A_670, %get3A_674 : vector<16xf32>
      %swap3A_676 = arith.index_cast %add3A_136 : i32 to index
      %swap3A_677 = arith.constant 608 : index
      %swap3A_678 = tpu.vector_load %arg7[%swap3A_676, %swap3A_677] {strides = array<i32>} : memref<64x768xf32, #tpu.memory_space<vmem>>, vector<1x16xf32>,
      %swap3A_679 = vector.shape_cast %swap3A_678 : vector<1x16xf32> to vector<16xf32>
      %swap3A_680 = vector.shape_cast %add3A_675 : vector<16xf32> to vector<1x16xf32>
      tpu.vector_store %arg7[%swap3A_676, %swap3A_677], %swap3A_680 {strides = array<i32>} : memref<64x768xf32, #tpu.memory_space<vmem>>, vector<1x16xf32>,
      %get3A_681 = arith.index_cast %add3A_136 : i32 to index
      %get3A_682 = arith.constant 624 : index
      %get3A_683 = tpu.vector_load %arg7[%get3A_681, %get3A_682] {strides = array<i32>} : memref<64x768xf32, #tpu.memory_space<vmem>>, vector<1x16xf32>,
      %get3A_684 = vector.shape_cast %get3A_683 : vector<1x16xf32> to vector<16xf32>
      %get3A_685 = arith.index_cast %add3A_136 : i32 to index
      %get3A_686 = arith.constant 624 : index
      %get3A_687 = tpu.vector_load %arg8[%get3A_685, %get3A_686] {strides = array<i32>} : memref<64x768xf32, #tpu.memory_space<vmem>>, vector<1x16xf32>,
      %get3A_688 = vector.shape_cast %get3A_687 : vector<1x16xf32> to vector<16xf32>
      %add3A_689 = arith.addf %get3A_684, %get3A_688 : vector<16xf32>
      %swap3A_690 = arith.index_cast %add3A_136 : i32 to index
      %swap3A_691 = arith.constant 624 : index
      %swap3A_692 = tpu.vector_load %arg7[%swap3A_690, %swap3A_691] {strides = array<i32>} : memref<64x768xf32, #tpu.memory_space<vmem>>, vector<1x16xf32>,
      %swap3A_693 = vector.shape_cast %swap3A_692 : vector<1x16xf32> to vector<16xf32>
      %swap3A_694 = vector.shape_cast %add3A_689 : vector<16xf32> to vector<1x16xf32>
      tpu.vector_store %arg7[%swap3A_690, %swap3A_691], %swap3A_694 {strides = array<i32>} : memref<64x768xf32, #tpu.memory_space<vmem>>, vector<1x16xf32>,
      %get3A_695 = arith.index_cast %add3A_136 : i32 to index
      %get3A_696 = arith.constant 640 : index
      %get3A_697 = tpu.vector_load %arg7[%get3A_695, %get3A_696] {strides = array<i32>} : memref<64x768xf32, #tpu.memory_space<vmem>>, vector<1x16xf32>,
      %get3A_698 = vector.shape_cast %get3A_697 : vector<1x16xf32> to vector<16xf32>
      %get3A_699 = arith.index_cast %add3A_136 : i32 to index
      %get3A_700 = arith.constant 640 : index
      %get3A_701 = tpu.vector_load %arg8[%get3A_699, %get3A_700] {strides = array<i32>} : memref<64x768xf32, #tpu.memory_space<vmem>>, vector<1x16xf32>,
      %get3A_702 = vector.shape_cast %get3A_701 : vector<1x16xf32> to vector<16xf32>
      %add3A_703 = arith.addf %get3A_698, %get3A_702 : vector<16xf32>
      %swap3A_704 = arith.index_cast %add3A_136 : i32 to index
      %swap3A_705 = arith.constant 640 : index
      %swap3A_706 = tpu.vector_load %arg7[%swap3A_704, %swap3A_705] {strides = array<i32>} : memref<64x768xf32, #tpu.memory_space<vmem>>, vector<1x16xf32>,
      %swap3A_707 = vector.shape_cast %swap3A_706 : vector<1x16xf32> to vector<16xf32>
      %swap3A_708 = vector.shape_cast %add3A_703 : vector<16xf32> to vector<1x16xf32>
      tpu.vector_store %arg7[%swap3A_704, %swap3A_705], %swap3A_708 {strides = array<i32>} : memref<64x768xf32, #tpu.memory_space<vmem>>, vector<1x16xf32>,
      %get3A_709 = arith.index_cast %add3A_136 : i32 to index
      %get3A_710 = arith.constant 656 : index
      %get3A_711 = tpu.vector_load %arg7[%get3A_709, %get3A_710] {strides = array<i32>} : memref<64x768xf32, #tpu.memory_space<vmem>>, vector<1x16xf32>,
      %get3A_712 = vector.shape_cast %get3A_711 : vector<1x16xf32> to vector<16xf32>
      %get3A_713 = arith.index_cast %add3A_136 : i32 to index
      %get3A_714 = arith.constant 656 : index
      %get3A_715 = tpu.vector_load %arg8[%get3A_713, %get3A_714] {strides = array<i32>} : memref<64x768xf32, #tpu.memory_space<vmem>>, vector<1x16xf32>,
      %get3A_716 = vector.shape_cast %get3A_715 : vector<1x16xf32> to vector<16xf32>
      %add3A_717 = arith.addf %get3A_712, %get3A_716 : vector<16xf32>
      %swap3A_718 = arith.index_cast %add3A_136 : i32 to index
      %swap3A_719 = arith.constant 656 : index
      %swap3A_720 = tpu.vector_load %arg7[%swap3A_718, %swap3A_719] {strides = array<i32>} : memref<64x768xf32, #tpu.memory_space<vmem>>, vector<1x16xf32>,
      %swap3A_721 = vector.shape_cast %swap3A_720 : vector<1x16xf32> to vector<16xf32>
      %swap3A_722 = vector.shape_cast %add3A_717 : vector<16xf32> to vector<1x16xf32>
      tpu.vector_store %arg7[%swap3A_718, %swap3A_719], %swap3A_722 {strides = array<i32>} : memref<64x768xf32, #tpu.memory_space<vmem>>, vector<1x16xf32>,
      %get3A_723 = arith.index_cast %add3A_136 : i32 to index
      %get3A_724 = arith.constant 672 : index
      %get3A_725 = tpu.vector_load %arg7[%get3A_723, %get3A_724] {strides = array<i32>} : memref<64x768xf32, #tpu.memory_space<vmem>>, vector<1x16xf32>,
      %get3A_726 = vector.shape_cast %get3A_725 : vector<1x16xf32> to vector<16xf32>
      %get3A_727 = arith.index_cast %add3A_136 : i32 to index
      %get3A_728 = arith.constant 672 : index
      %get3A_729 = tpu.vector_load %arg8[%get3A_727, %get3A_728] {strides = array<i32>} : memref<64x768xf32, #tpu.memory_space<vmem>>, vector<1x16xf32>,
      %get3A_730 = vector.shape_cast %get3A_729 : vector<1x16xf32> to vector<16xf32>
      %add3A_731 = arith.addf %get3A_726, %get3A_730 : vector<16xf32>
      %swap3A_732 = arith.index_cast %add3A_136 : i32 to index
      %swap3A_733 = arith.constant 672 : index
      %swap3A_734 = tpu.vector_load %arg7[%swap3A_732, %swap3A_733] {strides = array<i32>} : memref<64x768xf32, #tpu.memory_space<vmem>>, vector<1x16xf32>,
      %swap3A_735 = vector.shape_cast %swap3A_734 : vector<1x16xf32> to vector<16xf32>
      %swap3A_736 = vector.shape_cast %add3A_731 : vector<16xf32> to vector<1x16xf32>
      tpu.vector_store %arg7[%swap3A_732, %swap3A_733], %swap3A_736 {strides = array<i32>} : memref<64x768xf32, #tpu.memory_space<vmem>>, vector<1x16xf32>,
      %get3A_737 = arith.index_cast %add3A_136 : i32 to index
      %get3A_738 = arith.constant 688 : index
      %get3A_739 = tpu.vector_load %arg7[%get3A_737, %get3A_738] {strides = array<i32>} : memref<64x768xf32, #tpu.memory_space<vmem>>, vector<1x16xf32>,
      %get3A_740 = vector.shape_cast %get3A_739 : vector<1x16xf32> to vector<16xf32>
      %get3A_741 = arith.index_cast %add3A_136 : i32 to index
      %get3A_742 = arith.constant 688 : index
      %get3A_743 = tpu.vector_load %arg8[%get3A_741, %get3A_742] {strides = array<i32>} : memref<64x768xf32, #tpu.memory_space<vmem>>, vector<1x16xf32>,
      %get3A_744 = vector.shape_cast %get3A_743 : vector<1x16xf32> to vector<16xf32>
      %add3A_745 = arith.addf %get3A_740, %get3A_744 : vector<16xf32>
      %swap3A_746 = arith.index_cast %add3A_136 : i32 to index
      %swap3A_747 = arith.constant 688 : index
      %swap3A_748 = tpu.vector_load %arg7[%swap3A_746, %swap3A_747] {strides = array<i32>} : memref<64x768xf32, #tpu.memory_space<vmem>>, vector<1x16xf32>,
      %swap3A_749 = vector.shape_cast %swap3A_748 : vector<1x16xf32> to vector<16xf32>
      %swap3A_750 = vector.shape_cast %add3A_745 : vector<16xf32> to vector<1x16xf32>
      tpu.vector_store %arg7[%swap3A_746, %swap3A_747], %swap3A_750 {strides = array<i32>} : memref<64x768xf32, #tpu.memory_space<vmem>>, vector<1x16xf32>,
      %get3A_751 = arith.index_cast %add3A_136 : i32 to index
      %get3A_752 = arith.constant 704 : index
      %get3A_753 = tpu.vector_load %arg7[%get3A_751, %get3A_752] {strides = array<i32>} : memref<64x768xf32, #tpu.memory_space<vmem>>, vector<1x16xf32>,
      %get3A_754 = vector.shape_cast %get3A_753 : vector<1x16xf32> to vector<16xf32>
      %get3A_755 = arith.index_cast %add3A_136 : i32 to index
      %get3A_756 = arith.constant 704 : index
      %get3A_757 = tpu.vector_load %arg8[%get3A_755, %get3A_756] {strides = array<i32>} : memref<64x768xf32, #tpu.memory_space<vmem>>, vector<1x16xf32>,
      %get3A_758 = vector.shape_cast %get3A_757 : vector<1x16xf32> to vector<16xf32>
      %add3A_759 = arith.addf %get3A_754, %get3A_758 : vector<16xf32>
      %swap3A_760 = arith.index_cast %add3A_136 : i32 to index
      %swap3A_761 = arith.constant 704 : index
      %swap3A_762 = tpu.vector_load %arg7[%swap3A_760, %swap3A_761] {strides = array<i32>} : memref<64x768xf32, #tpu.memory_space<vmem>>, vector<1x16xf32>,
      %swap3A_763 = vector.shape_cast %swap3A_762 : vector<1x16xf32> to vector<16xf32>
      %swap3A_764 = vector.shape_cast %add3A_759 : vector<16xf32> to vector<1x16xf32>
      tpu.vector_store %arg7[%swap3A_760, %swap3A_761], %swap3A_764 {strides = array<i32>} : memref<64x768xf32, #tpu.memory_space<vmem>>, vector<1x16xf32>,
      %get3A_765 = arith.index_cast %add3A_136 : i32 to index
      %get3A_766 = arith.constant 720 : index
      %get3A_767 = tpu.vector_load %arg7[%get3A_765, %get3A_766] {strides = array<i32>} : memref<64x768xf32, #tpu.memory_space<vmem>>, vector<1x16xf32>,
      %get3A_768 = vector.shape_cast %get3A_767 : vector<1x16xf32> to vector<16xf32>
      %get3A_769 = arith.index_cast %add3A_136 : i32 to index
      %get3A_770 = arith.constant 720 : index
      %get3A_771 = tpu.vector_load %arg8[%get3A_769, %get3A_770] {strides = array<i32>} : memref<64x768xf32, #tpu.memory_space<vmem>>, vector<1x16xf32>,
      %get3A_772 = vector.shape_cast %get3A_771 : vector<1x16xf32> to vector<16xf32>
      %add3A_773 = arith.addf %get3A_768, %get3A_772 : vector<16xf32>
      %swap3A_774 = arith.index_cast %add3A_136 : i32 to index
      %swap3A_775 = arith.constant 720 : index
      %swap3A_776 = tpu.vector_load %arg7[%swap3A_774, %swap3A_775] {strides = array<i32>} : memref<64x768xf32, #tpu.memory_space<vmem>>, vector<1x16xf32>,
      %swap3A_777 = vector.shape_cast %swap3A_776 : vector<1x16xf32> to vector<16xf32>
      %swap3A_778 = vector.shape_cast %add3A_773 : vector<16xf32> to vector<1x16xf32>
      tpu.vector_store %arg7[%swap3A_774, %swap3A_775], %swap3A_778 {strides = array<i32>} : memref<64x768xf32, #tpu.memory_space<vmem>>, vector<1x16xf32>,
      %get3A_779 = arith.index_cast %add3A_136 : i32 to index
      %get3A_780 = arith.constant 736 : index
      %get3A_781 = tpu.vector_load %arg7[%get3A_779, %get3A_780] {strides = array<i32>} : memref<64x768xf32, #tpu.memory_space<vmem>>, vector<1x16xf32>,
      %get3A_782 = vector.shape_cast %get3A_781 : vector<1x16xf32> to vector<16xf32>
      %get3A_783 = arith.index_cast %add3A_136 : i32 to index
      %get3A_784 = arith.constant 736 : index
      %get3A_785 = tpu.vector_load %arg8[%get3A_783, %get3A_784] {strides = array<i32>} : memref<64x768xf32, #tpu.memory_space<vmem>>, vector<1x16xf32>,
      %get3A_786 = vector.shape_cast %get3A_785 : vector<1x16xf32> to vector<16xf32>
      %add3A_787 = arith.addf %get3A_782, %get3A_786 : vector<16xf32>
      %swap3A_788 = arith.index_cast %add3A_136 : i32 to index
      %swap3A_789 = arith.constant 736 : index
      %swap3A_790 = tpu.vector_load %arg7[%swap3A_788, %swap3A_789] {strides = array<i32>} : memref<64x768xf32, #tpu.memory_space<vmem>>, vector<1x16xf32>,
      %swap3A_791 = vector.shape_cast %swap3A_790 : vector<1x16xf32> to vector<16xf32>
      %swap3A_792 = vector.shape_cast %add3A_787 : vector<16xf32> to vector<1x16xf32>
      tpu.vector_store %arg7[%swap3A_788, %swap3A_789], %swap3A_792 {strides = array<i32>} : memref<64x768xf32, #tpu.memory_space<vmem>>, vector<1x16xf32>,
      %get3A_793 = arith.index_cast %add3A_136 : i32 to index
      %get3A_794 = arith.constant 752 : index
      %get3A_795 = tpu.vector_load %arg7[%get3A_793, %get3A_794] {strides = array<i32>} : memref<64x768xf32, #tpu.memory_space<vmem>>, vector<1x16xf32>,
      %get3A_796 = vector.shape_cast %get3A_795 : vector<1x16xf32> to vector<16xf32>
      %get3A_797 = arith.index_cast %add3A_136 : i32 to index
      %get3A_798 = arith.constant 752 : index
      %get3A_799 = tpu.vector_load %arg8[%get3A_797, %get3A_798] {strides = array<i32>} : memref<64x768xf32, #tpu.memory_space<vmem>>, vector<1x16xf32>,
      %get3A_800 = vector.shape_cast %get3A_799 : vector<1x16xf32> to vector<16xf32>
      %add3A_801 = arith.addf %get3A_796, %get3A_800 : vector<16xf32>
      %swap3A_802 = arith.index_cast %add3A_136 : i32 to index
      %swap3A_803 = arith.constant 752 : index
      %swap3A_804 = tpu.vector_load %arg7[%swap3A_802, %swap3A_803] {strides = array<i32>} : memref<64x768xf32, #tpu.memory_space<vmem>>, vector<1x16xf32>,
      %swap3A_805 = vector.shape_cast %swap3A_804 : vector<1x16xf32> to vector<16xf32>
      %swap3A_806 = vector.shape_cast %add3A_801 : vector<16xf32> to vector<1x16xf32>
      tpu.vector_store %arg7[%swap3A_802, %swap3A_803], %swap3A_806 {strides = array<i32>} : memref<64x768xf32, #tpu.memory_space<vmem>>, vector<1x16xf32>,
    }
    %scan3A_80 = arith.constant 64 : i32
    "tpu.region"() ({
      %run_scoped3A = tpu.sem_alloc : memref<!tpu.dma_semaphore, #tpu.memory_space<semaphore_mem>>
      %dma_start3A_132 = arith.constant 0 : i32
      %dma_start3A_133 = tpu.memref_slice %arg5[%add3A_71, %dma_start3A_132] : memref<8192x768xf32, #tpu.memory_space<hbm>> -> memref<64x768xf32, #tpu.memory_space<hbm>>
      %dma_start3A_134 = arith.constant 0 : i32
      %dma_start3A_135 = tpu.memref_slice %arg5[%add3A_71, %dma_start3A_134] : memref<8192x768xf32, #tpu.memory_space<hbm>> -> memref<64x768xf32, #tpu.memory_space<hbm>>
      tpu.enqueue_dma source(%arg7 : memref<64x768xf32, #tpu.memory_space<vmem>>) target(%dma_start3A_135 : memref<64x768xf32, #tpu.memory_space<hbm>>) target_semaphore(%run_scoped3A : memref<!tpu.dma_semaphore, #tpu.memory_space<semaphore_mem>>)
      %dma_wait3A_136 = arith.constant 0 : i32
      %dma_wait3A_137 = tpu.memref_slice %arg5[%add3A_71, %dma_wait3A_136] : memref<8192x768xf32, #tpu.memory_space<hbm>> -> memref<64x768xf32, #tpu.memory_space<hbm>>
      %dma_wait3A_138 = arith.constant 0 : i32
      %dma_wait3A_139 = tpu.memref_slice %arg5[%add3A_71, %dma_wait3A_138] : memref<8192x768xf32, #tpu.memory_space<hbm>> -> memref<64x768xf32, #tpu.memory_space<hbm>>
      tpu.wait_dma2 semaphore(%run_scoped3A : memref<!tpu.dma_semaphore, #tpu.memory_space<semaphore_mem>>) src(%arg7 : memref<64x768xf32, #tpu.memory_space<vmem>>) dst(%dma_wait3A_139 : memref<64x768xf32, #tpu.memory_space<hbm>>)
      tpu.yield
    }) : () -> ()
    %dma_start3A_81 = arith.constant 64 : i32
    %dma_start3A_82 = tpu.memref_slice %arg6[%dma_start3A_81] : memref<256xi32, #tpu.memory_space<vmem>> -> memref<64xi32, #tpu.memory_space<vmem>>
    %dma_start3A_83 = arith.constant 0 : i32
    %dma_start3A_84 = arith.constant 0 : i32
    %dma_start3A_85 = tpu.memref_slice %arg3[%dma_start3A_83, %dma_start3A_84] : memref<50257x768xf32, #tpu.memory_space<hbm>> -> memref<50257x768xf32, #tpu.memory_space<hbm>>
    tpu.enqueue_indirect_dma source(%dma_start3A_85 : memref<50257x768xf32, #tpu.memory_space<hbm>>) target(%arg7 : memref<64x768xf32, #tpu.memory_space<vmem>>) offsets(%dma_start3A_82 : memref<64xi32, #tpu.memory_space<vmem>>) semaphore(%arg9 : memref<!tpu.dma_semaphore, #tpu.memory_space<semaphore_mem>>)
    %add3A_86 = arith.constant 2048 : i32
    %add3A_87 = arith.addi %add3A_86, %mul3A_2 : i32
    %dma_wait3A_88 = arith.constant 64 : i32
    %dma_wait3A_89 = tpu.memref_slice %arg6[%dma_wait3A_88] : memref<256xi32, #tpu.memory_space<vmem>> -> memref<64xi32, #tpu.memory_space<vmem>>
    %dma_wait3A_90 = arith.constant 0 : i32
    %dma_wait3A_91 = arith.constant 0 : i32
    %dma_wait3A_92 = tpu.memref_slice %arg3[%dma_wait3A_90, %dma_wait3A_91] : memref<50257x768xf32, #tpu.memory_space<hbm>> -> memref<50257x768xf32, #tpu.memory_space<hbm>>
    tpu.wait_indirect_dma semaphore(%arg9 : memref<!tpu.dma_semaphore, #tpu.memory_space<semaphore_mem>>) src(%dma_wait3A_92 : memref<50257x768xf32, #tpu.memory_space<hbm>>) dst(%arg7 : memref<64x768xf32, #tpu.memory_space<vmem>>)
    %scan3A_93 = arith.constant 0 : i32
    %scan3A_94 = arith.constant 64 : i32
    %scan3A_95 = arith.addi %scan3A_93, %scan3A_94 : i32
    %scan3A_96 = arith.constant 1 : i32
    scf.for %scan3A_132 = %scan3A_93 to %scan3A_95 step %scan3A_96  : i32 {
      %mul3A_133 = arith.constant 1 : i32
      %mul3A_134 = arith.muli %scan3A_132, %mul3A_133 : i32
      %add3A_135 = arith.constant 0 : i32
      %add3A_136 = arith.addi %add3A_135, %mul3A_134 : i32
      %get3A = arith.index_cast %add3A_136 : i32 to index
      %get3A_137 = arith.constant 0 : index
      %get3A_138 = tpu.vector_load %arg7[%get3A, %get3A_137] {strides = array<i32>} : memref<64x768xf32, #tpu.memory_space<vmem>>, vector<1x16xf32>,
      %get3A_139 = vector.shape_cast %get3A_138 : vector<1x16xf32> to vector<16xf32>
      %get3A_140 = arith.index_cast %add3A_136 : i32 to index
      %get3A_141 = arith.constant 0 : index
      %get3A_142 = tpu.vector_load %arg8[%get3A_140, %get3A_141] {strides = array<i32>} : memref<64x768xf32, #tpu.memory_space<vmem>>, vector<1x16xf32>,
      %get3A_143 = vector.shape_cast %get3A_142 : vector<1x16xf32> to vector<16xf32>
      %add3A_144 = arith.addf %get3A_139, %get3A_143 : vector<16xf32>
      %swap3A = arith.index_cast %add3A_136 : i32 to index
      %swap3A_145 = arith.constant 0 : index
      %swap3A_146 = tpu.vector_load %arg7[%swap3A, %swap3A_145] {strides = array<i32>} : memref<64x768xf32, #tpu.memory_space<vmem>>, vector<1x16xf32>,
      %swap3A_147 = vector.shape_cast %swap3A_146 : vector<1x16xf32> to vector<16xf32>
      %swap3A_148 = vector.shape_cast %add3A_144 : vector<16xf32> to vector<1x16xf32>
      tpu.vector_store %arg7[%swap3A, %swap3A_145], %swap3A_148 {strides = array<i32>} : memref<64x768xf32, #tpu.memory_space<vmem>>, vector<1x16xf32>,
      %get3A_149 = arith.index_cast %add3A_136 : i32 to index
      %get3A_150 = arith.constant 16 : index
      %get3A_151 = tpu.vector_load %arg7[%get3A_149, %get3A_150] {strides = array<i32>} : memref<64x768xf32, #tpu.memory_space<vmem>>, vector<1x16xf32>,
      %get3A_152 = vector.shape_cast %get3A_151 : vector<1x16xf32> to vector<16xf32>
      %get3A_153 = arith.index_cast %add3A_136 : i32 to index
      %get3A_154 = arith.constant 16 : index
      %get3A_155 = tpu.vector_load %arg8[%get3A_153, %get3A_154] {strides = array<i32>} : memref<64x768xf32, #tpu.memory_space<vmem>>, vector<1x16xf32>,
      %get3A_156 = vector.shape_cast %get3A_155 : vector<1x16xf32> to vector<16xf32>
      %add3A_157 = arith.addf %get3A_152, %get3A_156 : vector<16xf32>
      %swap3A_158 = arith.index_cast %add3A_136 : i32 to index
      %swap3A_159 = arith.constant 16 : index
      %swap3A_160 = tpu.vector_load %arg7[%swap3A_158, %swap3A_159] {strides = array<i32>} : memref<64x768xf32, #tpu.memory_space<vmem>>, vector<1x16xf32>,
      %swap3A_161 = vector.shape_cast %swap3A_160 : vector<1x16xf32> to vector<16xf32>
      %swap3A_162 = vector.shape_cast %add3A_157 : vector<16xf32> to vector<1x16xf32>
      tpu.vector_store %arg7[%swap3A_158, %swap3A_159], %swap3A_162 {strides = array<i32>} : memref<64x768xf32, #tpu.memory_space<vmem>>, vector<1x16xf32>,
      %get3A_163 = arith.index_cast %add3A_136 : i32 to index
      %get3A_164 = arith.constant 32 : index
      %get3A_165 = tpu.vector_load %arg7[%get3A_163, %get3A_164] {strides = array<i32>} : memref<64x768xf32, #tpu.memory_space<vmem>>, vector<1x16xf32>,
      %get3A_166 = vector.shape_cast %get3A_165 : vector<1x16xf32> to vector<16xf32>
      %get3A_167 = arith.index_cast %add3A_136 : i32 to index
      %get3A_168 = arith.constant 32 : index
      %get3A_169 = tpu.vector_load %arg8[%get3A_167, %get3A_168] {strides = array<i32>} : memref<64x768xf32, #tpu.memory_space<vmem>>, vector<1x16xf32>,
      %get3A_170 = vector.shape_cast %get3A_169 : vector<1x16xf32> to vector<16xf32>
      %add3A_171 = arith.addf %get3A_166, %get3A_170 : vector<16xf32>
      %swap3A_172 = arith.index_cast %add3A_136 : i32 to index
      %swap3A_173 = arith.constant 32 : index
      %swap3A_174 = tpu.vector_load %arg7[%swap3A_172, %swap3A_173] {strides = array<i32>} : memref<64x768xf32, #tpu.memory_space<vmem>>, vector<1x16xf32>,
      %swap3A_175 = vector.shape_cast %swap3A_174 : vector<1x16xf32> to vector<16xf32>
      %swap3A_176 = vector.shape_cast %add3A_171 : vector<16xf32> to vector<1x16xf32>
      tpu.vector_store %arg7[%swap3A_172, %swap3A_173], %swap3A_176 {strides = array<i32>} : memref<64x768xf32, #tpu.memory_space<vmem>>, vector<1x16xf32>,
      %get3A_177 = arith.index_cast %add3A_136 : i32 to index
      %get3A_178 = arith.constant 48 : index
      %get3A_179 = tpu.vector_load %arg7[%get3A_177, %get3A_178] {strides = array<i32>} : memref<64x768xf32, #tpu.memory_space<vmem>>, vector<1x16xf32>,
      %get3A_180 = vector.shape_cast %get3A_179 : vector<1x16xf32> to vector<16xf32>
      %get3A_181 = arith.index_cast %add3A_136 : i32 to index
      %get3A_182 = arith.constant 48 : index
      %get3A_183 = tpu.vector_load %arg8[%get3A_181, %get3A_182] {strides = array<i32>} : memref<64x768xf32, #tpu.memory_space<vmem>>, vector<1x16xf32>,
      %get3A_184 = vector.shape_cast %get3A_183 : vector<1x16xf32> to vector<16xf32>
      %add3A_185 = arith.addf %get3A_180, %get3A_184 : vector<16xf32>
      %swap3A_186 = arith.index_cast %add3A_136 : i32 to index
      %swap3A_187 = arith.constant 48 : index
      %swap3A_188 = tpu.vector_load %arg7[%swap3A_186, %swap3A_187] {strides = array<i32>} : memref<64x768xf32, #tpu.memory_space<vmem>>, vector<1x16xf32>,
      %swap3A_189 = vector.shape_cast %swap3A_188 : vector<1x16xf32> to vector<16xf32>
      %swap3A_190 = vector.shape_cast %add3A_185 : vector<16xf32> to vector<1x16xf32>
      tpu.vector_store %arg7[%swap3A_186, %swap3A_187], %swap3A_190 {strides = array<i32>} : memref<64x768xf32, #tpu.memory_space<vmem>>, vector<1x16xf32>,
      %get3A_191 = arith.index_cast %add3A_136 : i32 to index
      %get3A_192 = arith.constant 64 : index
      %get3A_193 = tpu.vector_load %arg7[%get3A_191, %get3A_192] {strides = array<i32>} : memref<64x768xf32, #tpu.memory_space<vmem>>, vector<1x16xf32>,
      %get3A_194 = vector.shape_cast %get3A_193 : vector<1x16xf32> to vector<16xf32>
      %get3A_195 = arith.index_cast %add3A_136 : i32 to index
      %get3A_196 = arith.constant 64 : index
      %get3A_197 = tpu.vector_load %arg8[%get3A_195, %get3A_196] {strides = array<i32>} : memref<64x768xf32, #tpu.memory_space<vmem>>, vector<1x16xf32>,
      %get3A_198 = vector.shape_cast %get3A_197 : vector<1x16xf32> to vector<16xf32>
      %add3A_199 = arith.addf %get3A_194, %get3A_198 : vector<16xf32>
      %swap3A_200 = arith.index_cast %add3A_136 : i32 to index
      %swap3A_201 = arith.constant 64 : index
      %swap3A_202 = tpu.vector_load %arg7[%swap3A_200, %swap3A_201] {strides = array<i32>} : memref<64x768xf32, #tpu.memory_space<vmem>>, vector<1x16xf32>,
      %swap3A_203 = vector.shape_cast %swap3A_202 : vector<1x16xf32> to vector<16xf32>
      %swap3A_204 = vector.shape_cast %add3A_199 : vector<16xf32> to vector<1x16xf32>
      tpu.vector_store %arg7[%swap3A_200, %swap3A_201], %swap3A_204 {strides = array<i32>} : memref<64x768xf32, #tpu.memory_space<vmem>>, vector<1x16xf32>,
      %get3A_205 = arith.index_cast %add3A_136 : i32 to index
      %get3A_206 = arith.constant 80 : index
      %get3A_207 = tpu.vector_load %arg7[%get3A_205, %get3A_206] {strides = array<i32>} : memref<64x768xf32, #tpu.memory_space<vmem>>, vector<1x16xf32>,
      %get3A_208 = vector.shape_cast %get3A_207 : vector<1x16xf32> to vector<16xf32>
      %get3A_209 = arith.index_cast %add3A_136 : i32 to index
      %get3A_210 = arith.constant 80 : index
      %get3A_211 = tpu.vector_load %arg8[%get3A_209, %get3A_210] {strides = array<i32>} : memref<64x768xf32, #tpu.memory_space<vmem>>, vector<1x16xf32>,
      %get3A_212 = vector.shape_cast %get3A_211 : vector<1x16xf32> to vector<16xf32>
      %add3A_213 = arith.addf %get3A_208, %get3A_212 : vector<16xf32>
      %swap3A_214 = arith.index_cast %add3A_136 : i32 to index
      %swap3A_215 = arith.constant 80 : index
      %swap3A_216 = tpu.vector_load %arg7[%swap3A_214, %swap3A_215] {strides = array<i32>} : memref<64x768xf32, #tpu.memory_space<vmem>>, vector<1x16xf32>,
      %swap3A_217 = vector.shape_cast %swap3A_216 : vector<1x16xf32> to vector<16xf32>
      %swap3A_218 = vector.shape_cast %add3A_213 : vector<16xf32> to vector<1x16xf32>
      tpu.vector_store %arg7[%swap3A_214, %swap3A_215], %swap3A_218 {strides = array<i32>} : memref<64x768xf32, #tpu.memory_space<vmem>>, vector<1x16xf32>,
      %get3A_219 = arith.index_cast %add3A_136 : i32 to index
      %get3A_220 = arith.constant 96 : index
      %get3A_221 = tpu.vector_load %arg7[%get3A_219, %get3A_220] {strides = array<i32>} : memref<64x768xf32, #tpu.memory_space<vmem>>, vector<1x16xf32>,
      %get3A_222 = vector.shape_cast %get3A_221 : vector<1x16xf32> to vector<16xf32>
      %get3A_223 = arith.index_cast %add3A_136 : i32 to index
      %get3A_224 = arith.constant 96 : index
      %get3A_225 = tpu.vector_load %arg8[%get3A_223, %get3A_224] {strides = array<i32>} : memref<64x768xf32, #tpu.memory_space<vmem>>, vector<1x16xf32>,
      %get3A_226 = vector.shape_cast %get3A_225 : vector<1x16xf32> to vector<16xf32>
      %add3A_227 = arith.addf %get3A_222, %get3A_226 : vector<16xf32>
      %swap3A_228 = arith.index_cast %add3A_136 : i32 to index
      %swap3A_229 = arith.constant 96 : index
      %swap3A_230 = tpu.vector_load %arg7[%swap3A_228, %swap3A_229] {strides = array<i32>} : memref<64x768xf32, #tpu.memory_space<vmem>>, vector<1x16xf32>,
      %swap3A_231 = vector.shape_cast %swap3A_230 : vector<1x16xf32> to vector<16xf32>
      %swap3A_232 = vector.shape_cast %add3A_227 : vector<16xf32> to vector<1x16xf32>
      tpu.vector_store %arg7[%swap3A_228, %swap3A_229], %swap3A_232 {strides = array<i32>} : memref<64x768xf32, #tpu.memory_space<vmem>>, vector<1x16xf32>,
      %get3A_233 = arith.index_cast %add3A_136 : i32 to index
      %get3A_234 = arith.constant 112 : index
      %get3A_235 = tpu.vector_load %arg7[%get3A_233, %get3A_234] {strides = array<i32>} : memref<64x768xf32, #tpu.memory_space<vmem>>, vector<1x16xf32>,
      %get3A_236 = vector.shape_cast %get3A_235 : vector<1x16xf32> to vector<16xf32>
      %get3A_237 = arith.index_cast %add3A_136 : i32 to index
      %get3A_238 = arith.constant 112 : index
      %get3A_239 = tpu.vector_load %arg8[%get3A_237, %get3A_238] {strides = array<i32>} : memref<64x768xf32, #tpu.memory_space<vmem>>, vector<1x16xf32>,
      %get3A_240 = vector.shape_cast %get3A_239 : vector<1x16xf32> to vector<16xf32>
      %add3A_241 = arith.addf %get3A_236, %get3A_240 : vector<16xf32>
      %swap3A_242 = arith.index_cast %add3A_136 : i32 to index
      %swap3A_243 = arith.constant 112 : index
      %swap3A_244 = tpu.vector_load %arg7[%swap3A_242, %swap3A_243] {strides = array<i32>} : memref<64x768xf32, #tpu.memory_space<vmem>>, vector<1x16xf32>,
      %swap3A_245 = vector.shape_cast %swap3A_244 : vector<1x16xf32> to vector<16xf32>
      %swap3A_246 = vector.shape_cast %add3A_241 : vector<16xf32> to vector<1x16xf32>
      tpu.vector_store %arg7[%swap3A_242, %swap3A_243], %swap3A_246 {strides = array<i32>} : memref<64x768xf32, #tpu.memory_space<vmem>>, vector<1x16xf32>,
      %get3A_247 = arith.index_cast %add3A_136 : i32 to index
      %get3A_248 = arith.constant 128 : index
      %get3A_249 = tpu.vector_load %arg7[%get3A_247, %get3A_248] {strides = array<i32>} : memref<64x768xf32, #tpu.memory_space<vmem>>, vector<1x16xf32>,
      %get3A_250 = vector.shape_cast %get3A_249 : vector<1x16xf32> to vector<16xf32>
      %get3A_251 = arith.index_cast %add3A_136 : i32 to index
      %get3A_252 = arith.constant 128 : index
      %get3A_253 = tpu.vector_load %arg8[%get3A_251, %get3A_252] {strides = array<i32>} : memref<64x768xf32, #tpu.memory_space<vmem>>, vector<1x16xf32>,
      %get3A_254 = vector.shape_cast %get3A_253 : vector<1x16xf32> to vector<16xf32>
      %add3A_255 = arith.addf %get3A_250, %get3A_254 : vector<16xf32>
      %swap3A_256 = arith.index_cast %add3A_136 : i32 to index
      %swap3A_257 = arith.constant 128 : index
      %swap3A_258 = tpu.vector_load %arg7[%swap3A_256, %swap3A_257] {strides = array<i32>} : memref<64x768xf32, #tpu.memory_space<vmem>>, vector<1x16xf32>,
      %swap3A_259 = vector.shape_cast %swap3A_258 : vector<1x16xf32> to vector<16xf32>
      %swap3A_260 = vector.shape_cast %add3A_255 : vector<16xf32> to vector<1x16xf32>
      tpu.vector_store %arg7[%swap3A_256, %swap3A_257], %swap3A_260 {strides = array<i32>} : memref<64x768xf32, #tpu.memory_space<vmem>>, vector<1x16xf32>,
      %get3A_261 = arith.index_cast %add3A_136 : i32 to index
      %get3A_262 = arith.constant 144 : index
      %get3A_263 = tpu.vector_load %arg7[%get3A_261, %get3A_262] {strides = array<i32>} : memref<64x768xf32, #tpu.memory_space<vmem>>, vector<1x16xf32>,
      %get3A_264 = vector.shape_cast %get3A_263 : vector<1x16xf32> to vector<16xf32>
      %get3A_265 = arith.index_cast %add3A_136 : i32 to index
      %get3A_266 = arith.constant 144 : index
      %get3A_267 = tpu.vector_load %arg8[%get3A_265, %get3A_266] {strides = array<i32>} : memref<64x768xf32, #tpu.memory_space<vmem>>, vector<1x16xf32>,
      %get3A_268 = vector.shape_cast %get3A_267 : vector<1x16xf32> to vector<16xf32>
      %add3A_269 = arith.addf %get3A_264, %get3A_268 : vector<16xf32>
      %swap3A_270 = arith.index_cast %add3A_136 : i32 to index
      %swap3A_271 = arith.constant 144 : index
      %swap3A_272 = tpu.vector_load %arg7[%swap3A_270, %swap3A_271] {strides = array<i32>} : memref<64x768xf32, #tpu.memory_space<vmem>>, vector<1x16xf32>,
      %swap3A_273 = vector.shape_cast %swap3A_272 : vector<1x16xf32> to vector<16xf32>
      %swap3A_274 = vector.shape_cast %add3A_269 : vector<16xf32> to vector<1x16xf32>
      tpu.vector_store %arg7[%swap3A_270, %swap3A_271], %swap3A_274 {strides = array<i32>} : memref<64x768xf32, #tpu.memory_space<vmem>>, vector<1x16xf32>,
      %get3A_275 = arith.index_cast %add3A_136 : i32 to index
      %get3A_276 = arith.constant 160 : index
      %get3A_277 = tpu.vector_load %arg7[%get3A_275, %get3A_276] {strides = array<i32>} : memref<64x768xf32, #tpu.memory_space<vmem>>, vector<1x16xf32>,
      %get3A_278 = vector.shape_cast %get3A_277 : vector<1x16xf32> to vector<16xf32>
      %get3A_279 = arith.index_cast %add3A_136 : i32 to index
      %get3A_280 = arith.constant 160 : index
      %get3A_281 = tpu.vector_load %arg8[%get3A_279, %get3A_280] {strides = array<i32>} : memref<64x768xf32, #tpu.memory_space<vmem>>, vector<1x16xf32>,
      %get3A_282 = vector.shape_cast %get3A_281 : vector<1x16xf32> to vector<16xf32>
      %add3A_283 = arith.addf %get3A_278, %get3A_282 : vector<16xf32>
      %swap3A_284 = arith.index_cast %add3A_136 : i32 to index
      %swap3A_285 = arith.constant 160 : index
      %swap3A_286 = tpu.vector_load %arg7[%swap3A_284, %swap3A_285] {strides = array<i32>} : memref<64x768xf32, #tpu.memory_space<vmem>>, vector<1x16xf32>,
      %swap3A_287 = vector.shape_cast %swap3A_286 : vector<1x16xf32> to vector<16xf32>
      %swap3A_288 = vector.shape_cast %add3A_283 : vector<16xf32> to vector<1x16xf32>
      tpu.vector_store %arg7[%swap3A_284, %swap3A_285], %swap3A_288 {strides = array<i32>} : memref<64x768xf32, #tpu.memory_space<vmem>>, vector<1x16xf32>,
      %get3A_289 = arith.index_cast %add3A_136 : i32 to index
      %get3A_290 = arith.constant 176 : index
      %get3A_291 = tpu.vector_load %arg7[%get3A_289, %get3A_290] {strides = array<i32>} : memref<64x768xf32, #tpu.memory_space<vmem>>, vector<1x16xf32>,
      %get3A_292 = vector.shape_cast %get3A_291 : vector<1x16xf32> to vector<16xf32>
      %get3A_293 = arith.index_cast %add3A_136 : i32 to index
      %get3A_294 = arith.constant 176 : index
      %get3A_295 = tpu.vector_load %arg8[%get3A_293, %get3A_294] {strides = array<i32>} : memref<64x768xf32, #tpu.memory_space<vmem>>, vector<1x16xf32>,
      %get3A_296 = vector.shape_cast %get3A_295 : vector<1x16xf32> to vector<16xf32>
      %add3A_297 = arith.addf %get3A_292, %get3A_296 : vector<16xf32>
      %swap3A_298 = arith.index_cast %add3A_136 : i32 to index
      %swap3A_299 = arith.constant 176 : index
      %swap3A_300 = tpu.vector_load %arg7[%swap3A_298, %swap3A_299] {strides = array<i32>} : memref<64x768xf32, #tpu.memory_space<vmem>>, vector<1x16xf32>,
      %swap3A_301 = vector.shape_cast %swap3A_300 : vector<1x16xf32> to vector<16xf32>
      %swap3A_302 = vector.shape_cast %add3A_297 : vector<16xf32> to vector<1x16xf32>
      tpu.vector_store %arg7[%swap3A_298, %swap3A_299], %swap3A_302 {strides = array<i32>} : memref<64x768xf32, #tpu.memory_space<vmem>>, vector<1x16xf32>,
      %get3A_303 = arith.index_cast %add3A_136 : i32 to index
      %get3A_304 = arith.constant 192 : index
      %get3A_305 = tpu.vector_load %arg7[%get3A_303, %get3A_304] {strides = array<i32>} : memref<64x768xf32, #tpu.memory_space<vmem>>, vector<1x16xf32>,
      %get3A_306 = vector.shape_cast %get3A_305 : vector<1x16xf32> to vector<16xf32>
      %get3A_307 = arith.index_cast %add3A_136 : i32 to index
      %get3A_308 = arith.constant 192 : index
      %get3A_309 = tpu.vector_load %arg8[%get3A_307, %get3A_308] {strides = array<i32>} : memref<64x768xf32, #tpu.memory_space<vmem>>, vector<1x16xf32>,
      %get3A_310 = vector.shape_cast %get3A_309 : vector<1x16xf32> to vector<16xf32>
      %add3A_311 = arith.addf %get3A_306, %get3A_310 : vector<16xf32>
      %swap3A_312 = arith.index_cast %add3A_136 : i32 to index
      %swap3A_313 = arith.constant 192 : index
      %swap3A_314 = tpu.vector_load %arg7[%swap3A_312, %swap3A_313] {strides = array<i32>} : memref<64x768xf32, #tpu.memory_space<vmem>>, vector<1x16xf32>,
      %swap3A_315 = vector.shape_cast %swap3A_314 : vector<1x16xf32> to vector<16xf32>
      %swap3A_316 = vector.shape_cast %add3A_311 : vector<16xf32> to vector<1x16xf32>
      tpu.vector_store %arg7[%swap3A_312, %swap3A_313], %swap3A_316 {strides = array<i32>} : memref<64x768xf32, #tpu.memory_space<vmem>>, vector<1x16xf32>,
      %get3A_317 = arith.index_cast %add3A_136 : i32 to index
      %get3A_318 = arith.constant 208 : index
      %get3A_319 = tpu.vector_load %arg7[%get3A_317, %get3A_318] {strides = array<i32>} : memref<64x768xf32, #tpu.memory_space<vmem>>, vector<1x16xf32>,
      %get3A_320 = vector.shape_cast %get3A_319 : vector<1x16xf32> to vector<16xf32>
      %get3A_321 = arith.index_cast %add3A_136 : i32 to index
      %get3A_322 = arith.constant 208 : index
      %get3A_323 = tpu.vector_load %arg8[%get3A_321, %get3A_322] {strides = array<i32>} : memref<64x768xf32, #tpu.memory_space<vmem>>, vector<1x16xf32>,
      %get3A_324 = vector.shape_cast %get3A_323 : vector<1x16xf32> to vector<16xf32>
      %add3A_325 = arith.addf %get3A_320, %get3A_324 : vector<16xf32>
      %swap3A_326 = arith.index_cast %add3A_136 : i32 to index
      %swap3A_327 = arith.constant 208 : index
      %swap3A_328 = tpu.vector_load %arg7[%swap3A_326, %swap3A_327] {strides = array<i32>} : memref<64x768xf32, #tpu.memory_space<vmem>>, vector<1x16xf32>,
      %swap3A_329 = vector.shape_cast %swap3A_328 : vector<1x16xf32> to vector<16xf32>
      %swap3A_330 = vector.shape_cast %add3A_325 : vector<16xf32> to vector<1x16xf32>
      tpu.vector_store %arg7[%swap3A_326, %swap3A_327], %swap3A_330 {strides = array<i32>} : memref<64x768xf32, #tpu.memory_space<vmem>>, vector<1x16xf32>,
      %get3A_331 = arith.index_cast %add3A_136 : i32 to index
      %get3A_332 = arith.constant 224 : index
      %get3A_333 = tpu.vector_load %arg7[%get3A_331, %get3A_332] {strides = array<i32>} : memref<64x768xf32, #tpu.memory_space<vmem>>, vector<1x16xf32>,
      %get3A_334 = vector.shape_cast %get3A_333 : vector<1x16xf32> to vector<16xf32>
      %get3A_335 = arith.index_cast %add3A_136 : i32 to index
      %get3A_336 = arith.constant 224 : index
      %get3A_337 = tpu.vector_load %arg8[%get3A_335, %get3A_336] {strides = array<i32>} : memref<64x768xf32, #tpu.memory_space<vmem>>, vector<1x16xf32>,
      %get3A_338 = vector.shape_cast %get3A_337 : vector<1x16xf32> to vector<16xf32>
      %add3A_339 = arith.addf %get3A_334, %get3A_338 : vector<16xf32>
      %swap3A_340 = arith.index_cast %add3A_136 : i32 to index
      %swap3A_341 = arith.constant 224 : index
      %swap3A_342 = tpu.vector_load %arg7[%swap3A_340, %swap3A_341] {strides = array<i32>} : memref<64x768xf32, #tpu.memory_space<vmem>>, vector<1x16xf32>,
      %swap3A_343 = vector.shape_cast %swap3A_342 : vector<1x16xf32> to vector<16xf32>
      %swap3A_344 = vector.shape_cast %add3A_339 : vector<16xf32> to vector<1x16xf32>
      tpu.vector_store %arg7[%swap3A_340, %swap3A_341], %swap3A_344 {strides = array<i32>} : memref<64x768xf32, #tpu.memory_space<vmem>>, vector<1x16xf32>,
      %get3A_345 = arith.index_cast %add3A_136 : i32 to index
      %get3A_346 = arith.constant 240 : index
      %get3A_347 = tpu.vector_load %arg7[%get3A_345, %get3A_346] {strides = array<i32>} : memref<64x768xf32, #tpu.memory_space<vmem>>, vector<1x16xf32>,
      %get3A_348 = vector.shape_cast %get3A_347 : vector<1x16xf32> to vector<16xf32>
      %get3A_349 = arith.index_cast %add3A_136 : i32 to index
      %get3A_350 = arith.constant 240 : index
      %get3A_351 = tpu.vector_load %arg8[%get3A_349, %get3A_350] {strides = array<i32>} : memref<64x768xf32, #tpu.memory_space<vmem>>, vector<1x16xf32>,
      %get3A_352 = vector.shape_cast %get3A_351 : vector<1x16xf32> to vector<16xf32>
      %add3A_353 = arith.addf %get3A_348, %get3A_352 : vector<16xf32>
      %swap3A_354 = arith.index_cast %add3A_136 : i32 to index
      %swap3A_355 = arith.constant 240 : index
      %swap3A_356 = tpu.vector_load %arg7[%swap3A_354, %swap3A_355] {strides = array<i32>} : memref<64x768xf32, #tpu.memory_space<vmem>>, vector<1x16xf32>,
      %swap3A_357 = vector.shape_cast %swap3A_356 : vector<1x16xf32> to vector<16xf32>
      %swap3A_358 = vector.shape_cast %add3A_353 : vector<16xf32> to vector<1x16xf32>
      tpu.vector_store %arg7[%swap3A_354, %swap3A_355], %swap3A_358 {strides = array<i32>} : memref<64x768xf32, #tpu.memory_space<vmem>>, vector<1x16xf32>,
      %get3A_359 = arith.index_cast %add3A_136 : i32 to index
      %get3A_360 = arith.constant 256 : index
      %get3A_361 = tpu.vector_load %arg7[%get3A_359, %get3A_360] {strides = array<i32>} : memref<64x768xf32, #tpu.memory_space<vmem>>, vector<1x16xf32>,
      %get3A_362 = vector.shape_cast %get3A_361 : vector<1x16xf32> to vector<16xf32>
      %get3A_363 = arith.index_cast %add3A_136 : i32 to index
      %get3A_364 = arith.constant 256 : index
      %get3A_365 = tpu.vector_load %arg8[%get3A_363, %get3A_364] {strides = array<i32>} : memref<64x768xf32, #tpu.memory_space<vmem>>, vector<1x16xf32>,
      %get3A_366 = vector.shape_cast %get3A_365 : vector<1x16xf32> to vector<16xf32>
      %add3A_367 = arith.addf %get3A_362, %get3A_366 : vector<16xf32>
      %swap3A_368 = arith.index_cast %add3A_136 : i32 to index
      %swap3A_369 = arith.constant 256 : index
      %swap3A_370 = tpu.vector_load %arg7[%swap3A_368, %swap3A_369] {strides = array<i32>} : memref<64x768xf32, #tpu.memory_space<vmem>>, vector<1x16xf32>,
      %swap3A_371 = vector.shape_cast %swap3A_370 : vector<1x16xf32> to vector<16xf32>
      %swap3A_372 = vector.shape_cast %add3A_367 : vector<16xf32> to vector<1x16xf32>
      tpu.vector_store %arg7[%swap3A_368, %swap3A_369], %swap3A_372 {strides = array<i32>} : memref<64x768xf32, #tpu.memory_space<vmem>>, vector<1x16xf32>,
      %get3A_373 = arith.index_cast %add3A_136 : i32 to index
      %get3A_374 = arith.constant 272 : index
      %get3A_375 = tpu.vector_load %arg7[%get3A_373, %get3A_374] {strides = array<i32>} : memref<64x768xf32, #tpu.memory_space<vmem>>, vector<1x16xf32>,
      %get3A_376 = vector.shape_cast %get3A_375 : vector<1x16xf32> to vector<16xf32>
      %get3A_377 = arith.index_cast %add3A_136 : i32 to index
      %get3A_378 = arith.constant 272 : index
      %get3A_379 = tpu.vector_load %arg8[%get3A_377, %get3A_378] {strides = array<i32>} : memref<64x768xf32, #tpu.memory_space<vmem>>, vector<1x16xf32>,
      %get3A_380 = vector.shape_cast %get3A_379 : vector<1x16xf32> to vector<16xf32>
      %add3A_381 = arith.addf %get3A_376, %get3A_380 : vector<16xf32>
      %swap3A_382 = arith.index_cast %add3A_136 : i32 to index
      %swap3A_383 = arith.constant 272 : index
      %swap3A_384 = tpu.vector_load %arg7[%swap3A_382, %swap3A_383] {strides = array<i32>} : memref<64x768xf32, #tpu.memory_space<vmem>>, vector<1x16xf32>,
      %swap3A_385 = vector.shape_cast %swap3A_384 : vector<1x16xf32> to vector<16xf32>
      %swap3A_386 = vector.shape_cast %add3A_381 : vector<16xf32> to vector<1x16xf32>
      tpu.vector_store %arg7[%swap3A_382, %swap3A_383], %swap3A_386 {strides = array<i32>} : memref<64x768xf32, #tpu.memory_space<vmem>>, vector<1x16xf32>,
      %get3A_387 = arith.index_cast %add3A_136 : i32 to index
      %get3A_388 = arith.constant 288 : index
      %get3A_389 = tpu.vector_load %arg7[%get3A_387, %get3A_388] {strides = array<i32>} : memref<64x768xf32, #tpu.memory_space<vmem>>, vector<1x16xf32>,
      %get3A_390 = vector.shape_cast %get3A_389 : vector<1x16xf32> to vector<16xf32>
      %get3A_391 = arith.index_cast %add3A_136 : i32 to index
      %get3A_392 = arith.constant 288 : index
      %get3A_393 = tpu.vector_load %arg8[%get3A_391, %get3A_392] {strides = array<i32>} : memref<64x768xf32, #tpu.memory_space<vmem>>, vector<1x16xf32>,
      %get3A_394 = vector.shape_cast %get3A_393 : vector<1x16xf32> to vector<16xf32>
      %add3A_395 = arith.addf %get3A_390, %get3A_394 : vector<16xf32>
      %swap3A_396 = arith.index_cast %add3A_136 : i32 to index
      %swap3A_397 = arith.constant 288 : index
      %swap3A_398 = tpu.vector_load %arg7[%swap3A_396, %swap3A_397] {strides = array<i32>} : memref<64x768xf32, #tpu.memory_space<vmem>>, vector<1x16xf32>,
      %swap3A_399 = vector.shape_cast %swap3A_398 : vector<1x16xf32> to vector<16xf32>
      %swap3A_400 = vector.shape_cast %add3A_395 : vector<16xf32> to vector<1x16xf32>
      tpu.vector_store %arg7[%swap3A_396, %swap3A_397], %swap3A_400 {strides = array<i32>} : memref<64x768xf32, #tpu.memory_space<vmem>>, vector<1x16xf32>,
      %get3A_401 = arith.index_cast %add3A_136 : i32 to index
      %get3A_402 = arith.constant 304 : index
      %get3A_403 = tpu.vector_load %arg7[%get3A_401, %get3A_402] {strides = array<i32>} : memref<64x768xf32, #tpu.memory_space<vmem>>, vector<1x16xf32>,
      %get3A_404 = vector.shape_cast %get3A_403 : vector<1x16xf32> to vector<16xf32>
      %get3A_405 = arith.index_cast %add3A_136 : i32 to index
      %get3A_406 = arith.constant 304 : index
      %get3A_407 = tpu.vector_load %arg8[%get3A_405, %get3A_406] {strides = array<i32>} : memref<64x768xf32, #tpu.memory_space<vmem>>, vector<1x16xf32>,
      %get3A_408 = vector.shape_cast %get3A_407 : vector<1x16xf32> to vector<16xf32>
      %add3A_409 = arith.addf %get3A_404, %get3A_408 : vector<16xf32>
      %swap3A_410 = arith.index_cast %add3A_136 : i32 to index
      %swap3A_411 = arith.constant 304 : index
      %swap3A_412 = tpu.vector_load %arg7[%swap3A_410, %swap3A_411] {strides = array<i32>} : memref<64x768xf32, #tpu.memory_space<vmem>>, vector<1x16xf32>,
      %swap3A_413 = vector.shape_cast %swap3A_412 : vector<1x16xf32> to vector<16xf32>
      %swap3A_414 = vector.shape_cast %add3A_409 : vector<16xf32> to vector<1x16xf32>
      tpu.vector_store %arg7[%swap3A_410, %swap3A_411], %swap3A_414 {strides = array<i32>} : memref<64x768xf32, #tpu.memory_space<vmem>>, vector<1x16xf32>,
      %get3A_415 = arith.index_cast %add3A_136 : i32 to index
      %get3A_416 = arith.constant 320 : index
      %get3A_417 = tpu.vector_load %arg7[%get3A_415, %get3A_416] {strides = array<i32>} : memref<64x768xf32, #tpu.memory_space<vmem>>, vector<1x16xf32>,
      %get3A_418 = vector.shape_cast %get3A_417 : vector<1x16xf32> to vector<16xf32>
      %get3A_419 = arith.index_cast %add3A_136 : i32 to index
      %get3A_420 = arith.constant 320 : index
      %get3A_421 = tpu.vector_load %arg8[%get3A_419, %get3A_420] {strides = array<i32>} : memref<64x768xf32, #tpu.memory_space<vmem>>, vector<1x16xf32>,
      %get3A_422 = vector.shape_cast %get3A_421 : vector<1x16xf32> to vector<16xf32>
      %add3A_423 = arith.addf %get3A_418, %get3A_422 : vector<16xf32>
      %swap3A_424 = arith.index_cast %add3A_136 : i32 to index
      %swap3A_425 = arith.constant 320 : index
      %swap3A_426 = tpu.vector_load %arg7[%swap3A_424, %swap3A_425] {strides = array<i32>} : memref<64x768xf32, #tpu.memory_space<vmem>>, vector<1x16xf32>,
      %swap3A_427 = vector.shape_cast %swap3A_426 : vector<1x16xf32> to vector<16xf32>
      %swap3A_428 = vector.shape_cast %add3A_423 : vector<16xf32> to vector<1x16xf32>
      tpu.vector_store %arg7[%swap3A_424, %swap3A_425], %swap3A_428 {strides = array<i32>} : memref<64x768xf32, #tpu.memory_space<vmem>>, vector<1x16xf32>,
      %get3A_429 = arith.index_cast %add3A_136 : i32 to index
      %get3A_430 = arith.constant 336 : index
      %get3A_431 = tpu.vector_load %arg7[%get3A_429, %get3A_430] {strides = array<i32>} : memref<64x768xf32, #tpu.memory_space<vmem>>, vector<1x16xf32>,
      %get3A_432 = vector.shape_cast %get3A_431 : vector<1x16xf32> to vector<16xf32>
      %get3A_433 = arith.index_cast %add3A_136 : i32 to index
      %get3A_434 = arith.constant 336 : index
      %get3A_435 = tpu.vector_load %arg8[%get3A_433, %get3A_434] {strides = array<i32>} : memref<64x768xf32, #tpu.memory_space<vmem>>, vector<1x16xf32>,
      %get3A_436 = vector.shape_cast %get3A_435 : vector<1x16xf32> to vector<16xf32>
      %add3A_437 = arith.addf %get3A_432, %get3A_436 : vector<16xf32>
      %swap3A_438 = arith.index_cast %add3A_136 : i32 to index
      %swap3A_439 = arith.constant 336 : index
      %swap3A_440 = tpu.vector_load %arg7[%swap3A_438, %swap3A_439] {strides = array<i32>} : memref<64x768xf32, #tpu.memory_space<vmem>>, vector<1x16xf32>,
      %swap3A_441 = vector.shape_cast %swap3A_440 : vector<1x16xf32> to vector<16xf32>
      %swap3A_442 = vector.shape_cast %add3A_437 : vector<16xf32> to vector<1x16xf32>
      tpu.vector_store %arg7[%swap3A_438, %swap3A_439], %swap3A_442 {strides = array<i32>} : memref<64x768xf32, #tpu.memory_space<vmem>>, vector<1x16xf32>,
      %get3A_443 = arith.index_cast %add3A_136 : i32 to index
      %get3A_444 = arith.constant 352 : index
      %get3A_445 = tpu.vector_load %arg7[%get3A_443, %get3A_444] {strides = array<i32>} : memref<64x768xf32, #tpu.memory_space<vmem>>, vector<1x16xf32>,
      %get3A_446 = vector.shape_cast %get3A_445 : vector<1x16xf32> to vector<16xf32>
      %get3A_447 = arith.index_cast %add3A_136 : i32 to index
      %get3A_448 = arith.constant 352 : index
      %get3A_449 = tpu.vector_load %arg8[%get3A_447, %get3A_448] {strides = array<i32>} : memref<64x768xf32, #tpu.memory_space<vmem>>, vector<1x16xf32>,
      %get3A_450 = vector.shape_cast %get3A_449 : vector<1x16xf32> to vector<16xf32>
      %add3A_451 = arith.addf %get3A_446, %get3A_450 : vector<16xf32>
      %swap3A_452 = arith.index_cast %add3A_136 : i32 to index
      %swap3A_453 = arith.constant 352 : index
      %swap3A_454 = tpu.vector_load %arg7[%swap3A_452, %swap3A_453] {strides = array<i32>} : memref<64x768xf32, #tpu.memory_space<vmem>>, vector<1x16xf32>,
      %swap3A_455 = vector.shape_cast %swap3A_454 : vector<1x16xf32> to vector<16xf32>
      %swap3A_456 = vector.shape_cast %add3A_451 : vector<16xf32> to vector<1x16xf32>
      tpu.vector_store %arg7[%swap3A_452, %swap3A_453], %swap3A_456 {strides = array<i32>} : memref<64x768xf32, #tpu.memory_space<vmem>>, vector<1x16xf32>,
      %get3A_457 = arith.index_cast %add3A_136 : i32 to index
      %get3A_458 = arith.constant 368 : index
      %get3A_459 = tpu.vector_load %arg7[%get3A_457, %get3A_458] {strides = array<i32>} : memref<64x768xf32, #tpu.memory_space<vmem>>, vector<1x16xf32>,
      %get3A_460 = vector.shape_cast %get3A_459 : vector<1x16xf32> to vector<16xf32>
      %get3A_461 = arith.index_cast %add3A_136 : i32 to index
      %get3A_462 = arith.constant 368 : index
      %get3A_463 = tpu.vector_load %arg8[%get3A_461, %get3A_462] {strides = array<i32>} : memref<64x768xf32, #tpu.memory_space<vmem>>, vector<1x16xf32>,
      %get3A_464 = vector.shape_cast %get3A_463 : vector<1x16xf32> to vector<16xf32>
      %add3A_465 = arith.addf %get3A_460, %get3A_464 : vector<16xf32>
      %swap3A_466 = arith.index_cast %add3A_136 : i32 to index
      %swap3A_467 = arith.constant 368 : index
      %swap3A_468 = tpu.vector_load %arg7[%swap3A_466, %swap3A_467] {strides = array<i32>} : memref<64x768xf32, #tpu.memory_space<vmem>>, vector<1x16xf32>,
      %swap3A_469 = vector.shape_cast %swap3A_468 : vector<1x16xf32> to vector<16xf32>
      %swap3A_470 = vector.shape_cast %add3A_465 : vector<16xf32> to vector<1x16xf32>
      tpu.vector_store %arg7[%swap3A_466, %swap3A_467], %swap3A_470 {strides = array<i32>} : memref<64x768xf32, #tpu.memory_space<vmem>>, vector<1x16xf32>,
      %get3A_471 = arith.index_cast %add3A_136 : i32 to index
      %get3A_472 = arith.constant 384 : index
      %get3A_473 = tpu.vector_load %arg7[%get3A_471, %get3A_472] {strides = array<i32>} : memref<64x768xf32, #tpu.memory_space<vmem>>, vector<1x16xf32>,
      %get3A_474 = vector.shape_cast %get3A_473 : vector<1x16xf32> to vector<16xf32>
      %get3A_475 = arith.index_cast %add3A_136 : i32 to index
      %get3A_476 = arith.constant 384 : index
      %get3A_477 = tpu.vector_load %arg8[%get3A_475, %get3A_476] {strides = array<i32>} : memref<64x768xf32, #tpu.memory_space<vmem>>, vector<1x16xf32>,
      %get3A_478 = vector.shape_cast %get3A_477 : vector<1x16xf32> to vector<16xf32>
      %add3A_479 = arith.addf %get3A_474, %get3A_478 : vector<16xf32>
      %swap3A_480 = arith.index_cast %add3A_136 : i32 to index
      %swap3A_481 = arith.constant 384 : index
      %swap3A_482 = tpu.vector_load %arg7[%swap3A_480, %swap3A_481] {strides = array<i32>} : memref<64x768xf32, #tpu.memory_space<vmem>>, vector<1x16xf32>,
      %swap3A_483 = vector.shape_cast %swap3A_482 : vector<1x16xf32> to vector<16xf32>
      %swap3A_484 = vector.shape_cast %add3A_479 : vector<16xf32> to vector<1x16xf32>
      tpu.vector_store %arg7[%swap3A_480, %swap3A_481], %swap3A_484 {strides = array<i32>} : memref<64x768xf32, #tpu.memory_space<vmem>>, vector<1x16xf32>,
      %get3A_485 = arith.index_cast %add3A_136 : i32 to index
      %get3A_486 = arith.constant 400 : index
      %get3A_487 = tpu.vector_load %arg7[%get3A_485, %get3A_486] {strides = array<i32>} : memref<64x768xf32, #tpu.memory_space<vmem>>, vector<1x16xf32>,
      %get3A_488 = vector.shape_cast %get3A_487 : vector<1x16xf32> to vector<16xf32>
      %get3A_489 = arith.index_cast %add3A_136 : i32 to index
      %get3A_490 = arith.constant 400 : index
      %get3A_491 = tpu.vector_load %arg8[%get3A_489, %get3A_490] {strides = array<i32>} : memref<64x768xf32, #tpu.memory_space<vmem>>, vector<1x16xf32>,
      %get3A_492 = vector.shape_cast %get3A_491 : vector<1x16xf32> to vector<16xf32>
      %add3A_493 = arith.addf %get3A_488, %get3A_492 : vector<16xf32>
      %swap3A_494 = arith.index_cast %add3A_136 : i32 to index
      %swap3A_495 = arith.constant 400 : index
      %swap3A_496 = tpu.vector_load %arg7[%swap3A_494, %swap3A_495] {strides = array<i32>} : memref<64x768xf32, #tpu.memory_space<vmem>>, vector<1x16xf32>,
      %swap3A_497 = vector.shape_cast %swap3A_496 : vector<1x16xf32> to vector<16xf32>
      %swap3A_498 = vector.shape_cast %add3A_493 : vector<16xf32> to vector<1x16xf32>
      tpu.vector_store %arg7[%swap3A_494, %swap3A_495], %swap3A_498 {strides = array<i32>} : memref<64x768xf32, #tpu.memory_space<vmem>>, vector<1x16xf32>,
      %get3A_499 = arith.index_cast %add3A_136 : i32 to index
      %get3A_500 = arith.constant 416 : index
      %get3A_501 = tpu.vector_load %arg7[%get3A_499, %get3A_500] {strides = array<i32>} : memref<64x768xf32, #tpu.memory_space<vmem>>, vector<1x16xf32>,
      %get3A_502 = vector.shape_cast %get3A_501 : vector<1x16xf32> to vector<16xf32>
      %get3A_503 = arith.index_cast %add3A_136 : i32 to index
      %get3A_504 = arith.constant 416 : index
      %get3A_505 = tpu.vector_load %arg8[%get3A_503, %get3A_504] {strides = array<i32>} : memref<64x768xf32, #tpu.memory_space<vmem>>, vector<1x16xf32>,
      %get3A_506 = vector.shape_cast %get3A_505 : vector<1x16xf32> to vector<16xf32>
      %add3A_507 = arith.addf %get3A_502, %get3A_506 : vector<16xf32>
      %swap3A_508 = arith.index_cast %add3A_136 : i32 to index
      %swap3A_509 = arith.constant 416 : index
      %swap3A_510 = tpu.vector_load %arg7[%swap3A_508, %swap3A_509] {strides = array<i32>} : memref<64x768xf32, #tpu.memory_space<vmem>>, vector<1x16xf32>,
      %swap3A_511 = vector.shape_cast %swap3A_510 : vector<1x16xf32> to vector<16xf32>
      %swap3A_512 = vector.shape_cast %add3A_507 : vector<16xf32> to vector<1x16xf32>
      tpu.vector_store %arg7[%swap3A_508, %swap3A_509], %swap3A_512 {strides = array<i32>} : memref<64x768xf32, #tpu.memory_space<vmem>>, vector<1x16xf32>,
      %get3A_513 = arith.index_cast %add3A_136 : i32 to index
      %get3A_514 = arith.constant 432 : index
      %get3A_515 = tpu.vector_load %arg7[%get3A_513, %get3A_514] {strides = array<i32>} : memref<64x768xf32, #tpu.memory_space<vmem>>, vector<1x16xf32>,
      %get3A_516 = vector.shape_cast %get3A_515 : vector<1x16xf32> to vector<16xf32>
      %get3A_517 = arith.index_cast %add3A_136 : i32 to index
      %get3A_518 = arith.constant 432 : index
      %get3A_519 = tpu.vector_load %arg8[%get3A_517, %get3A_518] {strides = array<i32>} : memref<64x768xf32, #tpu.memory_space<vmem>>, vector<1x16xf32>,
      %get3A_520 = vector.shape_cast %get3A_519 : vector<1x16xf32> to vector<16xf32>
      %add3A_521 = arith.addf %get3A_516, %get3A_520 : vector<16xf32>
      %swap3A_522 = arith.index_cast %add3A_136 : i32 to index
      %swap3A_523 = arith.constant 432 : index
      %swap3A_524 = tpu.vector_load %arg7[%swap3A_522, %swap3A_523] {strides = array<i32>} : memref<64x768xf32, #tpu.memory_space<vmem>>, vector<1x16xf32>,
      %swap3A_525 = vector.shape_cast %swap3A_524 : vector<1x16xf32> to vector<16xf32>
      %swap3A_526 = vector.shape_cast %add3A_521 : vector<16xf32> to vector<1x16xf32>
      tpu.vector_store %arg7[%swap3A_522, %swap3A_523], %swap3A_526 {strides = array<i32>} : memref<64x768xf32, #tpu.memory_space<vmem>>, vector<1x16xf32>,
      %get3A_527 = arith.index_cast %add3A_136 : i32 to index
      %get3A_528 = arith.constant 448 : index
      %get3A_529 = tpu.vector_load %arg7[%get3A_527, %get3A_528] {strides = array<i32>} : memref<64x768xf32, #tpu.memory_space<vmem>>, vector<1x16xf32>,
      %get3A_530 = vector.shape_cast %get3A_529 : vector<1x16xf32> to vector<16xf32>
      %get3A_531 = arith.index_cast %add3A_136 : i32 to index
      %get3A_532 = arith.constant 448 : index
      %get3A_533 = tpu.vector_load %arg8[%get3A_531, %get3A_532] {strides = array<i32>} : memref<64x768xf32, #tpu.memory_space<vmem>>, vector<1x16xf32>,
      %get3A_534 = vector.shape_cast %get3A_533 : vector<1x16xf32> to vector<16xf32>
      %add3A_535 = arith.addf %get3A_530, %get3A_534 : vector<16xf32>
      %swap3A_536 = arith.index_cast %add3A_136 : i32 to index
      %swap3A_537 = arith.constant 448 : index
      %swap3A_538 = tpu.vector_load %arg7[%swap3A_536, %swap3A_537] {strides = array<i32>} : memref<64x768xf32, #tpu.memory_space<vmem>>, vector<1x16xf32>,
      %swap3A_539 = vector.shape_cast %swap3A_538 : vector<1x16xf32> to vector<16xf32>
      %swap3A_540 = vector.shape_cast %add3A_535 : vector<16xf32> to vector<1x16xf32>
      tpu.vector_store %arg7[%swap3A_536, %swap3A_537], %swap3A_540 {strides = array<i32>} : memref<64x768xf32, #tpu.memory_space<vmem>>, vector<1x16xf32>,
      %get3A_541 = arith.index_cast %add3A_136 : i32 to index
      %get3A_542 = arith.constant 464 : index
      %get3A_543 = tpu.vector_load %arg7[%get3A_541, %get3A_542] {strides = array<i32>} : memref<64x768xf32, #tpu.memory_space<vmem>>, vector<1x16xf32>,
      %get3A_544 = vector.shape_cast %get3A_543 : vector<1x16xf32> to vector<16xf32>
      %get3A_545 = arith.index_cast %add3A_136 : i32 to index
      %get3A_546 = arith.constant 464 : index
      %get3A_547 = tpu.vector_load %arg8[%get3A_545, %get3A_546] {strides = array<i32>} : memref<64x768xf32, #tpu.memory_space<vmem>>, vector<1x16xf32>,
      %get3A_548 = vector.shape_cast %get3A_547 : vector<1x16xf32> to vector<16xf32>
      %add3A_549 = arith.addf %get3A_544, %get3A_548 : vector<16xf32>
      %swap3A_550 = arith.index_cast %add3A_136 : i32 to index
      %swap3A_551 = arith.constant 464 : index
      %swap3A_552 = tpu.vector_load %arg7[%swap3A_550, %swap3A_551] {strides = array<i32>} : memref<64x768xf32, #tpu.memory_space<vmem>>, vector<1x16xf32>,
      %swap3A_553 = vector.shape_cast %swap3A_552 : vector<1x16xf32> to vector<16xf32>
      %swap3A_554 = vector.shape_cast %add3A_549 : vector<16xf32> to vector<1x16xf32>
      tpu.vector_store %arg7[%swap3A_550, %swap3A_551], %swap3A_554 {strides = array<i32>} : memref<64x768xf32, #tpu.memory_space<vmem>>, vector<1x16xf32>,
      %get3A_555 = arith.index_cast %add3A_136 : i32 to index
      %get3A_556 = arith.constant 480 : index
      %get3A_557 = tpu.vector_load %arg7[%get3A_555, %get3A_556] {strides = array<i32>} : memref<64x768xf32, #tpu.memory_space<vmem>>, vector<1x16xf32>,
      %get3A_558 = vector.shape_cast %get3A_557 : vector<1x16xf32> to vector<16xf32>
      %get3A_559 = arith.index_cast %add3A_136 : i32 to index
      %get3A_560 = arith.constant 480 : index
      %get3A_561 = tpu.vector_load %arg8[%get3A_559, %get3A_560] {strides = array<i32>} : memref<64x768xf32, #tpu.memory_space<vmem>>, vector<1x16xf32>,
      %get3A_562 = vector.shape_cast %get3A_561 : vector<1x16xf32> to vector<16xf32>
      %add3A_563 = arith.addf %get3A_558, %get3A_562 : vector<16xf32>
      %swap3A_564 = arith.index_cast %add3A_136 : i32 to index
      %swap3A_565 = arith.constant 480 : index
      %swap3A_566 = tpu.vector_load %arg7[%swap3A_564, %swap3A_565] {strides = array<i32>} : memref<64x768xf32, #tpu.memory_space<vmem>>, vector<1x16xf32>,
      %swap3A_567 = vector.shape_cast %swap3A_566 : vector<1x16xf32> to vector<16xf32>
      %swap3A_568 = vector.shape_cast %add3A_563 : vector<16xf32> to vector<1x16xf32>
      tpu.vector_store %arg7[%swap3A_564, %swap3A_565], %swap3A_568 {strides = array<i32>} : memref<64x768xf32, #tpu.memory_space<vmem>>, vector<1x16xf32>,
      %get3A_569 = arith.index_cast %add3A_136 : i32 to index
      %get3A_570 = arith.constant 496 : index
      %get3A_571 = tpu.vector_load %arg7[%get3A_569, %get3A_570] {strides = array<i32>} : memref<64x768xf32, #tpu.memory_space<vmem>>, vector<1x16xf32>,
      %get3A_572 = vector.shape_cast %get3A_571 : vector<1x16xf32> to vector<16xf32>
      %get3A_573 = arith.index_cast %add3A_136 : i32 to index
      %get3A_574 = arith.constant 496 : index
      %get3A_575 = tpu.vector_load %arg8[%get3A_573, %get3A_574] {strides = array<i32>} : memref<64x768xf32, #tpu.memory_space<vmem>>, vector<1x16xf32>,
      %get3A_576 = vector.shape_cast %get3A_575 : vector<1x16xf32> to vector<16xf32>
      %add3A_577 = arith.addf %get3A_572, %get3A_576 : vector<16xf32>
      %swap3A_578 = arith.index_cast %add3A_136 : i32 to index
      %swap3A_579 = arith.constant 496 : index
      %swap3A_580 = tpu.vector_load %arg7[%swap3A_578, %swap3A_579] {strides = array<i32>} : memref<64x768xf32, #tpu.memory_space<vmem>>, vector<1x16xf32>,
      %swap3A_581 = vector.shape_cast %swap3A_580 : vector<1x16xf32> to vector<16xf32>
      %swap3A_582 = vector.shape_cast %add3A_577 : vector<16xf32> to vector<1x16xf32>
      tpu.vector_store %arg7[%swap3A_578, %swap3A_579], %swap3A_582 {strides = array<i32>} : memref<64x768xf32, #tpu.memory_space<vmem>>, vector<1x16xf32>,
      %get3A_583 = arith.index_cast %add3A_136 : i32 to index
      %get3A_584 = arith.constant 512 : index
      %get3A_585 = tpu.vector_load %arg7[%get3A_583, %get3A_584] {strides = array<i32>} : memref<64x768xf32, #tpu.memory_space<vmem>>, vector<1x16xf32>,
      %get3A_586 = vector.shape_cast %get3A_585 : vector<1x16xf32> to vector<16xf32>
      %get3A_587 = arith.index_cast %add3A_136 : i32 to index
      %get3A_588 = arith.constant 512 : index
      %get3A_589 = tpu.vector_load %arg8[%get3A_587, %get3A_588] {strides = array<i32>} : memref<64x768xf32, #tpu.memory_space<vmem>>, vector<1x16xf32>,
      %get3A_590 = vector.shape_cast %get3A_589 : vector<1x16xf32> to vector<16xf32>
      %add3A_591 = arith.addf %get3A_586, %get3A_590 : vector<16xf32>
      %swap3A_592 = arith.index_cast %add3A_136 : i32 to index
      %swap3A_593 = arith.constant 512 : index
      %swap3A_594 = tpu.vector_load %arg7[%swap3A_592, %swap3A_593] {strides = array<i32>} : memref<64x768xf32, #tpu.memory_space<vmem>>, vector<1x16xf32>,
      %swap3A_595 = vector.shape_cast %swap3A_594 : vector<1x16xf32> to vector<16xf32>
      %swap3A_596 = vector.shape_cast %add3A_591 : vector<16xf32> to vector<1x16xf32>
      tpu.vector_store %arg7[%swap3A_592, %swap3A_593], %swap3A_596 {strides = array<i32>} : memref<64x768xf32, #tpu.memory_space<vmem>>, vector<1x16xf32>,
      %get3A_597 = arith.index_cast %add3A_136 : i32 to index
      %get3A_598 = arith.constant 528 : index
      %get3A_599 = tpu.vector_load %arg7[%get3A_597, %get3A_598] {strides = array<i32>} : memref<64x768xf32, #tpu.memory_space<vmem>>, vector<1x16xf32>,
      %get3A_600 = vector.shape_cast %get3A_599 : vector<1x16xf32> to vector<16xf32>
      %get3A_601 = arith.index_cast %add3A_136 : i32 to index
      %get3A_602 = arith.constant 528 : index
      %get3A_603 = tpu.vector_load %arg8[%get3A_601, %get3A_602] {strides = array<i32>} : memref<64x768xf32, #tpu.memory_space<vmem>>, vector<1x16xf32>,
      %get3A_604 = vector.shape_cast %get3A_603 : vector<1x16xf32> to vector<16xf32>
      %add3A_605 = arith.addf %get3A_600, %get3A_604 : vector<16xf32>
      %swap3A_606 = arith.index_cast %add3A_136 : i32 to index
      %swap3A_607 = arith.constant 528 : index
      %swap3A_608 = tpu.vector_load %arg7[%swap3A_606, %swap3A_607] {strides = array<i32>} : memref<64x768xf32, #tpu.memory_space<vmem>>, vector<1x16xf32>,
      %swap3A_609 = vector.shape_cast %swap3A_608 : vector<1x16xf32> to vector<16xf32>
      %swap3A_610 = vector.shape_cast %add3A_605 : vector<16xf32> to vector<1x16xf32>
      tpu.vector_store %arg7[%swap3A_606, %swap3A_607], %swap3A_610 {strides = array<i32>} : memref<64x768xf32, #tpu.memory_space<vmem>>, vector<1x16xf32>,
      %get3A_611 = arith.index_cast %add3A_136 : i32 to index
      %get3A_612 = arith.constant 544 : index
      %get3A_613 = tpu.vector_load %arg7[%get3A_611, %get3A_612] {strides = array<i32>} : memref<64x768xf32, #tpu.memory_space<vmem>>, vector<1x16xf32>,
      %get3A_614 = vector.shape_cast %get3A_613 : vector<1x16xf32> to vector<16xf32>
      %get3A_615 = arith.index_cast %add3A_136 : i32 to index
      %get3A_616 = arith.constant 544 : index
      %get3A_617 = tpu.vector_load %arg8[%get3A_615, %get3A_616] {strides = array<i32>} : memref<64x768xf32, #tpu.memory_space<vmem>>, vector<1x16xf32>,
      %get3A_618 = vector.shape_cast %get3A_617 : vector<1x16xf32> to vector<16xf32>
      %add3A_619 = arith.addf %get3A_614, %get3A_618 : vector<16xf32>
      %swap3A_620 = arith.index_cast %add3A_136 : i32 to index
      %swap3A_621 = arith.constant 544 : index
      %swap3A_622 = tpu.vector_load %arg7[%swap3A_620, %swap3A_621] {strides = array<i32>} : memref<64x768xf32, #tpu.memory_space<vmem>>, vector<1x16xf32>,
      %swap3A_623 = vector.shape_cast %swap3A_622 : vector<1x16xf32> to vector<16xf32>
      %swap3A_624 = vector.shape_cast %add3A_619 : vector<16xf32> to vector<1x16xf32>
      tpu.vector_store %arg7[%swap3A_620, %swap3A_621], %swap3A_624 {strides = array<i32>} : memref<64x768xf32, #tpu.memory_space<vmem>>, vector<1x16xf32>,
      %get3A_625 = arith.index_cast %add3A_136 : i32 to index
      %get3A_626 = arith.constant 560 : index
      %get3A_627 = tpu.vector_load %arg7[%get3A_625, %get3A_626] {strides = array<i32>} : memref<64x768xf32, #tpu.memory_space<vmem>>, vector<1x16xf32>,
      %get3A_628 = vector.shape_cast %get3A_627 : vector<1x16xf32> to vector<16xf32>
      %get3A_629 = arith.index_cast %add3A_136 : i32 to index
      %get3A_630 = arith.constant 560 : index
      %get3A_631 = tpu.vector_load %arg8[%get3A_629, %get3A_630] {strides = array<i32>} : memref<64x768xf32, #tpu.memory_space<vmem>>, vector<1x16xf32>,
      %get3A_632 = vector.shape_cast %get3A_631 : vector<1x16xf32> to vector<16xf32>
      %add3A_633 = arith.addf %get3A_628, %get3A_632 : vector<16xf32>
      %swap3A_634 = arith.index_cast %add3A_136 : i32 to index
      %swap3A_635 = arith.constant 560 : index
      %swap3A_636 = tpu.vector_load %arg7[%swap3A_634, %swap3A_635] {strides = array<i32>} : memref<64x768xf32, #tpu.memory_space<vmem>>, vector<1x16xf32>,
      %swap3A_637 = vector.shape_cast %swap3A_636 : vector<1x16xf32> to vector<16xf32>
      %swap3A_638 = vector.shape_cast %add3A_633 : vector<16xf32> to vector<1x16xf32>
      tpu.vector_store %arg7[%swap3A_634, %swap3A_635], %swap3A_638 {strides = array<i32>} : memref<64x768xf32, #tpu.memory_space<vmem>>, vector<1x16xf32>,
      %get3A_639 = arith.index_cast %add3A_136 : i32 to index
      %get3A_640 = arith.constant 576 : index
      %get3A_641 = tpu.vector_load %arg7[%get3A_639, %get3A_640] {strides = array<i32>} : memref<64x768xf32, #tpu.memory_space<vmem>>, vector<1x16xf32>,
      %get3A_642 = vector.shape_cast %get3A_641 : vector<1x16xf32> to vector<16xf32>
      %get3A_643 = arith.index_cast %add3A_136 : i32 to index
      %get3A_644 = arith.constant 576 : index
      %get3A_645 = tpu.vector_load %arg8[%get3A_643, %get3A_644] {strides = array<i32>} : memref<64x768xf32, #tpu.memory_space<vmem>>, vector<1x16xf32>,
      %get3A_646 = vector.shape_cast %get3A_645 : vector<1x16xf32> to vector<16xf32>
      %add3A_647 = arith.addf %get3A_642, %get3A_646 : vector<16xf32>
      %swap3A_648 = arith.index_cast %add3A_136 : i32 to index
      %swap3A_649 = arith.constant 576 : index
      %swap3A_650 = tpu.vector_load %arg7[%swap3A_648, %swap3A_649] {strides = array<i32>} : memref<64x768xf32, #tpu.memory_space<vmem>>, vector<1x16xf32>,
      %swap3A_651 = vector.shape_cast %swap3A_650 : vector<1x16xf32> to vector<16xf32>
      %swap3A_652 = vector.shape_cast %add3A_647 : vector<16xf32> to vector<1x16xf32>
      tpu.vector_store %arg7[%swap3A_648, %swap3A_649], %swap3A_652 {strides = array<i32>} : memref<64x768xf32, #tpu.memory_space<vmem>>, vector<1x16xf32>,
      %get3A_653 = arith.index_cast %add3A_136 : i32 to index
      %get3A_654 = arith.constant 592 : index
      %get3A_655 = tpu.vector_load %arg7[%get3A_653, %get3A_654] {strides = array<i32>} : memref<64x768xf32, #tpu.memory_space<vmem>>, vector<1x16xf32>,
      %get3A_656 = vector.shape_cast %get3A_655 : vector<1x16xf32> to vector<16xf32>
      %get3A_657 = arith.index_cast %add3A_136 : i32 to index
      %get3A_658 = arith.constant 592 : index
      %get3A_659 = tpu.vector_load %arg8[%get3A_657, %get3A_658] {strides = array<i32>} : memref<64x768xf32, #tpu.memory_space<vmem>>, vector<1x16xf32>,
      %get3A_660 = vector.shape_cast %get3A_659 : vector<1x16xf32> to vector<16xf32>
      %add3A_661 = arith.addf %get3A_656, %get3A_660 : vector<16xf32>
      %swap3A_662 = arith.index_cast %add3A_136 : i32 to index
      %swap3A_663 = arith.constant 592 : index
      %swap3A_664 = tpu.vector_load %arg7[%swap3A_662, %swap3A_663] {strides = array<i32>} : memref<64x768xf32, #tpu.memory_space<vmem>>, vector<1x16xf32>,
      %swap3A_665 = vector.shape_cast %swap3A_664 : vector<1x16xf32> to vector<16xf32>
      %swap3A_666 = vector.shape_cast %add3A_661 : vector<16xf32> to vector<1x16xf32>
      tpu.vector_store %arg7[%swap3A_662, %swap3A_663], %swap3A_666 {strides = array<i32>} : memref<64x768xf32, #tpu.memory_space<vmem>>, vector<1x16xf32>,
      %get3A_667 = arith.index_cast %add3A_136 : i32 to index
      %get3A_668 = arith.constant 608 : index
      %get3A_669 = tpu.vector_load %arg7[%get3A_667, %get3A_668] {strides = array<i32>} : memref<64x768xf32, #tpu.memory_space<vmem>>, vector<1x16xf32>,
      %get3A_670 = vector.shape_cast %get3A_669 : vector<1x16xf32> to vector<16xf32>
      %get3A_671 = arith.index_cast %add3A_136 : i32 to index
      %get3A_672 = arith.constant 608 : index
      %get3A_673 = tpu.vector_load %arg8[%get3A_671, %get3A_672] {strides = array<i32>} : memref<64x768xf32, #tpu.memory_space<vmem>>, vector<1x16xf32>,
      %get3A_674 = vector.shape_cast %get3A_673 : vector<1x16xf32> to vector<16xf32>
      %add3A_675 = arith.addf %get3A_670, %get3A_674 : vector<16xf32>
      %swap3A_676 = arith.index_cast %add3A_136 : i32 to index
      %swap3A_677 = arith.constant 608 : index
      %swap3A_678 = tpu.vector_load %arg7[%swap3A_676, %swap3A_677] {strides = array<i32>} : memref<64x768xf32, #tpu.memory_space<vmem>>, vector<1x16xf32>,
      %swap3A_679 = vector.shape_cast %swap3A_678 : vector<1x16xf32> to vector<16xf32>
      %swap3A_680 = vector.shape_cast %add3A_675 : vector<16xf32> to vector<1x16xf32>
      tpu.vector_store %arg7[%swap3A_676, %swap3A_677], %swap3A_680 {strides = array<i32>} : memref<64x768xf32, #tpu.memory_space<vmem>>, vector<1x16xf32>,
      %get3A_681 = arith.index_cast %add3A_136 : i32 to index
      %get3A_682 = arith.constant 624 : index
      %get3A_683 = tpu.vector_load %arg7[%get3A_681, %get3A_682] {strides = array<i32>} : memref<64x768xf32, #tpu.memory_space<vmem>>, vector<1x16xf32>,
      %get3A_684 = vector.shape_cast %get3A_683 : vector<1x16xf32> to vector<16xf32>
      %get3A_685 = arith.index_cast %add3A_136 : i32 to index
      %get3A_686 = arith.constant 624 : index
      %get3A_687 = tpu.vector_load %arg8[%get3A_685, %get3A_686] {strides = array<i32>} : memref<64x768xf32, #tpu.memory_space<vmem>>, vector<1x16xf32>,
      %get3A_688 = vector.shape_cast %get3A_687 : vector<1x16xf32> to vector<16xf32>
      %add3A_689 = arith.addf %get3A_684, %get3A_688 : vector<16xf32>
      %swap3A_690 = arith.index_cast %add3A_136 : i32 to index
      %swap3A_691 = arith.constant 624 : index
      %swap3A_692 = tpu.vector_load %arg7[%swap3A_690, %swap3A_691] {strides = array<i32>} : memref<64x768xf32, #tpu.memory_space<vmem>>, vector<1x16xf32>,
      %swap3A_693 = vector.shape_cast %swap3A_692 : vector<1x16xf32> to vector<16xf32>
      %swap3A_694 = vector.shape_cast %add3A_689 : vector<16xf32> to vector<1x16xf32>
      tpu.vector_store %arg7[%swap3A_690, %swap3A_691], %swap3A_694 {strides = array<i32>} : memref<64x768xf32, #tpu.memory_space<vmem>>, vector<1x16xf32>,
      %get3A_695 = arith.index_cast %add3A_136 : i32 to index
      %get3A_696 = arith.constant 640 : index
      %get3A_697 = tpu.vector_load %arg7[%get3A_695, %get3A_696] {strides = array<i32>} : memref<64x768xf32, #tpu.memory_space<vmem>>, vector<1x16xf32>,
      %get3A_698 = vector.shape_cast %get3A_697 : vector<1x16xf32> to vector<16xf32>
      %get3A_699 = arith.index_cast %add3A_136 : i32 to index
      %get3A_700 = arith.constant 640 : index
      %get3A_701 = tpu.vector_load %arg8[%get3A_699, %get3A_700] {strides = array<i32>} : memref<64x768xf32, #tpu.memory_space<vmem>>, vector<1x16xf32>,
      %get3A_702 = vector.shape_cast %get3A_701 : vector<1x16xf32> to vector<16xf32>
      %add3A_703 = arith.addf %get3A_698, %get3A_702 : vector<16xf32>
      %swap3A_704 = arith.index_cast %add3A_136 : i32 to index
      %swap3A_705 = arith.constant 640 : index
      %swap3A_706 = tpu.vector_load %arg7[%swap3A_704, %swap3A_705] {strides = array<i32>} : memref<64x768xf32, #tpu.memory_space<vmem>>, vector<1x16xf32>,
      %swap3A_707 = vector.shape_cast %swap3A_706 : vector<1x16xf32> to vector<16xf32>
      %swap3A_708 = vector.shape_cast %add3A_703 : vector<16xf32> to vector<1x16xf32>
      tpu.vector_store %arg7[%swap3A_704, %swap3A_705], %swap3A_708 {strides = array<i32>} : memref<64x768xf32, #tpu.memory_space<vmem>>, vector<1x16xf32>,
      %get3A_709 = arith.index_cast %add3A_136 : i32 to index
      %get3A_710 = arith.constant 656 : index
      %get3A_711 = tpu.vector_load %arg7[%get3A_709, %get3A_710] {strides = array<i32>} : memref<64x768xf32, #tpu.memory_space<vmem>>, vector<1x16xf32>,
      %get3A_712 = vector.shape_cast %get3A_711 : vector<1x16xf32> to vector<16xf32>
      %get3A_713 = arith.index_cast %add3A_136 : i32 to index
      %get3A_714 = arith.constant 656 : index
      %get3A_715 = tpu.vector_load %arg8[%get3A_713, %get3A_714] {strides = array<i32>} : memref<64x768xf32, #tpu.memory_space<vmem>>, vector<1x16xf32>,
      %get3A_716 = vector.shape_cast %get3A_715 : vector<1x16xf32> to vector<16xf32>
      %add3A_717 = arith.addf %get3A_712, %get3A_716 : vector<16xf32>
      %swap3A_718 = arith.index_cast %add3A_136 : i32 to index
      %swap3A_719 = arith.constant 656 : index
      %swap3A_720 = tpu.vector_load %arg7[%swap3A_718, %swap3A_719] {strides = array<i32>} : memref<64x768xf32, #tpu.memory_space<vmem>>, vector<1x16xf32>,
      %swap3A_721 = vector.shape_cast %swap3A_720 : vector<1x16xf32> to vector<16xf32>
      %swap3A_722 = vector.shape_cast %add3A_717 : vector<16xf32> to vector<1x16xf32>
      tpu.vector_store %arg7[%swap3A_718, %swap3A_719], %swap3A_722 {strides = array<i32>} : memref<64x768xf32, #tpu.memory_space<vmem>>, vector<1x16xf32>,
      %get3A_723 = arith.index_cast %add3A_136 : i32 to index
      %get3A_724 = arith.constant 672 : index
      %get3A_725 = tpu.vector_load %arg7[%get3A_723, %get3A_724] {strides = array<i32>} : memref<64x768xf32, #tpu.memory_space<vmem>>, vector<1x16xf32>,
      %get3A_726 = vector.shape_cast %get3A_725 : vector<1x16xf32> to vector<16xf32>
      %get3A_727 = arith.index_cast %add3A_136 : i32 to index
      %get3A_728 = arith.constant 672 : index
      %get3A_729 = tpu.vector_load %arg8[%get3A_727, %get3A_728] {strides = array<i32>} : memref<64x768xf32, #tpu.memory_space<vmem>>, vector<1x16xf32>,
      %get3A_730 = vector.shape_cast %get3A_729 : vector<1x16xf32> to vector<16xf32>
      %add3A_731 = arith.addf %get3A_726, %get3A_730 : vector<16xf32>
      %swap3A_732 = arith.index_cast %add3A_136 : i32 to index
      %swap3A_733 = arith.constant 672 : index
      %swap3A_734 = tpu.vector_load %arg7[%swap3A_732, %swap3A_733] {strides = array<i32>} : memref<64x768xf32, #tpu.memory_space<vmem>>, vector<1x16xf32>,
      %swap3A_735 = vector.shape_cast %swap3A_734 : vector<1x16xf32> to vector<16xf32>
      %swap3A_736 = vector.shape_cast %add3A_731 : vector<16xf32> to vector<1x16xf32>
      tpu.vector_store %arg7[%swap3A_732, %swap3A_733], %swap3A_736 {strides = array<i32>} : memref<64x768xf32, #tpu.memory_space<vmem>>, vector<1x16xf32>,
      %get3A_737 = arith.index_cast %add3A_136 : i32 to index
      %get3A_738 = arith.constant 688 : index
      %get3A_739 = tpu.vector_load %arg7[%get3A_737, %get3A_738] {strides = array<i32>} : memref<64x768xf32, #tpu.memory_space<vmem>>, vector<1x16xf32>,
      %get3A_740 = vector.shape_cast %get3A_739 : vector<1x16xf32> to vector<16xf32>
      %get3A_741 = arith.index_cast %add3A_136 : i32 to index
      %get3A_742 = arith.constant 688 : index
      %get3A_743 = tpu.vector_load %arg8[%get3A_741, %get3A_742] {strides = array<i32>} : memref<64x768xf32, #tpu.memory_space<vmem>>, vector<1x16xf32>,
      %get3A_744 = vector.shape_cast %get3A_743 : vector<1x16xf32> to vector<16xf32>
      %add3A_745 = arith.addf %get3A_740, %get3A_744 : vector<16xf32>
      %swap3A_746 = arith.index_cast %add3A_136 : i32 to index
      %swap3A_747 = arith.constant 688 : index
      %swap3A_748 = tpu.vector_load %arg7[%swap3A_746, %swap3A_747] {strides = array<i32>} : memref<64x768xf32, #tpu.memory_space<vmem>>, vector<1x16xf32>,
      %swap3A_749 = vector.shape_cast %swap3A_748 : vector<1x16xf32> to vector<16xf32>
      %swap3A_750 = vector.shape_cast %add3A_745 : vector<16xf32> to vector<1x16xf32>
      tpu.vector_store %arg7[%swap3A_746, %swap3A_747], %swap3A_750 {strides = array<i32>} : memref<64x768xf32, #tpu.memory_space<vmem>>, vector<1x16xf32>,
      %get3A_751 = arith.index_cast %add3A_136 : i32 to index
      %get3A_752 = arith.constant 704 : index
      %get3A_753 = tpu.vector_load %arg7[%get3A_751, %get3A_752] {strides = array<i32>} : memref<64x768xf32, #tpu.memory_space<vmem>>, vector<1x16xf32>,
      %get3A_754 = vector.shape_cast %get3A_753 : vector<1x16xf32> to vector<16xf32>
      %get3A_755 = arith.index_cast %add3A_136 : i32 to index
      %get3A_756 = arith.constant 704 : index
      %get3A_757 = tpu.vector_load %arg8[%get3A_755, %get3A_756] {strides = array<i32>} : memref<64x768xf32, #tpu.memory_space<vmem>>, vector<1x16xf32>,
      %get3A_758 = vector.shape_cast %get3A_757 : vector<1x16xf32> to vector<16xf32>
      %add3A_759 = arith.addf %get3A_754, %get3A_758 : vector<16xf32>
      %swap3A_760 = arith.index_cast %add3A_136 : i32 to index
      %swap3A_761 = arith.constant 704 : index
      %swap3A_762 = tpu.vector_load %arg7[%swap3A_760, %swap3A_761] {strides = array<i32>} : memref<64x768xf32, #tpu.memory_space<vmem>>, vector<1x16xf32>,
      %swap3A_763 = vector.shape_cast %swap3A_762 : vector<1x16xf32> to vector<16xf32>
      %swap3A_764 = vector.shape_cast %add3A_759 : vector<16xf32> to vector<1x16xf32>
      tpu.vector_store %arg7[%swap3A_760, %swap3A_761], %swap3A_764 {strides = array<i32>} : memref<64x768xf32, #tpu.memory_space<vmem>>, vector<1x16xf32>,
      %get3A_765 = arith.index_cast %add3A_136 : i32 to index
      %get3A_766 = arith.constant 720 : index
      %get3A_767 = tpu.vector_load %arg7[%get3A_765, %get3A_766] {strides = array<i32>} : memref<64x768xf32, #tpu.memory_space<vmem>>, vector<1x16xf32>,
      %get3A_768 = vector.shape_cast %get3A_767 : vector<1x16xf32> to vector<16xf32>
      %get3A_769 = arith.index_cast %add3A_136 : i32 to index
      %get3A_770 = arith.constant 720 : index
      %get3A_771 = tpu.vector_load %arg8[%get3A_769, %get3A_770] {strides = array<i32>} : memref<64x768xf32, #tpu.memory_space<vmem>>, vector<1x16xf32>,
      %get3A_772 = vector.shape_cast %get3A_771 : vector<1x16xf32> to vector<16xf32>
      %add3A_773 = arith.addf %get3A_768, %get3A_772 : vector<16xf32>
      %swap3A_774 = arith.index_cast %add3A_136 : i32 to index
      %swap3A_775 = arith.constant 720 : index
      %swap3A_776 = tpu.vector_load %arg7[%swap3A_774, %swap3A_775] {strides = array<i32>} : memref<64x768xf32, #tpu.memory_space<vmem>>, vector<1x16xf32>,
      %swap3A_777 = vector.shape_cast %swap3A_776 : vector<1x16xf32> to vector<16xf32>
      %swap3A_778 = vector.shape_cast %add3A_773 : vector<16xf32> to vector<1x16xf32>
      tpu.vector_store %arg7[%swap3A_774, %swap3A_775], %swap3A_778 {strides = array<i32>} : memref<64x768xf32, #tpu.memory_space<vmem>>, vector<1x16xf32>,
      %get3A_779 = arith.index_cast %add3A_136 : i32 to index
      %get3A_780 = arith.constant 736 : index
      %get3A_781 = tpu.vector_load %arg7[%get3A_779, %get3A_780] {strides = array<i32>} : memref<64x768xf32, #tpu.memory_space<vmem>>, vector<1x16xf32>,
      %get3A_782 = vector.shape_cast %get3A_781 : vector<1x16xf32> to vector<16xf32>
      %get3A_783 = arith.index_cast %add3A_136 : i32 to index
      %get3A_784 = arith.constant 736 : index
      %get3A_785 = tpu.vector_load %arg8[%get3A_783, %get3A_784] {strides = array<i32>} : memref<64x768xf32, #tpu.memory_space<vmem>>, vector<1x16xf32>,
      %get3A_786 = vector.shape_cast %get3A_785 : vector<1x16xf32> to vector<16xf32>
      %add3A_787 = arith.addf %get3A_782, %get3A_786 : vector<16xf32>
      %swap3A_788 = arith.index_cast %add3A_136 : i32 to index
      %swap3A_789 = arith.constant 736 : index
      %swap3A_790 = tpu.vector_load %arg7[%swap3A_788, %swap3A_789] {strides = array<i32>} : memref<64x768xf32, #tpu.memory_space<vmem>>, vector<1x16xf32>,
      %swap3A_791 = vector.shape_cast %swap3A_790 : vector<1x16xf32> to vector<16xf32>
      %swap3A_792 = vector.shape_cast %add3A_787 : vector<16xf32> to vector<1x16xf32>
      tpu.vector_store %arg7[%swap3A_788, %swap3A_789], %swap3A_792 {strides = array<i32>} : memref<64x768xf32, #tpu.memory_space<vmem>>, vector<1x16xf32>,
      %get3A_793 = arith.index_cast %add3A_136 : i32 to index
      %get3A_794 = arith.constant 752 : index
      %get3A_795 = tpu.vector_load %arg7[%get3A_793, %get3A_794] {strides = array<i32>} : memref<64x768xf32, #tpu.memory_space<vmem>>, vector<1x16xf32>,
      %get3A_796 = vector.shape_cast %get3A_795 : vector<1x16xf32> to vector<16xf32>
      %get3A_797 = arith.index_cast %add3A_136 : i32 to index
      %get3A_798 = arith.constant 752 : index
      %get3A_799 = tpu.vector_load %arg8[%get3A_797, %get3A_798] {strides = array<i32>} : memref<64x768xf32, #tpu.memory_space<vmem>>, vector<1x16xf32>,
      %get3A_800 = vector.shape_cast %get3A_799 : vector<1x16xf32> to vector<16xf32>
      %add3A_801 = arith.addf %get3A_796, %get3A_800 : vector<16xf32>
      %swap3A_802 = arith.index_cast %add3A_136 : i32 to index
      %swap3A_803 = arith.constant 752 : index
      %swap3A_804 = tpu.vector_load %arg7[%swap3A_802, %swap3A_803] {strides = array<i32>} : memref<64x768xf32, #tpu.memory_space<vmem>>, vector<1x16xf32>,
      %swap3A_805 = vector.shape_cast %swap3A_804 : vector<1x16xf32> to vector<16xf32>
      %swap3A_806 = vector.shape_cast %add3A_801 : vector<16xf32> to vector<1x16xf32>
      tpu.vector_store %arg7[%swap3A_802, %swap3A_803], %swap3A_806 {strides = array<i32>} : memref<64x768xf32, #tpu.memory_space<vmem>>, vector<1x16xf32>,
    }
    %scan3A_97 = arith.constant 64 : i32
    "tpu.region"() ({
      %run_scoped3A = tpu.sem_alloc : memref<!tpu.dma_semaphore, #tpu.memory_space<semaphore_mem>>
      %dma_start3A_132 = arith.constant 0 : i32
      %dma_start3A_133 = tpu.memref_slice %arg5[%add3A_87, %dma_start3A_132] : memref<8192x768xf32, #tpu.memory_space<hbm>> -> memref<64x768xf32, #tpu.memory_space<hbm>>
      %dma_start3A_134 = arith.constant 0 : i32
      %dma_start3A_135 = tpu.memref_slice %arg5[%add3A_87, %dma_start3A_134] : memref<8192x768xf32, #tpu.memory_space<hbm>> -> memref<64x768xf32, #tpu.memory_space<hbm>>
      tpu.enqueue_dma source(%arg7 : memref<64x768xf32, #tpu.memory_space<vmem>>) target(%dma_start3A_135 : memref<64x768xf32, #tpu.memory_space<hbm>>) target_semaphore(%run_scoped3A : memref<!tpu.dma_semaphore, #tpu.memory_space<semaphore_mem>>)
      %dma_wait3A_136 = arith.constant 0 : i32
      %dma_wait3A_137 = tpu.memref_slice %arg5[%add3A_87, %dma_wait3A_136] : memref<8192x768xf32, #tpu.memory_space<hbm>> -> memref<64x768xf32, #tpu.memory_space<hbm>>
      %dma_wait3A_138 = arith.constant 0 : i32
      %dma_wait3A_139 = tpu.memref_slice %arg5[%add3A_87, %dma_wait3A_138] : memref<8192x768xf32, #tpu.memory_space<hbm>> -> memref<64x768xf32, #tpu.memory_space<hbm>>
      tpu.wait_dma2 semaphore(%run_scoped3A : memref<!tpu.dma_semaphore, #tpu.memory_space<semaphore_mem>>) src(%arg7 : memref<64x768xf32, #tpu.memory_space<vmem>>) dst(%dma_wait3A_139 : memref<64x768xf32, #tpu.memory_space<hbm>>)
      tpu.yield
    }) : () -> ()
    %dma_start3A_98 = arith.constant 128 : i32
    %dma_start3A_99 = tpu.memref_slice %arg6[%dma_start3A_98] : memref<256xi32, #tpu.memory_space<vmem>> -> memref<64xi32, #tpu.memory_space<vmem>>
    %dma_start3A_100 = arith.constant 0 : i32
    %dma_start3A_101 = arith.constant 0 : i32
    %dma_start3A_102 = tpu.memref_slice %arg3[%dma_start3A_100, %dma_start3A_101] : memref<50257x768xf32, #tpu.memory_space<hbm>> -> memref<50257x768xf32, #tpu.memory_space<hbm>>
    tpu.enqueue_indirect_dma source(%dma_start3A_102 : memref<50257x768xf32, #tpu.memory_space<hbm>>) target(%arg7 : memref<64x768xf32, #tpu.memory_space<vmem>>) offsets(%dma_start3A_99 : memref<64xi32, #tpu.memory_space<vmem>>) semaphore(%arg9 : memref<!tpu.dma_semaphore, #tpu.memory_space<semaphore_mem>>)
    %add3A_103 = arith.constant 4096 : i32
    %add3A_104 = arith.addi %add3A_103, %mul3A_2 : i32
    %dma_wait3A_105 = arith.constant 128 : i32
    %dma_wait3A_106 = tpu.memref_slice %arg6[%dma_wait3A_105] : memref<256xi32, #tpu.memory_space<vmem>> -> memref<64xi32, #tpu.memory_space<vmem>>
    %dma_wait3A_107 = arith.constant 0 : i32
    %dma_wait3A_108 = arith.constant 0 : i32
    %dma_wait3A_109 = tpu.memref_slice %arg3[%dma_wait3A_107, %dma_wait3A_108] : memref<50257x768xf32, #tpu.memory_space<hbm>> -> memref<50257x768xf32, #tpu.memory_space<hbm>>
    tpu.wait_indirect_dma semaphore(%arg9 : memref<!tpu.dma_semaphore, #tpu.memory_space<semaphore_mem>>) src(%dma_wait3A_109 : memref<50257x768xf32, #tpu.memory_space<hbm>>) dst(%arg7 : memref<64x768xf32, #tpu.memory_space<vmem>>)
    %scan3A_110 = arith.constant 0 : i32
    %scan3A_111 = arith.constant 64 : i32
    %scan3A_112 = arith.addi %scan3A_110, %scan3A_111 : i32
    %scan3A_113 = arith.constant 1 : i32
    scf.for %scan3A_132 = %scan3A_110 to %scan3A_112 step %scan3A_113  : i32 {
      %mul3A_133 = arith.constant 1 : i32
      %mul3A_134 = arith.muli %scan3A_132, %mul3A_133 : i32
      %add3A_135 = arith.constant 0 : i32
      %add3A_136 = arith.addi %add3A_135, %mul3A_134 : i32
      %get3A = arith.index_cast %add3A_136 : i32 to index
      %get3A_137 = arith.constant 0 : index
      %get3A_138 = tpu.vector_load %arg7[%get3A, %get3A_137] {strides = array<i32>} : memref<64x768xf32, #tpu.memory_space<vmem>>, vector<1x16xf32>,
      %get3A_139 = vector.shape_cast %get3A_138 : vector<1x16xf32> to vector<16xf32>
      %get3A_140 = arith.index_cast %add3A_136 : i32 to index
      %get3A_141 = arith.constant 0 : index
      %get3A_142 = tpu.vector_load %arg8[%get3A_140, %get3A_141] {strides = array<i32>} : memref<64x768xf32, #tpu.memory_space<vmem>>, vector<1x16xf32>,
      %get3A_143 = vector.shape_cast %get3A_142 : vector<1x16xf32> to vector<16xf32>
      %add3A_144 = arith.addf %get3A_139, %get3A_143 : vector<16xf32>
      %swap3A = arith.index_cast %add3A_136 : i32 to index
      %swap3A_145 = arith.constant 0 : index
      %swap3A_146 = tpu.vector_load %arg7[%swap3A, %swap3A_145] {strides = array<i32>} : memref<64x768xf32, #tpu.memory_space<vmem>>, vector<1x16xf32>,
      %swap3A_147 = vector.shape_cast %swap3A_146 : vector<1x16xf32> to vector<16xf32>
      %swap3A_148 = vector.shape_cast %add3A_144 : vector<16xf32> to vector<1x16xf32>
      tpu.vector_store %arg7[%swap3A, %swap3A_145], %swap3A_148 {strides = array<i32>} : memref<64x768xf32, #tpu.memory_space<vmem>>, vector<1x16xf32>,
      %get3A_149 = arith.index_cast %add3A_136 : i32 to index
      %get3A_150 = arith.constant 16 : index
      %get3A_151 = tpu.vector_load %arg7[%get3A_149, %get3A_150] {strides = array<i32>} : memref<64x768xf32, #tpu.memory_space<vmem>>, vector<1x16xf32>,
      %get3A_152 = vector.shape_cast %get3A_151 : vector<1x16xf32> to vector<16xf32>
      %get3A_153 = arith.index_cast %add3A_136 : i32 to index
      %get3A_154 = arith.constant 16 : index
      %get3A_155 = tpu.vector_load %arg8[%get3A_153, %get3A_154] {strides = array<i32>} : memref<64x768xf32, #tpu.memory_space<vmem>>, vector<1x16xf32>,
      %get3A_156 = vector.shape_cast %get3A_155 : vector<1x16xf32> to vector<16xf32>
      %add3A_157 = arith.addf %get3A_152, %get3A_156 : vector<16xf32>
      %swap3A_158 = arith.index_cast %add3A_136 : i32 to index
      %swap3A_159 = arith.constant 16 : index
      %swap3A_160 = tpu.vector_load %arg7[%swap3A_158, %swap3A_159] {strides = array<i32>} : memref<64x768xf32, #tpu.memory_space<vmem>>, vector<1x16xf32>,
      %swap3A_161 = vector.shape_cast %swap3A_160 : vector<1x16xf32> to vector<16xf32>
      %swap3A_162 = vector.shape_cast %add3A_157 : vector<16xf32> to vector<1x16xf32>
      tpu.vector_store %arg7[%swap3A_158, %swap3A_159], %swap3A_162 {strides = array<i32>} : memref<64x768xf32, #tpu.memory_space<vmem>>, vector<1x16xf32>,
      %get3A_163 = arith.index_cast %add3A_136 : i32 to index
      %get3A_164 = arith.constant 32 : index
      %get3A_165 = tpu.vector_load %arg7[%get3A_163, %get3A_164] {strides = array<i32>} : memref<64x768xf32, #tpu.memory_space<vmem>>, vector<1x16xf32>,
      %get3A_166 = vector.shape_cast %get3A_165 : vector<1x16xf32> to vector<16xf32>
      %get3A_167 = arith.index_cast %add3A_136 : i32 to index
      %get3A_168 = arith.constant 32 : index
      %get3A_169 = tpu.vector_load %arg8[%get3A_167, %get3A_168] {strides = array<i32>} : memref<64x768xf32, #tpu.memory_space<vmem>>, vector<1x16xf32>,
      %get3A_170 = vector.shape_cast %get3A_169 : vector<1x16xf32> to vector<16xf32>
      %add3A_171 = arith.addf %get3A_166, %get3A_170 : vector<16xf32>
      %swap3A_172 = arith.index_cast %add3A_136 : i32 to index
      %swap3A_173 = arith.constant 32 : index
      %swap3A_174 = tpu.vector_load %arg7[%swap3A_172, %swap3A_173] {strides = array<i32>} : memref<64x768xf32, #tpu.memory_space<vmem>>, vector<1x16xf32>,
      %swap3A_175 = vector.shape_cast %swap3A_174 : vector<1x16xf32> to vector<16xf32>
      %swap3A_176 = vector.shape_cast %add3A_171 : vector<16xf32> to vector<1x16xf32>
      tpu.vector_store %arg7[%swap3A_172, %swap3A_173], %swap3A_176 {strides = array<i32>} : memref<64x768xf32, #tpu.memory_space<vmem>>, vector<1x16xf32>,
      %get3A_177 = arith.index_cast %add3A_136 : i32 to index
      %get3A_178 = arith.constant 48 : index
      %get3A_179 = tpu.vector_load %arg7[%get3A_177, %get3A_178] {strides = array<i32>} : memref<64x768xf32, #tpu.memory_space<vmem>>, vector<1x16xf32>,
      %get3A_180 = vector.shape_cast %get3A_179 : vector<1x16xf32> to vector<16xf32>
      %get3A_181 = arith.index_cast %add3A_136 : i32 to index
      %get3A_182 = arith.constant 48 : index
      %get3A_183 = tpu.vector_load %arg8[%get3A_181, %get3A_182] {strides = array<i32>} : memref<64x768xf32, #tpu.memory_space<vmem>>, vector<1x16xf32>,
      %get3A_184 = vector.shape_cast %get3A_183 : vector<1x16xf32> to vector<16xf32>
      %add3A_185 = arith.addf %get3A_180, %get3A_184 : vector<16xf32>
      %swap3A_186 = arith.index_cast %add3A_136 : i32 to index
      %swap3A_187 = arith.constant 48 : index
      %swap3A_188 = tpu.vector_load %arg7[%swap3A_186, %swap3A_187] {strides = array<i32>} : memref<64x768xf32, #tpu.memory_space<vmem>>, vector<1x16xf32>,
      %swap3A_189 = vector.shape_cast %swap3A_188 : vector<1x16xf32> to vector<16xf32>
      %swap3A_190 = vector.shape_cast %add3A_185 : vector<16xf32> to vector<1x16xf32>
      tpu.vector_store %arg7[%swap3A_186, %swap3A_187], %swap3A_190 {strides = array<i32>} : memref<64x768xf32, #tpu.memory_space<vmem>>, vector<1x16xf32>,
      %get3A_191 = arith.index_cast %add3A_136 : i32 to index
      %get3A_192 = arith.constant 64 : index
      %get3A_193 = tpu.vector_load %arg7[%get3A_191, %get3A_192] {strides = array<i32>} : memref<64x768xf32, #tpu.memory_space<vmem>>, vector<1x16xf32>,
      %get3A_194 = vector.shape_cast %get3A_193 : vector<1x16xf32> to vector<16xf32>
      %get3A_195 = arith.index_cast %add3A_136 : i32 to index
      %get3A_196 = arith.constant 64 : index
      %get3A_197 = tpu.vector_load %arg8[%get3A_195, %get3A_196] {strides = array<i32>} : memref<64x768xf32, #tpu.memory_space<vmem>>, vector<1x16xf32>,
      %get3A_198 = vector.shape_cast %get3A_197 : vector<1x16xf32> to vector<16xf32>
      %add3A_199 = arith.addf %get3A_194, %get3A_198 : vector<16xf32>
      %swap3A_200 = arith.index_cast %add3A_136 : i32 to index
      %swap3A_201 = arith.constant 64 : index
      %swap3A_202 = tpu.vector_load %arg7[%swap3A_200, %swap3A_201] {strides = array<i32>} : memref<64x768xf32, #tpu.memory_space<vmem>>, vector<1x16xf32>,
      %swap3A_203 = vector.shape_cast %swap3A_202 : vector<1x16xf32> to vector<16xf32>
      %swap3A_204 = vector.shape_cast %add3A_199 : vector<16xf32> to vector<1x16xf32>
      tpu.vector_store %arg7[%swap3A_200, %swap3A_201], %swap3A_204 {strides = array<i32>} : memref<64x768xf32, #tpu.memory_space<vmem>>, vector<1x16xf32>,
      %get3A_205 = arith.index_cast %add3A_136 : i32 to index
      %get3A_206 = arith.constant 80 : index
      %get3A_207 = tpu.vector_load %arg7[%get3A_205, %get3A_206] {strides = array<i32>} : memref<64x768xf32, #tpu.memory_space<vmem>>, vector<1x16xf32>,
      %get3A_208 = vector.shape_cast %get3A_207 : vector<1x16xf32> to vector<16xf32>
      %get3A_209 = arith.index_cast %add3A_136 : i32 to index
      %get3A_210 = arith.constant 80 : index
      %get3A_211 = tpu.vector_load %arg8[%get3A_209, %get3A_210] {strides = array<i32>} : memref<64x768xf32, #tpu.memory_space<vmem>>, vector<1x16xf32>,
      %get3A_212 = vector.shape_cast %get3A_211 : vector<1x16xf32> to vector<16xf32>
      %add3A_213 = arith.addf %get3A_208, %get3A_212 : vector<16xf32>
      %swap3A_214 = arith.index_cast %add3A_136 : i32 to index
      %swap3A_215 = arith.constant 80 : index
      %swap3A_216 = tpu.vector_load %arg7[%swap3A_214, %swap3A_215] {strides = array<i32>} : memref<64x768xf32, #tpu.memory_space<vmem>>, vector<1x16xf32>,
      %swap3A_217 = vector.shape_cast %swap3A_216 : vector<1x16xf32> to vector<16xf32>
      %swap3A_218 = vector.shape_cast %add3A_213 : vector<16xf32> to vector<1x16xf32>
      tpu.vector_store %arg7[%swap3A_214, %swap3A_215], %swap3A_218 {strides = array<i32>} : memref<64x768xf32, #tpu.memory_space<vmem>>, vector<1x16xf32>,
      %get3A_219 = arith.index_cast %add3A_136 : i32 to index
      %get3A_220 = arith.constant 96 : index
      %get3A_221 = tpu.vector_load %arg7[%get3A_219, %get3A_220] {strides = array<i32>} : memref<64x768xf32, #tpu.memory_space<vmem>>, vector<1x16xf32>,
      %get3A_222 = vector.shape_cast %get3A_221 : vector<1x16xf32> to vector<16xf32>
      %get3A_223 = arith.index_cast %add3A_136 : i32 to index
      %get3A_224 = arith.constant 96 : index
      %get3A_225 = tpu.vector_load %arg8[%get3A_223, %get3A_224] {strides = array<i32>} : memref<64x768xf32, #tpu.memory_space<vmem>>, vector<1x16xf32>,
      %get3A_226 = vector.shape_cast %get3A_225 : vector<1x16xf32> to vector<16xf32>
      %add3A_227 = arith.addf %get3A_222, %get3A_226 : vector<16xf32>
      %swap3A_228 = arith.index_cast %add3A_136 : i32 to index
      %swap3A_229 = arith.constant 96 : index
      %swap3A_230 = tpu.vector_load %arg7[%swap3A_228, %swap3A_229] {strides = array<i32>} : memref<64x768xf32, #tpu.memory_space<vmem>>, vector<1x16xf32>,
      %swap3A_231 = vector.shape_cast %swap3A_230 : vector<1x16xf32> to vector<16xf32>
      %swap3A_232 = vector.shape_cast %add3A_227 : vector<16xf32> to vector<1x16xf32>
      tpu.vector_store %arg7[%swap3A_228, %swap3A_229], %swap3A_232 {strides = array<i32>} : memref<64x768xf32, #tpu.memory_space<vmem>>, vector<1x16xf32>,
      %get3A_233 = arith.index_cast %add3A_136 : i32 to index
      %get3A_234 = arith.constant 112 : index
      %get3A_235 = tpu.vector_load %arg7[%get3A_233, %get3A_234] {strides = array<i32>} : memref<64x768xf32, #tpu.memory_space<vmem>>, vector<1x16xf32>,
      %get3A_236 = vector.shape_cast %get3A_235 : vector<1x16xf32> to vector<16xf32>
      %get3A_237 = arith.index_cast %add3A_136 : i32 to index
      %get3A_238 = arith.constant 112 : index
      %get3A_239 = tpu.vector_load %arg8[%get3A_237, %get3A_238] {strides = array<i32>} : memref<64x768xf32, #tpu.memory_space<vmem>>, vector<1x16xf32>,
      %get3A_240 = vector.shape_cast %get3A_239 : vector<1x16xf32> to vector<16xf32>
      %add3A_241 = arith.addf %get3A_236, %get3A_240 : vector<16xf32>
      %swap3A_242 = arith.index_cast %add3A_136 : i32 to index
      %swap3A_243 = arith.constant 112 : index
      %swap3A_244 = tpu.vector_load %arg7[%swap3A_242, %swap3A_243] {strides = array<i32>} : memref<64x768xf32, #tpu.memory_space<vmem>>, vector<1x16xf32>,
      %swap3A_245 = vector.shape_cast %swap3A_244 : vector<1x16xf32> to vector<16xf32>
      %swap3A_246 = vector.shape_cast %add3A_241 : vector<16xf32> to vector<1x16xf32>
      tpu.vector_store %arg7[%swap3A_242, %swap3A_243], %swap3A_246 {strides = array<i32>} : memref<64x768xf32, #tpu.memory_space<vmem>>, vector<1x16xf32>,
      %get3A_247 = arith.index_cast %add3A_136 : i32 to index
      %get3A_248 = arith.constant 128 : index
      %get3A_249 = tpu.vector_load %arg7[%get3A_247, %get3A_248] {strides = array<i32>} : memref<64x768xf32, #tpu.memory_space<vmem>>, vector<1x16xf32>,
      %get3A_250 = vector.shape_cast %get3A_249 : vector<1x16xf32> to vector<16xf32>
      %get3A_251 = arith.index_cast %add3A_136 : i32 to index
      %get3A_252 = arith.constant 128 : index
      %get3A_253 = tpu.vector_load %arg8[%get3A_251, %get3A_252] {strides = array<i32>} : memref<64x768xf32, #tpu.memory_space<vmem>>, vector<1x16xf32>,
      %get3A_254 = vector.shape_cast %get3A_253 : vector<1x16xf32> to vector<16xf32>
      %add3A_255 = arith.addf %get3A_250, %get3A_254 : vector<16xf32>
      %swap3A_256 = arith.index_cast %add3A_136 : i32 to index
      %swap3A_257 = arith.constant 128 : index
      %swap3A_258 = tpu.vector_load %arg7[%swap3A_256, %swap3A_257] {strides = array<i32>} : memref<64x768xf32, #tpu.memory_space<vmem>>, vector<1x16xf32>,
      %swap3A_259 = vector.shape_cast %swap3A_258 : vector<1x16xf32> to vector<16xf32>
      %swap3A_260 = vector.shape_cast %add3A_255 : vector<16xf32> to vector<1x16xf32>
      tpu.vector_store %arg7[%swap3A_256, %swap3A_257], %swap3A_260 {strides = array<i32>} : memref<64x768xf32, #tpu.memory_space<vmem>>, vector<1x16xf32>,
      %get3A_261 = arith.index_cast %add3A_136 : i32 to index
      %get3A_262 = arith.constant 144 : index
      %get3A_263 = tpu.vector_load %arg7[%get3A_261, %get3A_262] {strides = array<i32>} : memref<64x768xf32, #tpu.memory_space<vmem>>, vector<1x16xf32>,
      %get3A_264 = vector.shape_cast %get3A_263 : vector<1x16xf32> to vector<16xf32>
      %get3A_265 = arith.index_cast %add3A_136 : i32 to index
      %get3A_266 = arith.constant 144 : index
      %get3A_267 = tpu.vector_load %arg8[%get3A_265, %get3A_266] {strides = array<i32>} : memref<64x768xf32, #tpu.memory_space<vmem>>, vector<1x16xf32>,
      %get3A_268 = vector.shape_cast %get3A_267 : vector<1x16xf32> to vector<16xf32>
      %add3A_269 = arith.addf %get3A_264, %get3A_268 : vector<16xf32>
      %swap3A_270 = arith.index_cast %add3A_136 : i32 to index
      %swap3A_271 = arith.constant 144 : index
      %swap3A_272 = tpu.vector_load %arg7[%swap3A_270, %swap3A_271] {strides = array<i32>} : memref<64x768xf32, #tpu.memory_space<vmem>>, vector<1x16xf32>,
      %swap3A_273 = vector.shape_cast %swap3A_272 : vector<1x16xf32> to vector<16xf32>
      %swap3A_274 = vector.shape_cast %add3A_269 : vector<16xf32> to vector<1x16xf32>
      tpu.vector_store %arg7[%swap3A_270, %swap3A_271], %swap3A_274 {strides = array<i32>} : memref<64x768xf32, #tpu.memory_space<vmem>>, vector<1x16xf32>,
      %get3A_275 = arith.index_cast %add3A_136 : i32 to index
      %get3A_276 = arith.constant 160 : index
      %get3A_277 = tpu.vector_load %arg7[%get3A_275, %get3A_276] {strides = array<i32>} : memref<64x768xf32, #tpu.memory_space<vmem>>, vector<1x16xf32>,
      %get3A_278 = vector.shape_cast %get3A_277 : vector<1x16xf32> to vector<16xf32>
      %get3A_279 = arith.index_cast %add3A_136 : i32 to index
      %get3A_280 = arith.constant 160 : index
      %get3A_281 = tpu.vector_load %arg8[%get3A_279, %get3A_280] {strides = array<i32>} : memref<64x768xf32, #tpu.memory_space<vmem>>, vector<1x16xf32>,
      %get3A_282 = vector.shape_cast %get3A_281 : vector<1x16xf32> to vector<16xf32>
      %add3A_283 = arith.addf %get3A_278, %get3A_282 : vector<16xf32>
      %swap3A_284 = arith.index_cast %add3A_136 : i32 to index
      %swap3A_285 = arith.constant 160 : index
      %swap3A_286 = tpu.vector_load %arg7[%swap3A_284, %swap3A_285] {strides = array<i32>} : memref<64x768xf32, #tpu.memory_space<vmem>>, vector<1x16xf32>,
      %swap3A_287 = vector.shape_cast %swap3A_286 : vector<1x16xf32> to vector<16xf32>
      %swap3A_288 = vector.shape_cast %add3A_283 : vector<16xf32> to vector<1x16xf32>
      tpu.vector_store %arg7[%swap3A_284, %swap3A_285], %swap3A_288 {strides = array<i32>} : memref<64x768xf32, #tpu.memory_space<vmem>>, vector<1x16xf32>,
      %get3A_289 = arith.index_cast %add3A_136 : i32 to index
      %get3A_290 = arith.constant 176 : index
      %get3A_291 = tpu.vector_load %arg7[%get3A_289, %get3A_290] {strides = array<i32>} : memref<64x768xf32, #tpu.memory_space<vmem>>, vector<1x16xf32>,
      %get3A_292 = vector.shape_cast %get3A_291 : vector<1x16xf32> to vector<16xf32>
      %get3A_293 = arith.index_cast %add3A_136 : i32 to index
      %get3A_294 = arith.constant 176 : index
      %get3A_295 = tpu.vector_load %arg8[%get3A_293, %get3A_294] {strides = array<i32>} : memref<64x768xf32, #tpu.memory_space<vmem>>, vector<1x16xf32>,
      %get3A_296 = vector.shape_cast %get3A_295 : vector<1x16xf32> to vector<16xf32>
      %add3A_297 = arith.addf %get3A_292, %get3A_296 : vector<16xf32>
      %swap3A_298 = arith.index_cast %add3A_136 : i32 to index
      %swap3A_299 = arith.constant 176 : index
      %swap3A_300 = tpu.vector_load %arg7[%swap3A_298, %swap3A_299] {strides = array<i32>} : memref<64x768xf32, #tpu.memory_space<vmem>>, vector<1x16xf32>,
      %swap3A_301 = vector.shape_cast %swap3A_300 : vector<1x16xf32> to vector<16xf32>
      %swap3A_302 = vector.shape_cast %add3A_297 : vector<16xf32> to vector<1x16xf32>
      tpu.vector_store %arg7[%swap3A_298, %swap3A_299], %swap3A_302 {strides = array<i32>} : memref<64x768xf32, #tpu.memory_space<vmem>>, vector<1x16xf32>,
      %get3A_303 = arith.index_cast %add3A_136 : i32 to index
      %get3A_304 = arith.constant 192 : index
      %get3A_305 = tpu.vector_load %arg7[%get3A_303, %get3A_304] {strides = array<i32>} : memref<64x768xf32, #tpu.memory_space<vmem>>, vector<1x16xf32>,
      %get3A_306 = vector.shape_cast %get3A_305 : vector<1x16xf32> to vector<16xf32>
      %get3A_307 = arith.index_cast %add3A_136 : i32 to index
      %get3A_308 = arith.constant 192 : index
      %get3A_309 = tpu.vector_load %arg8[%get3A_307, %get3A_308] {strides = array<i32>} : memref<64x768xf32, #tpu.memory_space<vmem>>, vector<1x16xf32>,
      %get3A_310 = vector.shape_cast %get3A_309 : vector<1x16xf32> to vector<16xf32>
      %add3A_311 = arith.addf %get3A_306, %get3A_310 : vector<16xf32>
      %swap3A_312 = arith.index_cast %add3A_136 : i32 to index
      %swap3A_313 = arith.constant 192 : index
      %swap3A_314 = tpu.vector_load %arg7[%swap3A_312, %swap3A_313] {strides = array<i32>} : memref<64x768xf32, #tpu.memory_space<vmem>>, vector<1x16xf32>,
      %swap3A_315 = vector.shape_cast %swap3A_314 : vector<1x16xf32> to vector<16xf32>
      %swap3A_316 = vector.shape_cast %add3A_311 : vector<16xf32> to vector<1x16xf32>
      tpu.vector_store %arg7[%swap3A_312, %swap3A_313], %swap3A_316 {strides = array<i32>} : memref<64x768xf32, #tpu.memory_space<vmem>>, vector<1x16xf32>,
      %get3A_317 = arith.index_cast %add3A_136 : i32 to index
      %get3A_318 = arith.constant 208 : index
      %get3A_319 = tpu.vector_load %arg7[%get3A_317, %get3A_318] {strides = array<i32>} : memref<64x768xf32, #tpu.memory_space<vmem>>, vector<1x16xf32>,
      %get3A_320 = vector.shape_cast %get3A_319 : vector<1x16xf32> to vector<16xf32>
      %get3A_321 = arith.index_cast %add3A_136 : i32 to index
      %get3A_322 = arith.constant 208 : index
      %get3A_323 = tpu.vector_load %arg8[%get3A_321, %get3A_322] {strides = array<i32>} : memref<64x768xf32, #tpu.memory_space<vmem>>, vector<1x16xf32>,
      %get3A_324 = vector.shape_cast %get3A_323 : vector<1x16xf32> to vector<16xf32>
      %add3A_325 = arith.addf %get3A_320, %get3A_324 : vector<16xf32>
      %swap3A_326 = arith.index_cast %add3A_136 : i32 to index
      %swap3A_327 = arith.constant 208 : index
      %swap3A_328 = tpu.vector_load %arg7[%swap3A_326, %swap3A_327] {strides = array<i32>} : memref<64x768xf32, #tpu.memory_space<vmem>>, vector<1x16xf32>,
      %swap3A_329 = vector.shape_cast %swap3A_328 : vector<1x16xf32> to vector<16xf32>
      %swap3A_330 = vector.shape_cast %add3A_325 : vector<16xf32> to vector<1x16xf32>
      tpu.vector_store %arg7[%swap3A_326, %swap3A_327], %swap3A_330 {strides = array<i32>} : memref<64x768xf32, #tpu.memory_space<vmem>>, vector<1x16xf32>,
      %get3A_331 = arith.index_cast %add3A_136 : i32 to index
      %get3A_332 = arith.constant 224 : index
      %get3A_333 = tpu.vector_load %arg7[%get3A_331, %get3A_332] {strides = array<i32>} : memref<64x768xf32, #tpu.memory_space<vmem>>, vector<1x16xf32>,
      %get3A_334 = vector.shape_cast %get3A_333 : vector<1x16xf32> to vector<16xf32>
      %get3A_335 = arith.index_cast %add3A_136 : i32 to index
      %get3A_336 = arith.constant 224 : index
      %get3A_337 = tpu.vector_load %arg8[%get3A_335, %get3A_336] {strides = array<i32>} : memref<64x768xf32, #tpu.memory_space<vmem>>, vector<1x16xf32>,
      %get3A_338 = vector.shape_cast %get3A_337 : vector<1x16xf32> to vector<16xf32>
      %add3A_339 = arith.addf %get3A_334, %get3A_338 : vector<16xf32>
      %swap3A_340 = arith.index_cast %add3A_136 : i32 to index
      %swap3A_341 = arith.constant 224 : index
      %swap3A_342 = tpu.vector_load %arg7[%swap3A_340, %swap3A_341] {strides = array<i32>} : memref<64x768xf32, #tpu.memory_space<vmem>>, vector<1x16xf32>,
      %swap3A_343 = vector.shape_cast %swap3A_342 : vector<1x16xf32> to vector<16xf32>
      %swap3A_344 = vector.shape_cast %add3A_339 : vector<16xf32> to vector<1x16xf32>
      tpu.vector_store %arg7[%swap3A_340, %swap3A_341], %swap3A_344 {strides = array<i32>} : memref<64x768xf32, #tpu.memory_space<vmem>>, vector<1x16xf32>,
      %get3A_345 = arith.index_cast %add3A_136 : i32 to index
      %get3A_346 = arith.constant 240 : index
      %get3A_347 = tpu.vector_load %arg7[%get3A_345, %get3A_346] {strides = array<i32>} : memref<64x768xf32, #tpu.memory_space<vmem>>, vector<1x16xf32>,
      %get3A_348 = vector.shape_cast %get3A_347 : vector<1x16xf32> to vector<16xf32>
      %get3A_349 = arith.index_cast %add3A_136 : i32 to index
      %get3A_350 = arith.constant 240 : index
      %get3A_351 = tpu.vector_load %arg8[%get3A_349, %get3A_350] {strides = array<i32>} : memref<64x768xf32, #tpu.memory_space<vmem>>, vector<1x16xf32>,
      %get3A_352 = vector.shape_cast %get3A_351 : vector<1x16xf32> to vector<16xf32>
      %add3A_353 = arith.addf %get3A_348, %get3A_352 : vector<16xf32>
      %swap3A_354 = arith.index_cast %add3A_136 : i32 to index
      %swap3A_355 = arith.constant 240 : index
      %swap3A_356 = tpu.vector_load %arg7[%swap3A_354, %swap3A_355] {strides = array<i32>} : memref<64x768xf32, #tpu.memory_space<vmem>>, vector<1x16xf32>,
      %swap3A_357 = vector.shape_cast %swap3A_356 : vector<1x16xf32> to vector<16xf32>
      %swap3A_358 = vector.shape_cast %add3A_353 : vector<16xf32> to vector<1x16xf32>
      tpu.vector_store %arg7[%swap3A_354, %swap3A_355], %swap3A_358 {strides = array<i32>} : memref<64x768xf32, #tpu.memory_space<vmem>>, vector<1x16xf32>,
      %get3A_359 = arith.index_cast %add3A_136 : i32 to index
      %get3A_360 = arith.constant 256 : index
      %get3A_361 = tpu.vector_load %arg7[%get3A_359, %get3A_360] {strides = array<i32>} : memref<64x768xf32, #tpu.memory_space<vmem>>, vector<1x16xf32>,
      %get3A_362 = vector.shape_cast %get3A_361 : vector<1x16xf32> to vector<16xf32>
      %get3A_363 = arith.index_cast %add3A_136 : i32 to index
      %get3A_364 = arith.constant 256 : index
      %get3A_365 = tpu.vector_load %arg8[%get3A_363, %get3A_364] {strides = array<i32>} : memref<64x768xf32, #tpu.memory_space<vmem>>, vector<1x16xf32>,
      %get3A_366 = vector.shape_cast %get3A_365 : vector<1x16xf32> to vector<16xf32>
      %add3A_367 = arith.addf %get3A_362, %get3A_366 : vector<16xf32>
      %swap3A_368 = arith.index_cast %add3A_136 : i32 to index
      %swap3A_369 = arith.constant 256 : index
      %swap3A_370 = tpu.vector_load %arg7[%swap3A_368, %swap3A_369] {strides = array<i32>} : memref<64x768xf32, #tpu.memory_space<vmem>>, vector<1x16xf32>,
      %swap3A_371 = vector.shape_cast %swap3A_370 : vector<1x16xf32> to vector<16xf32>
      %swap3A_372 = vector.shape_cast %add3A_367 : vector<16xf32> to vector<1x16xf32>
      tpu.vector_store %arg7[%swap3A_368, %swap3A_369], %swap3A_372 {strides = array<i32>} : memref<64x768xf32, #tpu.memory_space<vmem>>, vector<1x16xf32>,
      %get3A_373 = arith.index_cast %add3A_136 : i32 to index
      %get3A_374 = arith.constant 272 : index
      %get3A_375 = tpu.vector_load %arg7[%get3A_373, %get3A_374] {strides = array<i32>} : memref<64x768xf32, #tpu.memory_space<vmem>>, vector<1x16xf32>,
      %get3A_376 = vector.shape_cast %get3A_375 : vector<1x16xf32> to vector<16xf32>
      %get3A_377 = arith.index_cast %add3A_136 : i32 to index
      %get3A_378 = arith.constant 272 : index
      %get3A_379 = tpu.vector_load %arg8[%get3A_377, %get3A_378] {strides = array<i32>} : memref<64x768xf32, #tpu.memory_space<vmem>>, vector<1x16xf32>,
      %get3A_380 = vector.shape_cast %get3A_379 : vector<1x16xf32> to vector<16xf32>
      %add3A_381 = arith.addf %get3A_376, %get3A_380 : vector<16xf32>
      %swap3A_382 = arith.index_cast %add3A_136 : i32 to index
      %swap3A_383 = arith.constant 272 : index
      %swap3A_384 = tpu.vector_load %arg7[%swap3A_382, %swap3A_383] {strides = array<i32>} : memref<64x768xf32, #tpu.memory_space<vmem>>, vector<1x16xf32>,
      %swap3A_385 = vector.shape_cast %swap3A_384 : vector<1x16xf32> to vector<16xf32>
      %swap3A_386 = vector.shape_cast %add3A_381 : vector<16xf32> to vector<1x16xf32>
      tpu.vector_store %arg7[%swap3A_382, %swap3A_383], %swap3A_386 {strides = array<i32>} : memref<64x768xf32, #tpu.memory_space<vmem>>, vector<1x16xf32>,
      %get3A_387 = arith.index_cast %add3A_136 : i32 to index
      %get3A_388 = arith.constant 288 : index
      %get3A_389 = tpu.vector_load %arg7[%get3A_387, %get3A_388] {strides = array<i32>} : memref<64x768xf32, #tpu.memory_space<vmem>>, vector<1x16xf32>,
      %get3A_390 = vector.shape_cast %get3A_389 : vector<1x16xf32> to vector<16xf32>
      %get3A_391 = arith.index_cast %add3A_136 : i32 to index
      %get3A_392 = arith.constant 288 : index
      %get3A_393 = tpu.vector_load %arg8[%get3A_391, %get3A_392] {strides = array<i32>} : memref<64x768xf32, #tpu.memory_space<vmem>>, vector<1x16xf32>,
      %get3A_394 = vector.shape_cast %get3A_393 : vector<1x16xf32> to vector<16xf32>
      %add3A_395 = arith.addf %get3A_390, %get3A_394 : vector<16xf32>
      %swap3A_396 = arith.index_cast %add3A_136 : i32 to index
      %swap3A_397 = arith.constant 288 : index
      %swap3A_398 = tpu.vector_load %arg7[%swap3A_396, %swap3A_397] {strides = array<i32>} : memref<64x768xf32, #tpu.memory_space<vmem>>, vector<1x16xf32>,
      %swap3A_399 = vector.shape_cast %swap3A_398 : vector<1x16xf32> to vector<16xf32>
      %swap3A_400 = vector.shape_cast %add3A_395 : vector<16xf32> to vector<1x16xf32>
      tpu.vector_store %arg7[%swap3A_396, %swap3A_397], %swap3A_400 {strides = array<i32>} : memref<64x768xf32, #tpu.memory_space<vmem>>, vector<1x16xf32>,
      %get3A_401 = arith.index_cast %add3A_136 : i32 to index
      %get3A_402 = arith.constant 304 : index
      %get3A_403 = tpu.vector_load %arg7[%get3A_401, %get3A_402] {strides = array<i32>} : memref<64x768xf32, #tpu.memory_space<vmem>>, vector<1x16xf32>,
      %get3A_404 = vector.shape_cast %get3A_403 : vector<1x16xf32> to vector<16xf32>
      %get3A_405 = arith.index_cast %add3A_136 : i32 to index
      %get3A_406 = arith.constant 304 : index
      %get3A_407 = tpu.vector_load %arg8[%get3A_405, %get3A_406] {strides = array<i32>} : memref<64x768xf32, #tpu.memory_space<vmem>>, vector<1x16xf32>,
      %get3A_408 = vector.shape_cast %get3A_407 : vector<1x16xf32> to vector<16xf32>
      %add3A_409 = arith.addf %get3A_404, %get3A_408 : vector<16xf32>
      %swap3A_410 = arith.index_cast %add3A_136 : i32 to index
      %swap3A_411 = arith.constant 304 : index
      %swap3A_412 = tpu.vector_load %arg7[%swap3A_410, %swap3A_411] {strides = array<i32>} : memref<64x768xf32, #tpu.memory_space<vmem>>, vector<1x16xf32>,
      %swap3A_413 = vector.shape_cast %swap3A_412 : vector<1x16xf32> to vector<16xf32>
      %swap3A_414 = vector.shape_cast %add3A_409 : vector<16xf32> to vector<1x16xf32>
      tpu.vector_store %arg7[%swap3A_410, %swap3A_411], %swap3A_414 {strides = array<i32>} : memref<64x768xf32, #tpu.memory_space<vmem>>, vector<1x16xf32>,
      %get3A_415 = arith.index_cast %add3A_136 : i32 to index
      %get3A_416 = arith.constant 320 : index
      %get3A_417 = tpu.vector_load %arg7[%get3A_415, %get3A_416] {strides = array<i32>} : memref<64x768xf32, #tpu.memory_space<vmem>>, vector<1x16xf32>,
      %get3A_418 = vector.shape_cast %get3A_417 : vector<1x16xf32> to vector<16xf32>
      %get3A_419 = arith.index_cast %add3A_136 : i32 to index
      %get3A_420 = arith.constant 320 : index
      %get3A_421 = tpu.vector_load %arg8[%get3A_419, %get3A_420] {strides = array<i32>} : memref<64x768xf32, #tpu.memory_space<vmem>>, vector<1x16xf32>,
      %get3A_422 = vector.shape_cast %get3A_421 : vector<1x16xf32> to vector<16xf32>
      %add3A_423 = arith.addf %get3A_418, %get3A_422 : vector<16xf32>
      %swap3A_424 = arith.index_cast %add3A_136 : i32 to index
      %swap3A_425 = arith.constant 320 : index
      %swap3A_426 = tpu.vector_load %arg7[%swap3A_424, %swap3A_425] {strides = array<i32>} : memref<64x768xf32, #tpu.memory_space<vmem>>, vector<1x16xf32>,
      %swap3A_427 = vector.shape_cast %swap3A_426 : vector<1x16xf32> to vector<16xf32>
      %swap3A_428 = vector.shape_cast %add3A_423 : vector<16xf32> to vector<1x16xf32>
      tpu.vector_store %arg7[%swap3A_424, %swap3A_425], %swap3A_428 {strides = array<i32>} : memref<64x768xf32, #tpu.memory_space<vmem>>, vector<1x16xf32>,
      %get3A_429 = arith.index_cast %add3A_136 : i32 to index
      %get3A_430 = arith.constant 336 : index
      %get3A_431 = tpu.vector_load %arg7[%get3A_429, %get3A_430] {strides = array<i32>} : memref<64x768xf32, #tpu.memory_space<vmem>>, vector<1x16xf32>,
      %get3A_432 = vector.shape_cast %get3A_431 : vector<1x16xf32> to vector<16xf32>
      %get3A_433 = arith.index_cast %add3A_136 : i32 to index
      %get3A_434 = arith.constant 336 : index
      %get3A_435 = tpu.vector_load %arg8[%get3A_433, %get3A_434] {strides = array<i32>} : memref<64x768xf32, #tpu.memory_space<vmem>>, vector<1x16xf32>,
      %get3A_436 = vector.shape_cast %get3A_435 : vector<1x16xf32> to vector<16xf32>
      %add3A_437 = arith.addf %get3A_432, %get3A_436 : vector<16xf32>
      %swap3A_438 = arith.index_cast %add3A_136 : i32 to index
      %swap3A_439 = arith.constant 336 : index
      %swap3A_440 = tpu.vector_load %arg7[%swap3A_438, %swap3A_439] {strides = array<i32>} : memref<64x768xf32, #tpu.memory_space<vmem>>, vector<1x16xf32>,
      %swap3A_441 = vector.shape_cast %swap3A_440 : vector<1x16xf32> to vector<16xf32>
      %swap3A_442 = vector.shape_cast %add3A_437 : vector<16xf32> to vector<1x16xf32>
      tpu.vector_store %arg7[%swap3A_438, %swap3A_439], %swap3A_442 {strides = array<i32>} : memref<64x768xf32, #tpu.memory_space<vmem>>, vector<1x16xf32>,
      %get3A_443 = arith.index_cast %add3A_136 : i32 to index
      %get3A_444 = arith.constant 352 : index
      %get3A_445 = tpu.vector_load %arg7[%get3A_443, %get3A_444] {strides = array<i32>} : memref<64x768xf32, #tpu.memory_space<vmem>>, vector<1x16xf32>,
      %get3A_446 = vector.shape_cast %get3A_445 : vector<1x16xf32> to vector<16xf32>
      %get3A_447 = arith.index_cast %add3A_136 : i32 to index
      %get3A_448 = arith.constant 352 : index
      %get3A_449 = tpu.vector_load %arg8[%get3A_447, %get3A_448] {strides = array<i32>} : memref<64x768xf32, #tpu.memory_space<vmem>>, vector<1x16xf32>,
      %get3A_450 = vector.shape_cast %get3A_449 : vector<1x16xf32> to vector<16xf32>
      %add3A_451 = arith.addf %get3A_446, %get3A_450 : vector<16xf32>
      %swap3A_452 = arith.index_cast %add3A_136 : i32 to index
      %swap3A_453 = arith.constant 352 : index
      %swap3A_454 = tpu.vector_load %arg7[%swap3A_452, %swap3A_453] {strides = array<i32>} : memref<64x768xf32, #tpu.memory_space<vmem>>, vector<1x16xf32>,
      %swap3A_455 = vector.shape_cast %swap3A_454 : vector<1x16xf32> to vector<16xf32>
      %swap3A_456 = vector.shape_cast %add3A_451 : vector<16xf32> to vector<1x16xf32>
      tpu.vector_store %arg7[%swap3A_452, %swap3A_453], %swap3A_456 {strides = array<i32>} : memref<64x768xf32, #tpu.memory_space<vmem>>, vector<1x16xf32>,
      %get3A_457 = arith.index_cast %add3A_136 : i32 to index
      %get3A_458 = arith.constant 368 : index
      %get3A_459 = tpu.vector_load %arg7[%get3A_457, %get3A_458] {strides = array<i32>} : memref<64x768xf32, #tpu.memory_space<vmem>>, vector<1x16xf32>,
      %get3A_460 = vector.shape_cast %get3A_459 : vector<1x16xf32> to vector<16xf32>
      %get3A_461 = arith.index_cast %add3A_136 : i32 to index
      %get3A_462 = arith.constant 368 : index
      %get3A_463 = tpu.vector_load %arg8[%get3A_461, %get3A_462] {strides = array<i32>} : memref<64x768xf32, #tpu.memory_space<vmem>>, vector<1x16xf32>,
      %get3A_464 = vector.shape_cast %get3A_463 : vector<1x16xf32> to vector<16xf32>
      %add3A_465 = arith.addf %get3A_460, %get3A_464 : vector<16xf32>
      %swap3A_466 = arith.index_cast %add3A_136 : i32 to index
      %swap3A_467 = arith.constant 368 : index
      %swap3A_468 = tpu.vector_load %arg7[%swap3A_466, %swap3A_467] {strides = array<i32>} : memref<64x768xf32, #tpu.memory_space<vmem>>, vector<1x16xf32>,
      %swap3A_469 = vector.shape_cast %swap3A_468 : vector<1x16xf32> to vector<16xf32>
      %swap3A_470 = vector.shape_cast %add3A_465 : vector<16xf32> to vector<1x16xf32>
      tpu.vector_store %arg7[%swap3A_466, %swap3A_467], %swap3A_470 {strides = array<i32>} : memref<64x768xf32, #tpu.memory_space<vmem>>, vector<1x16xf32>,
      %get3A_471 = arith.index_cast %add3A_136 : i32 to index
      %get3A_472 = arith.constant 384 : index
      %get3A_473 = tpu.vector_load %arg7[%get3A_471, %get3A_472] {strides = array<i32>} : memref<64x768xf32, #tpu.memory_space<vmem>>, vector<1x16xf32>,
      %get3A_474 = vector.shape_cast %get3A_473 : vector<1x16xf32> to vector<16xf32>
      %get3A_475 = arith.index_cast %add3A_136 : i32 to index
      %get3A_476 = arith.constant 384 : index
      %get3A_477 = tpu.vector_load %arg8[%get3A_475, %get3A_476] {strides = array<i32>} : memref<64x768xf32, #tpu.memory_space<vmem>>, vector<1x16xf32>,
      %get3A_478 = vector.shape_cast %get3A_477 : vector<1x16xf32> to vector<16xf32>
      %add3A_479 = arith.addf %get3A_474, %get3A_478 : vector<16xf32>
      %swap3A_480 = arith.index_cast %add3A_136 : i32 to index
      %swap3A_481 = arith.constant 384 : index
      %swap3A_482 = tpu.vector_load %arg7[%swap3A_480, %swap3A_481] {strides = array<i32>} : memref<64x768xf32, #tpu.memory_space<vmem>>, vector<1x16xf32>,
      %swap3A_483 = vector.shape_cast %swap3A_482 : vector<1x16xf32> to vector<16xf32>
      %swap3A_484 = vector.shape_cast %add3A_479 : vector<16xf32> to vector<1x16xf32>
      tpu.vector_store %arg7[%swap3A_480, %swap3A_481], %swap3A_484 {strides = array<i32>} : memref<64x768xf32, #tpu.memory_space<vmem>>, vector<1x16xf32>,
      %get3A_485 = arith.index_cast %add3A_136 : i32 to index
      %get3A_486 = arith.constant 400 : index
      %get3A_487 = tpu.vector_load %arg7[%get3A_485, %get3A_486] {strides = array<i32>} : memref<64x768xf32, #tpu.memory_space<vmem>>, vector<1x16xf32>,
      %get3A_488 = vector.shape_cast %get3A_487 : vector<1x16xf32> to vector<16xf32>
      %get3A_489 = arith.index_cast %add3A_136 : i32 to index
      %get3A_490 = arith.constant 400 : index
      %get3A_491 = tpu.vector_load %arg8[%get3A_489, %get3A_490] {strides = array<i32>} : memref<64x768xf32, #tpu.memory_space<vmem>>, vector<1x16xf32>,
      %get3A_492 = vector.shape_cast %get3A_491 : vector<1x16xf32> to vector<16xf32>
      %add3A_493 = arith.addf %get3A_488, %get3A_492 : vector<16xf32>
      %swap3A_494 = arith.index_cast %add3A_136 : i32 to index
      %swap3A_495 = arith.constant 400 : index
      %swap3A_496 = tpu.vector_load %arg7[%swap3A_494, %swap3A_495] {strides = array<i32>} : memref<64x768xf32, #tpu.memory_space<vmem>>, vector<1x16xf32>,
      %swap3A_497 = vector.shape_cast %swap3A_496 : vector<1x16xf32> to vector<16xf32>
      %swap3A_498 = vector.shape_cast %add3A_493 : vector<16xf32> to vector<1x16xf32>
      tpu.vector_store %arg7[%swap3A_494, %swap3A_495], %swap3A_498 {strides = array<i32>} : memref<64x768xf32, #tpu.memory_space<vmem>>, vector<1x16xf32>,
      %get3A_499 = arith.index_cast %add3A_136 : i32 to index
      %get3A_500 = arith.constant 416 : index
      %get3A_501 = tpu.vector_load %arg7[%get3A_499, %get3A_500] {strides = array<i32>} : memref<64x768xf32, #tpu.memory_space<vmem>>, vector<1x16xf32>,
      %get3A_502 = vector.shape_cast %get3A_501 : vector<1x16xf32> to vector<16xf32>
      %get3A_503 = arith.index_cast %add3A_136 : i32 to index
      %get3A_504 = arith.constant 416 : index
      %get3A_505 = tpu.vector_load %arg8[%get3A_503, %get3A_504] {strides = array<i32>} : memref<64x768xf32, #tpu.memory_space<vmem>>, vector<1x16xf32>,
      %get3A_506 = vector.shape_cast %get3A_505 : vector<1x16xf32> to vector<16xf32>
      %add3A_507 = arith.addf %get3A_502, %get3A_506 : vector<16xf32>
      %swap3A_508 = arith.index_cast %add3A_136 : i32 to index
      %swap3A_509 = arith.constant 416 : index
      %swap3A_510 = tpu.vector_load %arg7[%swap3A_508, %swap3A_509] {strides = array<i32>} : memref<64x768xf32, #tpu.memory_space<vmem>>, vector<1x16xf32>,
      %swap3A_511 = vector.shape_cast %swap3A_510 : vector<1x16xf32> to vector<16xf32>
      %swap3A_512 = vector.shape_cast %add3A_507 : vector<16xf32> to vector<1x16xf32>
      tpu.vector_store %arg7[%swap3A_508, %swap3A_509], %swap3A_512 {strides = array<i32>} : memref<64x768xf32, #tpu.memory_space<vmem>>, vector<1x16xf32>,
      %get3A_513 = arith.index_cast %add3A_136 : i32 to index
      %get3A_514 = arith.constant 432 : index
      %get3A_515 = tpu.vector_load %arg7[%get3A_513, %get3A_514] {strides = array<i32>} : memref<64x768xf32, #tpu.memory_space<vmem>>, vector<1x16xf32>,
      %get3A_516 = vector.shape_cast %get3A_515 : vector<1x16xf32> to vector<16xf32>
      %get3A_517 = arith.index_cast %add3A_136 : i32 to index
      %get3A_518 = arith.constant 432 : index
      %get3A_519 = tpu.vector_load %arg8[%get3A_517, %get3A_518] {strides = array<i32>} : memref<64x768xf32, #tpu.memory_space<vmem>>, vector<1x16xf32>,
      %get3A_520 = vector.shape_cast %get3A_519 : vector<1x16xf32> to vector<16xf32>
      %add3A_521 = arith.addf %get3A_516, %get3A_520 : vector<16xf32>
      %swap3A_522 = arith.index_cast %add3A_136 : i32 to index
      %swap3A_523 = arith.constant 432 : index
      %swap3A_524 = tpu.vector_load %arg7[%swap3A_522, %swap3A_523] {strides = array<i32>} : memref<64x768xf32, #tpu.memory_space<vmem>>, vector<1x16xf32>,
      %swap3A_525 = vector.shape_cast %swap3A_524 : vector<1x16xf32> to vector<16xf32>
      %swap3A_526 = vector.shape_cast %add3A_521 : vector<16xf32> to vector<1x16xf32>
      tpu.vector_store %arg7[%swap3A_522, %swap3A_523], %swap3A_526 {strides = array<i32>} : memref<64x768xf32, #tpu.memory_space<vmem>>, vector<1x16xf32>,
      %get3A_527 = arith.index_cast %add3A_136 : i32 to index
      %get3A_528 = arith.constant 448 : index
      %get3A_529 = tpu.vector_load %arg7[%get3A_527, %get3A_528] {strides = array<i32>} : memref<64x768xf32, #tpu.memory_space<vmem>>, vector<1x16xf32>,
      %get3A_530 = vector.shape_cast %get3A_529 : vector<1x16xf32> to vector<16xf32>
      %get3A_531 = arith.index_cast %add3A_136 : i32 to index
      %get3A_532 = arith.constant 448 : index
      %get3A_533 = tpu.vector_load %arg8[%get3A_531, %get3A_532] {strides = array<i32>} : memref<64x768xf32, #tpu.memory_space<vmem>>, vector<1x16xf32>,
      %get3A_534 = vector.shape_cast %get3A_533 : vector<1x16xf32> to vector<16xf32>
      %add3A_535 = arith.addf %get3A_530, %get3A_534 : vector<16xf32>
      %swap3A_536 = arith.index_cast %add3A_136 : i32 to index
      %swap3A_537 = arith.constant 448 : index
      %swap3A_538 = tpu.vector_load %arg7[%swap3A_536, %swap3A_537] {strides = array<i32>} : memref<64x768xf32, #tpu.memory_space<vmem>>, vector<1x16xf32>,
      %swap3A_539 = vector.shape_cast %swap3A_538 : vector<1x16xf32> to vector<16xf32>
      %swap3A_540 = vector.shape_cast %add3A_535 : vector<16xf32> to vector<1x16xf32>
      tpu.vector_store %arg7[%swap3A_536, %swap3A_537], %swap3A_540 {strides = array<i32>} : memref<64x768xf32, #tpu.memory_space<vmem>>, vector<1x16xf32>,
      %get3A_541 = arith.index_cast %add3A_136 : i32 to index
      %get3A_542 = arith.constant 464 : index
      %get3A_543 = tpu.vector_load %arg7[%get3A_541, %get3A_542] {strides = array<i32>} : memref<64x768xf32, #tpu.memory_space<vmem>>, vector<1x16xf32>,
      %get3A_544 = vector.shape_cast %get3A_543 : vector<1x16xf32> to vector<16xf32>
      %get3A_545 = arith.index_cast %add3A_136 : i32 to index
      %get3A_546 = arith.constant 464 : index
      %get3A_547 = tpu.vector_load %arg8[%get3A_545, %get3A_546] {strides = array<i32>} : memref<64x768xf32, #tpu.memory_space<vmem>>, vector<1x16xf32>,
      %get3A_548 = vector.shape_cast %get3A_547 : vector<1x16xf32> to vector<16xf32>
      %add3A_549 = arith.addf %get3A_544, %get3A_548 : vector<16xf32>
      %swap3A_550 = arith.index_cast %add3A_136 : i32 to index
      %swap3A_551 = arith.constant 464 : index
      %swap3A_552 = tpu.vector_load %arg7[%swap3A_550, %swap3A_551] {strides = array<i32>} : memref<64x768xf32, #tpu.memory_space<vmem>>, vector<1x16xf32>,
      %swap3A_553 = vector.shape_cast %swap3A_552 : vector<1x16xf32> to vector<16xf32>
      %swap3A_554 = vector.shape_cast %add3A_549 : vector<16xf32> to vector<1x16xf32>
      tpu.vector_store %arg7[%swap3A_550, %swap3A_551], %swap3A_554 {strides = array<i32>} : memref<64x768xf32, #tpu.memory_space<vmem>>, vector<1x16xf32>,
      %get3A_555 = arith.index_cast %add3A_136 : i32 to index
      %get3A_556 = arith.constant 480 : index
      %get3A_557 = tpu.vector_load %arg7[%get3A_555, %get3A_556] {strides = array<i32>} : memref<64x768xf32, #tpu.memory_space<vmem>>, vector<1x16xf32>,
      %get3A_558 = vector.shape_cast %get3A_557 : vector<1x16xf32> to vector<16xf32>
      %get3A_559 = arith.index_cast %add3A_136 : i32 to index
      %get3A_560 = arith.constant 480 : index
      %get3A_561 = tpu.vector_load %arg8[%get3A_559, %get3A_560] {strides = array<i32>} : memref<64x768xf32, #tpu.memory_space<vmem>>, vector<1x16xf32>,
      %get3A_562 = vector.shape_cast %get3A_561 : vector<1x16xf32> to vector<16xf32>
      %add3A_563 = arith.addf %get3A_558, %get3A_562 : vector<16xf32>
      %swap3A_564 = arith.index_cast %add3A_136 : i32 to index
      %swap3A_565 = arith.constant 480 : index
      %swap3A_566 = tpu.vector_load %arg7[%swap3A_564, %swap3A_565] {strides = array<i32>} : memref<64x768xf32, #tpu.memory_space<vmem>>, vector<1x16xf32>,
      %swap3A_567 = vector.shape_cast %swap3A_566 : vector<1x16xf32> to vector<16xf32>
      %swap3A_568 = vector.shape_cast %add3A_563 : vector<16xf32> to vector<1x16xf32>
      tpu.vector_store %arg7[%swap3A_564, %swap3A_565], %swap3A_568 {strides = array<i32>} : memref<64x768xf32, #tpu.memory_space<vmem>>, vector<1x16xf32>,
      %get3A_569 = arith.index_cast %add3A_136 : i32 to index
      %get3A_570 = arith.constant 496 : index
      %get3A_571 = tpu.vector_load %arg7[%get3A_569, %get3A_570] {strides = array<i32>} : memref<64x768xf32, #tpu.memory_space<vmem>>, vector<1x16xf32>,
      %get3A_572 = vector.shape_cast %get3A_571 : vector<1x16xf32> to vector<16xf32>
      %get3A_573 = arith.index_cast %add3A_136 : i32 to index
      %get3A_574 = arith.constant 496 : index
      %get3A_575 = tpu.vector_load %arg8[%get3A_573, %get3A_574] {strides = array<i32>} : memref<64x768xf32, #tpu.memory_space<vmem>>, vector<1x16xf32>,
      %get3A_576 = vector.shape_cast %get3A_575 : vector<1x16xf32> to vector<16xf32>
      %add3A_577 = arith.addf %get3A_572, %get3A_576 : vector<16xf32>
      %swap3A_578 = arith.index_cast %add3A_136 : i32 to index
      %swap3A_579 = arith.constant 496 : index
      %swap3A_580 = tpu.vector_load %arg7[%swap3A_578, %swap3A_579] {strides = array<i32>} : memref<64x768xf32, #tpu.memory_space<vmem>>, vector<1x16xf32>,
      %swap3A_581 = vector.shape_cast %swap3A_580 : vector<1x16xf32> to vector<16xf32>
      %swap3A_582 = vector.shape_cast %add3A_577 : vector<16xf32> to vector<1x16xf32>
      tpu.vector_store %arg7[%swap3A_578, %swap3A_579], %swap3A_582 {strides = array<i32>} : memref<64x768xf32, #tpu.memory_space<vmem>>, vector<1x16xf32>,
      %get3A_583 = arith.index_cast %add3A_136 : i32 to index
      %get3A_584 = arith.constant 512 : index
      %get3A_585 = tpu.vector_load %arg7[%get3A_583, %get3A_584] {strides = array<i32>} : memref<64x768xf32, #tpu.memory_space<vmem>>, vector<1x16xf32>,
      %get3A_586 = vector.shape_cast %get3A_585 : vector<1x16xf32> to vector<16xf32>
      %get3A_587 = arith.index_cast %add3A_136 : i32 to index
      %get3A_588 = arith.constant 512 : index
      %get3A_589 = tpu.vector_load %arg8[%get3A_587, %get3A_588] {strides = array<i32>} : memref<64x768xf32, #tpu.memory_space<vmem>>, vector<1x16xf32>,
      %get3A_590 = vector.shape_cast %get3A_589 : vector<1x16xf32> to vector<16xf32>
      %add3A_591 = arith.addf %get3A_586, %get3A_590 : vector<16xf32>
      %swap3A_592 = arith.index_cast %add3A_136 : i32 to index
      %swap3A_593 = arith.constant 512 : index
      %swap3A_594 = tpu.vector_load %arg7[%swap3A_592, %swap3A_593] {strides = array<i32>} : memref<64x768xf32, #tpu.memory_space<vmem>>, vector<1x16xf32>,
      %swap3A_595 = vector.shape_cast %swap3A_594 : vector<1x16xf32> to vector<16xf32>
      %swap3A_596 = vector.shape_cast %add3A_591 : vector<16xf32> to vector<1x16xf32>
      tpu.vector_store %arg7[%swap3A_592, %swap3A_593], %swap3A_596 {strides = array<i32>} : memref<64x768xf32, #tpu.memory_space<vmem>>, vector<1x16xf32>,
      %get3A_597 = arith.index_cast %add3A_136 : i32 to index
      %get3A_598 = arith.constant 528 : index
      %get3A_599 = tpu.vector_load %arg7[%get3A_597, %get3A_598] {strides = array<i32>} : memref<64x768xf32, #tpu.memory_space<vmem>>, vector<1x16xf32>,
      %get3A_600 = vector.shape_cast %get3A_599 : vector<1x16xf32> to vector<16xf32>
      %get3A_601 = arith.index_cast %add3A_136 : i32 to index
      %get3A_602 = arith.constant 528 : index
      %get3A_603 = tpu.vector_load %arg8[%get3A_601, %get3A_602] {strides = array<i32>} : memref<64x768xf32, #tpu.memory_space<vmem>>, vector<1x16xf32>,
      %get3A_604 = vector.shape_cast %get3A_603 : vector<1x16xf32> to vector<16xf32>
      %add3A_605 = arith.addf %get3A_600, %get3A_604 : vector<16xf32>
      %swap3A_606 = arith.index_cast %add3A_136 : i32 to index
      %swap3A_607 = arith.constant 528 : index
      %swap3A_608 = tpu.vector_load %arg7[%swap3A_606, %swap3A_607] {strides = array<i32>} : memref<64x768xf32, #tpu.memory_space<vmem>>, vector<1x16xf32>,
      %swap3A_609 = vector.shape_cast %swap3A_608 : vector<1x16xf32> to vector<16xf32>
      %swap3A_610 = vector.shape_cast %add3A_605 : vector<16xf32> to vector<1x16xf32>
      tpu.vector_store %arg7[%swap3A_606, %swap3A_607], %swap3A_610 {strides = array<i32>} : memref<64x768xf32, #tpu.memory_space<vmem>>, vector<1x16xf32>,
      %get3A_611 = arith.index_cast %add3A_136 : i32 to index
      %get3A_612 = arith.constant 544 : index
      %get3A_613 = tpu.vector_load %arg7[%get3A_611, %get3A_612] {strides = array<i32>} : memref<64x768xf32, #tpu.memory_space<vmem>>, vector<1x16xf32>,
      %get3A_614 = vector.shape_cast %get3A_613 : vector<1x16xf32> to vector<16xf32>
      %get3A_615 = arith.index_cast %add3A_136 : i32 to index
      %get3A_616 = arith.constant 544 : index
      %get3A_617 = tpu.vector_load %arg8[%get3A_615, %get3A_616] {strides = array<i32>} : memref<64x768xf32, #tpu.memory_space<vmem>>, vector<1x16xf32>,
      %get3A_618 = vector.shape_cast %get3A_617 : vector<1x16xf32> to vector<16xf32>
      %add3A_619 = arith.addf %get3A_614, %get3A_618 : vector<16xf32>
      %swap3A_620 = arith.index_cast %add3A_136 : i32 to index
      %swap3A_621 = arith.constant 544 : index
      %swap3A_622 = tpu.vector_load %arg7[%swap3A_620, %swap3A_621] {strides = array<i32>} : memref<64x768xf32, #tpu.memory_space<vmem>>, vector<1x16xf32>,
      %swap3A_623 = vector.shape_cast %swap3A_622 : vector<1x16xf32> to vector<16xf32>
      %swap3A_624 = vector.shape_cast %add3A_619 : vector<16xf32> to vector<1x16xf32>
      tpu.vector_store %arg7[%swap3A_620, %swap3A_621], %swap3A_624 {strides = array<i32>} : memref<64x768xf32, #tpu.memory_space<vmem>>, vector<1x16xf32>,
      %get3A_625 = arith.index_cast %add3A_136 : i32 to index
      %get3A_626 = arith.constant 560 : index
      %get3A_627 = tpu.vector_load %arg7[%get3A_625, %get3A_626] {strides = array<i32>} : memref<64x768xf32, #tpu.memory_space<vmem>>, vector<1x16xf32>,
      %get3A_628 = vector.shape_cast %get3A_627 : vector<1x16xf32> to vector<16xf32>
      %get3A_629 = arith.index_cast %add3A_136 : i32 to index
      %get3A_630 = arith.constant 560 : index
      %get3A_631 = tpu.vector_load %arg8[%get3A_629, %get3A_630] {strides = array<i32>} : memref<64x768xf32, #tpu.memory_space<vmem>>, vector<1x16xf32>,
      %get3A_632 = vector.shape_cast %get3A_631 : vector<1x16xf32> to vector<16xf32>
      %add3A_633 = arith.addf %get3A_628, %get3A_632 : vector<16xf32>
      %swap3A_634 = arith.index_cast %add3A_136 : i32 to index
      %swap3A_635 = arith.constant 560 : index
      %swap3A_636 = tpu.vector_load %arg7[%swap3A_634, %swap3A_635] {strides = array<i32>} : memref<64x768xf32, #tpu.memory_space<vmem>>, vector<1x16xf32>,
      %swap3A_637 = vector.shape_cast %swap3A_636 : vector<1x16xf32> to vector<16xf32>
      %swap3A_638 = vector.shape_cast %add3A_633 : vector<16xf32> to vector<1x16xf32>
      tpu.vector_store %arg7[%swap3A_634, %swap3A_635], %swap3A_638 {strides = array<i32>} : memref<64x768xf32, #tpu.memory_space<vmem>>, vector<1x16xf32>,
      %get3A_639 = arith.index_cast %add3A_136 : i32 to index
      %get3A_640 = arith.constant 576 : index
      %get3A_641 = tpu.vector_load %arg7[%get3A_639, %get3A_640] {strides = array<i32>} : memref<64x768xf32, #tpu.memory_space<vmem>>, vector<1x16xf32>,
      %get3A_642 = vector.shape_cast %get3A_641 : vector<1x16xf32> to vector<16xf32>
      %get3A_643 = arith.index_cast %add3A_136 : i32 to index
      %get3A_644 = arith.constant 576 : index
      %get3A_645 = tpu.vector_load %arg8[%get3A_643, %get3A_644] {strides = array<i32>} : memref<64x768xf32, #tpu.memory_space<vmem>>, vector<1x16xf32>,
      %get3A_646 = vector.shape_cast %get3A_645 : vector<1x16xf32> to vector<16xf32>
      %add3A_647 = arith.addf %get3A_642, %get3A_646 : vector<16xf32>
      %swap3A_648 = arith.index_cast %add3A_136 : i32 to index
      %swap3A_649 = arith.constant 576 : index
      %swap3A_650 = tpu.vector_load %arg7[%swap3A_648, %swap3A_649] {strides = array<i32>} : memref<64x768xf32, #tpu.memory_space<vmem>>, vector<1x16xf32>,
      %swap3A_651 = vector.shape_cast %swap3A_650 : vector<1x16xf32> to vector<16xf32>
      %swap3A_652 = vector.shape_cast %add3A_647 : vector<16xf32> to vector<1x16xf32>
      tpu.vector_store %arg7[%swap3A_648, %swap3A_649], %swap3A_652 {strides = array<i32>} : memref<64x768xf32, #tpu.memory_space<vmem>>, vector<1x16xf32>,
      %get3A_653 = arith.index_cast %add3A_136 : i32 to index
      %get3A_654 = arith.constant 592 : index
      %get3A_655 = tpu.vector_load %arg7[%get3A_653, %get3A_654] {strides = array<i32>} : memref<64x768xf32, #tpu.memory_space<vmem>>, vector<1x16xf32>,
      %get3A_656 = vector.shape_cast %get3A_655 : vector<1x16xf32> to vector<16xf32>
      %get3A_657 = arith.index_cast %add3A_136 : i32 to index
      %get3A_658 = arith.constant 592 : index
      %get3A_659 = tpu.vector_load %arg8[%get3A_657, %get3A_658] {strides = array<i32>} : memref<64x768xf32, #tpu.memory_space<vmem>>, vector<1x16xf32>,
      %get3A_660 = vector.shape_cast %get3A_659 : vector<1x16xf32> to vector<16xf32>
      %add3A_661 = arith.addf %get3A_656, %get3A_660 : vector<16xf32>
      %swap3A_662 = arith.index_cast %add3A_136 : i32 to index
      %swap3A_663 = arith.constant 592 : index
      %swap3A_664 = tpu.vector_load %arg7[%swap3A_662, %swap3A_663] {strides = array<i32>} : memref<64x768xf32, #tpu.memory_space<vmem>>, vector<1x16xf32>,
      %swap3A_665 = vector.shape_cast %swap3A_664 : vector<1x16xf32> to vector<16xf32>
      %swap3A_666 = vector.shape_cast %add3A_661 : vector<16xf32> to vector<1x16xf32>
      tpu.vector_store %arg7[%swap3A_662, %swap3A_663], %swap3A_666 {strides = array<i32>} : memref<64x768xf32, #tpu.memory_space<vmem>>, vector<1x16xf32>,
      %get3A_667 = arith.index_cast %add3A_136 : i32 to index
      %get3A_668 = arith.constant 608 : index
      %get3A_669 = tpu.vector_load %arg7[%get3A_667, %get3A_668] {strides = array<i32>} : memref<64x768xf32, #tpu.memory_space<vmem>>, vector<1x16xf32>,
      %get3A_670 = vector.shape_cast %get3A_669 : vector<1x16xf32> to vector<16xf32>
      %get3A_671 = arith.index_cast %add3A_136 : i32 to index
      %get3A_672 = arith.constant 608 : index
      %get3A_673 = tpu.vector_load %arg8[%get3A_671, %get3A_672] {strides = array<i32>} : memref<64x768xf32, #tpu.memory_space<vmem>>, vector<1x16xf32>,
      %get3A_674 = vector.shape_cast %get3A_673 : vector<1x16xf32> to vector<16xf32>
      %add3A_675 = arith.addf %get3A_670, %get3A_674 : vector<16xf32>
      %swap3A_676 = arith.index_cast %add3A_136 : i32 to index
      %swap3A_677 = arith.constant 608 : index
      %swap3A_678 = tpu.vector_load %arg7[%swap3A_676, %swap3A_677] {strides = array<i32>} : memref<64x768xf32, #tpu.memory_space<vmem>>, vector<1x16xf32>,
      %swap3A_679 = vector.shape_cast %swap3A_678 : vector<1x16xf32> to vector<16xf32>
      %swap3A_680 = vector.shape_cast %add3A_675 : vector<16xf32> to vector<1x16xf32>
      tpu.vector_store %arg7[%swap3A_676, %swap3A_677], %swap3A_680 {strides = array<i32>} : memref<64x768xf32, #tpu.memory_space<vmem>>, vector<1x16xf32>,
      %get3A_681 = arith.index_cast %add3A_136 : i32 to index
      %get3A_682 = arith.constant 624 : index
      %get3A_683 = tpu.vector_load %arg7[%get3A_681, %get3A_682] {strides = array<i32>} : memref<64x768xf32, #tpu.memory_space<vmem>>, vector<1x16xf32>,
      %get3A_684 = vector.shape_cast %get3A_683 : vector<1x16xf32> to vector<16xf32>
      %get3A_685 = arith.index_cast %add3A_136 : i32 to index
      %get3A_686 = arith.constant 624 : index
      %get3A_687 = tpu.vector_load %arg8[%get3A_685, %get3A_686] {strides = array<i32>} : memref<64x768xf32, #tpu.memory_space<vmem>>, vector<1x16xf32>,
      %get3A_688 = vector.shape_cast %get3A_687 : vector<1x16xf32> to vector<16xf32>
      %add3A_689 = arith.addf %get3A_684, %get3A_688 : vector<16xf32>
      %swap3A_690 = arith.index_cast %add3A_136 : i32 to index
      %swap3A_691 = arith.constant 624 : index
      %swap3A_692 = tpu.vector_load %arg7[%swap3A_690, %swap3A_691] {strides = array<i32>} : memref<64x768xf32, #tpu.memory_space<vmem>>, vector<1x16xf32>,
      %swap3A_693 = vector.shape_cast %swap3A_692 : vector<1x16xf32> to vector<16xf32>
      %swap3A_694 = vector.shape_cast %add3A_689 : vector<16xf32> to vector<1x16xf32>
      tpu.vector_store %arg7[%swap3A_690, %swap3A_691], %swap3A_694 {strides = array<i32>} : memref<64x768xf32, #tpu.memory_space<vmem>>, vector<1x16xf32>,
      %get3A_695 = arith.index_cast %add3A_136 : i32 to index
      %get3A_696 = arith.constant 640 : index
      %get3A_697 = tpu.vector_load %arg7[%get3A_695, %get3A_696] {strides = array<i32>} : memref<64x768xf32, #tpu.memory_space<vmem>>, vector<1x16xf32>,
      %get3A_698 = vector.shape_cast %get3A_697 : vector<1x16xf32> to vector<16xf32>
      %get3A_699 = arith.index_cast %add3A_136 : i32 to index
      %get3A_700 = arith.constant 640 : index
      %get3A_701 = tpu.vector_load %arg8[%get3A_699, %get3A_700] {strides = array<i32>} : memref<64x768xf32, #tpu.memory_space<vmem>>, vector<1x16xf32>,
      %get3A_702 = vector.shape_cast %get3A_701 : vector<1x16xf32> to vector<16xf32>
      %add3A_703 = arith.addf %get3A_698, %get3A_702 : vector<16xf32>
      %swap3A_704 = arith.index_cast %add3A_136 : i32 to index
      %swap3A_705 = arith.constant 640 : index
      %swap3A_706 = tpu.vector_load %arg7[%swap3A_704, %swap3A_705] {strides = array<i32>} : memref<64x768xf32, #tpu.memory_space<vmem>>, vector<1x16xf32>,
      %swap3A_707 = vector.shape_cast %swap3A_706 : vector<1x16xf32> to vector<16xf32>
      %swap3A_708 = vector.shape_cast %add3A_703 : vector<16xf32> to vector<1x16xf32>
      tpu.vector_store %arg7[%swap3A_704, %swap3A_705], %swap3A_708 {strides = array<i32>} : memref<64x768xf32, #tpu.memory_space<vmem>>, vector<1x16xf32>,
      %get3A_709 = arith.index_cast %add3A_136 : i32 to index
      %get3A_710 = arith.constant 656 : index
      %get3A_711 = tpu.vector_load %arg7[%get3A_709, %get3A_710] {strides = array<i32>} : memref<64x768xf32, #tpu.memory_space<vmem>>, vector<1x16xf32>,
      %get3A_712 = vector.shape_cast %get3A_711 : vector<1x16xf32> to vector<16xf32>
      %get3A_713 = arith.index_cast %add3A_136 : i32 to index
      %get3A_714 = arith.constant 656 : index
      %get3A_715 = tpu.vector_load %arg8[%get3A_713, %get3A_714] {strides = array<i32>} : memref<64x768xf32, #tpu.memory_space<vmem>>, vector<1x16xf32>,
      %get3A_716 = vector.shape_cast %get3A_715 : vector<1x16xf32> to vector<16xf32>
      %add3A_717 = arith.addf %get3A_712, %get3A_716 : vector<16xf32>
      %swap3A_718 = arith.index_cast %add3A_136 : i32 to index
      %swap3A_719 = arith.constant 656 : index
      %swap3A_720 = tpu.vector_load %arg7[%swap3A_718, %swap3A_719] {strides = array<i32>} : memref<64x768xf32, #tpu.memory_space<vmem>>, vector<1x16xf32>,
      %swap3A_721 = vector.shape_cast %swap3A_720 : vector<1x16xf32> to vector<16xf32>
      %swap3A_722 = vector.shape_cast %add3A_717 : vector<16xf32> to vector<1x16xf32>
      tpu.vector_store %arg7[%swap3A_718, %swap3A_719], %swap3A_722 {strides = array<i32>} : memref<64x768xf32, #tpu.memory_space<vmem>>, vector<1x16xf32>,
      %get3A_723 = arith.index_cast %add3A_136 : i32 to index
      %get3A_724 = arith.constant 672 : index
      %get3A_725 = tpu.vector_load %arg7[%get3A_723, %get3A_724] {strides = array<i32>} : memref<64x768xf32, #tpu.memory_space<vmem>>, vector<1x16xf32>,
      %get3A_726 = vector.shape_cast %get3A_725 : vector<1x16xf32> to vector<16xf32>
      %get3A_727 = arith.index_cast %add3A_136 : i32 to index
      %get3A_728 = arith.constant 672 : index
      %get3A_729 = tpu.vector_load %arg8[%get3A_727, %get3A_728] {strides = array<i32>} : memref<64x768xf32, #tpu.memory_space<vmem>>, vector<1x16xf32>,
      %get3A_730 = vector.shape_cast %get3A_729 : vector<1x16xf32> to vector<16xf32>
      %add3A_731 = arith.addf %get3A_726, %get3A_730 : vector<16xf32>
      %swap3A_732 = arith.index_cast %add3A_136 : i32 to index
      %swap3A_733 = arith.constant 672 : index
      %swap3A_734 = tpu.vector_load %arg7[%swap3A_732, %swap3A_733] {strides = array<i32>} : memref<64x768xf32, #tpu.memory_space<vmem>>, vector<1x16xf32>,
      %swap3A_735 = vector.shape_cast %swap3A_734 : vector<1x16xf32> to vector<16xf32>
      %swap3A_736 = vector.shape_cast %add3A_731 : vector<16xf32> to vector<1x16xf32>
      tpu.vector_store %arg7[%swap3A_732, %swap3A_733], %swap3A_736 {strides = array<i32>} : memref<64x768xf32, #tpu.memory_space<vmem>>, vector<1x16xf32>,
      %get3A_737 = arith.index_cast %add3A_136 : i32 to index
      %get3A_738 = arith.constant 688 : index
      %get3A_739 = tpu.vector_load %arg7[%get3A_737, %get3A_738] {strides = array<i32>} : memref<64x768xf32, #tpu.memory_space<vmem>>, vector<1x16xf32>,
      %get3A_740 = vector.shape_cast %get3A_739 : vector<1x16xf32> to vector<16xf32>
      %get3A_741 = arith.index_cast %add3A_136 : i32 to index
      %get3A_742 = arith.constant 688 : index
      %get3A_743 = tpu.vector_load %arg8[%get3A_741, %get3A_742] {strides = array<i32>} : memref<64x768xf32, #tpu.memory_space<vmem>>, vector<1x16xf32>,
      %get3A_744 = vector.shape_cast %get3A_743 : vector<1x16xf32> to vector<16xf32>
      %add3A_745 = arith.addf %get3A_740, %get3A_744 : vector<16xf32>
      %swap3A_746 = arith.index_cast %add3A_136 : i32 to index
      %swap3A_747 = arith.constant 688 : index
      %swap3A_748 = tpu.vector_load %arg7[%swap3A_746, %swap3A_747] {strides = array<i32>} : memref<64x768xf32, #tpu.memory_space<vmem>>, vector<1x16xf32>,
      %swap3A_749 = vector.shape_cast %swap3A_748 : vector<1x16xf32> to vector<16xf32>
      %swap3A_750 = vector.shape_cast %add3A_745 : vector<16xf32> to vector<1x16xf32>
      tpu.vector_store %arg7[%swap3A_746, %swap3A_747], %swap3A_750 {strides = array<i32>} : memref<64x768xf32, #tpu.memory_space<vmem>>, vector<1x16xf32>,
      %get3A_751 = arith.index_cast %add3A_136 : i32 to index
      %get3A_752 = arith.constant 704 : index
      %get3A_753 = tpu.vector_load %arg7[%get3A_751, %get3A_752] {strides = array<i32>} : memref<64x768xf32, #tpu.memory_space<vmem>>, vector<1x16xf32>,
      %get3A_754 = vector.shape_cast %get3A_753 : vector<1x16xf32> to vector<16xf32>
      %get3A_755 = arith.index_cast %add3A_136 : i32 to index
      %get3A_756 = arith.constant 704 : index
      %get3A_757 = tpu.vector_load %arg8[%get3A_755, %get3A_756] {strides = array<i32>} : memref<64x768xf32, #tpu.memory_space<vmem>>, vector<1x16xf32>,
      %get3A_758 = vector.shape_cast %get3A_757 : vector<1x16xf32> to vector<16xf32>
      %add3A_759 = arith.addf %get3A_754, %get3A_758 : vector<16xf32>
      %swap3A_760 = arith.index_cast %add3A_136 : i32 to index
      %swap3A_761 = arith.constant 704 : index
      %swap3A_762 = tpu.vector_load %arg7[%swap3A_760, %swap3A_761] {strides = array<i32>} : memref<64x768xf32, #tpu.memory_space<vmem>>, vector<1x16xf32>,
      %swap3A_763 = vector.shape_cast %swap3A_762 : vector<1x16xf32> to vector<16xf32>
      %swap3A_764 = vector.shape_cast %add3A_759 : vector<16xf32> to vector<1x16xf32>
      tpu.vector_store %arg7[%swap3A_760, %swap3A_761], %swap3A_764 {strides = array<i32>} : memref<64x768xf32, #tpu.memory_space<vmem>>, vector<1x16xf32>,
      %get3A_765 = arith.index_cast %add3A_136 : i32 to index
      %get3A_766 = arith.constant 720 : index
      %get3A_767 = tpu.vector_load %arg7[%get3A_765, %get3A_766] {strides = array<i32>} : memref<64x768xf32, #tpu.memory_space<vmem>>, vector<1x16xf32>,
      %get3A_768 = vector.shape_cast %get3A_767 : vector<1x16xf32> to vector<16xf32>
      %get3A_769 = arith.index_cast %add3A_136 : i32 to index
      %get3A_770 = arith.constant 720 : index
      %get3A_771 = tpu.vector_load %arg8[%get3A_769, %get3A_770] {strides = array<i32>} : memref<64x768xf32, #tpu.memory_space<vmem>>, vector<1x16xf32>,
      %get3A_772 = vector.shape_cast %get3A_771 : vector<1x16xf32> to vector<16xf32>
      %add3A_773 = arith.addf %get3A_768, %get3A_772 : vector<16xf32>
      %swap3A_774 = arith.index_cast %add3A_136 : i32 to index
      %swap3A_775 = arith.constant 720 : index
      %swap3A_776 = tpu.vector_load %arg7[%swap3A_774, %swap3A_775] {strides = array<i32>} : memref<64x768xf32, #tpu.memory_space<vmem>>, vector<1x16xf32>,
      %swap3A_777 = vector.shape_cast %swap3A_776 : vector<1x16xf32> to vector<16xf32>
      %swap3A_778 = vector.shape_cast %add3A_773 : vector<16xf32> to vector<1x16xf32>
      tpu.vector_store %arg7[%swap3A_774, %swap3A_775], %swap3A_778 {strides = array<i32>} : memref<64x768xf32, #tpu.memory_space<vmem>>, vector<1x16xf32>,
      %get3A_779 = arith.index_cast %add3A_136 : i32 to index
      %get3A_780 = arith.constant 736 : index
      %get3A_781 = tpu.vector_load %arg7[%get3A_779, %get3A_780] {strides = array<i32>} : memref<64x768xf32, #tpu.memory_space<vmem>>, vector<1x16xf32>,
      %get3A_782 = vector.shape_cast %get3A_781 : vector<1x16xf32> to vector<16xf32>
      %get3A_783 = arith.index_cast %add3A_136 : i32 to index
      %get3A_784 = arith.constant 736 : index
      %get3A_785 = tpu.vector_load %arg8[%get3A_783, %get3A_784] {strides = array<i32>} : memref<64x768xf32, #tpu.memory_space<vmem>>, vector<1x16xf32>,
      %get3A_786 = vector.shape_cast %get3A_785 : vector<1x16xf32> to vector<16xf32>
      %add3A_787 = arith.addf %get3A_782, %get3A_786 : vector<16xf32>
      %swap3A_788 = arith.index_cast %add3A_136 : i32 to index
      %swap3A_789 = arith.constant 736 : index
      %swap3A_790 = tpu.vector_load %arg7[%swap3A_788, %swap3A_789] {strides = array<i32>} : memref<64x768xf32, #tpu.memory_space<vmem>>, vector<1x16xf32>,
      %swap3A_791 = vector.shape_cast %swap3A_790 : vector<1x16xf32> to vector<16xf32>
      %swap3A_792 = vector.shape_cast %add3A_787 : vector<16xf32> to vector<1x16xf32>
      tpu.vector_store %arg7[%swap3A_788, %swap3A_789], %swap3A_792 {strides = array<i32>} : memref<64x768xf32, #tpu.memory_space<vmem>>, vector<1x16xf32>,
      %get3A_793 = arith.index_cast %add3A_136 : i32 to index
      %get3A_794 = arith.constant 752 : index
      %get3A_795 = tpu.vector_load %arg7[%get3A_793, %get3A_794] {strides = array<i32>} : memref<64x768xf32, #tpu.memory_space<vmem>>, vector<1x16xf32>,
      %get3A_796 = vector.shape_cast %get3A_795 : vector<1x16xf32> to vector<16xf32>
      %get3A_797 = arith.index_cast %add3A_136 : i32 to index
      %get3A_798 = arith.constant 752 : index
      %get3A_799 = tpu.vector_load %arg8[%get3A_797, %get3A_798] {strides = array<i32>} : memref<64x768xf32, #tpu.memory_space<vmem>>, vector<1x16xf32>,
      %get3A_800 = vector.shape_cast %get3A_799 : vector<1x16xf32> to vector<16xf32>
      %add3A_801 = arith.addf %get3A_796, %get3A_800 : vector<16xf32>
      %swap3A_802 = arith.index_cast %add3A_136 : i32 to index
      %swap3A_803 = arith.constant 752 : index
      %swap3A_804 = tpu.vector_load %arg7[%swap3A_802, %swap3A_803] {strides = array<i32>} : memref<64x768xf32, #tpu.memory_space<vmem>>, vector<1x16xf32>,
      %swap3A_805 = vector.shape_cast %swap3A_804 : vector<1x16xf32> to vector<16xf32>
      %swap3A_806 = vector.shape_cast %add3A_801 : vector<16xf32> to vector<1x16xf32>
      tpu.vector_store %arg7[%swap3A_802, %swap3A_803], %swap3A_806 {strides = array<i32>} : memref<64x768xf32, #tpu.memory_space<vmem>>, vector<1x16xf32>,
    }
    %scan3A_114 = arith.constant 64 : i32
    "tpu.region"() ({
      %run_scoped3A = tpu.sem_alloc : memref<!tpu.dma_semaphore, #tpu.memory_space<semaphore_mem>>
      %dma_start3A_132 = arith.constant 0 : i32
      %dma_start3A_133 = tpu.memref_slice %arg5[%add3A_104, %dma_start3A_132] : memref<8192x768xf32, #tpu.memory_space<hbm>> -> memref<64x768xf32, #tpu.memory_space<hbm>>
      %dma_start3A_134 = arith.constant 0 : i32
      %dma_start3A_135 = tpu.memref_slice %arg5[%add3A_104, %dma_start3A_134] : memref<8192x768xf32, #tpu.memory_space<hbm>> -> memref<64x768xf32, #tpu.memory_space<hbm>>
      tpu.enqueue_dma source(%arg7 : memref<64x768xf32, #tpu.memory_space<vmem>>) target(%dma_start3A_135 : memref<64x768xf32, #tpu.memory_space<hbm>>) target_semaphore(%run_scoped3A : memref<!tpu.dma_semaphore, #tpu.memory_space<semaphore_mem>>)
      %dma_wait3A_136 = arith.constant 0 : i32
      %dma_wait3A_137 = tpu.memref_slice %arg5[%add3A_104, %dma_wait3A_136] : memref<8192x768xf32, #tpu.memory_space<hbm>> -> memref<64x768xf32, #tpu.memory_space<hbm>>
      %dma_wait3A_138 = arith.constant 0 : i32
      %dma_wait3A_139 = tpu.memref_slice %arg5[%add3A_104, %dma_wait3A_138] : memref<8192x768xf32, #tpu.memory_space<hbm>> -> memref<64x768xf32, #tpu.memory_space<hbm>>
      tpu.wait_dma2 semaphore(%run_scoped3A : memref<!tpu.dma_semaphore, #tpu.memory_space<semaphore_mem>>) src(%arg7 : memref<64x768xf32, #tpu.memory_space<vmem>>) dst(%dma_wait3A_139 : memref<64x768xf32, #tpu.memory_space<hbm>>)
      tpu.yield
    }) : () -> ()
    %dma_start3A_115 = arith.constant 192 : i32
    %dma_start3A_116 = tpu.memref_slice %arg6[%dma_start3A_115] : memref<256xi32, #tpu.memory_space<vmem>> -> memref<64xi32, #tpu.memory_space<vmem>>
    %dma_start3A_117 = arith.constant 0 : i32
    %dma_start3A_118 = arith.constant 0 : i32
    %dma_start3A_119 = tpu.memref_slice %arg3[%dma_start3A_117, %dma_start3A_118] : memref<50257x768xf32, #tpu.memory_space<hbm>> -> memref<50257x768xf32, #tpu.memory_space<hbm>>
    tpu.enqueue_indirect_dma source(%dma_start3A_119 : memref<50257x768xf32, #tpu.memory_space<hbm>>) target(%arg7 : memref<64x768xf32, #tpu.memory_space<vmem>>) offsets(%dma_start3A_116 : memref<64xi32, #tpu.memory_space<vmem>>) semaphore(%arg9 : memref<!tpu.dma_semaphore, #tpu.memory_space<semaphore_mem>>)
    %add3A_120 = arith.constant 6144 : i32
    %add3A_121 = arith.addi %add3A_120, %mul3A_2 : i32
    %dma_wait3A_122 = arith.constant 192 : i32
    %dma_wait3A_123 = tpu.memref_slice %arg6[%dma_wait3A_122] : memref<256xi32, #tpu.memory_space<vmem>> -> memref<64xi32, #tpu.memory_space<vmem>>
    %dma_wait3A_124 = arith.constant 0 : i32
    %dma_wait3A_125 = arith.constant 0 : i32
    %dma_wait3A_126 = tpu.memref_slice %arg3[%dma_wait3A_124, %dma_wait3A_125] : memref<50257x768xf32, #tpu.memory_space<hbm>> -> memref<50257x768xf32, #tpu.memory_space<hbm>>
    tpu.wait_indirect_dma semaphore(%arg9 : memref<!tpu.dma_semaphore, #tpu.memory_space<semaphore_mem>>) src(%dma_wait3A_126 : memref<50257x768xf32, #tpu.memory_space<hbm>>) dst(%arg7 : memref<64x768xf32, #tpu.memory_space<vmem>>)
    %scan3A_127 = arith.constant 0 : i32
    %scan3A_128 = arith.constant 64 : i32
    %scan3A_129 = arith.addi %scan3A_127, %scan3A_128 : i32
    %scan3A_130 = arith.constant 1 : i32
    scf.for %scan3A_132 = %scan3A_127 to %scan3A_129 step %scan3A_130  : i32 {
      %mul3A_133 = arith.constant 1 : i32
      %mul3A_134 = arith.muli %scan3A_132, %mul3A_133 : i32
      %add3A_135 = arith.constant 0 : i32
      %add3A_136 = arith.addi %add3A_135, %mul3A_134 : i32
      %get3A = arith.index_cast %add3A_136 : i32 to index
      %get3A_137 = arith.constant 0 : index
      %get3A_138 = tpu.vector_load %arg7[%get3A, %get3A_137] {strides = array<i32>} : memref<64x768xf32, #tpu.memory_space<vmem>>, vector<1x16xf32>,
      %get3A_139 = vector.shape_cast %get3A_138 : vector<1x16xf32> to vector<16xf32>
      %get3A_140 = arith.index_cast %add3A_136 : i32 to index
      %get3A_141 = arith.constant 0 : index
      %get3A_142 = tpu.vector_load %arg8[%get3A_140, %get3A_141] {strides = array<i32>} : memref<64x768xf32, #tpu.memory_space<vmem>>, vector<1x16xf32>,
      %get3A_143 = vector.shape_cast %get3A_142 : vector<1x16xf32> to vector<16xf32>
      %add3A_144 = arith.addf %get3A_139, %get3A_143 : vector<16xf32>
      %swap3A = arith.index_cast %add3A_136 : i32 to index
      %swap3A_145 = arith.constant 0 : index
      %swap3A_146 = tpu.vector_load %arg7[%swap3A, %swap3A_145] {strides = array<i32>} : memref<64x768xf32, #tpu.memory_space<vmem>>, vector<1x16xf32>,
      %swap3A_147 = vector.shape_cast %swap3A_146 : vector<1x16xf32> to vector<16xf32>
      %swap3A_148 = vector.shape_cast %add3A_144 : vector<16xf32> to vector<1x16xf32>
      tpu.vector_store %arg7[%swap3A, %swap3A_145], %swap3A_148 {strides = array<i32>} : memref<64x768xf32, #tpu.memory_space<vmem>>, vector<1x16xf32>,
      %get3A_149 = arith.index_cast %add3A_136 : i32 to index
      %get3A_150 = arith.constant 16 : index
      %get3A_151 = tpu.vector_load %arg7[%get3A_149, %get3A_150] {strides = array<i32>} : memref<64x768xf32, #tpu.memory_space<vmem>>, vector<1x16xf32>,
      %get3A_152 = vector.shape_cast %get3A_151 : vector<1x16xf32> to vector<16xf32>
      %get3A_153 = arith.index_cast %add3A_136 : i32 to index
      %get3A_154 = arith.constant 16 : index
      %get3A_155 = tpu.vector_load %arg8[%get3A_153, %get3A_154] {strides = array<i32>} : memref<64x768xf32, #tpu.memory_space<vmem>>, vector<1x16xf32>,
      %get3A_156 = vector.shape_cast %get3A_155 : vector<1x16xf32> to vector<16xf32>
      %add3A_157 = arith.addf %get3A_152, %get3A_156 : vector<16xf32>
      %swap3A_158 = arith.index_cast %add3A_136 : i32 to index
      %swap3A_159 = arith.constant 16 : index
      %swap3A_160 = tpu.vector_load %arg7[%swap3A_158, %swap3A_159] {strides = array<i32>} : memref<64x768xf32, #tpu.memory_space<vmem>>, vector<1x16xf32>,
      %swap3A_161 = vector.shape_cast %swap3A_160 : vector<1x16xf32> to vector<16xf32>
      %swap3A_162 = vector.shape_cast %add3A_157 : vector<16xf32> to vector<1x16xf32>
      tpu.vector_store %arg7[%swap3A_158, %swap3A_159], %swap3A_162 {strides = array<i32>} : memref<64x768xf32, #tpu.memory_space<vmem>>, vector<1x16xf32>,
      %get3A_163 = arith.index_cast %add3A_136 : i32 to index
      %get3A_164 = arith.constant 32 : index
      %get3A_165 = tpu.vector_load %arg7[%get3A_163, %get3A_164] {strides = array<i32>} : memref<64x768xf32, #tpu.memory_space<vmem>>, vector<1x16xf32>,
      %get3A_166 = vector.shape_cast %get3A_165 : vector<1x16xf32> to vector<16xf32>
      %get3A_167 = arith.index_cast %add3A_136 : i32 to index
      %get3A_168 = arith.constant 32 : index
      %get3A_169 = tpu.vector_load %arg8[%get3A_167, %get3A_168] {strides = array<i32>} : memref<64x768xf32, #tpu.memory_space<vmem>>, vector<1x16xf32>,
      %get3A_170 = vector.shape_cast %get3A_169 : vector<1x16xf32> to vector<16xf32>
      %add3A_171 = arith.addf %get3A_166, %get3A_170 : vector<16xf32>
      %swap3A_172 = arith.index_cast %add3A_136 : i32 to index
      %swap3A_173 = arith.constant 32 : index
      %swap3A_174 = tpu.vector_load %arg7[%swap3A_172, %swap3A_173] {strides = array<i32>} : memref<64x768xf32, #tpu.memory_space<vmem>>, vector<1x16xf32>,
      %swap3A_175 = vector.shape_cast %swap3A_174 : vector<1x16xf32> to vector<16xf32>
      %swap3A_176 = vector.shape_cast %add3A_171 : vector<16xf32> to vector<1x16xf32>
      tpu.vector_store %arg7[%swap3A_172, %swap3A_173], %swap3A_176 {strides = array<i32>} : memref<64x768xf32, #tpu.memory_space<vmem>>, vector<1x16xf32>,
      %get3A_177 = arith.index_cast %add3A_136 : i32 to index
      %get3A_178 = arith.constant 48 : index
      %get3A_179 = tpu.vector_load %arg7[%get3A_177, %get3A_178] {strides = array<i32>} : memref<64x768xf32, #tpu.memory_space<vmem>>, vector<1x16xf32>,
      %get3A_180 = vector.shape_cast %get3A_179 : vector<1x16xf32> to vector<16xf32>
      %get3A_181 = arith.index_cast %add3A_136 : i32 to index
      %get3A_182 = arith.constant 48 : index
      %get3A_183 = tpu.vector_load %arg8[%get3A_181, %get3A_182] {strides = array<i32>} : memref<64x768xf32, #tpu.memory_space<vmem>>, vector<1x16xf32>,
      %get3A_184 = vector.shape_cast %get3A_183 : vector<1x16xf32> to vector<16xf32>
      %add3A_185 = arith.addf %get3A_180, %get3A_184 : vector<16xf32>
      %swap3A_186 = arith.index_cast %add3A_136 : i32 to index
      %swap3A_187 = arith.constant 48 : index
      %swap3A_188 = tpu.vector_load %arg7[%swap3A_186, %swap3A_187] {strides = array<i32>} : memref<64x768xf32, #tpu.memory_space<vmem>>, vector<1x16xf32>,
      %swap3A_189 = vector.shape_cast %swap3A_188 : vector<1x16xf32> to vector<16xf32>
      %swap3A_190 = vector.shape_cast %add3A_185 : vector<16xf32> to vector<1x16xf32>
      tpu.vector_store %arg7[%swap3A_186, %swap3A_187], %swap3A_190 {strides = array<i32>} : memref<64x768xf32, #tpu.memory_space<vmem>>, vector<1x16xf32>,
      %get3A_191 = arith.index_cast %add3A_136 : i32 to index
      %get3A_192 = arith.constant 64 : index
      %get3A_193 = tpu.vector_load %arg7[%get3A_191, %get3A_192] {strides = array<i32>} : memref<64x768xf32, #tpu.memory_space<vmem>>, vector<1x16xf32>,
      %get3A_194 = vector.shape_cast %get3A_193 : vector<1x16xf32> to vector<16xf32>
      %get3A_195 = arith.index_cast %add3A_136 : i32 to index
      %get3A_196 = arith.constant 64 : index
      %get3A_197 = tpu.vector_load %arg8[%get3A_195, %get3A_196] {strides = array<i32>} : memref<64x768xf32, #tpu.memory_space<vmem>>, vector<1x16xf32>,
      %get3A_198 = vector.shape_cast %get3A_197 : vector<1x16xf32> to vector<16xf32>
      %add3A_199 = arith.addf %get3A_194, %get3A_198 : vector<16xf32>
      %swap3A_200 = arith.index_cast %add3A_136 : i32 to index
      %swap3A_201 = arith.constant 64 : index
      %swap3A_202 = tpu.vector_load %arg7[%swap3A_200, %swap3A_201] {strides = array<i32>} : memref<64x768xf32, #tpu.memory_space<vmem>>, vector<1x16xf32>,
      %swap3A_203 = vector.shape_cast %swap3A_202 : vector<1x16xf32> to vector<16xf32>
      %swap3A_204 = vector.shape_cast %add3A_199 : vector<16xf32> to vector<1x16xf32>
      tpu.vector_store %arg7[%swap3A_200, %swap3A_201], %swap3A_204 {strides = array<i32>} : memref<64x768xf32, #tpu.memory_space<vmem>>, vector<1x16xf32>,
      %get3A_205 = arith.index_cast %add3A_136 : i32 to index
      %get3A_206 = arith.constant 80 : index
      %get3A_207 = tpu.vector_load %arg7[%get3A_205, %get3A_206] {strides = array<i32>} : memref<64x768xf32, #tpu.memory_space<vmem>>, vector<1x16xf32>,
      %get3A_208 = vector.shape_cast %get3A_207 : vector<1x16xf32> to vector<16xf32>
      %get3A_209 = arith.index_cast %add3A_136 : i32 to index
      %get3A_210 = arith.constant 80 : index
      %get3A_211 = tpu.vector_load %arg8[%get3A_209, %get3A_210] {strides = array<i32>} : memref<64x768xf32, #tpu.memory_space<vmem>>, vector<1x16xf32>,
      %get3A_212 = vector.shape_cast %get3A_211 : vector<1x16xf32> to vector<16xf32>
      %add3A_213 = arith.addf %get3A_208, %get3A_212 : vector<16xf32>
      %swap3A_214 = arith.index_cast %add3A_136 : i32 to index
      %swap3A_215 = arith.constant 80 : index
      %swap3A_216 = tpu.vector_load %arg7[%swap3A_214, %swap3A_215] {strides = array<i32>} : memref<64x768xf32, #tpu.memory_space<vmem>>, vector<1x16xf32>,
      %swap3A_217 = vector.shape_cast %swap3A_216 : vector<1x16xf32> to vector<16xf32>
      %swap3A_218 = vector.shape_cast %add3A_213 : vector<16xf32> to vector<1x16xf32>
      tpu.vector_store %arg7[%swap3A_214, %swap3A_215], %swap3A_218 {strides = array<i32>} : memref<64x768xf32, #tpu.memory_space<vmem>>, vector<1x16xf32>,
      %get3A_219 = arith.index_cast %add3A_136 : i32 to index
      %get3A_220 = arith.constant 96 : index
      %get3A_221 = tpu.vector_load %arg7[%get3A_219, %get3A_220] {strides = array<i32>} : memref<64x768xf32, #tpu.memory_space<vmem>>, vector<1x16xf32>,
      %get3A_222 = vector.shape_cast %get3A_221 : vector<1x16xf32> to vector<16xf32>
      %get3A_223 = arith.index_cast %add3A_136 : i32 to index
      %get3A_224 = arith.constant 96 : index
      %get3A_225 = tpu.vector_load %arg8[%get3A_223, %get3A_224] {strides = array<i32>} : memref<64x768xf32, #tpu.memory_space<vmem>>, vector<1x16xf32>,
      %get3A_226 = vector.shape_cast %get3A_225 : vector<1x16xf32> to vector<16xf32>
      %add3A_227 = arith.addf %get3A_222, %get3A_226 : vector<16xf32>
      %swap3A_228 = arith.index_cast %add3A_136 : i32 to index
      %swap3A_229 = arith.constant 96 : index
      %swap3A_230 = tpu.vector_load %arg7[%swap3A_228, %swap3A_229] {strides = array<i32>} : memref<64x768xf32, #tpu.memory_space<vmem>>, vector<1x16xf32>,
      %swap3A_231 = vector.shape_cast %swap3A_230 : vector<1x16xf32> to vector<16xf32>
      %swap3A_232 = vector.shape_cast %add3A_227 : vector<16xf32> to vector<1x16xf32>
      tpu.vector_store %arg7[%swap3A_228, %swap3A_229], %swap3A_232 {strides = array<i32>} : memref<64x768xf32, #tpu.memory_space<vmem>>, vector<1x16xf32>,
      %get3A_233 = arith.index_cast %add3A_136 : i32 to index
      %get3A_234 = arith.constant 112 : index
      %get3A_235 = tpu.vector_load %arg7[%get3A_233, %get3A_234] {strides = array<i32>} : memref<64x768xf32, #tpu.memory_space<vmem>>, vector<1x16xf32>,
      %get3A_236 = vector.shape_cast %get3A_235 : vector<1x16xf32> to vector<16xf32>
      %get3A_237 = arith.index_cast %add3A_136 : i32 to index
      %get3A_238 = arith.constant 112 : index
      %get3A_239 = tpu.vector_load %arg8[%get3A_237, %get3A_238] {strides = array<i32>} : memref<64x768xf32, #tpu.memory_space<vmem>>, vector<1x16xf32>,
      %get3A_240 = vector.shape_cast %get3A_239 : vector<1x16xf32> to vector<16xf32>
      %add3A_241 = arith.addf %get3A_236, %get3A_240 : vector<16xf32>
      %swap3A_242 = arith.index_cast %add3A_136 : i32 to index
      %swap3A_243 = arith.constant 112 : index
      %swap3A_244 = tpu.vector_load %arg7[%swap3A_242, %swap3A_243] {strides = array<i32>} : memref<64x768xf32, #tpu.memory_space<vmem>>, vector<1x16xf32>,
      %swap3A_245 = vector.shape_cast %swap3A_244 : vector<1x16xf32> to vector<16xf32>
      %swap3A_246 = vector.shape_cast %add3A_241 : vector<16xf32> to vector<1x16xf32>
      tpu.vector_store %arg7[%swap3A_242, %swap3A_243], %swap3A_246 {strides = array<i32>} : memref<64x768xf32, #tpu.memory_space<vmem>>, vector<1x16xf32>,
      %get3A_247 = arith.index_cast %add3A_136 : i32 to index
      %get3A_248 = arith.constant 128 : index
      %get3A_249 = tpu.vector_load %arg7[%get3A_247, %get3A_248] {strides = array<i32>} : memref<64x768xf32, #tpu.memory_space<vmem>>, vector<1x16xf32>,
      %get3A_250 = vector.shape_cast %get3A_249 : vector<1x16xf32> to vector<16xf32>
      %get3A_251 = arith.index_cast %add3A_136 : i32 to index
      %get3A_252 = arith.constant 128 : index
      %get3A_253 = tpu.vector_load %arg8[%get3A_251, %get3A_252] {strides = array<i32>} : memref<64x768xf32, #tpu.memory_space<vmem>>, vector<1x16xf32>,
      %get3A_254 = vector.shape_cast %get3A_253 : vector<1x16xf32> to vector<16xf32>
      %add3A_255 = arith.addf %get3A_250, %get3A_254 : vector<16xf32>
      %swap3A_256 = arith.index_cast %add3A_136 : i32 to index
      %swap3A_257 = arith.constant 128 : index
      %swap3A_258 = tpu.vector_load %arg7[%swap3A_256, %swap3A_257] {strides = array<i32>} : memref<64x768xf32, #tpu.memory_space<vmem>>, vector<1x16xf32>,
      %swap3A_259 = vector.shape_cast %swap3A_258 : vector<1x16xf32> to vector<16xf32>
      %swap3A_260 = vector.shape_cast %add3A_255 : vector<16xf32> to vector<1x16xf32>
      tpu.vector_store %arg7[%swap3A_256, %swap3A_257], %swap3A_260 {strides = array<i32>} : memref<64x768xf32, #tpu.memory_space<vmem>>, vector<1x16xf32>,
      %get3A_261 = arith.index_cast %add3A_136 : i32 to index
      %get3A_262 = arith.constant 144 : index
      %get3A_263 = tpu.vector_load %arg7[%get3A_261, %get3A_262] {strides = array<i32>} : memref<64x768xf32, #tpu.memory_space<vmem>>, vector<1x16xf32>,
      %get3A_264 = vector.shape_cast %get3A_263 : vector<1x16xf32> to vector<16xf32>
      %get3A_265 = arith.index_cast %add3A_136 : i32 to index
      %get3A_266 = arith.constant 144 : index
      %get3A_267 = tpu.vector_load %arg8[%get3A_265, %get3A_266] {strides = array<i32>} : memref<64x768xf32, #tpu.memory_space<vmem>>, vector<1x16xf32>,
      %get3A_268 = vector.shape_cast %get3A_267 : vector<1x16xf32> to vector<16xf32>
      %add3A_269 = arith.addf %get3A_264, %get3A_268 : vector<16xf32>
      %swap3A_270 = arith.index_cast %add3A_136 : i32 to index
      %swap3A_271 = arith.constant 144 : index
      %swap3A_272 = tpu.vector_load %arg7[%swap3A_270, %swap3A_271] {strides = array<i32>} : memref<64x768xf32, #tpu.memory_space<vmem>>, vector<1x16xf32>,
      %swap3A_273 = vector.shape_cast %swap3A_272 : vector<1x16xf32> to vector<16xf32>
      %swap3A_274 = vector.shape_cast %add3A_269 : vector<16xf32> to vector<1x16xf32>
      tpu.vector_store %arg7[%swap3A_270, %swap3A_271], %swap3A_274 {strides = array<i32>} : memref<64x768xf32, #tpu.memory_space<vmem>>, vector<1x16xf32>,
      %get3A_275 = arith.index_cast %add3A_136 : i32 to index
      %get3A_276 = arith.constant 160 : index
      %get3A_277 = tpu.vector_load %arg7[%get3A_275, %get3A_276] {strides = array<i32>} : memref<64x768xf32, #tpu.memory_space<vmem>>, vector<1x16xf32>,
      %get3A_278 = vector.shape_cast %get3A_277 : vector<1x16xf32> to vector<16xf32>
      %get3A_279 = arith.index_cast %add3A_136 : i32 to index
      %get3A_280 = arith.constant 160 : index
      %get3A_281 = tpu.vector_load %arg8[%get3A_279, %get3A_280] {strides = array<i32>} : memref<64x768xf32, #tpu.memory_space<vmem>>, vector<1x16xf32>,
      %get3A_282 = vector.shape_cast %get3A_281 : vector<1x16xf32> to vector<16xf32>
      %add3A_283 = arith.addf %get3A_278, %get3A_282 : vector<16xf32>
      %swap3A_284 = arith.index_cast %add3A_136 : i32 to index
      %swap3A_285 = arith.constant 160 : index
      %swap3A_286 = tpu.vector_load %arg7[%swap3A_284, %swap3A_285] {strides = array<i32>} : memref<64x768xf32, #tpu.memory_space<vmem>>, vector<1x16xf32>,
      %swap3A_287 = vector.shape_cast %swap3A_286 : vector<1x16xf32> to vector<16xf32>
      %swap3A_288 = vector.shape_cast %add3A_283 : vector<16xf32> to vector<1x16xf32>
      tpu.vector_store %arg7[%swap3A_284, %swap3A_285], %swap3A_288 {strides = array<i32>} : memref<64x768xf32, #tpu.memory_space<vmem>>, vector<1x16xf32>,
      %get3A_289 = arith.index_cast %add3A_136 : i32 to index
      %get3A_290 = arith.constant 176 : index
      %get3A_291 = tpu.vector_load %arg7[%get3A_289, %get3A_290] {strides = array<i32>} : memref<64x768xf32, #tpu.memory_space<vmem>>, vector<1x16xf32>,
      %get3A_292 = vector.shape_cast %get3A_291 : vector<1x16xf32> to vector<16xf32>
      %get3A_293 = arith.index_cast %add3A_136 : i32 to index
      %get3A_294 = arith.constant 176 : index
      %get3A_295 = tpu.vector_load %arg8[%get3A_293, %get3A_294] {strides = array<i32>} : memref<64x768xf32, #tpu.memory_space<vmem>>, vector<1x16xf32>,
      %get3A_296 = vector.shape_cast %get3A_295 : vector<1x16xf32> to vector<16xf32>
      %add3A_297 = arith.addf %get3A_292, %get3A_296 : vector<16xf32>
      %swap3A_298 = arith.index_cast %add3A_136 : i32 to index
      %swap3A_299 = arith.constant 176 : index
      %swap3A_300 = tpu.vector_load %arg7[%swap3A_298, %swap3A_299] {strides = array<i32>} : memref<64x768xf32, #tpu.memory_space<vmem>>, vector<1x16xf32>,
      %swap3A_301 = vector.shape_cast %swap3A_300 : vector<1x16xf32> to vector<16xf32>
      %swap3A_302 = vector.shape_cast %add3A_297 : vector<16xf32> to vector<1x16xf32>
      tpu.vector_store %arg7[%swap3A_298, %swap3A_299], %swap3A_302 {strides = array<i32>} : memref<64x768xf32, #tpu.memory_space<vmem>>, vector<1x16xf32>,
      %get3A_303 = arith.index_cast %add3A_136 : i32 to index
      %get3A_304 = arith.constant 192 : index
      %get3A_305 = tpu.vector_load %arg7[%get3A_303, %get3A_304] {strides = array<i32>} : memref<64x768xf32, #tpu.memory_space<vmem>>, vector<1x16xf32>,
      %get3A_306 = vector.shape_cast %get3A_305 : vector<1x16xf32> to vector<16xf32>
      %get3A_307 = arith.index_cast %add3A_136 : i32 to index
      %get3A_308 = arith.constant 192 : index
      %get3A_309 = tpu.vector_load %arg8[%get3A_307, %get3A_308] {strides = array<i32>} : memref<64x768xf32, #tpu.memory_space<vmem>>, vector<1x16xf32>,
      %get3A_310 = vector.shape_cast %get3A_309 : vector<1x16xf32> to vector<16xf32>
      %add3A_311 = arith.addf %get3A_306, %get3A_310 : vector<16xf32>
      %swap3A_312 = arith.index_cast %add3A_136 : i32 to index
      %swap3A_313 = arith.constant 192 : index
      %swap3A_314 = tpu.vector_load %arg7[%swap3A_312, %swap3A_313] {strides = array<i32>} : memref<64x768xf32, #tpu.memory_space<vmem>>, vector<1x16xf32>,
      %swap3A_315 = vector.shape_cast %swap3A_314 : vector<1x16xf32> to vector<16xf32>
      %swap3A_316 = vector.shape_cast %add3A_311 : vector<16xf32> to vector<1x16xf32>
      tpu.vector_store %arg7[%swap3A_312, %swap3A_313], %swap3A_316 {strides = array<i32>} : memref<64x768xf32, #tpu.memory_space<vmem>>, vector<1x16xf32>,
      %get3A_317 = arith.index_cast %add3A_136 : i32 to index
      %get3A_318 = arith.constant 208 : index
      %get3A_319 = tpu.vector_load %arg7[%get3A_317, %get3A_318] {strides = array<i32>} : memref<64x768xf32, #tpu.memory_space<vmem>>, vector<1x16xf32>,
      %get3A_320 = vector.shape_cast %get3A_319 : vector<1x16xf32> to vector<16xf32>
      %get3A_321 = arith.index_cast %add3A_136 : i32 to index
      %get3A_322 = arith.constant 208 : index
      %get3A_323 = tpu.vector_load %arg8[%get3A_321, %get3A_322] {strides = array<i32>} : memref<64x768xf32, #tpu.memory_space<vmem>>, vector<1x16xf32>,
      %get3A_324 = vector.shape_cast %get3A_323 : vector<1x16xf32> to vector<16xf32>
      %add3A_325 = arith.addf %get3A_320, %get3A_324 : vector<16xf32>
      %swap3A_326 = arith.index_cast %add3A_136 : i32 to index
      %swap3A_327 = arith.constant 208 : index
      %swap3A_328 = tpu.vector_load %arg7[%swap3A_326, %swap3A_327] {strides = array<i32>} : memref<64x768xf32, #tpu.memory_space<vmem>>, vector<1x16xf32>,
      %swap3A_329 = vector.shape_cast %swap3A_328 : vector<1x16xf32> to vector<16xf32>
      %swap3A_330 = vector.shape_cast %add3A_325 : vector<16xf32> to vector<1x16xf32>
      tpu.vector_store %arg7[%swap3A_326, %swap3A_327], %swap3A_330 {strides = array<i32>} : memref<64x768xf32, #tpu.memory_space<vmem>>, vector<1x16xf32>,
      %get3A_331 = arith.index_cast %add3A_136 : i32 to index
      %get3A_332 = arith.constant 224 : index
      %get3A_333 = tpu.vector_load %arg7[%get3A_331, %get3A_332] {strides = array<i32>} : memref<64x768xf32, #tpu.memory_space<vmem>>, vector<1x16xf32>,
      %get3A_334 = vector.shape_cast %get3A_333 : vector<1x16xf32> to vector<16xf32>
      %get3A_335 = arith.index_cast %add3A_136 : i32 to index
      %get3A_336 = arith.constant 224 : index
      %get3A_337 = tpu.vector_load %arg8[%get3A_335, %get3A_336] {strides = array<i32>} : memref<64x768xf32, #tpu.memory_space<vmem>>, vector<1x16xf32>,
      %get3A_338 = vector.shape_cast %get3A_337 : vector<1x16xf32> to vector<16xf32>
      %add3A_339 = arith.addf %get3A_334, %get3A_338 : vector<16xf32>
      %swap3A_340 = arith.index_cast %add3A_136 : i32 to index
      %swap3A_341 = arith.constant 224 : index
      %swap3A_342 = tpu.vector_load %arg7[%swap3A_340, %swap3A_341] {strides = array<i32>} : memref<64x768xf32, #tpu.memory_space<vmem>>, vector<1x16xf32>,
      %swap3A_343 = vector.shape_cast %swap3A_342 : vector<1x16xf32> to vector<16xf32>
      %swap3A_344 = vector.shape_cast %add3A_339 : vector<16xf32> to vector<1x16xf32>
      tpu.vector_store %arg7[%swap3A_340, %swap3A_341], %swap3A_344 {strides = array<i32>} : memref<64x768xf32, #tpu.memory_space<vmem>>, vector<1x16xf32>,
      %get3A_345 = arith.index_cast %add3A_136 : i32 to index
      %get3A_346 = arith.constant 240 : index
      %get3A_347 = tpu.vector_load %arg7[%get3A_345, %get3A_346] {strides = array<i32>} : memref<64x768xf32, #tpu.memory_space<vmem>>, vector<1x16xf32>,
      %get3A_348 = vector.shape_cast %get3A_347 : vector<1x16xf32> to vector<16xf32>
      %get3A_349 = arith.index_cast %add3A_136 : i32 to index
      %get3A_350 = arith.constant 240 : index
      %get3A_351 = tpu.vector_load %arg8[%get3A_349, %get3A_350] {strides = array<i32>} : memref<64x768xf32, #tpu.memory_space<vmem>>, vector<1x16xf32>,
      %get3A_352 = vector.shape_cast %get3A_351 : vector<1x16xf32> to vector<16xf32>
      %add3A_353 = arith.addf %get3A_348, %get3A_352 : vector<16xf32>
      %swap3A_354 = arith.index_cast %add3A_136 : i32 to index
      %swap3A_355 = arith.constant 240 : index
      %swap3A_356 = tpu.vector_load %arg7[%swap3A_354, %swap3A_355] {strides = array<i32>} : memref<64x768xf32, #tpu.memory_space<vmem>>, vector<1x16xf32>,
      %swap3A_357 = vector.shape_cast %swap3A_356 : vector<1x16xf32> to vector<16xf32>
      %swap3A_358 = vector.shape_cast %add3A_353 : vector<16xf32> to vector<1x16xf32>
      tpu.vector_store %arg7[%swap3A_354, %swap3A_355], %swap3A_358 {strides = array<i32>} : memref<64x768xf32, #tpu.memory_space<vmem>>, vector<1x16xf32>,
      %get3A_359 = arith.index_cast %add3A_136 : i32 to index
      %get3A_360 = arith.constant 256 : index
      %get3A_361 = tpu.vector_load %arg7[%get3A_359, %get3A_360] {strides = array<i32>} : memref<64x768xf32, #tpu.memory_space<vmem>>, vector<1x16xf32>,
      %get3A_362 = vector.shape_cast %get3A_361 : vector<1x16xf32> to vector<16xf32>
      %get3A_363 = arith.index_cast %add3A_136 : i32 to index
      %get3A_364 = arith.constant 256 : index
      %get3A_365 = tpu.vector_load %arg8[%get3A_363, %get3A_364] {strides = array<i32>} : memref<64x768xf32, #tpu.memory_space<vmem>>, vector<1x16xf32>,
      %get3A_366 = vector.shape_cast %get3A_365 : vector<1x16xf32> to vector<16xf32>
      %add3A_367 = arith.addf %get3A_362, %get3A_366 : vector<16xf32>
      %swap3A_368 = arith.index_cast %add3A_136 : i32 to index
      %swap3A_369 = arith.constant 256 : index
      %swap3A_370 = tpu.vector_load %arg7[%swap3A_368, %swap3A_369] {strides = array<i32>} : memref<64x768xf32, #tpu.memory_space<vmem>>, vector<1x16xf32>,
      %swap3A_371 = vector.shape_cast %swap3A_370 : vector<1x16xf32> to vector<16xf32>
      %swap3A_372 = vector.shape_cast %add3A_367 : vector<16xf32> to vector<1x16xf32>
      tpu.vector_store %arg7[%swap3A_368, %swap3A_369], %swap3A_372 {strides = array<i32>} : memref<64x768xf32, #tpu.memory_space<vmem>>, vector<1x16xf32>,
      %get3A_373 = arith.index_cast %add3A_136 : i32 to index
      %get3A_374 = arith.constant 272 : index
      %get3A_375 = tpu.vector_load %arg7[%get3A_373, %get3A_374] {strides = array<i32>} : memref<64x768xf32, #tpu.memory_space<vmem>>, vector<1x16xf32>,
      %get3A_376 = vector.shape_cast %get3A_375 : vector<1x16xf32> to vector<16xf32>
      %get3A_377 = arith.index_cast %add3A_136 : i32 to index
      %get3A_378 = arith.constant 272 : index
      %get3A_379 = tpu.vector_load %arg8[%get3A_377, %get3A_378] {strides = array<i32>} : memref<64x768xf32, #tpu.memory_space<vmem>>, vector<1x16xf32>,
      %get3A_380 = vector.shape_cast %get3A_379 : vector<1x16xf32> to vector<16xf32>
      %add3A_381 = arith.addf %get3A_376, %get3A_380 : vector<16xf32>
      %swap3A_382 = arith.index_cast %add3A_136 : i32 to index
      %swap3A_383 = arith.constant 272 : index
      %swap3A_384 = tpu.vector_load %arg7[%swap3A_382, %swap3A_383] {strides = array<i32>} : memref<64x768xf32, #tpu.memory_space<vmem>>, vector<1x16xf32>,
      %swap3A_385 = vector.shape_cast %swap3A_384 : vector<1x16xf32> to vector<16xf32>
      %swap3A_386 = vector.shape_cast %add3A_381 : vector<16xf32> to vector<1x16xf32>
      tpu.vector_store %arg7[%swap3A_382, %swap3A_383], %swap3A_386 {strides = array<i32>} : memref<64x768xf32, #tpu.memory_space<vmem>>, vector<1x16xf32>,
      %get3A_387 = arith.index_cast %add3A_136 : i32 to index
      %get3A_388 = arith.constant 288 : index
      %get3A_389 = tpu.vector_load %arg7[%get3A_387, %get3A_388] {strides = array<i32>} : memref<64x768xf32, #tpu.memory_space<vmem>>, vector<1x16xf32>,
      %get3A_390 = vector.shape_cast %get3A_389 : vector<1x16xf32> to vector<16xf32>
      %get3A_391 = arith.index_cast %add3A_136 : i32 to index
      %get3A_392 = arith.constant 288 : index
      %get3A_393 = tpu.vector_load %arg8[%get3A_391, %get3A_392] {strides = array<i32>} : memref<64x768xf32, #tpu.memory_space<vmem>>, vector<1x16xf32>,
      %get3A_394 = vector.shape_cast %get3A_393 : vector<1x16xf32> to vector<16xf32>
      %add3A_395 = arith.addf %get3A_390, %get3A_394 : vector<16xf32>
      %swap3A_396 = arith.index_cast %add3A_136 : i32 to index
      %swap3A_397 = arith.constant 288 : index
      %swap3A_398 = tpu.vector_load %arg7[%swap3A_396, %swap3A_397] {strides = array<i32>} : memref<64x768xf32, #tpu.memory_space<vmem>>, vector<1x16xf32>,
      %swap3A_399 = vector.shape_cast %swap3A_398 : vector<1x16xf32> to vector<16xf32>
      %swap3A_400 = vector.shape_cast %add3A_395 : vector<16xf32> to vector<1x16xf32>
      tpu.vector_store %arg7[%swap3A_396, %swap3A_397], %swap3A_400 {strides = array<i32>} : memref<64x768xf32, #tpu.memory_space<vmem>>, vector<1x16xf32>,
      %get3A_401 = arith.index_cast %add3A_136 : i32 to index
      %get3A_402 = arith.constant 304 : index
      %get3A_403 = tpu.vector_load %arg7[%get3A_401, %get3A_402] {strides = array<i32>} : memref<64x768xf32, #tpu.memory_space<vmem>>, vector<1x16xf32>,
      %get3A_404 = vector.shape_cast %get3A_403 : vector<1x16xf32> to vector<16xf32>
      %get3A_405 = arith.index_cast %add3A_136 : i32 to index
      %get3A_406 = arith.constant 304 : index
      %get3A_407 = tpu.vector_load %arg8[%get3A_405, %get3A_406] {strides = array<i32>} : memref<64x768xf32, #tpu.memory_space<vmem>>, vector<1x16xf32>,
      %get3A_408 = vector.shape_cast %get3A_407 : vector<1x16xf32> to vector<16xf32>
      %add3A_409 = arith.addf %get3A_404, %get3A_408 : vector<16xf32>
      %swap3A_410 = arith.index_cast %add3A_136 : i32 to index
      %swap3A_411 = arith.constant 304 : index
      %swap3A_412 = tpu.vector_load %arg7[%swap3A_410, %swap3A_411] {strides = array<i32>} : memref<64x768xf32, #tpu.memory_space<vmem>>, vector<1x16xf32>,
      %swap3A_413 = vector.shape_cast %swap3A_412 : vector<1x16xf32> to vector<16xf32>
      %swap3A_414 = vector.shape_cast %add3A_409 : vector<16xf32> to vector<1x16xf32>
      tpu.vector_store %arg7[%swap3A_410, %swap3A_411], %swap3A_414 {strides = array<i32>} : memref<64x768xf32, #tpu.memory_space<vmem>>, vector<1x16xf32>,
      %get3A_415 = arith.index_cast %add3A_136 : i32 to index
      %get3A_416 = arith.constant 320 : index
      %get3A_417 = tpu.vector_load %arg7[%get3A_415, %get3A_416] {strides = array<i32>} : memref<64x768xf32, #tpu.memory_space<vmem>>, vector<1x16xf32>,
      %get3A_418 = vector.shape_cast %get3A_417 : vector<1x16xf32> to vector<16xf32>
      %get3A_419 = arith.index_cast %add3A_136 : i32 to index
      %get3A_420 = arith.constant 320 : index
      %get3A_421 = tpu.vector_load %arg8[%get3A_419, %get3A_420] {strides = array<i32>} : memref<64x768xf32, #tpu.memory_space<vmem>>, vector<1x16xf32>,
      %get3A_422 = vector.shape_cast %get3A_421 : vector<1x16xf32> to vector<16xf32>
      %add3A_423 = arith.addf %get3A_418, %get3A_422 : vector<16xf32>
      %swap3A_424 = arith.index_cast %add3A_136 : i32 to index
      %swap3A_425 = arith.constant 320 : index
      %swap3A_426 = tpu.vector_load %arg7[%swap3A_424, %swap3A_425] {strides = array<i32>} : memref<64x768xf32, #tpu.memory_space<vmem>>, vector<1x16xf32>,
      %swap3A_427 = vector.shape_cast %swap3A_426 : vector<1x16xf32> to vector<16xf32>
      %swap3A_428 = vector.shape_cast %add3A_423 : vector<16xf32> to vector<1x16xf32>
      tpu.vector_store %arg7[%swap3A_424, %swap3A_425], %swap3A_428 {strides = array<i32>} : memref<64x768xf32, #tpu.memory_space<vmem>>, vector<1x16xf32>,
      %get3A_429 = arith.index_cast %add3A_136 : i32 to index
      %get3A_430 = arith.constant 336 : index
      %get3A_431 = tpu.vector_load %arg7[%get3A_429, %get3A_430] {strides = array<i32>} : memref<64x768xf32, #tpu.memory_space<vmem>>, vector<1x16xf32>,
      %get3A_432 = vector.shape_cast %get3A_431 : vector<1x16xf32> to vector<16xf32>
      %get3A_433 = arith.index_cast %add3A_136 : i32 to index
      %get3A_434 = arith.constant 336 : index
      %get3A_435 = tpu.vector_load %arg8[%get3A_433, %get3A_434] {strides = array<i32>} : memref<64x768xf32, #tpu.memory_space<vmem>>, vector<1x16xf32>,
      %get3A_436 = vector.shape_cast %get3A_435 : vector<1x16xf32> to vector<16xf32>
      %add3A_437 = arith.addf %get3A_432, %get3A_436 : vector<16xf32>
      %swap3A_438 = arith.index_cast %add3A_136 : i32 to index
      %swap3A_439 = arith.constant 336 : index
      %swap3A_440 = tpu.vector_load %arg7[%swap3A_438, %swap3A_439] {strides = array<i32>} : memref<64x768xf32, #tpu.memory_space<vmem>>, vector<1x16xf32>,
      %swap3A_441 = vector.shape_cast %swap3A_440 : vector<1x16xf32> to vector<16xf32>
      %swap3A_442 = vector.shape_cast %add3A_437 : vector<16xf32> to vector<1x16xf32>
      tpu.vector_store %arg7[%swap3A_438, %swap3A_439], %swap3A_442 {strides = array<i32>} : memref<64x768xf32, #tpu.memory_space<vmem>>, vector<1x16xf32>,
      %get3A_443 = arith.index_cast %add3A_136 : i32 to index
      %get3A_444 = arith.constant 352 : index
      %get3A_445 = tpu.vector_load %arg7[%get3A_443, %get3A_444] {strides = array<i32>} : memref<64x768xf32, #tpu.memory_space<vmem>>, vector<1x16xf32>,
      %get3A_446 = vector.shape_cast %get3A_445 : vector<1x16xf32> to vector<16xf32>
      %get3A_447 = arith.index_cast %add3A_136 : i32 to index
      %get3A_448 = arith.constant 352 : index
      %get3A_449 = tpu.vector_load %arg8[%get3A_447, %get3A_448] {strides = array<i32>} : memref<64x768xf32, #tpu.memory_space<vmem>>, vector<1x16xf32>,
      %get3A_450 = vector.shape_cast %get3A_449 : vector<1x16xf32> to vector<16xf32>
      %add3A_451 = arith.addf %get3A_446, %get3A_450 : vector<16xf32>
      %swap3A_452 = arith.index_cast %add3A_136 : i32 to index
      %swap3A_453 = arith.constant 352 : index
      %swap3A_454 = tpu.vector_load %arg7[%swap3A_452, %swap3A_453] {strides = array<i32>} : memref<64x768xf32, #tpu.memory_space<vmem>>, vector<1x16xf32>,
      %swap3A_455 = vector.shape_cast %swap3A_454 : vector<1x16xf32> to vector<16xf32>
      %swap3A_456 = vector.shape_cast %add3A_451 : vector<16xf32> to vector<1x16xf32>
      tpu.vector_store %arg7[%swap3A_452, %swap3A_453], %swap3A_456 {strides = array<i32>} : memref<64x768xf32, #tpu.memory_space<vmem>>, vector<1x16xf32>,
      %get3A_457 = arith.index_cast %add3A_136 : i32 to index
      %get3A_458 = arith.constant 368 : index
      %get3A_459 = tpu.vector_load %arg7[%get3A_457, %get3A_458] {strides = array<i32>} : memref<64x768xf32, #tpu.memory_space<vmem>>, vector<1x16xf32>,
      %get3A_460 = vector.shape_cast %get3A_459 : vector<1x16xf32> to vector<16xf32>
      %get3A_461 = arith.index_cast %add3A_136 : i32 to index
      %get3A_462 = arith.constant 368 : index
      %get3A_463 = tpu.vector_load %arg8[%get3A_461, %get3A_462] {strides = array<i32>} : memref<64x768xf32, #tpu.memory_space<vmem>>, vector<1x16xf32>,
      %get3A_464 = vector.shape_cast %get3A_463 : vector<1x16xf32> to vector<16xf32>
      %add3A_465 = arith.addf %get3A_460, %get3A_464 : vector<16xf32>
      %swap3A_466 = arith.index_cast %add3A_136 : i32 to index
      %swap3A_467 = arith.constant 368 : index
      %swap3A_468 = tpu.vector_load %arg7[%swap3A_466, %swap3A_467] {strides = array<i32>} : memref<64x768xf32, #tpu.memory_space<vmem>>, vector<1x16xf32>,
      %swap3A_469 = vector.shape_cast %swap3A_468 : vector<1x16xf32> to vector<16xf32>
      %swap3A_470 = vector.shape_cast %add3A_465 : vector<16xf32> to vector<1x16xf32>
      tpu.vector_store %arg7[%swap3A_466, %swap3A_467], %swap3A_470 {strides = array<i32>} : memref<64x768xf32, #tpu.memory_space<vmem>>, vector<1x16xf32>,
      %get3A_471 = arith.index_cast %add3A_136 : i32 to index
      %get3A_472 = arith.constant 384 : index
      %get3A_473 = tpu.vector_load %arg7[%get3A_471, %get3A_472] {strides = array<i32>} : memref<64x768xf32, #tpu.memory_space<vmem>>, vector<1x16xf32>,
      %get3A_474 = vector.shape_cast %get3A_473 : vector<1x16xf32> to vector<16xf32>
      %get3A_475 = arith.index_cast %add3A_136 : i32 to index
      %get3A_476 = arith.constant 384 : index
      %get3A_477 = tpu.vector_load %arg8[%get3A_475, %get3A_476] {strides = array<i32>} : memref<64x768xf32, #tpu.memory_space<vmem>>, vector<1x16xf32>,
      %get3A_478 = vector.shape_cast %get3A_477 : vector<1x16xf32> to vector<16xf32>
      %add3A_479 = arith.addf %get3A_474, %get3A_478 : vector<16xf32>
      %swap3A_480 = arith.index_cast %add3A_136 : i32 to index
      %swap3A_481 = arith.constant 384 : index
      %swap3A_482 = tpu.vector_load %arg7[%swap3A_480, %swap3A_481] {strides = array<i32>} : memref<64x768xf32, #tpu.memory_space<vmem>>, vector<1x16xf32>,
      %swap3A_483 = vector.shape_cast %swap3A_482 : vector<1x16xf32> to vector<16xf32>
      %swap3A_484 = vector.shape_cast %add3A_479 : vector<16xf32> to vector<1x16xf32>
      tpu.vector_store %arg7[%swap3A_480, %swap3A_481], %swap3A_484 {strides = array<i32>} : memref<64x768xf32, #tpu.memory_space<vmem>>, vector<1x16xf32>,
      %get3A_485 = arith.index_cast %add3A_136 : i32 to index
      %get3A_486 = arith.constant 400 : index
      %get3A_487 = tpu.vector_load %arg7[%get3A_485, %get3A_486] {strides = array<i32>} : memref<64x768xf32, #tpu.memory_space<vmem>>, vector<1x16xf32>,
      %get3A_488 = vector.shape_cast %get3A_487 : vector<1x16xf32> to vector<16xf32>
      %get3A_489 = arith.index_cast %add3A_136 : i32 to index
      %get3A_490 = arith.constant 400 : index
      %get3A_491 = tpu.vector_load %arg8[%get3A_489, %get3A_490] {strides = array<i32>} : memref<64x768xf32, #tpu.memory_space<vmem>>, vector<1x16xf32>,
      %get3A_492 = vector.shape_cast %get3A_491 : vector<1x16xf32> to vector<16xf32>
      %add3A_493 = arith.addf %get3A_488, %get3A_492 : vector<16xf32>
      %swap3A_494 = arith.index_cast %add3A_136 : i32 to index
      %swap3A_495 = arith.constant 400 : index
      %swap3A_496 = tpu.vector_load %arg7[%swap3A_494, %swap3A_495] {strides = array<i32>} : memref<64x768xf32, #tpu.memory_space<vmem>>, vector<1x16xf32>,
      %swap3A_497 = vector.shape_cast %swap3A_496 : vector<1x16xf32> to vector<16xf32>
      %swap3A_498 = vector.shape_cast %add3A_493 : vector<16xf32> to vector<1x16xf32>
      tpu.vector_store %arg7[%swap3A_494, %swap3A_495], %swap3A_498 {strides = array<i32>} : memref<64x768xf32, #tpu.memory_space<vmem>>, vector<1x16xf32>,
      %get3A_499 = arith.index_cast %add3A_136 : i32 to index
      %get3A_500 = arith.constant 416 : index
      %get3A_501 = tpu.vector_load %arg7[%get3A_499, %get3A_500] {strides = array<i32>} : memref<64x768xf32, #tpu.memory_space<vmem>>, vector<1x16xf32>,
      %get3A_502 = vector.shape_cast %get3A_501 : vector<1x16xf32> to vector<16xf32>
      %get3A_503 = arith.index_cast %add3A_136 : i32 to index
      %get3A_504 = arith.constant 416 : index
      %get3A_505 = tpu.vector_load %arg8[%get3A_503, %get3A_504] {strides = array<i32>} : memref<64x768xf32, #tpu.memory_space<vmem>>, vector<1x16xf32>,
      %get3A_506 = vector.shape_cast %get3A_505 : vector<1x16xf32> to vector<16xf32>
      %add3A_507 = arith.addf %get3A_502, %get3A_506 : vector<16xf32>
      %swap3A_508 = arith.index_cast %add3A_136 : i32 to index
      %swap3A_509 = arith.constant 416 : index
      %swap3A_510 = tpu.vector_load %arg7[%swap3A_508, %swap3A_509] {strides = array<i32>} : memref<64x768xf32, #tpu.memory_space<vmem>>, vector<1x16xf32>,
      %swap3A_511 = vector.shape_cast %swap3A_510 : vector<1x16xf32> to vector<16xf32>
      %swap3A_512 = vector.shape_cast %add3A_507 : vector<16xf32> to vector<1x16xf32>
      tpu.vector_store %arg7[%swap3A_508, %swap3A_509], %swap3A_512 {strides = array<i32>} : memref<64x768xf32, #tpu.memory_space<vmem>>, vector<1x16xf32>,
      %get3A_513 = arith.index_cast %add3A_136 : i32 to index
      %get3A_514 = arith.constant 432 : index
      %get3A_515 = tpu.vector_load %arg7[%get3A_513, %get3A_514] {strides = array<i32>} : memref<64x768xf32, #tpu.memory_space<vmem>>, vector<1x16xf32>,
      %get3A_516 = vector.shape_cast %get3A_515 : vector<1x16xf32> to vector<16xf32>
      %get3A_517 = arith.index_cast %add3A_136 : i32 to index
      %get3A_518 = arith.constant 432 : index
      %get3A_519 = tpu.vector_load %arg8[%get3A_517, %get3A_518] {strides = array<i32>} : memref<64x768xf32, #tpu.memory_space<vmem>>, vector<1x16xf32>,
      %get3A_520 = vector.shape_cast %get3A_519 : vector<1x16xf32> to vector<16xf32>
      %add3A_521 = arith.addf %get3A_516, %get3A_520 : vector<16xf32>
      %swap3A_522 = arith.index_cast %add3A_136 : i32 to index
      %swap3A_523 = arith.constant 432 : index
      %swap3A_524 = tpu.vector_load %arg7[%swap3A_522, %swap3A_523] {strides = array<i32>} : memref<64x768xf32, #tpu.memory_space<vmem>>, vector<1x16xf32>,
      %swap3A_525 = vector.shape_cast %swap3A_524 : vector<1x16xf32> to vector<16xf32>
      %swap3A_526 = vector.shape_cast %add3A_521 : vector<16xf32> to vector<1x16xf32>
      tpu.vector_store %arg7[%swap3A_522, %swap3A_523], %swap3A_526 {strides = array<i32>} : memref<64x768xf32, #tpu.memory_space<vmem>>, vector<1x16xf32>,
      %get3A_527 = arith.index_cast %add3A_136 : i32 to index
      %get3A_528 = arith.constant 448 : index
      %get3A_529 = tpu.vector_load %arg7[%get3A_527, %get3A_528] {strides = array<i32>} : memref<64x768xf32, #tpu.memory_space<vmem>>, vector<1x16xf32>,
      %get3A_530 = vector.shape_cast %get3A_529 : vector<1x16xf32> to vector<16xf32>
      %get3A_531 = arith.index_cast %add3A_136 : i32 to index
      %get3A_532 = arith.constant 448 : index
      %get3A_533 = tpu.vector_load %arg8[%get3A_531, %get3A_532] {strides = array<i32>} : memref<64x768xf32, #tpu.memory_space<vmem>>, vector<1x16xf32>,
      %get3A_534 = vector.shape_cast %get3A_533 : vector<1x16xf32> to vector<16xf32>
      %add3A_535 = arith.addf %get3A_530, %get3A_534 : vector<16xf32>
      %swap3A_536 = arith.index_cast %add3A_136 : i32 to index
      %swap3A_537 = arith.constant 448 : index
      %swap3A_538 = tpu.vector_load %arg7[%swap3A_536, %swap3A_537] {strides = array<i32>} : memref<64x768xf32, #tpu.memory_space<vmem>>, vector<1x16xf32>,
      %swap3A_539 = vector.shape_cast %swap3A_538 : vector<1x16xf32> to vector<16xf32>
      %swap3A_540 = vector.shape_cast %add3A_535 : vector<16xf32> to vector<1x16xf32>
      tpu.vector_store %arg7[%swap3A_536, %swap3A_537], %swap3A_540 {strides = array<i32>} : memref<64x768xf32, #tpu.memory_space<vmem>>, vector<1x16xf32>,
      %get3A_541 = arith.index_cast %add3A_136 : i32 to index
      %get3A_542 = arith.constant 464 : index
      %get3A_543 = tpu.vector_load %arg7[%get3A_541, %get3A_542] {strides = array<i32>} : memref<64x768xf32, #tpu.memory_space<vmem>>, vector<1x16xf32>,
      %get3A_544 = vector.shape_cast %get3A_543 : vector<1x16xf32> to vector<16xf32>
      %get3A_545 = arith.index_cast %add3A_136 : i32 to index
      %get3A_546 = arith.constant 464 : index
      %get3A_547 = tpu.vector_load %arg8[%get3A_545, %get3A_546] {strides = array<i32>} : memref<64x768xf32, #tpu.memory_space<vmem>>, vector<1x16xf32>,
      %get3A_548 = vector.shape_cast %get3A_547 : vector<1x16xf32> to vector<16xf32>
      %add3A_549 = arith.addf %get3A_544, %get3A_548 : vector<16xf32>
      %swap3A_550 = arith.index_cast %add3A_136 : i32 to index
      %swap3A_551 = arith.constant 464 : index
      %swap3A_552 = tpu.vector_load %arg7[%swap3A_550, %swap3A_551] {strides = array<i32>} : memref<64x768xf32, #tpu.memory_space<vmem>>, vector<1x16xf32>,
      %swap3A_553 = vector.shape_cast %swap3A_552 : vector<1x16xf32> to vector<16xf32>
      %swap3A_554 = vector.shape_cast %add3A_549 : vector<16xf32> to vector<1x16xf32>
      tpu.vector_store %arg7[%swap3A_550, %swap3A_551], %swap3A_554 {strides = array<i32>} : memref<64x768xf32, #tpu.memory_space<vmem>>, vector<1x16xf32>,
      %get3A_555 = arith.index_cast %add3A_136 : i32 to index
      %get3A_556 = arith.constant 480 : index
      %get3A_557 = tpu.vector_load %arg7[%get3A_555, %get3A_556] {strides = array<i32>} : memref<64x768xf32, #tpu.memory_space<vmem>>, vector<1x16xf32>,
      %get3A_558 = vector.shape_cast %get3A_557 : vector<1x16xf32> to vector<16xf32>
      %get3A_559 = arith.index_cast %add3A_136 : i32 to index
      %get3A_560 = arith.constant 480 : index
      %get3A_561 = tpu.vector_load %arg8[%get3A_559, %get3A_560] {strides = array<i32>} : memref<64x768xf32, #tpu.memory_space<vmem>>, vector<1x16xf32>,
      %get3A_562 = vector.shape_cast %get3A_561 : vector<1x16xf32> to vector<16xf32>
      %add3A_563 = arith.addf %get3A_558, %get3A_562 : vector<16xf32>
      %swap3A_564 = arith.index_cast %add3A_136 : i32 to index
      %swap3A_565 = arith.constant 480 : index
      %swap3A_566 = tpu.vector_load %arg7[%swap3A_564, %swap3A_565] {strides = array<i32>} : memref<64x768xf32, #tpu.memory_space<vmem>>, vector<1x16xf32>,
      %swap3A_567 = vector.shape_cast %swap3A_566 : vector<1x16xf32> to vector<16xf32>
      %swap3A_568 = vector.shape_cast %add3A_563 : vector<16xf32> to vector<1x16xf32>
      tpu.vector_store %arg7[%swap3A_564, %swap3A_565], %swap3A_568 {strides = array<i32>} : memref<64x768xf32, #tpu.memory_space<vmem>>, vector<1x16xf32>,
      %get3A_569 = arith.index_cast %add3A_136 : i32 to index
      %get3A_570 = arith.constant 496 : index
      %get3A_571 = tpu.vector_load %arg7[%get3A_569, %get3A_570] {strides = array<i32>} : memref<64x768xf32, #tpu.memory_space<vmem>>, vector<1x16xf32>,
      %get3A_572 = vector.shape_cast %get3A_571 : vector<1x16xf32> to vector<16xf32>
      %get3A_573 = arith.index_cast %add3A_136 : i32 to index
      %get3A_574 = arith.constant 496 : index
      %get3A_575 = tpu.vector_load %arg8[%get3A_573, %get3A_574] {strides = array<i32>} : memref<64x768xf32, #tpu.memory_space<vmem>>, vector<1x16xf32>,
      %get3A_576 = vector.shape_cast %get3A_575 : vector<1x16xf32> to vector<16xf32>
      %add3A_577 = arith.addf %get3A_572, %get3A_576 : vector<16xf32>
      %swap3A_578 = arith.index_cast %add3A_136 : i32 to index
      %swap3A_579 = arith.constant 496 : index
      %swap3A_580 = tpu.vector_load %arg7[%swap3A_578, %swap3A_579] {strides = array<i32>} : memref<64x768xf32, #tpu.memory_space<vmem>>, vector<1x16xf32>,
      %swap3A_581 = vector.shape_cast %swap3A_580 : vector<1x16xf32> to vector<16xf32>
      %swap3A_582 = vector.shape_cast %add3A_577 : vector<16xf32> to vector<1x16xf32>
      tpu.vector_store %arg7[%swap3A_578, %swap3A_579], %swap3A_582 {strides = array<i32>} : memref<64x768xf32, #tpu.memory_space<vmem>>, vector<1x16xf32>,
      %get3A_583 = arith.index_cast %add3A_136 : i32 to index
      %get3A_584 = arith.constant 512 : index
      %get3A_585 = tpu.vector_load %arg7[%get3A_583, %get3A_584] {strides = array<i32>} : memref<64x768xf32, #tpu.memory_space<vmem>>, vector<1x16xf32>,
      %get3A_586 = vector.shape_cast %get3A_585 : vector<1x16xf32> to vector<16xf32>
      %get3A_587 = arith.index_cast %add3A_136 : i32 to index
      %get3A_588 = arith.constant 512 : index
      %get3A_589 = tpu.vector_load %arg8[%get3A_587, %get3A_588] {strides = array<i32>} : memref<64x768xf32, #tpu.memory_space<vmem>>, vector<1x16xf32>,
      %get3A_590 = vector.shape_cast %get3A_589 : vector<1x16xf32> to vector<16xf32>
      %add3A_591 = arith.addf %get3A_586, %get3A_590 : vector<16xf32>
      %swap3A_592 = arith.index_cast %add3A_136 : i32 to index
      %swap3A_593 = arith.constant 512 : index
      %swap3A_594 = tpu.vector_load %arg7[%swap3A_592, %swap3A_593] {strides = array<i32>} : memref<64x768xf32, #tpu.memory_space<vmem>>, vector<1x16xf32>,
      %swap3A_595 = vector.shape_cast %swap3A_594 : vector<1x16xf32> to vector<16xf32>
      %swap3A_596 = vector.shape_cast %add3A_591 : vector<16xf32> to vector<1x16xf32>
      tpu.vector_store %arg7[%swap3A_592, %swap3A_593], %swap3A_596 {strides = array<i32>} : memref<64x768xf32, #tpu.memory_space<vmem>>, vector<1x16xf32>,
      %get3A_597 = arith.index_cast %add3A_136 : i32 to index
      %get3A_598 = arith.constant 528 : index
      %get3A_599 = tpu.vector_load %arg7[%get3A_597, %get3A_598] {strides = array<i32>} : memref<64x768xf32, #tpu.memory_space<vmem>>, vector<1x16xf32>,
      %get3A_600 = vector.shape_cast %get3A_599 : vector<1x16xf32> to vector<16xf32>
      %get3A_601 = arith.index_cast %add3A_136 : i32 to index
      %get3A_602 = arith.constant 528 : index
      %get3A_603 = tpu.vector_load %arg8[%get3A_601, %get3A_602] {strides = array<i32>} : memref<64x768xf32, #tpu.memory_space<vmem>>, vector<1x16xf32>,
      %get3A_604 = vector.shape_cast %get3A_603 : vector<1x16xf32> to vector<16xf32>
      %add3A_605 = arith.addf %get3A_600, %get3A_604 : vector<16xf32>
      %swap3A_606 = arith.index_cast %add3A_136 : i32 to index
      %swap3A_607 = arith.constant 528 : index
      %swap3A_608 = tpu.vector_load %arg7[%swap3A_606, %swap3A_607] {strides = array<i32>} : memref<64x768xf32, #tpu.memory_space<vmem>>, vector<1x16xf32>,
      %swap3A_609 = vector.shape_cast %swap3A_608 : vector<1x16xf32> to vector<16xf32>
      %swap3A_610 = vector.shape_cast %add3A_605 : vector<16xf32> to vector<1x16xf32>
      tpu.vector_store %arg7[%swap3A_606, %swap3A_607], %swap3A_610 {strides = array<i32>} : memref<64x768xf32, #tpu.memory_space<vmem>>, vector<1x16xf32>,
      %get3A_611 = arith.index_cast %add3A_136 : i32 to index
      %get3A_612 = arith.constant 544 : index
      %get3A_613 = tpu.vector_load %arg7[%get3A_611, %get3A_612] {strides = array<i32>} : memref<64x768xf32, #tpu.memory_space<vmem>>, vector<1x16xf32>,
      %get3A_614 = vector.shape_cast %get3A_613 : vector<1x16xf32> to vector<16xf32>
      %get3A_615 = arith.index_cast %add3A_136 : i32 to index
      %get3A_616 = arith.constant 544 : index
      %get3A_617 = tpu.vector_load %arg8[%get3A_615, %get3A_616] {strides = array<i32>} : memref<64x768xf32, #tpu.memory_space<vmem>>, vector<1x16xf32>,
      %get3A_618 = vector.shape_cast %get3A_617 : vector<1x16xf32> to vector<16xf32>
      %add3A_619 = arith.addf %get3A_614, %get3A_618 : vector<16xf32>
      %swap3A_620 = arith.index_cast %add3A_136 : i32 to index
      %swap3A_621 = arith.constant 544 : index
      %swap3A_622 = tpu.vector_load %arg7[%swap3A_620, %swap3A_621] {strides = array<i32>} : memref<64x768xf32, #tpu.memory_space<vmem>>, vector<1x16xf32>,
      %swap3A_623 = vector.shape_cast %swap3A_622 : vector<1x16xf32> to vector<16xf32>
      %swap3A_624 = vector.shape_cast %add3A_619 : vector<16xf32> to vector<1x16xf32>
      tpu.vector_store %arg7[%swap3A_620, %swap3A_621], %swap3A_624 {strides = array<i32>} : memref<64x768xf32, #tpu.memory_space<vmem>>, vector<1x16xf32>,
      %get3A_625 = arith.index_cast %add3A_136 : i32 to index
      %get3A_626 = arith.constant 560 : index
      %get3A_627 = tpu.vector_load %arg7[%get3A_625, %get3A_626] {strides = array<i32>} : memref<64x768xf32, #tpu.memory_space<vmem>>, vector<1x16xf32>,
      %get3A_628 = vector.shape_cast %get3A_627 : vector<1x16xf32> to vector<16xf32>
      %get3A_629 = arith.index_cast %add3A_136 : i32 to index
      %get3A_630 = arith.constant 560 : index
      %get3A_631 = tpu.vector_load %arg8[%get3A_629, %get3A_630] {strides = array<i32>} : memref<64x768xf32, #tpu.memory_space<vmem>>, vector<1x16xf32>,
      %get3A_632 = vector.shape_cast %get3A_631 : vector<1x16xf32> to vector<16xf32>
      %add3A_633 = arith.addf %get3A_628, %get3A_632 : vector<16xf32>
      %swap3A_634 = arith.index_cast %add3A_136 : i32 to index
      %swap3A_635 = arith.constant 560 : index
      %swap3A_636 = tpu.vector_load %arg7[%swap3A_634, %swap3A_635] {strides = array<i32>} : memref<64x768xf32, #tpu.memory_space<vmem>>, vector<1x16xf32>,
      %swap3A_637 = vector.shape_cast %swap3A_636 : vector<1x16xf32> to vector<16xf32>
      %swap3A_638 = vector.shape_cast %add3A_633 : vector<16xf32> to vector<1x16xf32>
      tpu.vector_store %arg7[%swap3A_634, %swap3A_635], %swap3A_638 {strides = array<i32>} : memref<64x768xf32, #tpu.memory_space<vmem>>, vector<1x16xf32>,
      %get3A_639 = arith.index_cast %add3A_136 : i32 to index
      %get3A_640 = arith.constant 576 : index
      %get3A_641 = tpu.vector_load %arg7[%get3A_639, %get3A_640] {strides = array<i32>} : memref<64x768xf32, #tpu.memory_space<vmem>>, vector<1x16xf32>,
      %get3A_642 = vector.shape_cast %get3A_641 : vector<1x16xf32> to vector<16xf32>
      %get3A_643 = arith.index_cast %add3A_136 : i32 to index
      %get3A_644 = arith.constant 576 : index
      %get3A_645 = tpu.vector_load %arg8[%get3A_643, %get3A_644] {strides = array<i32>} : memref<64x768xf32, #tpu.memory_space<vmem>>, vector<1x16xf32>,
      %get3A_646 = vector.shape_cast %get3A_645 : vector<1x16xf32> to vector<16xf32>
      %add3A_647 = arith.addf %get3A_642, %get3A_646 : vector<16xf32>
      %swap3A_648 = arith.index_cast %add3A_136 : i32 to index
      %swap3A_649 = arith.constant 576 : index
      %swap3A_650 = tpu.vector_load %arg7[%swap3A_648, %swap3A_649] {strides = array<i32>} : memref<64x768xf32, #tpu.memory_space<vmem>>, vector<1x16xf32>,
      %swap3A_651 = vector.shape_cast %swap3A_650 : vector<1x16xf32> to vector<16xf32>
      %swap3A_652 = vector.shape_cast %add3A_647 : vector<16xf32> to vector<1x16xf32>
      tpu.vector_store %arg7[%swap3A_648, %swap3A_649], %swap3A_652 {strides = array<i32>} : memref<64x768xf32, #tpu.memory_space<vmem>>, vector<1x16xf32>,
      %get3A_653 = arith.index_cast %add3A_136 : i32 to index
      %get3A_654 = arith.constant 592 : index
      %get3A_655 = tpu.vector_load %arg7[%get3A_653, %get3A_654] {strides = array<i32>} : memref<64x768xf32, #tpu.memory_space<vmem>>, vector<1x16xf32>,
      %get3A_656 = vector.shape_cast %get3A_655 : vector<1x16xf32> to vector<16xf32>
      %get3A_657 = arith.index_cast %add3A_136 : i32 to index
      %get3A_658 = arith.constant 592 : index
      %get3A_659 = tpu.vector_load %arg8[%get3A_657, %get3A_658] {strides = array<i32>} : memref<64x768xf32, #tpu.memory_space<vmem>>, vector<1x16xf32>,
      %get3A_660 = vector.shape_cast %get3A_659 : vector<1x16xf32> to vector<16xf32>
      %add3A_661 = arith.addf %get3A_656, %get3A_660 : vector<16xf32>
      %swap3A_662 = arith.index_cast %add3A_136 : i32 to index
      %swap3A_663 = arith.constant 592 : index
      %swap3A_664 = tpu.vector_load %arg7[%swap3A_662, %swap3A_663] {strides = array<i32>} : memref<64x768xf32, #tpu.memory_space<vmem>>, vector<1x16xf32>,
      %swap3A_665 = vector.shape_cast %swap3A_664 : vector<1x16xf32> to vector<16xf32>
      %swap3A_666 = vector.shape_cast %add3A_661 : vector<16xf32> to vector<1x16xf32>
      tpu.vector_store %arg7[%swap3A_662, %swap3A_663], %swap3A_666 {strides = array<i32>} : memref<64x768xf32, #tpu.memory_space<vmem>>, vector<1x16xf32>,
      %get3A_667 = arith.index_cast %add3A_136 : i32 to index
      %get3A_668 = arith.constant 608 : index
      %get3A_669 = tpu.vector_load %arg7[%get3A_667, %get3A_668] {strides = array<i32>} : memref<64x768xf32, #tpu.memory_space<vmem>>, vector<1x16xf32>,
      %get3A_670 = vector.shape_cast %get3A_669 : vector<1x16xf32> to vector<16xf32>
      %get3A_671 = arith.index_cast %add3A_136 : i32 to index
      %get3A_672 = arith.constant 608 : index
      %get3A_673 = tpu.vector_load %arg8[%get3A_671, %get3A_672] {strides = array<i32>} : memref<64x768xf32, #tpu.memory_space<vmem>>, vector<1x16xf32>,
      %get3A_674 = vector.shape_cast %get3A_673 : vector<1x16xf32> to vector<16xf32>
      %add3A_675 = arith.addf %get3A_670, %get3A_674 : vector<16xf32>
      %swap3A_676 = arith.index_cast %add3A_136 : i32 to index
      %swap3A_677 = arith.constant 608 : index
      %swap3A_678 = tpu.vector_load %arg7[%swap3A_676, %swap3A_677] {strides = array<i32>} : memref<64x768xf32, #tpu.memory_space<vmem>>, vector<1x16xf32>,
      %swap3A_679 = vector.shape_cast %swap3A_678 : vector<1x16xf32> to vector<16xf32>
      %swap3A_680 = vector.shape_cast %add3A_675 : vector<16xf32> to vector<1x16xf32>
      tpu.vector_store %arg7[%swap3A_676, %swap3A_677], %swap3A_680 {strides = array<i32>} : memref<64x768xf32, #tpu.memory_space<vmem>>, vector<1x16xf32>,
      %get3A_681 = arith.index_cast %add3A_136 : i32 to index
      %get3A_682 = arith.constant 624 : index
      %get3A_683 = tpu.vector_load %arg7[%get3A_681, %get3A_682] {strides = array<i32>} : memref<64x768xf32, #tpu.memory_space<vmem>>, vector<1x16xf32>,
      %get3A_684 = vector.shape_cast %get3A_683 : vector<1x16xf32> to vector<16xf32>
      %get3A_685 = arith.index_cast %add3A_136 : i32 to index
      %get3A_686 = arith.constant 624 : index
      %get3A_687 = tpu.vector_load %arg8[%get3A_685, %get3A_686] {strides = array<i32>} : memref<64x768xf32, #tpu.memory_space<vmem>>, vector<1x16xf32>,
      %get3A_688 = vector.shape_cast %get3A_687 : vector<1x16xf32> to vector<16xf32>
      %add3A_689 = arith.addf %get3A_684, %get3A_688 : vector<16xf32>
      %swap3A_690 = arith.index_cast %add3A_136 : i32 to index
      %swap3A_691 = arith.constant 624 : index
      %swap3A_692 = tpu.vector_load %arg7[%swap3A_690, %swap3A_691] {strides = array<i32>} : memref<64x768xf32, #tpu.memory_space<vmem>>, vector<1x16xf32>,
      %swap3A_693 = vector.shape_cast %swap3A_692 : vector<1x16xf32> to vector<16xf32>
      %swap3A_694 = vector.shape_cast %add3A_689 : vector<16xf32> to vector<1x16xf32>
      tpu.vector_store %arg7[%swap3A_690, %swap3A_691], %swap3A_694 {strides = array<i32>} : memref<64x768xf32, #tpu.memory_space<vmem>>, vector<1x16xf32>,
      %get3A_695 = arith.index_cast %add3A_136 : i32 to index
      %get3A_696 = arith.constant 640 : index
      %get3A_697 = tpu.vector_load %arg7[%get3A_695, %get3A_696] {strides = array<i32>} : memref<64x768xf32, #tpu.memory_space<vmem>>, vector<1x16xf32>,
      %get3A_698 = vector.shape_cast %get3A_697 : vector<1x16xf32> to vector<16xf32>
      %get3A_699 = arith.index_cast %add3A_136 : i32 to index
      %get3A_700 = arith.constant 640 : index
      %get3A_701 = tpu.vector_load %arg8[%get3A_699, %get3A_700] {strides = array<i32>} : memref<64x768xf32, #tpu.memory_space<vmem>>, vector<1x16xf32>,
      %get3A_702 = vector.shape_cast %get3A_701 : vector<1x16xf32> to vector<16xf32>
      %add3A_703 = arith.addf %get3A_698, %get3A_702 : vector<16xf32>
      %swap3A_704 = arith.index_cast %add3A_136 : i32 to index
      %swap3A_705 = arith.constant 640 : index
      %swap3A_706 = tpu.vector_load %arg7[%swap3A_704, %swap3A_705] {strides = array<i32>} : memref<64x768xf32, #tpu.memory_space<vmem>>, vector<1x16xf32>,
      %swap3A_707 = vector.shape_cast %swap3A_706 : vector<1x16xf32> to vector<16xf32>
      %swap3A_708 = vector.shape_cast %add3A_703 : vector<16xf32> to vector<1x16xf32>
      tpu.vector_store %arg7[%swap3A_704, %swap3A_705], %swap3A_708 {strides = array<i32>} : memref<64x768xf32, #tpu.memory_space<vmem>>, vector<1x16xf32>,
      %get3A_709 = arith.index_cast %add3A_136 : i32 to index
      %get3A_710 = arith.constant 656 : index
      %get3A_711 = tpu.vector_load %arg7[%get3A_709, %get3A_710] {strides = array<i32>} : memref<64x768xf32, #tpu.memory_space<vmem>>, vector<1x16xf32>,
      %get3A_712 = vector.shape_cast %get3A_711 : vector<1x16xf32> to vector<16xf32>
      %get3A_713 = arith.index_cast %add3A_136 : i32 to index
      %get3A_714 = arith.constant 656 : index
      %get3A_715 = tpu.vector_load %arg8[%get3A_713, %get3A_714] {strides = array<i32>} : memref<64x768xf32, #tpu.memory_space<vmem>>, vector<1x16xf32>,
      %get3A_716 = vector.shape_cast %get3A_715 : vector<1x16xf32> to vector<16xf32>
      %add3A_717 = arith.addf %get3A_712, %get3A_716 : vector<16xf32>
      %swap3A_718 = arith.index_cast %add3A_136 : i32 to index
      %swap3A_719 = arith.constant 656 : index
      %swap3A_720 = tpu.vector_load %arg7[%swap3A_718, %swap3A_719] {strides = array<i32>} : memref<64x768xf32, #tpu.memory_space<vmem>>, vector<1x16xf32>,
      %swap3A_721 = vector.shape_cast %swap3A_720 : vector<1x16xf32> to vector<16xf32>
      %swap3A_722 = vector.shape_cast %add3A_717 : vector<16xf32> to vector<1x16xf32>
      tpu.vector_store %arg7[%swap3A_718, %swap3A_719], %swap3A_722 {strides = array<i32>} : memref<64x768xf32, #tpu.memory_space<vmem>>, vector<1x16xf32>,
      %get3A_723 = arith.index_cast %add3A_136 : i32 to index
      %get3A_724 = arith.constant 672 : index
      %get3A_725 = tpu.vector_load %arg7[%get3A_723, %get3A_724] {strides = array<i32>} : memref<64x768xf32, #tpu.memory_space<vmem>>, vector<1x16xf32>,
      %get3A_726 = vector.shape_cast %get3A_725 : vector<1x16xf32> to vector<16xf32>
      %get3A_727 = arith.index_cast %add3A_136 : i32 to index
      %get3A_728 = arith.constant 672 : index
      %get3A_729 = tpu.vector_load %arg8[%get3A_727, %get3A_728] {strides = array<i32>} : memref<64x768xf32, #tpu.memory_space<vmem>>, vector<1x16xf32>,
      %get3A_730 = vector.shape_cast %get3A_729 : vector<1x16xf32> to vector<16xf32>
      %add3A_731 = arith.addf %get3A_726, %get3A_730 : vector<16xf32>
      %swap3A_732 = arith.index_cast %add3A_136 : i32 to index
      %swap3A_733 = arith.constant 672 : index
      %swap3A_734 = tpu.vector_load %arg7[%swap3A_732, %swap3A_733] {strides = array<i32>} : memref<64x768xf32, #tpu.memory_space<vmem>>, vector<1x16xf32>,
      %swap3A_735 = vector.shape_cast %swap3A_734 : vector<1x16xf32> to vector<16xf32>
      %swap3A_736 = vector.shape_cast %add3A_731 : vector<16xf32> to vector<1x16xf32>
      tpu.vector_store %arg7[%swap3A_732, %swap3A_733], %swap3A_736 {strides = array<i32>} : memref<64x768xf32, #tpu.memory_space<vmem>>, vector<1x16xf32>,
      %get3A_737 = arith.index_cast %add3A_136 : i32 to index
      %get3A_738 = arith.constant 688 : index
      %get3A_739 = tpu.vector_load %arg7[%get3A_737, %get3A_738] {strides = array<i32>} : memref<64x768xf32, #tpu.memory_space<vmem>>, vector<1x16xf32>,
      %get3A_740 = vector.shape_cast %get3A_739 : vector<1x16xf32> to vector<16xf32>
      %get3A_741 = arith.index_cast %add3A_136 : i32 to index
      %get3A_742 = arith.constant 688 : index
      %get3A_743 = tpu.vector_load %arg8[%get3A_741, %get3A_742] {strides = array<i32>} : memref<64x768xf32, #tpu.memory_space<vmem>>, vector<1x16xf32>,
      %get3A_744 = vector.shape_cast %get3A_743 : vector<1x16xf32> to vector<16xf32>
      %add3A_745 = arith.addf %get3A_740, %get3A_744 : vector<16xf32>
      %swap3A_746 = arith.index_cast %add3A_136 : i32 to index
      %swap3A_747 = arith.constant 688 : index
      %swap3A_748 = tpu.vector_load %arg7[%swap3A_746, %swap3A_747] {strides = array<i32>} : memref<64x768xf32, #tpu.memory_space<vmem>>, vector<1x16xf32>,
      %swap3A_749 = vector.shape_cast %swap3A_748 : vector<1x16xf32> to vector<16xf32>
      %swap3A_750 = vector.shape_cast %add3A_745 : vector<16xf32> to vector<1x16xf32>
      tpu.vector_store %arg7[%swap3A_746, %swap3A_747], %swap3A_750 {strides = array<i32>} : memref<64x768xf32, #tpu.memory_space<vmem>>, vector<1x16xf32>,
      %get3A_751 = arith.index_cast %add3A_136 : i32 to index
      %get3A_752 = arith.constant 704 : index
      %get3A_753 = tpu.vector_load %arg7[%get3A_751, %get3A_752] {strides = array<i32>} : memref<64x768xf32, #tpu.memory_space<vmem>>, vector<1x16xf32>,
      %get3A_754 = vector.shape_cast %get3A_753 : vector<1x16xf32> to vector<16xf32>
      %get3A_755 = arith.index_cast %add3A_136 : i32 to index
      %get3A_756 = arith.constant 704 : index
      %get3A_757 = tpu.vector_load %arg8[%get3A_755, %get3A_756] {strides = array<i32>} : memref<64x768xf32, #tpu.memory_space<vmem>>, vector<1x16xf32>,
      %get3A_758 = vector.shape_cast %get3A_757 : vector<1x16xf32> to vector<16xf32>
      %add3A_759 = arith.addf %get3A_754, %get3A_758 : vector<16xf32>
      %swap3A_760 = arith.index_cast %add3A_136 : i32 to index
      %swap3A_761 = arith.constant 704 : index
      %swap3A_762 = tpu.vector_load %arg7[%swap3A_760, %swap3A_761] {strides = array<i32>} : memref<64x768xf32, #tpu.memory_space<vmem>>, vector<1x16xf32>,
      %swap3A_763 = vector.shape_cast %swap3A_762 : vector<1x16xf32> to vector<16xf32>
      %swap3A_764 = vector.shape_cast %add3A_759 : vector<16xf32> to vector<1x16xf32>
      tpu.vector_store %arg7[%swap3A_760, %swap3A_761], %swap3A_764 {strides = array<i32>} : memref<64x768xf32, #tpu.memory_space<vmem>>, vector<1x16xf32>,
      %get3A_765 = arith.index_cast %add3A_136 : i32 to index
      %get3A_766 = arith.constant 720 : index
      %get3A_767 = tpu.vector_load %arg7[%get3A_765, %get3A_766] {strides = array<i32>} : memref<64x768xf32, #tpu.memory_space<vmem>>, vector<1x16xf32>,
      %get3A_768 = vector.shape_cast %get3A_767 : vector<1x16xf32> to vector<16xf32>
      %get3A_769 = arith.index_cast %add3A_136 : i32 to index
      %get3A_770 = arith.constant 720 : index
      %get3A_771 = tpu.vector_load %arg8[%get3A_769, %get3A_770] {strides = array<i32>} : memref<64x768xf32, #tpu.memory_space<vmem>>, vector<1x16xf32>,
      %get3A_772 = vector.shape_cast %get3A_771 : vector<1x16xf32> to vector<16xf32>
      %add3A_773 = arith.addf %get3A_768, %get3A_772 : vector<16xf32>
      %swap3A_774 = arith.index_cast %add3A_136 : i32 to index
      %swap3A_775 = arith.constant 720 : index
      %swap3A_776 = tpu.vector_load %arg7[%swap3A_774, %swap3A_775] {strides = array<i32>} : memref<64x768xf32, #tpu.memory_space<vmem>>, vector<1x16xf32>,
      %swap3A_777 = vector.shape_cast %swap3A_776 : vector<1x16xf32> to vector<16xf32>
      %swap3A_778 = vector.shape_cast %add3A_773 : vector<16xf32> to vector<1x16xf32>
      tpu.vector_store %arg7[%swap3A_774, %swap3A_775], %swap3A_778 {strides = array<i32>} : memref<64x768xf32, #tpu.memory_space<vmem>>, vector<1x16xf32>,
      %get3A_779 = arith.index_cast %add3A_136 : i32 to index
      %get3A_780 = arith.constant 736 : index
      %get3A_781 = tpu.vector_load %arg7[%get3A_779, %get3A_780] {strides = array<i32>} : memref<64x768xf32, #tpu.memory_space<vmem>>, vector<1x16xf32>,
      %get3A_782 = vector.shape_cast %get3A_781 : vector<1x16xf32> to vector<16xf32>
      %get3A_783 = arith.index_cast %add3A_136 : i32 to index
      %get3A_784 = arith.constant 736 : index
      %get3A_785 = tpu.vector_load %arg8[%get3A_783, %get3A_784] {strides = array<i32>} : memref<64x768xf32, #tpu.memory_space<vmem>>, vector<1x16xf32>,
      %get3A_786 = vector.shape_cast %get3A_785 : vector<1x16xf32> to vector<16xf32>
      %add3A_787 = arith.addf %get3A_782, %get3A_786 : vector<16xf32>
      %swap3A_788 = arith.index_cast %add3A_136 : i32 to index
      %swap3A_789 = arith.constant 736 : index
      %swap3A_790 = tpu.vector_load %arg7[%swap3A_788, %swap3A_789] {strides = array<i32>} : memref<64x768xf32, #tpu.memory_space<vmem>>, vector<1x16xf32>,
      %swap3A_791 = vector.shape_cast %swap3A_790 : vector<1x16xf32> to vector<16xf32>
      %swap3A_792 = vector.shape_cast %add3A_787 : vector<16xf32> to vector<1x16xf32>
      tpu.vector_store %arg7[%swap3A_788, %swap3A_789], %swap3A_792 {strides = array<i32>} : memref<64x768xf32, #tpu.memory_space<vmem>>, vector<1x16xf32>,
      %get3A_793 = arith.index_cast %add3A_136 : i32 to index
      %get3A_794 = arith.constant 752 : index
      %get3A_795 = tpu.vector_load %arg7[%get3A_793, %get3A_794] {strides = array<i32>} : memref<64x768xf32, #tpu.memory_space<vmem>>, vector<1x16xf32>,
      %get3A_796 = vector.shape_cast %get3A_795 : vector<1x16xf32> to vector<16xf32>
      %get3A_797 = arith.index_cast %add3A_136 : i32 to index
      %get3A_798 = arith.constant 752 : index
      %get3A_799 = tpu.vector_load %arg8[%get3A_797, %get3A_798] {strides = array<i32>} : memref<64x768xf32, #tpu.memory_space<vmem>>, vector<1x16xf32>,
      %get3A_800 = vector.shape_cast %get3A_799 : vector<1x16xf32> to vector<16xf32>
      %add3A_801 = arith.addf %get3A_796, %get3A_800 : vector<16xf32>
      %swap3A_802 = arith.index_cast %add3A_136 : i32 to index
      %swap3A_803 = arith.constant 752 : index
      %swap3A_804 = tpu.vector_load %arg7[%swap3A_802, %swap3A_803] {strides = array<i32>} : memref<64x768xf32, #tpu.memory_space<vmem>>, vector<1x16xf32>,
      %swap3A_805 = vector.shape_cast %swap3A_804 : vector<1x16xf32> to vector<16xf32>
      %swap3A_806 = vector.shape_cast %add3A_801 : vector<16xf32> to vector<1x16xf32>
      tpu.vector_store %arg7[%swap3A_802, %swap3A_803], %swap3A_806 {strides = array<i32>} : memref<64x768xf32, #tpu.memory_space<vmem>>, vector<1x16xf32>,
    }
    %scan3A_131 = arith.constant 64 : i32
    "tpu.region"() ({
      %run_scoped3A = tpu.sem_alloc : memref<!tpu.dma_semaphore, #tpu.memory_space<semaphore_mem>>
      %dma_start3A_132 = arith.constant 0 : i32
      %dma_start3A_133 = tpu.memref_slice %arg5[%add3A_121, %dma_start3A_132] : memref<8192x768xf32, #tpu.memory_space<hbm>> -> memref<64x768xf32, #tpu.memory_space<hbm>>
      %dma_start3A_134 = arith.constant 0 : i32
      %dma_start3A_135 = tpu.memref_slice %arg5[%add3A_121, %dma_start3A_134] : memref<8192x768xf32, #tpu.memory_space<hbm>> -> memref<64x768xf32, #tpu.memory_space<hbm>>
      tpu.enqueue_dma source(%arg7 : memref<64x768xf32, #tpu.memory_space<vmem>>) target(%dma_start3A_135 : memref<64x768xf32, #tpu.memory_space<hbm>>) target_semaphore(%run_scoped3A : memref<!tpu.dma_semaphore, #tpu.memory_space<semaphore_mem>>)
      %dma_wait3A_136 = arith.constant 0 : i32
      %dma_wait3A_137 = tpu.memref_slice %arg5[%add3A_121, %dma_wait3A_136] : memref<8192x768xf32, #tpu.memory_space<hbm>> -> memref<64x768xf32, #tpu.memory_space<hbm>>
      %dma_wait3A_138 = arith.constant 0 : i32
      %dma_wait3A_139 = tpu.memref_slice %arg5[%add3A_121, %dma_wait3A_138] : memref<8192x768xf32, #tpu.memory_space<hbm>> -> memref<64x768xf32, #tpu.memory_space<hbm>>
      tpu.wait_dma2 semaphore(%run_scoped3A : memref<!tpu.dma_semaphore, #tpu.memory_space<semaphore_mem>>) src(%arg7 : memref<64x768xf32, #tpu.memory_space<vmem>>) dst(%dma_wait3A_139 : memref<64x768xf32, #tpu.memory_space<hbm>>)
      tpu.yield
    }) : () -> ()
    return
  }
}

</mosaic_0001>

<sc_bundles>
// kernel: _embed_sc.3.cloned.1.call-start
scs
__scs_entry_jumppad:
0x0: {  	(pc) =	sbr.rel $0x88, $3  }
0x1: {  	(tag) =	ssettag $0x0;
	lr =	simm.s32 $0x1  }
0x2: {  	[smem:$0x3F9E] =	sst lr;
	_ =	strace $0xD0000000  }
0x3: {  	_ = 	snop  }
0x4: {  	_ = 	snop  }
0x5: {  	_ = 	snop  }
0x6: {  	_ = 	snop  }
0x7: {  	_ = 	snop  }
__scs_overlays_trampoline_lowered:
0x8: {  	[smem:$0x3FAD] =	sst s0  }
0x9: {  	[smem:$0x3FAE] =	sst s1  }
0xa: {  	[smem:$0x3FAF] =	sst s2  }
0xb: {  	[smem:$0x3FB0] =	sst s3  }
0xc: {  	[smem:$0x3FB1] =	sst s4  }
0xd: {  	[smem:$0x3FB2] =	sst s5  }
0xe: {  	[smem:$0x3FB3] =	sst s6  }
0xf: {  	[smem:$0x3FB4] =	sst s7  }
0x10: {  	[smem:$0x3FB5] =	sst s8  }
0x11: {  	[smem:$0x3FB6] =	sst s9;
	s0 =	simm.s32 @!p0 $0x0  }
0x12: {  	s1 =	sld [smem:$0x3F9C];
	s0 =	simm.s32 @p0 $0x1  }
0x13: {  	[smem:$0x3FB7] =	sst s0;
	s0 =	simm.s32 @!p1 $0x0  }
0x14: {  	s2 =	sld [smem:$0x3F9B];
	s0 =	simm.s32 @p1 $0x1  }
0x15: {  	[smem:$0x3FB8] =	sst s0;
	s0 =	simm.s32 @!p2 $0x0  }
0x16: {  	s3 =	sld [smem:$0x3FDB];
	s0 =	simm.s32 @p2 $0x1  }
0x17: {  	s4 =	simm.s32 $0x1BF5;
	[smem:$0x3FBA] =	sst s0  }
0x18: {  	s0 =	sld [smem:$0x3F9D];
	_ =	swait.ge [sflag:s4], $0x0  }
0x19: {  	s7 =	sld [smem:$0x3F9E]  }
0x1a: {  	s8 =	sadd.s32 $0xFFFFE003, lr  }
0x1b: {  	s9 =	sadd.s32 $0xFFFFFEF7, lr;
	s5 =	simm.s32 $0xFFFFFFFF;
	p2 =	slt.u32 s8, $0xFFFFF086  }
0x1c: {  	p1 =	slt.u32 s9, $0xF7A;
	s5 =	simm.s32 @!p2 $0x0  }
0x1d: {  	s5 =	simm.s32 @p1 $0x1;
	p0 =	seq.s32 s7, s2  }
0x1e: {  	s7 =	smul.u32 @!p0 $0xF7A, s2;
	p2 =	seq.s32 @!p0 s5, $0x0  }
0x1f: {  	s9 =	smul.u32 $0xF7A, s1;
	s8 =	simm.s32 @!p0 $0x1BF5;
	p2 =	por !p2, p0  }
0x20: {  	[sflag:s8] =	ssyncset.s32 @!p0 $0xFFFFF086;
	s6 =	sadd.s32 @!p0 s3, s7;
	s7 =	simm.s32 @!p0 $0x108  }
0x21: {  	s3 =	sadd.s32 s3, s9;
	s6 =	sadd.s32 @!p0 $0x88, s6;
	s7 =	simm.s32 @p2 $0x1082  }
0x22: {  	[simem:s7], [sflag:s8] =	dma.local @!p0 [hbm:s6], $0xF7A  }
0x23: {  	s9 =	sor.u32 $0xD0000000, s2;
	s6 =	simm.s32 $0x108;
	_ =	swait.ge @!p0 [sflag:s8], $0x0  }
0x24: {  	s3 =	sadd.s32 $0x88, s3;
	s6 =	simm.s32 @!p1 $0x1082;
	[sflag:s4] =	ssyncset.s32 $0xFFFFF086  }
0x25: {  	[simem:s6], [sflag:s4] =	dma.local [hbm:s3], $0xF7A  }
0x26: {  	[smem:$0x3F9E] =	sst s1;
	(tag) =	ssettag s2;
	_ =	strace s9  }
0x27: {  	s1 =	sld [smem:$0x3FAE]  }
0x28: {  	s2 =	sld [smem:$0x3FAF]  }
0x29: {  	s4 =	sld [smem:$0x3FB1]  }
0x2a: {  	p0 =	seq.s32 s5, $0x0;
	s5 =	sld [smem:$0x3FB2]  }
0x2b: {  	s6 =	sld [smem:$0x3FB3]  }
0x2c: {  	s7 =	sld [smem:$0x3FB4]  }
0x2d: {  	s3 =	simm.s32 $0x108;
	s8 =	sld [smem:$0x3FB5]  }
0x2e: {  	s3 =	simm.s32 @!p0 $0x1082;
	s9 =	sld [smem:$0x3FB6]  }
0x2f: {  	lr =	sadd.s32 s0, s3;
	s0 =	sld [smem:$0x3FAD]  }
0x30: {  	s3 =	sld [smem:$0x3FB0]  }
0x31: {  	[smem:$0x3FB9] =	sst s10  }
0x32: {  	s10 =	sld [smem:$0x3FB7];
	_ =	sdelay $0x3  }
0x33: {  	p0 =	seq.s32 s10, $0x1;
	s10 =	sld [smem:$0x3FB9];
	_ =	sdelay $0x3  }
0x34: {  	[smem:$0x3FB9] =	sst s10  }
0x35: {  	s10 =	sld [smem:$0x3FB8];
	_ =	sdelay $0x3  }
0x36: {  	p1 =	seq.s32 s10, $0x1;
	s10 =	sld [smem:$0x3FB9];
	_ =	sdelay $0x3  }
0x37: {  	[smem:$0x3FB9] =	sst s10  }
0x38: {  	s10 =	sld [smem:$0x3FBA]  }
0x39: {  	_ = 	snop;
	(pc) =	sbr.ind lr, $3  }
0x3a: {  	_ = 	snop  }
0x3b: {  	_ = 	snop  }
0x3c: {  	p2 =	seq.s32 s10, $0x1;
	s10 =	sld [smem:$0x3FB9]  }
0x3d: {  	_ =	shalt  }
0x3e: {  	_ =	shalt  }
0x3f: {  	_ =	shalt  }
0x40: {  	_ =	shalt  }
0x41: {  	_ =	shalt  }
0x42: {  	_ =	shalt  }
0x43: {  	_ =	shalt  }
0x44: {  	_ =	shalt  }
0x45: {  	_ =	shalt  }
0x46: {  	_ =	shalt  }
0x47: {  	_ =	shalt  }
0x48: {  	_ =	shalt  }
0x49: {  	_ =	shalt  }
0x4a: {  	_ =	shalt  }
0x4b: {  	_ =	shalt  }
0x4c: {  	_ =	shalt  }
0x4d: {  	_ =	shalt  }
0x4e: {  	_ =	shalt  }
0x4f: {  	_ =	shalt  }
0x50: {  	_ =	shalt  }
0x51: {  	_ =	shalt  }
0x52: {  	_ =	shalt  }
0x53: {  	_ =	shalt  }
0x54: {  	_ =	shalt  }
0x55: {  	_ =	shalt  }
0x56: {  	_ =	shalt  }
0x57: {  	_ =	shalt  }
0x58: {  	_ =	shalt  }
0x59: {  	_ =	shalt  }
0x5a: {  	_ =	shalt  }
0x5b: {  	_ =	shalt  }
0x5c: {  	_ =	shalt  }
0x5d: {  	_ =	shalt  }
0x5e: {  	_ =	shalt  }
0x5f: {  	_ =	shalt  }
0x60: {  	_ =	shalt  }
0x61: {  	_ =	shalt  }
0x62: {  	_ =	shalt  }
0x63: {  	_ =	shalt  }
0x64: {  	_ =	shalt  }
0x65: {  	_ =	shalt  }
0x66: {  	_ =	shalt  }
0x67: {  	_ =	shalt  }
0x68: {  	_ =	shalt  }
0x69: {  	_ =	shalt  }
0x6a: {  	_ =	shalt  }
0x6b: {  	_ =	shalt  }
0x6c: {  	_ =	shalt  }
0x6d: {  	_ =	shalt  }
0x6e: {  	_ =	shalt  }
0x6f: {  	_ =	shalt  }
0x70: {  	_ =	shalt  }
0x71: {  	_ =	shalt  }
0x72: {  	_ =	shalt  }
0x73: {  	_ =	shalt  }
0x74: {  	_ =	shalt  }
0x75: {  	_ =	shalt  }
0x76: {  	_ =	shalt  }
0x77: {  	_ =	shalt  }
0x78: {  	_ =	shalt  }
0x79: {  	_ =	shalt  }
0x7a: {  	_ =	shalt  }
0x7b: {  	_ =	shalt  }
0x7c: {  	_ =	shalt  }
0x7d: {  	_ =	shalt  }
0x7e: {  	_ =	shalt  }
0x7f: {  	_ =	shalt  }
0x80: {  	_ =	shalt  }
0x81: {  	_ =	shalt  }
0x82: {  	_ =	shalt  }
0x83: {  	_ =	shalt  }
0x84: {  	_ =	shalt  }
0x85: {  	_ =	shalt  }
0x86: {  	_ =	shalt  }
0x87: {  	_ =	shalt  }
.Lfunc_end0:
.L_simem_size_0:
called_computation_lowered:
.L_overlay_start_0:
0x88: {  	s2 =	sld [smem:$0x3FD9]  }
0x89: {  	s3 =	sld [smem:$0x3FFE];
	_ =	sdelay $0x1  }
0x8a: {  	s1 =	srdreg.scid  }
0x8b: {  	s0 =	sand.u32 $0x1, s1  }
0x8c: {  	s18 =	sshll.u32 s0, $0xA;
	s2 =	sadd.s32 s3, s2  }
0x8d: {  	s2 =	sadd.s32 s2, s18  }
0x8e: {  	[smem:$0x3FC5] =	sst s2  }
0x8f: {  	_ = 	snop  }
0x90: {  	s2 =	sld [smem:$0x3FC9]  }
0x91: {  	s19 =	sld [smem:$0x3FC8]  }
0x92: {  	s4 =	sld [smem:$0x3FC7]  }
0x93: {  	s5 =	sld [smem:$0x3FD0];
	(tm) =	ssettm $0x1  }
0x94: {  	s6 =	sld [smem:$0x3FFB];
	_ =	sdelay $0x3  }
0x95: {  	_ =	strace s6  }
0x96: {  	s6 =	sld [smem:$0x3FFC];
	_ =	sdelay $0x3  }
0x97: {  	_ =	strace s6  }
0x98: {  	s6 =	sld [smem:$0x3FFD];
	_ =	sdelay $0x3  }
0x99: {  	_ =	strace s6  }
0x9a: {  	_ =	strace $0x8FFFFFFF  }
0x9b: {  	s20 =	sld [smem:$0x3FDB];
	_ =	sdelay $0x1  }
0x9c: {  	s7 =	simm.s32 $_scs_section_size  }
0x9d: {  	s8 =	simm.s32 $_size__tile_overlayer_lowered;
	s9 =	simm.s32 $_tile_overlayer_lowered  }
0x9e: {  	s23 =	simm.s32 $0x1BFF;
	s22 =	sshll.u32 s9, $0x1;
	s6 =	sadd.s32 s7, s20  }
0x9f: {  	s10 =	simm.s32 $0x0;
	s21 =	sshll.u32 s8, $0x1;
	s8 =	sadd.s32 s22, s6  }
0xa0: {  	[timem:s10], [sflag:s23] =	dma.local [hbm:s8], s21  }
0xa1: {  	_ =	swait.ge [sflag:s23], s21  }
0xa2: {  	s7 =	ssub.s32 $0x0, s21;
	[sflag:s23] =	ssyncset.done $0x0  }
0xa3: {  	[sflag:s23] =	ssyncadd.s32 s7;
	_ =	sdelay $0x1  }
0xa4: {  	s24 =	simm.s32 $0x1B8B  }
0xa5: {  	_ =	swait.ge [sflag:s24], $0x1  }
0xa6: {  	[sflag:s24] =	ssyncset.done $0x0  }
0xa7: {  	s25 =	simm.s32 $0x1B8E;
	[sflag:s24] =	ssyncadd.s32 $0xFFFFFFFF  }
0xa8: {  	s26 =	simm.s32 $execute0_lowered;
	[smem:$0x3FD2] =	sst s25  }
0xa9: {  	s7 =	sshll.u32 s26, $0x1;
	_ =	strace $0x80000046;
	[dreg:$0x1] =	wrdreg $0xFFFFFFFF  }
0xaa: {  	s28 =	simm.s32 $_size_execute0_lowered;
	s6 =	sadd.s32 s6, s7;
	[dreg:$0x0] =	wrdreg $0x0  }
0xab: {  	s7 =	sshll.u32 s28, $0x1;
	[dreg:$0x2] =	wrdreg s6  }
0xac: {  	[dreg:$0x3] =	wrdreg s7  }
0xad: {  	[dreg:$0x4] =	wrdreg $0xC0  }
0xae: {  	_ =	task [dreg:s10], $0x5FFFF  }
0xaf: {  	[dreg:$0x1] =	wrdreg $0xFFFFFFFF  }
0xb0: {  	[dreg:$0x0] =	wrdreg $0x60  }
0xb1: {  	[dreg:$0x2] =	wrdreg s2  }
0xb2: {  	[dreg:$0x3] =	wrdreg s19  }
0xb3: {  	[dreg:$0x4] =	wrdreg s4  }
0xb4: {  	[dreg:$0x5] =	wrdreg s5  }
0xb5: {  	[dreg:$0x6] =	wrdreg $0x9  }
0xb6: {  	_ =	task.clear_ibuf [dreg:s10], $0x7FFFF;
	_ =	strace $0x90000046  }
0xb7: {  	s29 =	simm.s32 $0x9;
	_ =	strace $0x80000048  }
0xb8: {  	_ =	swait.ge [sflag:s29], $0x1  }
0xb9: {  	[sflag:s29] =	ssyncadd.s32 $0xFFFFFFFF  }
0xba: {  	_ =	strace $0x90000048  }
0xbb: {  	_ =	sfence  }
0xbc: {  	s30 =	sld [smem:$0x0];
	_ =	sdelay $0x2  }
0xbd: {  	s31 =	sshll.u32 s1, $0xD;
	s1 =	sshrl.u32 s1, $0x2  }
0xbe: {  	s3 =	sand.u32 $0x4000, s31;
	s1 =	sadd.s32 s1, s30  }
0xbf: {  	s0 =	sor.u32 s3, s0;
	s1 =	sshll.u32 s1, $0x11  }
0xc0: {  	s0 =	sor.u32 s1, s0  }
0xc1: {  	s0 =	sadd.s32 $0x8F2B, s0  }
0xc2: {  	[sflag:s0] =	ssyncadd.remote.s32 $0x1  }
0xc3: {  	_ =	sfence.sel $0xFFFF  }
0xc4: {  	[dreg:$0x0] =	wrdreg $0xFFFFFFFF;
	(pc) =	sbr.abs _section_cstart, $3  }
0xc5: {  	[dreg:$0x1] =	wrdreg $0xFFFFFFFF  }
0xc6: {  	_ =	task.clear_ibuf [dreg:s10], $0x2FFFF;
	_ =	strace $0x9FFFFFFF  }
0xc7: {  	(tm) =	ssettm $0x7FFFFFFF  }
tec
execute0_lowered:
.L_overlay_start_1:
0x0: {  	(tag) =	ssettag $0x1  }
0x1: {  	s0 =	rddreg [dreg:$0x0]  }
0x2: {  	s1 =	rddreg [dreg:$0x1]  }
0x3: {  	s2 =	srdreg.scid;
	s4 =	rddreg [dreg:$0x2]  }
0x4: {  	s3 =	stileid.u32;
	s5 =	rddreg [dreg:$0x3];
	s28 =	simm.s32 $0x3100  }
0x5: {  	s29 =	simm.s32 $0x3900;
	s30 =	simm.s32 $0x4100;
	s31 =	simm.s32 $0x4900  }
0x6: {  	s16 =	simm.s32 $0x6100;
	s12 =	simm.s32 $0xB100;
	s13 =	simm.s32 $0xB900  }
0x7: {  	s15 =	simm.s32 $0x3;
	s14 =	simm.s32 $0x0;
	s2 =	sand.u32 $0x1, s2  }
0x8: {  	s6 =	sshll.u32 s3, $0x4;
	s3 =	simm.s32 $0x0;
	s9 =	sadd.s32 $0x100, s1  }
0x9: {  	s10 =	sadd.s32 $0x200, s1;
	s7 =	sshll.u32 s2, $0x3;
	s2 =	ssub.s32 $0x2, s2  }
0xa: {  	[smem:$0x7FF] =	sst s3;
	s6 =	sor.u32 s7, s6;
	s8 =	sshrl.u32 s2, $0x1  }
0xb: {  	_ =	strace $0x80000047;
	s7 =	smul.u32 $0x300, s6;
	s2 =	ssub.s32 s2, s8  }
0xc: {  	s17 =	sor.u32 $0x100, s6;
	s18 =	sadd.s32 s0, s6;
	s19 =	sor.u32 $0x200, s6  }
0xd: {  	s20 =	sor.u32 $0x300, s6;
	s6 =	simm.s32 $0x9100;
	s11 =	smul.u32 $0x300, s17  }
0xe: {  	[dreg:$0x6] =	wrdreg s18;
	s21 =	smul.u32 $0x300, s19;
	s8 =	sadd.s32 s0, s19  }
0xf: {  	s22 =	smul.u32 $0x300, s20;
	s26 =	smax.u32 s2, $0x1;
	s2 =	simm.s32 $0x5100  }
0x10: {  	s18 =	simm.s32 $0x7100;
	s19 =	simm.s32 $0x7900;
	[dreg:$0x8] =	wrdreg s8  }
0x11: {  	s4 =	sadd.s32 s4, s7;
	s23 =	sadd.s32 s5, s7;
	[dreg:$0xe] =	wrdreg s26  }
0x12: {  	s7 =	simm.s32 $0x9900;
	s8 =	simm.s32 $0xA100;
	[dreg:$0x5] =	wrdreg s4  }
0x13: {  	s4 =	sadd.s32 s0, s17;
	s0 =	sadd.s32 s0, s20;
	[dreg:$0xa] =	wrdreg s23  }
0x14: {  	s24 =	sadd.s32 s5, s11;
	s25 =	sadd.s32 s5, s21;
	[dreg:$0x7] =	wrdreg s4  }
0x15: {  	s20 =	simm.s32 $0x1;
	s21 =	simm.s32 $0x100;
	[dreg:$0x9] =	wrdreg s0  }
0x16: {  	v2 =	vlaneseq.u32;
	s17 =	simm.s32 $0x6900;
	s11 =	simm.s32 $0xA900;
	[dreg:$0xb] =	wrdreg s24  }
0x17: {  	vm0 =	vmmov $0xffff;
	v1 =	vshrl.u32 v2, $0x3;
	[dreg:$0xc] =	wrdreg s25;
	s0 =	sadd.s32 s5, s22;
	s4 =	simm.s32 $0x8100  }
0x18: {  	v0 =	vand.u32 $0x7, v2;
	v2 =	vor.u32 $0x8, v2;
	v1 =	vmul.u32 $0x8, v1;
	s5 =	simm.s32 $0x8900;
	[dreg:$0xd] =	wrdreg s0;
	s0 =	simm.s32 $0x5900  }
.LBB2_1:
0x19: {  	s22 =	rddreg [dreg:$0x5];
	s23 =	simm.s32 $0xC100  }
0x1a: {  	[tilespmem:s23], [sflag:$0x2] =	stream.linear.gather [hbm4b:s22+s3], $0xC000, $0x38;
	[tilespmem:$0x18100] =	vst v63  }
0x1b: {  	s24 =	rddreg [dreg:$0x6]  }
0x1c: {  	[tilespmem:s3], [sflag:$0x1] =	stream.linear.gather [hbm4b:s24+s3], $0x40, $0x38;
	[tilespmem:$0x18100] =	vst v63  }
0x1d: {  	s25 =	rddreg [dreg:$0x7];
	s26 =	simm.s32 $0x40  }
0x1e: {  	[tilespmem:s26], [sflag:$0x1] =	stream.linear.gather [hbm4b:s25+s3], $0x40, $0x38;
	[tilespmem:$0x18100] =	vst v63  }
0x1f: {  	s23 =	rddreg [dreg:$0x8];
	s24 =	simm.s32 $0x80  }
0x20: {  	[tilespmem:s24], [sflag:$0x1] =	stream.linear.gather [hbm4b:s23+s3], $0x40, $0x38;
	[tilespmem:$0x18100] =	vst v63  }
0x21: {  	s25 =	rddreg [dreg:$0x9];
	s26 =	simm.s32 $0xC0  }
0x22: {  	[tilespmem:s26], [sflag:$0x1] =	stream.linear.gather [hbm4b:s25+s3], $0x40, $0x38;
	[tilespmem:$0x18100] =	vst v63  }
0x23: {  	_ =	swait.ge [sflag:s20], $0x40  }
0x24: {  	[sflag:s20] =	ssyncset.done $0x0  }
0x25: {  	[sflag:s20] =	ssyncadd.s32 $0xFFFFFFC0  }
0x26: {  	v3 =	vld [tilespmem:$0x0];
	_ =	sdelay $0x4  }
0x27: {  	v4 =	vshrl.u32 v3, $0x3  }
0x28: {  	v4 =	vmul.u32 $0x30, v4  }
0x29: {  	v3 =	vand.u32 $0x7, v3  }
0x2a: {  	v3 =	vor.u32 v3, v4  }
0x2b: {  	v4 =	vperm.xlane v3, v0;
	_ =	sdelay $0x1  }
0x2c: {  	v4 =	vadd.s32 v1, v4;
	_ =	sdelay $0x3  }
0x2d: {  	v3 =	vperm.xlane v3, v2  }
0x2e: {  	[tilespmem:s21], [sflag:$0x1] =	stream.indirect_vreg.gather [hbm4b:s1+s3], $0x80, v4, vm0, $0xb8;
	[tilespmem:$0x18100] =	vst v63  }
0x2f: {  	s23 =	simm.s32 $0x900;
	v3 =	vadd.s32 v1, v3  }
0x30: {  	[tilespmem:s23], [sflag:$0x1] =	stream.indirect_vreg.gather [hbm4b:s9+s3], $0x80, v4, vm0, $0xb8;
	[tilespmem:$0x18100] =	vst v63  }
0x31: {  	s24 =	simm.s32 $0x1100  }
0x32: {  	[tilespmem:s24], [sflag:$0x1] =	stream.indirect_vreg.gather [hbm4b:s10+s3], $0x80, v4, vm0, $0xb8;
	[tilespmem:$0x18100] =	vst v63  }
0x33: {  	s25 =	simm.s32 $0x1900  }
0x34: {  	[tilespmem:s25], [sflag:$0x1] =	stream.indirect_vreg.gather [hbm4b:s1+s3], $0x80, v3, vm0, $0xb8;
	[tilespmem:$0x18100] =	vst v63  }
0x35: {  	s26 =	simm.s32 $0x2100  }
0x36: {  	[tilespmem:s26], [sflag:$0x1] =	stream.indirect_vreg.gather [hbm4b:s9+s3], $0x80, v3, vm0, $0xb8;
	[tilespmem:$0x18100] =	vst v63  }
0x37: {  	s23 =	simm.s32 $0x2900  }
0x38: {  	[tilespmem:s23], [sflag:$0x1] =	stream.indirect_vreg.gather [hbm4b:s10+s3], $0x80, v3, vm0, $0xb8;
	[tilespmem:$0x18100] =	vst v63  }
0x39: {  	v3 =	vld [tilespmem:$0x10];
	_ =	sdelay $0x4  }
0x3a: {  	v4 =	vshrl.u32 v3, $0x3  }
0x3b: {  	v4 =	vmul.u32 $0x30, v4  }
0x3c: {  	v3 =	vand.u32 $0x7, v3  }
0x3d: {  	v3 =	vor.u32 v3, v4  }
0x3e: {  	v4 =	vperm.xlane v3, v0;
	_ =	sdelay $0x1  }
0x3f: {  	v4 =	vadd.s32 v1, v4;
	_ =	sdelay $0x3  }
0x40: {  	v3 =	vperm.xlane v3, v2  }
0x41: {  	[tilespmem:s28], [sflag:$0x1] =	stream.indirect_vreg.gather [hbm4b:s1+s3], $0x80, v4, vm0, $0xb8;
	[tilespmem:$0x18100] =	vst v63  }
0x42: {  	v3 =	vadd.s32 v1, v3  }
0x43: {  	[tilespmem:s29], [sflag:$0x1] =	stream.indirect_vreg.gather [hbm4b:s9+s3], $0x80, v4, vm0, $0xb8;
	[tilespmem:$0x18100] =	vst v63  }
0x44: {  	_ = 	snop  }
0x45: {  	[tilespmem:s30], [sflag:$0x1] =	stream.indirect_vreg.gather [hbm4b:s10+s3], $0x80, v4, vm0, $0xb8;
	[tilespmem:$0x18100] =	vst v63  }
0x46: {  	_ = 	snop  }
0x47: {  	[tilespmem:s31], [sflag:$0x1] =	stream.indirect_vreg.gather [hbm4b:s1+s3], $0x80, v3, vm0, $0xb8;
	[tilespmem:$0x18100] =	vst v63  }
0x48: {  	_ = 	snop  }
0x49: {  	[tilespmem:s2], [sflag:$0x1] =	stream.indirect_vreg.gather [hbm4b:s9+s3], $0x80, v3, vm0, $0xb8;
	[tilespmem:$0x18100] =	vst v63  }
0x4a: {  	_ = 	snop  }
0x4b: {  	[tilespmem:s0], [sflag:$0x1] =	stream.indirect_vreg.gather [hbm4b:s10+s3], $0x80, v3, vm0, $0xb8;
	[tilespmem:$0x18100] =	vst v63  }
0x4c: {  	v3 =	vld [tilespmem:$0x20];
	_ =	sdelay $0x4  }
0x4d: {  	v4 =	vshrl.u32 v3, $0x3  }
0x4e: {  	v4 =	vmul.u32 $0x30, v4  }
0x4f: {  	v3 =	vand.u32 $0x7, v3  }
0x50: {  	v3 =	vor.u32 v3, v4  }
0x51: {  	v4 =	vperm.xlane v3, v0;
	_ =	sdelay $0x1  }
0x52: {  	v4 =	vadd.s32 v1, v4;
	_ =	sdelay $0x3  }
0x53: {  	v3 =	vperm.xlane v3, v2  }
0x54: {  	[tilespmem:s16], [sflag:$0x1] =	stream.indirect_vreg.gather [hbm4b:s1+s3], $0x80, v4, vm0, $0xb8;
	[tilespmem:$0x18100] =	vst v63  }
0x55: {  	v3 =	vadd.s32 v1, v3  }
0x56: {  	[tilespmem:s17], [sflag:$0x1] =	stream.indirect_vreg.gather [hbm4b:s9+s3], $0x80, v4, vm0, $0xb8;
	[tilespmem:$0x18100] =	vst v63  }
0x57: {  	_ = 	snop  }
0x58: {  	[tilespmem:s18], [sflag:$0x1] =	stream.indirect_vreg.gather [hbm4b:s10+s3], $0x80, v4, vm0, $0xb8;
	[tilespmem:$0x18100] =	vst v63  }
0x59: {  	_ = 	snop  }
0x5a: {  	[tilespmem:s19], [sflag:$0x1] =	stream.indirect_vreg.gather [hbm4b:s1+s3], $0x80, v3, vm0, $0xb8;
	[tilespmem:$0x18100] =	vst v63  }
0x5b: {  	_ = 	snop  }
0x5c: {  	[tilespmem:s4], [sflag:$0x1] =	stream.indirect_vreg.gather [hbm4b:s9+s3], $0x80, v3, vm0, $0xb8;
	[tilespmem:$0x18100] =	vst v63  }
0x5d: {  	_ = 	snop  }
0x5e: {  	[tilespmem:s5], [sflag:$0x1] =	stream.indirect_vreg.gather [hbm4b:s10+s3], $0x80, v3, vm0, $0xb8;
	[tilespmem:$0x18100] =	vst v63  }
0x5f: {  	v3 =	vld [tilespmem:$0x30];
	_ =	sdelay $0x4  }
0x60: {  	v4 =	vshrl.u32 v3, $0x3  }
0x61: {  	v4 =	vmul.u32 $0x30, v4  }
0x62: {  	v3 =	vand.u32 $0x7, v3  }
0x63: {  	v3 =	vor.u32 v3, v4  }
0x64: {  	v4 =	vperm.xlane v3, v0;
	_ =	sdelay $0x1  }
0x65: {  	v4 =	vadd.s32 v1, v4;
	_ =	sdelay $0x3  }
0x66: {  	v3 =	vperm.xlane v3, v2  }
0x67: {  	[tilespmem:s6], [sflag:$0x1] =	stream.indirect_vreg.gather [hbm4b:s1+s3], $0x80, v4, vm0, $0xb8;
	[tilespmem:$0x18100] =	vst v63  }
0x68: {  	v3 =	vadd.s32 v1, v3  }
0x69: {  	[tilespmem:s7], [sflag:$0x1] =	stream.indirect_vreg.gather [hbm4b:s9+s3], $0x80, v4, vm0, $0xb8;
	[tilespmem:$0x18100] =	vst v63  }
0x6a: {  	_ = 	snop  }
0x6b: {  	[tilespmem:s8], [sflag:$0x1] =	stream.indirect_vreg.gather [hbm4b:s10+s3], $0x80, v4, vm0, $0xb8;
	[tilespmem:$0x18100] =	vst v63  }
0x6c: {  	_ = 	snop  }
0x6d: {  	[tilespmem:s11], [sflag:$0x1] =	stream.indirect_vreg.gather [hbm4b:s1+s3], $0x80, v3, vm0, $0xb8;
	[tilespmem:$0x18100] =	vst v63  }
0x6e: {  	_ = 	snop  }
0x6f: {  	[tilespmem:s12], [sflag:$0x1] =	stream.indirect_vreg.gather [hbm4b:s9+s3], $0x80, v3, vm0, $0xb8;
	[tilespmem:$0x18100] =	vst v63  }
0x70: {  	_ = 	snop  }
0x71: {  	[tilespmem:s13], [sflag:$0x1] =	stream.indirect_vreg.gather [hbm4b:s10+s3], $0x80, v3, vm0, $0xb8;
	[tilespmem:$0x18100] =	vst v63  }
0x72: {  	_ =	swait.ge [sflag:s20], $0x40  }
0x73: {  	[sflag:s20] =	ssyncset.done $0x0  }
0x74: {  	[sflag:s20] =	ssyncadd.s32 $0xFFFFFFC0  }
0x75: {  	_ =	swait.ge [sflag:s20], $0x40  }
0x76: {  	[sflag:s20] =	ssyncset.done $0x0  }
0x77: {  	[sflag:s20] =	ssyncadd.s32 $0xFFFFFFC0  }
0x78: {  	_ =	swait.ge [sflag:s20], $0x40  }
0x79: {  	[sflag:s20] =	ssyncset.done $0x0  }
0x7a: {  	s24 =	simm.s32 $0x2;
	[sflag:s20] =	ssyncadd.s32 $0xFFFFFFC0  }
0x7b: {  	_ =	swait.ge [sflag:s24], $0xC000  }
0x7c: {  	[sflag:s24] =	ssyncset.done $0x0  }
0x7d: {  	s25 =	simm.s32 $0x0;
	[sflag:s24] =	ssyncadd.s32 $0xFFFF4000  }
0x7e: {  	s22 =	smul.u32 $0x1800, s25;
	_ =	swait.ge [sflag:s20], $0xC000  }
0x7f: {  	s26 =	sand.u32 $0x380, s3;
	[sflag:s20] =	ssyncset.done $0x0  }
0x80: {  	s22 =	sor.u32 s26, s22;
	[sflag:s20] =	ssyncadd.s32 $0xFFFF4000  }
0x81: {  	v12 =	vld [tilespmem:s22+$0xC100]  }
0x82: {  	v13 =	vld [tilespmem:s22+$0xC110]  }
0x83: {  	v14 =	vld [tilespmem:s22+$0xC120]  }
0x84: {  	v15 =	vld [tilespmem:s22+$0xC130]  }
0x85: {  	v16 =	vld [tilespmem:s22+$0xC140]  }
0x86: {  	v17 =	vld [tilespmem:s22+$0xC150]  }
0x87: {  	v18 =	vld [tilespmem:s22+$0xC160]  }
0x88: {  	v19 =	vld [tilespmem:s22+$0xC170]  }
0x89: {  	v20 =	vld [tilespmem:s22+$0xC500]  }
0x8a: {  	v21 =	vld [tilespmem:s22+$0xC510]  }
0x8b: {  	v22 =	vld [tilespmem:s22+$0xC520]  }
0x8c: {  	v23 =	vld [tilespmem:s22+$0xC530]  }
0x8d: {  	v24 =	vld [tilespmem:s22+$0xC540]  }
0x8e: {  	v25 =	vld [tilespmem:s22+$0xC550]  }
0x8f: {  	v26 =	vld [tilespmem:s22+$0xC560]  }
0x90: {  	v27 =	vld [tilespmem:s22+$0xC570]  }
0x91: {  	v28 =	vld [tilespmem:s22+$0xC900]  }
0x92: {  	v29 =	vld [tilespmem:s22+$0xC910]  }
0x93: {  	v30 =	vld [tilespmem:s22+$0xC920]  }
0x94: {  	v31 =	vld [tilespmem:s22+$0xC930]  }
0x95: {  	v32 =	vld [tilespmem:s22+$0xC940]  }
0x96: {  	v33 =	vld [tilespmem:s22+$0xC950]  }
0x97: {  	v34 =	vld [tilespmem:s22+$0xC960]  }
0x98: {  	v35 =	vld [tilespmem:s22+$0xC970]  }
0x99: {  	v36 =	vld [tilespmem:s22+$0xCD00]  }
0x9a: {  	v37 =	vld [tilespmem:s22+$0xCD10]  }
0x9b: {  	v38 =	vld [tilespmem:s22+$0xCD20]  }
0x9c: {  	v39 =	vld [tilespmem:s22+$0xCD30]  }
0x9d: {  	v40 =	vld [tilespmem:s22+$0xCD40]  }
0x9e: {  	v41 =	vld [tilespmem:s22+$0xCD50]  }
0x9f: {  	v42 =	vld [tilespmem:s22+$0xCD60]  }
0xa0: {  	v43 =	vld [tilespmem:s22+$0xCD70]  }
0xa1: {  	v44 =	vld [tilespmem:s22+$0xD100]  }
0xa2: {  	v45 =	vld [tilespmem:s22+$0xD110]  }
0xa3: {  	v46 =	vld [tilespmem:s22+$0xD120]  }
0xa4: {  	v47 =	vld [tilespmem:s22+$0xD130]  }
0xa5: {  	v48 =	vld [tilespmem:s22+$0xD140]  }
0xa6: {  	v49 =	vld [tilespmem:s22+$0xD150]  }
0xa7: {  	v50 =	vld [tilespmem:s22+$0xD160]  }
0xa8: {  	v11 =	vld [tilespmem:s22+$0xD170]  }
0xa9: {  	v10 =	vld [tilespmem:s22+$0xD500]  }
0xaa: {  	v9 =	vld [tilespmem:s22+$0xD510]  }
0xab: {  	v8 =	vld [tilespmem:s22+$0xD520]  }
0xac: {  	v7 =	vld [tilespmem:s22+$0xD530]  }
0xad: {  	v6 =	vld [tilespmem:s22+$0xD540]  }
0xae: {  	v51 =	vld [tilespmem:s22+$0x100]  }
0xaf: {  	v52 =	vld [tilespmem:s22+$0x110]  }
0xb0: {  	v53 =	vld [tilespmem:s22+$0x120]  }
0xb1: {  	v54 =	vld [tilespmem:s22+$0x130]  }
0xb2: {  	v55 =	vld [tilespmem:s22+$0x140]  }
0xb3: {  	v62 =	vld [tilespmem:s22+$0x150];
	v12 =	vadd.f32 v12, v51  }
0xb4: {  	v63 =	vld [tilespmem:s22+$0x160];
	v13 =	vadd.f32 v13, v52  }
0xb5: {  	[tilespmem:s22+$0x100] =	vst v12;
	v12 =	vadd.f32 v14, v53;
	v14 =	vld [tilespmem:s22+$0x170]  }
0xb6: {  	[tilespmem:s22+$0x110] =	vst v13;
	v13 =	vadd.f32 v15, v54;
	v15 =	vld [tilespmem:s22+$0x500]  }
0xb7: {  	[tilespmem:s22+$0x120] =	vst v12;
	v12 =	vadd.f32 v16, v55;
	v16 =	vld [tilespmem:s22+$0x510]  }
0xb8: {  	[tilespmem:s22+$0x130] =	vst v13;
	v13 =	vadd.f32 v17, v62;
	v17 =	vld [tilespmem:s22+$0x520]  }
0xb9: {  	v5 =	vld [tilespmem:s22+$0xD550]  }
0xba: {  	[tilespmem:s22+$0x140] =	vst v12;
	v12 =	vadd.f32 v18, v63;
	v18 =	vld [tilespmem:s22+$0x570]  }
0xbb: {  	[tilespmem:s22+$0x150] =	vst v13;
	v13 =	vadd.f32 v19, v14;
	v14 =	vld [tilespmem:s22+$0x530]  }
0xbc: {  	[tilespmem:s22+$0x160] =	vst v12;
	v12 =	vadd.f32 v20, v15;
	v15 =	vld [tilespmem:s22+$0x540]  }
0xbd: {  	[tilespmem:s22+$0x170] =	vst v13;
	v13 =	vadd.f32 v21, v16;
	v16 =	vadd.f32 v22, v17;
	v17 =	vld [tilespmem:s22+$0x560]  }
0xbe: {  	[tilespmem:s22+$0x500] =	vst v12;
	v12 =	vld [tilespmem:s22+$0x550]  }
0xbf: {  	[tilespmem:s22+$0x510] =	vst v13;
	v13 =	vld [tilespmem:s22+$0x900];
	v18 =	vadd.f32 v27, v18  }
0xc0: {  	[tilespmem:s22+$0x520] =	vst v16;
	v16 =	vld [tilespmem:s22+$0x910];
	v14 =	vadd.f32 v23, v14  }
0xc1: {  	v4 =	vld [tilespmem:s22+$0xD560];
	v15 =	vadd.f32 v24, v15;
	[tilespmem:s22+$0x570] =	vst v18  }
0xc2: {  	[tilespmem:s22+$0x530] =	vst v14;
	v14 =	vld [tilespmem:s22+$0x920];
	v17 =	vadd.f32 v26, v17  }
0xc3: {  	v12 =	vadd.f32 v25, v12;
	[tilespmem:s22+$0x540] =	vst v15;
	v15 =	vld [tilespmem:s22+$0x930]  }
0xc4: {  	v18 =	vld [tilespmem:s22+$0x970];
	[tilespmem:s22+$0x560] =	vst v17;
	v13 =	vadd.f32 v28, v13  }
0xc5: {  	v16 =	vadd.f32 v29, v16;
	[tilespmem:s22+$0x550] =	vst v12;
	v12 =	vld [tilespmem:s22+$0x940]  }
0xc6: {  	v17 =	vld [tilespmem:s22+$0x950];
	[tilespmem:s22+$0x900] =	vst v13  }
0xc7: {  	[tilespmem:s22+$0x910] =	vst v16;
	v16 =	vld [tilespmem:s22+$0x960];
	v13 =	vadd.f32 v30, v14  }
0xc8: {  	v14 =	vld [tilespmem:s22+$0xD00];
	v15 =	vadd.f32 v31, v15  }
0xc9: {  	[tilespmem:s22+$0x920] =	vst v13;
	v13 =	vld [tilespmem:s22+$0xD10]  }
0xca: {  	v12 =	vadd.f32 v32, v12;
	[tilespmem:s22+$0x930] =	vst v15;
	v15 =	vld [tilespmem:s22+$0xD20]  }
0xcb: {  	v3 =	vld [tilespmem:s22+$0xD570];
	v17 =	vadd.f32 v33, v17  }
0xcc: {  	v16 =	vadd.f32 v34, v16;
	[tilespmem:s22+$0x940] =	vst v12;
	v12 =	vld [tilespmem:s22+$0xD30]  }
0xcd: {  	[tilespmem:s22+$0x950] =	vst v17;
	v17 =	vld [tilespmem:s22+$0xD40];
	v14 =	vadd.f32 v36, v14  }
0xce: {  	v18 =	vadd.f32 v35, v18;
	[tilespmem:s22+$0x960] =	vst v16;
	v16 =	vld [tilespmem:s22+$0xD50]  }
0xcf: {  	v13 =	vadd.f32 v37, v13;
	[tilespmem:s22+$0xD00] =	vst v14;
	v14 =	vadd.f32 v38, v15;
	v15 =	vld [tilespmem:s22+$0xD60]  }
0xd0: {  	[tilespmem:s22+$0x970] =	vst v18;
	v18 =	vld [tilespmem:s22+$0xD70]  }
0xd1: {  	[tilespmem:s22+$0xD10] =	vst v13;
	v13 =	vld [tilespmem:s22+$0x1100];
	v12 =	vadd.f32 v39, v12  }
0xd2: {  	v17 =	vadd.f32 v40, v17;
	[tilespmem:s22+$0xD20] =	vst v14;
	v14 =	vld [tilespmem:s22+$0x1110]  }
0xd3: {  	v16 =	vadd.f32 v41, v16;
	[tilespmem:s22+$0xD30] =	vst v12;
	v12 =	vld [tilespmem:s22+$0x1120]  }
0xd4: {  	[tilespmem:s22+$0xD40] =	vst v17;
	v17 =	vld [tilespmem:s22+$0x1130];
	v15 =	vadd.f32 v42, v15  }
0xd5: {  	v19 =	vld [tilespmem:s22+$0x1140];
	[tilespmem:s22+$0xD50] =	vst v16;
	v16 =	vadd.f32 v43, v18  }
0xd6: {  	v18 =	vld [tilespmem:s22+$0x1150];
	v13 =	vadd.f32 v44, v13;
	[tilespmem:s22+$0xD60] =	vst v15  }
0xd7: {  	v20 =	vld [tilespmem:s22+$0x1160];
	[tilespmem:s22+$0xD70] =	vst v16;
	v14 =	vadd.f32 v45, v14  }
0xd8: {  	v16 =	vld [tilespmem:s22+$0x1170];
	[tilespmem:s22+$0x1100] =	vst v13;
	v12 =	vadd.f32 v46, v12  }
0xd9: {  	v15 =	vld [tilespmem:s22+$0x1500];
	v13 =	vadd.f32 v47, v17;
	[tilespmem:s22+$0x1110] =	vst v14  }
0xda: {  	v14 =	vld [tilespmem:s22+$0x1510];
	[tilespmem:s22+$0x1120] =	vst v12;
	v12 =	vadd.f32 v48, v19  }
0xdb: {  	[tilespmem:s22+$0x1130] =	vst v13;
	v13 =	vld [tilespmem:s22+$0x1520];
	v18 =	vadd.f32 v49, v18  }
0xdc: {  	s23 =	simm.s32 $0x1;
	s24 =	simm.s32 $0x0;
	v17 =	vadd.f32 v50, v20;
	[tilespmem:s22+$0x1140] =	vst v12;
	v12 =	vld [tilespmem:s22+$0x1530]  }
.LBB2_2:
0xdd: {  	s25 =	sshrl.u32 s23, $0x3;
	p0 =	sne.s32 s23, $0x3F;
	[tilespmem:s22+$0x1150] =	vst v18;
	v11 =	vadd.f32 v11, v16;
	v16 =	vld [tilespmem:s22+$0x1540]  }
0xde: {  	s24 =	sadd.s32 $0x80, s24;
	s25 =	smul.u32 $0x1800, s25;
	[tilespmem:s22+$0x1160] =	vst v17;
	v10 =	vadd.f32 v10, v15;
	v15 =	vld [tilespmem:s22+$0x1550]  }
0xdf: {  	s26 =	sand.u32 $0x380, s24;
	[tilespmem:s22+$0x1170] =	vst v11;
	v9 =	vadd.f32 v9, v14;
	v11 =	vld [tilespmem:s22+$0x1560]  }
0xe0: {  	s25 =	sor.u32 s26, s25;
	[tilespmem:s22+$0x1500] =	vst v10;
	v8 =	vadd.f32 v8, v13;
	v10 =	vld [tilespmem:s22+$0x1570]  }
0xe1: {  	v39 =	vld [tilespmem:s25+$0xC100];
	[tilespmem:s22+$0x1510] =	vst v9;
	v7 =	vadd.f32 v7, v12  }
0xe2: {  	v40 =	vld [tilespmem:s25+$0xC110];
	[tilespmem:s22+$0x1520] =	vst v8;
	v6 =	vadd.f32 v6, v16  }
0xe3: {  	v41 =	vld [tilespmem:s25+$0xC120];
	[tilespmem:s22+$0x1530] =	vst v7;
	v5 =	vadd.f32 v5, v15  }
0xe4: {  	v42 =	vld [tilespmem:s25+$0xC130];
	[tilespmem:s22+$0x1540] =	vst v6;
	v4 =	vadd.f32 v4, v11  }
0xe5: {  	v43 =	vld [tilespmem:s25+$0xC140];
	[tilespmem:s22+$0x1550] =	vst v5;
	v3 =	vadd.f32 v3, v10  }
0xe6: {  	v44 =	vld [tilespmem:s25+$0xC150];
	[tilespmem:s22+$0x1560] =	vst v4  }
0xe7: {  	v45 =	vld [tilespmem:s25+$0xC160];
	[tilespmem:s22+$0x1570] =	vst v3;
	s22 =	smov.u32 s25  }
0xe8: {  	v46 =	vld [tilespmem:s22+$0xC170]  }
0xe9: {  	v47 =	vld [tilespmem:s22+$0xC500]  }
0xea: {  	v48 =	vld [tilespmem:s22+$0xC510]  }
0xeb: {  	v49 =	vld [tilespmem:s22+$0xC520]  }
0xec: {  	v50 =	vld [tilespmem:s22+$0xC530]  }
0xed: {  	v38 =	vld [tilespmem:s22+$0xC540]  }
0xee: {  	v37 =	vld [tilespmem:s22+$0xC550]  }
0xef: {  	v36 =	vld [tilespmem:s22+$0xC560]  }
0xf0: {  	v35 =	vld [tilespmem:s22+$0xC570]  }
0xf1: {  	v34 =	vld [tilespmem:s22+$0xC900]  }
0xf2: {  	v33 =	vld [tilespmem:s22+$0xC910]  }
0xf3: {  	v32 =	vld [tilespmem:s22+$0xC920]  }
0xf4: {  	v31 =	vld [tilespmem:s22+$0xC930]  }
0xf5: {  	v30 =	vld [tilespmem:s22+$0xC940]  }
0xf6: {  	v29 =	vld [tilespmem:s22+$0xC950]  }
0xf7: {  	v28 =	vld [tilespmem:s22+$0xC960]  }
0xf8: {  	v27 =	vld [tilespmem:s22+$0xC970]  }
0xf9: {  	v26 =	vld [tilespmem:s22+$0xCD00]  }
0xfa: {  	v25 =	vld [tilespmem:s22+$0xCD10]  }
0xfb: {  	v24 =	vld [tilespmem:s22+$0xCD20]  }
0xfc: {  	v23 =	vld [tilespmem:s22+$0xCD30]  }
0xfd: {  	v22 =	vld [tilespmem:s22+$0xCD40]  }
0xfe: {  	v21 =	vld [tilespmem:s22+$0xCD50]  }
0xff: {  	v20 =	vld [tilespmem:s22+$0xCD60]  }
0x100: {  	v19 =	vld [tilespmem:s22+$0xCD70]  }
0x101: {  	v18 =	vld [tilespmem:s22+$0xD100]  }
0x102: {  	v17 =	vld [tilespmem:s22+$0xD110]  }
0x103: {  	v16 =	vld [tilespmem:s22+$0xD120]  }
0x104: {  	v15 =	vld [tilespmem:s22+$0xD130]  }
0x105: {  	v14 =	vld [tilespmem:s22+$0xD140]  }
0x106: {  	v13 =	vld [tilespmem:s22+$0xD150]  }
0x107: {  	v12 =	vld [tilespmem:s22+$0xD160]  }
0x108: {  	v11 =	vld [tilespmem:s22+$0xD170]  }
0x109: {  	v10 =	vld [tilespmem:s22+$0xD500]  }
0x10a: {  	v9 =	vld [tilespmem:s22+$0xD510]  }
0x10b: {  	v8 =	vld [tilespmem:s22+$0xD520]  }
0x10c: {  	v7 =	vld [tilespmem:s22+$0xD530]  }
0x10d: {  	v6 =	vld [tilespmem:s22+$0xD540]  }
0x10e: {  	v5 =	vld [tilespmem:s22+$0xD550]  }
0x10f: {  	v4 =	vld [tilespmem:s22+$0xD560]  }
0x110: {  	v3 =	vld [tilespmem:s22+$0xD570]  }
0x111: {  	v51 =	vld [tilespmem:s22+$0x100]  }
0x112: {  	v52 =	vld [tilespmem:s22+$0x110]  }
0x113: {  	v53 =	vld [tilespmem:s22+$0x120]  }
0x114: {  	v54 =	vld [tilespmem:s22+$0x130]  }
0x115: {  	v55 =	vld [tilespmem:s22+$0x140]  }
0x116: {  	v39 =	vadd.f32 v39, v51;
	v51 =	vld [tilespmem:s22+$0x150]  }
0x117: {  	v40 =	vadd.f32 v40, v52;
	v52 =	vld [tilespmem:s22+$0x160]  }
0x118: {  	[tilespmem:s22+$0x100] =	vst v39;
	v39 =	vadd.f32 v41, v53;
	v41 =	vld [tilespmem:s22+$0x170]  }
0x119: {  	[tilespmem:s22+$0x110] =	vst v40;
	v40 =	vadd.f32 v42, v54;
	v42 =	vld [tilespmem:s22+$0x500]  }
0x11a: {  	[tilespmem:s22+$0x120] =	vst v39;
	v39 =	vadd.f32 v43, v55;
	v43 =	vld [tilespmem:s22+$0x510]  }
0x11b: {  	[tilespmem:s22+$0x130] =	vst v40;
	v40 =	vadd.f32 v44, v51;
	v44 =	vld [tilespmem:s22+$0x520]  }
0x11c: {  	[tilespmem:s22+$0x140] =	vst v39;
	v39 =	vadd.f32 v45, v52;
	v45 =	vld [tilespmem:s22+$0x530]  }
0x11d: {  	[tilespmem:s22+$0x150] =	vst v40;
	v40 =	vadd.f32 v46, v41;
	v41 =	vld [tilespmem:s22+$0x540]  }
0x11e: {  	[tilespmem:s22+$0x160] =	vst v39;
	v39 =	vadd.f32 v47, v42;
	v42 =	vld [tilespmem:s22+$0x550]  }
0x11f: {  	[tilespmem:s22+$0x170] =	vst v40;
	v40 =	vadd.f32 v48, v43;
	v43 =	vld [tilespmem:s22+$0x560]  }
0x120: {  	[tilespmem:s22+$0x500] =	vst v39;
	v39 =	vadd.f32 v49, v44;
	v44 =	vld [tilespmem:s22+$0x570]  }
0x121: {  	[tilespmem:s22+$0x510] =	vst v40;
	v40 =	vadd.f32 v50, v45;
	v45 =	vld [tilespmem:s22+$0x900]  }
0x122: {  	[tilespmem:s22+$0x520] =	vst v39;
	v38 =	vadd.f32 v38, v41;
	v39 =	vld [tilespmem:s22+$0x910]  }
0x123: {  	[tilespmem:s22+$0x530] =	vst v40;
	v37 =	vadd.f32 v37, v42;
	v40 =	vld [tilespmem:s22+$0x920]  }
0x124: {  	[tilespmem:s22+$0x540] =	vst v38;
	v36 =	vadd.f32 v36, v43;
	v38 =	vld [tilespmem:s22+$0x930]  }
0x125: {  	[tilespmem:s22+$0x550] =	vst v37;
	v35 =	vadd.f32 v35, v44;
	v37 =	vld [tilespmem:s22+$0x940]  }
0x126: {  	[tilespmem:s22+$0x560] =	vst v36;
	v34 =	vadd.f32 v34, v45;
	v36 =	vld [tilespmem:s22+$0x950]  }
0x127: {  	[tilespmem:s22+$0x570] =	vst v35;
	v33 =	vadd.f32 v33, v39;
	v35 =	vld [tilespmem:s22+$0x960]  }
0x128: {  	[tilespmem:s22+$0x900] =	vst v34;
	v32 =	vadd.f32 v32, v40;
	v34 =	vld [tilespmem:s22+$0x970]  }
0x129: {  	[tilespmem:s22+$0x910] =	vst v33;
	v31 =	vadd.f32 v31, v38;
	v33 =	vld [tilespmem:s22+$0xD00]  }
0x12a: {  	[tilespmem:s22+$0x920] =	vst v32;
	v30 =	vadd.f32 v30, v37;
	v32 =	vld [tilespmem:s22+$0xD10]  }
0x12b: {  	[tilespmem:s22+$0x930] =	vst v31;
	v29 =	vadd.f32 v29, v36;
	v31 =	vld [tilespmem:s22+$0xD20]  }
0x12c: {  	[tilespmem:s22+$0x940] =	vst v30;
	v28 =	vadd.f32 v28, v35;
	v30 =	vld [tilespmem:s22+$0xD30]  }
0x12d: {  	[tilespmem:s22+$0x950] =	vst v29;
	v27 =	vadd.f32 v27, v34;
	v29 =	vld [tilespmem:s22+$0xD40]  }
0x12e: {  	[tilespmem:s22+$0x960] =	vst v28;
	v26 =	vadd.f32 v26, v33;
	v28 =	vld [tilespmem:s22+$0xD50]  }
0x12f: {  	[tilespmem:s22+$0x970] =	vst v27;
	v25 =	vadd.f32 v25, v32;
	v27 =	vld [tilespmem:s22+$0xD60]  }
0x130: {  	[tilespmem:s22+$0xD00] =	vst v26;
	v24 =	vadd.f32 v24, v31;
	v26 =	vld [tilespmem:s22+$0xD70]  }
0x131: {  	[tilespmem:s22+$0xD10] =	vst v25;
	v23 =	vadd.f32 v23, v30;
	v25 =	vld [tilespmem:s22+$0x1100]  }
0x132: {  	[tilespmem:s22+$0xD20] =	vst v24;
	v22 =	vadd.f32 v22, v29;
	v24 =	vld [tilespmem:s22+$0x1110]  }
0x133: {  	[tilespmem:s22+$0xD30] =	vst v23;
	v21 =	vadd.f32 v21, v28;
	v23 =	vld [tilespmem:s22+$0x1120]  }
0x134: {  	[tilespmem:s22+$0xD40] =	vst v22;
	v20 =	vadd.f32 v20, v27;
	v22 =	vld [tilespmem:s22+$0x1130]  }
0x135: {  	[tilespmem:s22+$0xD50] =	vst v21;
	v19 =	vadd.f32 v19, v26;
	v21 =	vld [tilespmem:s22+$0x1140]  }
0x136: {  	[tilespmem:s22+$0xD60] =	vst v20;
	v18 =	vadd.f32 v18, v25;
	v20 =	vld [tilespmem:s22+$0x1150]  }
0x137: {  	[tilespmem:s22+$0xD70] =	vst v19;
	v17 =	vadd.f32 v17, v24;
	v19 =	vld [tilespmem:s22+$0x1160]  }
.Ltmp0:
0x138: {  	[tilespmem:s22+$0x1100] =	vst v18;
	v18 =	vadd.f32 v16, v23;
	v16 =	vld [tilespmem:s22+$0x1170];
	(pc) =	sbr.rel @p0 .LBB2_2-.Ltmp0, $4  }
0x139: {  	[tilespmem:s22+$0x1110] =	vst v17;
	v17 =	vadd.f32 v15, v22;
	v15 =	vld [tilespmem:s22+$0x1500]  }
0x13a: {  	[tilespmem:s22+$0x1120] =	vst v18;
	v21 =	vadd.f32 v14, v21;
	v14 =	vld [tilespmem:s22+$0x1510]  }
0x13b: {  	[tilespmem:s22+$0x1130] =	vst v17;
	v18 =	vadd.f32 v13, v20;
	v13 =	vld [tilespmem:s22+$0x1520]  }
0x13c: {  	s23 =	sadd.s32 $0x1, s23;
	[tilespmem:s22+$0x1140] =	vst v21;
	v17 =	vadd.f32 v12, v19;
	v12 =	vld [tilespmem:s22+$0x1530]  }
0x13d: {  	[tilespmem:s22+$0x1150] =	vst v18;
	v18 =	vld [tilespmem:s22+$0x1540];
	v11 =	vadd.f32 v11, v16  }
0x13e: {  	v16 =	vld [tilespmem:s22+$0x1550];
	[tilespmem:s22+$0x1160] =	vst v17;
	v10 =	vadd.f32 v10, v15  }
0x13f: {  	[tilespmem:s22+$0x1170] =	vst v11;
	v9 =	vadd.f32 v9, v14;
	v11 =	vld [tilespmem:s22+$0x1560]  }
0x140: {  	[tilespmem:s22+$0x1500] =	vst v10;
	v8 =	vadd.f32 v8, v13;
	v10 =	vld [tilespmem:s22+$0x1570]  }
0x141: {  	[tilespmem:s22+$0x1510] =	vst v9;
	v7 =	vadd.f32 v7, v12  }
0x142: {  	[tilespmem:s22+$0x1520] =	vst v8;
	v6 =	vadd.f32 v6, v18  }
0x143: {  	v5 =	vadd.f32 v5, v16;
	[tilespmem:s22+$0x1530] =	vst v7  }
0x144: {  	[tilespmem:s22+$0x1540] =	vst v6;
	v4 =	vadd.f32 v4, v11  }
0x145: {  	[tilespmem:s22+$0x1550] =	vst v5;
	v3 =	vadd.f32 v3, v10  }
0x146: {  	[tilespmem:s22+$0x1560] =	vst v4  }
0x147: {  	s23 =	rddreg [dreg:$0xa];
	[tilespmem:s22+$0x1570] =	vst v3;
	s22 =	simm.s32 $0x0  }
0x148: {  	[hbm4b:s23+s22] =	stream.linear.scatter [tilespmem:s21], [sflag:$0x3], $0xC000, $0x38;
	[tilespmem:$0x18100] =	vst v63  }
0x149: {  	_ =	swait.ge [sflag:s15], $0xC000  }
0x14a: {  	[sflag:s15] =	ssyncset.done $0x0  }
0x14b: {  	[sflag:s15] =	ssyncadd.s32 $0xFFFF4000  }
0x14c: {  	v3 =	vld [tilespmem:$0x40];
	_ =	sdelay $0x4  }
0x14d: {  	v4 =	vshrl.u32 v3, $0x3  }
0x14e: {  	v4 =	vmul.u32 $0x30, v4  }
0x14f: {  	v3 =	vand.u32 $0x7, v3  }
0x150: {  	v3 =	vor.u32 v3, v4  }
0x151: {  	v4 =	vperm.xlane v3, v0;
	_ =	sdelay $0x1  }
0x152: {  	v4 =	vadd.s32 v1, v4;
	_ =	sdelay $0x3  }
0x153: {  	v3 =	vperm.xlane v3, v2  }
0x154: {  	[tilespmem:s21], [sflag:$0x1] =	stream.indirect_vreg.gather [hbm4b:s1+s22], $0x80, v4, vm0, $0xb8;
	[tilespmem:$0x18100] =	vst v63  }
0x155: {  	s24 =	simm.s32 $0x900;
	v3 =	vadd.s32 v1, v3  }
0x156: {  	[tilespmem:s24], [sflag:$0x1] =	stream.indirect_vreg.gather [hbm4b:s9+s22], $0x80, v4, vm0, $0xb8;
	[tilespmem:$0x18100] =	vst v63  }
0x157: {  	s25 =	simm.s32 $0x1100  }
0x158: {  	[tilespmem:s25], [sflag:$0x1] =	stream.indirect_vreg.gather [hbm4b:s10+s22], $0x80, v4, vm0, $0xb8;
	[tilespmem:$0x18100] =	vst v63  }
0x159: {  	s26 =	simm.s32 $0x1900  }
0x15a: {  	[tilespmem:s26], [sflag:$0x1] =	stream.indirect_vreg.gather [hbm4b:s1+s22], $0x80, v3, vm0, $0xb8;
	[tilespmem:$0x18100] =	vst v63  }
0x15b: {  	s24 =	simm.s32 $0x2100  }
0x15c: {  	[tilespmem:s24], [sflag:$0x1] =	stream.indirect_vreg.gather [hbm4b:s9+s22], $0x80, v3, vm0, $0xb8;
	[tilespmem:$0x18100] =	vst v63  }
0x15d: {  	s25 =	simm.s32 $0x2900  }
0x15e: {  	[tilespmem:s25], [sflag:$0x1] =	stream.indirect_vreg.gather [hbm4b:s10+s22], $0x80, v3, vm0, $0xb8;
	[tilespmem:$0x18100] =	vst v63  }
0x15f: {  	v3 =	vld [tilespmem:$0x50];
	_ =	sdelay $0x4  }
0x160: {  	v4 =	vshrl.u32 v3, $0x3  }
0x161: {  	v4 =	vmul.u32 $0x30, v4  }
0x162: {  	v3 =	vand.u32 $0x7, v3  }
0x163: {  	v3 =	vor.u32 v3, v4  }
0x164: {  	v4 =	vperm.xlane v3, v0;
	_ =	sdelay $0x1  }
0x165: {  	v4 =	vadd.s32 v1, v4;
	_ =	sdelay $0x3  }
0x166: {  	v3 =	vperm.xlane v3, v2  }
0x167: {  	[tilespmem:s28], [sflag:$0x1] =	stream.indirect_vreg.gather [hbm4b:s1+s22], $0x80, v4, vm0, $0xb8;
	[tilespmem:$0x18100] =	vst v63  }
0x168: {  	v3 =	vadd.s32 v1, v3  }
0x169: {  	[tilespmem:s29], [sflag:$0x1] =	stream.indirect_vreg.gather [hbm4b:s9+s22], $0x80, v4, vm0, $0xb8;
	[tilespmem:$0x18100] =	vst v63  }
0x16a: {  	_ = 	snop  }
0x16b: {  	[tilespmem:s30], [sflag:$0x1] =	stream.indirect_vreg.gather [hbm4b:s10+s22], $0x80, v4, vm0, $0xb8;
	[tilespmem:$0x18100] =	vst v63  }
0x16c: {  	_ = 	snop  }
0x16d: {  	[tilespmem:s31], [sflag:$0x1] =	stream.indirect_vreg.gather [hbm4b:s1+s22], $0x80, v3, vm0, $0xb8;
	[tilespmem:$0x18100] =	vst v63  }
0x16e: {  	_ = 	snop  }
0x16f: {  	[tilespmem:s2], [sflag:$0x1] =	stream.indirect_vreg.gather [hbm4b:s9+s22], $0x80, v3, vm0, $0xb8;
	[tilespmem:$0x18100] =	vst v63  }
0x170: {  	_ = 	snop  }
0x171: {  	[tilespmem:s0], [sflag:$0x1] =	stream.indirect_vreg.gather [hbm4b:s10+s22], $0x80, v3, vm0, $0xb8;
	[tilespmem:$0x18100] =	vst v63  }
0x172: {  	v3 =	vld [tilespmem:$0x60];
	_ =	sdelay $0x4  }
0x173: {  	v4 =	vshrl.u32 v3, $0x3  }
0x174: {  	v4 =	vmul.u32 $0x30, v4  }
0x175: {  	v3 =	vand.u32 $0x7, v3  }
0x176: {  	v3 =	vor.u32 v3, v4  }
0x177: {  	v4 =	vperm.xlane v3, v0;
	_ =	sdelay $0x1  }
0x178: {  	v4 =	vadd.s32 v1, v4;
	_ =	sdelay $0x3  }
0x179: {  	v3 =	vperm.xlane v3, v2  }
0x17a: {  	[tilespmem:s16], [sflag:$0x1] =	stream.indirect_vreg.gather [hbm4b:s1+s22], $0x80, v4, vm0, $0xb8;
	[tilespmem:$0x18100] =	vst v63  }
0x17b: {  	v3 =	vadd.s32 v1, v3  }
0x17c: {  	[tilespmem:s17], [sflag:$0x1] =	stream.indirect_vreg.gather [hbm4b:s9+s22], $0x80, v4, vm0, $0xb8;
	[tilespmem:$0x18100] =	vst v63  }
0x17d: {  	_ = 	snop  }
0x17e: {  	[tilespmem:s18], [sflag:$0x1] =	stream.indirect_vreg.gather [hbm4b:s10+s22], $0x80, v4, vm0, $0xb8;
	[tilespmem:$0x18100] =	vst v63  }
0x17f: {  	_ = 	snop  }
0x180: {  	[tilespmem:s19], [sflag:$0x1] =	stream.indirect_vreg.gather [hbm4b:s1+s22], $0x80, v3, vm0, $0xb8;
	[tilespmem:$0x18100] =	vst v63  }
0x181: {  	_ = 	snop  }
0x182: {  	[tilespmem:s4], [sflag:$0x1] =	stream.indirect_vreg.gather [hbm4b:s9+s22], $0x80, v3, vm0, $0xb8;
	[tilespmem:$0x18100] =	vst v63  }
0x183: {  	_ = 	snop  }
0x184: {  	[tilespmem:s5], [sflag:$0x1] =	stream.indirect_vreg.gather [hbm4b:s10+s22], $0x80, v3, vm0, $0xb8;
	[tilespmem:$0x18100] =	vst v63  }
0x185: {  	v3 =	vld [tilespmem:$0x70];
	_ =	sdelay $0x4  }
0x186: {  	v4 =	vshrl.u32 v3, $0x3  }
0x187: {  	v4 =	vmul.u32 $0x30, v4  }
0x188: {  	v3 =	vand.u32 $0x7, v3  }
0x189: {  	v3 =	vor.u32 v3, v4  }
0x18a: {  	v4 =	vperm.xlane v3, v0;
	_ =	sdelay $0x1  }
0x18b: {  	v4 =	vadd.s32 v1, v4;
	_ =	sdelay $0x3  }
0x18c: {  	v3 =	vperm.xlane v3, v2  }
0x18d: {  	[tilespmem:s6], [sflag:$0x1] =	stream.indirect_vreg.gather [hbm4b:s1+s22], $0x80, v4, vm0, $0xb8;
	[tilespmem:$0x18100] =	vst v63  }
0x18e: {  	v3 =	vadd.s32 v1, v3  }
0x18f: {  	[tilespmem:s7], [sflag:$0x1] =	stream.indirect_vreg.gather [hbm4b:s9+s22], $0x80, v4, vm0, $0xb8;
	[tilespmem:$0x18100] =	vst v63  }
0x190: {  	_ = 	snop  }
0x191: {  	[tilespmem:s8], [sflag:$0x1] =	stream.indirect_vreg.gather [hbm4b:s10+s22], $0x80, v4, vm0, $0xb8;
	[tilespmem:$0x18100] =	vst v63  }
0x192: {  	_ = 	snop  }
0x193: {  	[tilespmem:s11], [sflag:$0x1] =	stream.indirect_vreg.gather [hbm4b:s1+s22], $0x80, v3, vm0, $0xb8;
	[tilespmem:$0x18100] =	vst v63  }
0x194: {  	_ = 	snop  }
0x195: {  	[tilespmem:s12], [sflag:$0x1] =	stream.indirect_vreg.gather [hbm4b:s9+s22], $0x80, v3, vm0, $0xb8;
	[tilespmem:$0x18100] =	vst v63  }
0x196: {  	s26 =	simm.s32 $0x0  }
0x197: {  	[tilespmem:s13], [sflag:$0x1] =	stream.indirect_vreg.gather [hbm4b:s10+s22], $0x80, v3, vm0, $0xb8;
	[tilespmem:$0x18100] =	vst v63  }
0x198: {  	s23 =	smul.u32 $0x1800, s26;
	_ =	swait.ge [sflag:s20], $0xC000  }
0x199: {  	s24 =	sand.u32 $0x380, s22;
	[sflag:s20] =	ssyncset.done $0x0  }
0x19a: {  	s23 =	sor.u32 s24, s23;
	[sflag:s20] =	ssyncadd.s32 $0xFFFF4000  }
0x19b: {  	v12 =	vld [tilespmem:s23+$0xC100]  }
0x19c: {  	v13 =	vld [tilespmem:s23+$0xC110]  }
0x19d: {  	v14 =	vld [tilespmem:s23+$0xC120]  }
0x19e: {  	v15 =	vld [tilespmem:s23+$0xC130]  }
0x19f: {  	v16 =	vld [tilespmem:s23+$0xC140]  }
0x1a0: {  	v17 =	vld [tilespmem:s23+$0xC150]  }
0x1a1: {  	v18 =	vld [tilespmem:s23+$0xC160]  }
0x1a2: {  	v19 =	vld [tilespmem:s23+$0xC170]  }
0x1a3: {  	v20 =	vld [tilespmem:s23+$0xC500]  }
0x1a4: {  	v21 =	vld [tilespmem:s23+$0xC510]  }
0x1a5: {  	v22 =	vld [tilespmem:s23+$0xC520]  }
0x1a6: {  	v23 =	vld [tilespmem:s23+$0xC530]  }
0x1a7: {  	v24 =	vld [tilespmem:s23+$0xC540]  }
0x1a8: {  	v25 =	vld [tilespmem:s23+$0xC550]  }
0x1a9: {  	v26 =	vld [tilespmem:s23+$0xC560]  }
0x1aa: {  	v27 =	vld [tilespmem:s23+$0xC570]  }
0x1ab: {  	v28 =	vld [tilespmem:s23+$0xC900]  }
0x1ac: {  	v29 =	vld [tilespmem:s23+$0xC910]  }
0x1ad: {  	v30 =	vld [tilespmem:s23+$0xC920]  }
0x1ae: {  	v31 =	vld [tilespmem:s23+$0xC930]  }
0x1af: {  	v32 =	vld [tilespmem:s23+$0xC940]  }
0x1b0: {  	v33 =	vld [tilespmem:s23+$0xC950]  }
0x1b1: {  	v34 =	vld [tilespmem:s23+$0xC960]  }
0x1b2: {  	v35 =	vld [tilespmem:s23+$0xC970]  }
0x1b3: {  	v36 =	vld [tilespmem:s23+$0xCD00]  }
0x1b4: {  	v37 =	vld [tilespmem:s23+$0xCD10]  }
0x1b5: {  	v38 =	vld [tilespmem:s23+$0xCD20]  }
0x1b6: {  	v39 =	vld [tilespmem:s23+$0xCD30]  }
0x1b7: {  	v40 =	vld [tilespmem:s23+$0xCD40]  }
0x1b8: {  	v41 =	vld [tilespmem:s23+$0xCD50]  }
0x1b9: {  	v42 =	vld [tilespmem:s23+$0xCD60]  }
0x1ba: {  	v43 =	vld [tilespmem:s23+$0xCD70]  }
0x1bb: {  	v44 =	vld [tilespmem:s23+$0xD100]  }
0x1bc: {  	v45 =	vld [tilespmem:s23+$0xD110]  }
0x1bd: {  	v46 =	vld [tilespmem:s23+$0xD120]  }
0x1be: {  	v47 =	vld [tilespmem:s23+$0xD130]  }
0x1bf: {  	v48 =	vld [tilespmem:s23+$0xD140]  }
0x1c0: {  	v49 =	vld [tilespmem:s23+$0xD150]  }
0x1c1: {  	v50 =	vld [tilespmem:s23+$0xD160]  }
0x1c2: {  	v11 =	vld [tilespmem:s23+$0xD170]  }
0x1c3: {  	v10 =	vld [tilespmem:s23+$0xD500]  }
0x1c4: {  	v9 =	vld [tilespmem:s23+$0xD510]  }
0x1c5: {  	v8 =	vld [tilespmem:s23+$0xD520]  }
0x1c6: {  	v7 =	vld [tilespmem:s23+$0xD530]  }
0x1c7: {  	v6 =	vld [tilespmem:s23+$0xD540]  }
0x1c8: {  	v51 =	vld [tilespmem:s23+$0x100]  }
0x1c9: {  	v52 =	vld [tilespmem:s23+$0x110]  }
0x1ca: {  	v53 =	vld [tilespmem:s23+$0x120]  }
0x1cb: {  	v54 =	vld [tilespmem:s23+$0x130]  }
0x1cc: {  	v55 =	vld [tilespmem:s23+$0x140]  }
0x1cd: {  	v62 =	vld [tilespmem:s23+$0x150];
	v12 =	vadd.f32 v12, v51  }
0x1ce: {  	v63 =	vld [tilespmem:s23+$0x160];
	v13 =	vadd.f32 v13, v52  }
0x1cf: {  	[tilespmem:s23+$0x100] =	vst v12;
	v12 =	vadd.f32 v14, v53;
	v14 =	vld [tilespmem:s23+$0x170]  }
0x1d0: {  	[tilespmem:s23+$0x110] =	vst v13;
	v13 =	vadd.f32 v15, v54;
	v15 =	vld [tilespmem:s23+$0x500]  }
0x1d1: {  	[tilespmem:s23+$0x120] =	vst v12;
	v12 =	vadd.f32 v16, v55;
	v16 =	vld [tilespmem:s23+$0x510]  }
0x1d2: {  	[tilespmem:s23+$0x130] =	vst v13;
	v13 =	vadd.f32 v17, v62;
	v17 =	vld [tilespmem:s23+$0x520]  }
0x1d3: {  	v5 =	vld [tilespmem:s23+$0xD550]  }
0x1d4: {  	[tilespmem:s23+$0x140] =	vst v12;
	v12 =	vadd.f32 v18, v63;
	v18 =	vld [tilespmem:s23+$0x570]  }
0x1d5: {  	[tilespmem:s23+$0x150] =	vst v13;
	v13 =	vadd.f32 v19, v14;
	v14 =	vld [tilespmem:s23+$0x530]  }
0x1d6: {  	[tilespmem:s23+$0x160] =	vst v12;
	v12 =	vadd.f32 v20, v15;
	v15 =	vld [tilespmem:s23+$0x540]  }
0x1d7: {  	[tilespmem:s23+$0x170] =	vst v13;
	v13 =	vadd.f32 v21, v16;
	v16 =	vadd.f32 v22, v17;
	v17 =	vld [tilespmem:s23+$0x560]  }
0x1d8: {  	[tilespmem:s23+$0x500] =	vst v12;
	v12 =	vld [tilespmem:s23+$0x550]  }
0x1d9: {  	[tilespmem:s23+$0x510] =	vst v13;
	v13 =	vld [tilespmem:s23+$0x900];
	v18 =	vadd.f32 v27, v18  }
0x1da: {  	[tilespmem:s23+$0x520] =	vst v16;
	v16 =	vld [tilespmem:s23+$0x910];
	v14 =	vadd.f32 v23, v14  }
0x1db: {  	v4 =	vld [tilespmem:s23+$0xD560];
	v15 =	vadd.f32 v24, v15;
	[tilespmem:s23+$0x570] =	vst v18  }
0x1dc: {  	[tilespmem:s23+$0x530] =	vst v14;
	v14 =	vld [tilespmem:s23+$0x920];
	v17 =	vadd.f32 v26, v17  }
0x1dd: {  	v12 =	vadd.f32 v25, v12;
	[tilespmem:s23+$0x540] =	vst v15;
	v15 =	vld [tilespmem:s23+$0x930]  }
0x1de: {  	v18 =	vld [tilespmem:s23+$0x970];
	[tilespmem:s23+$0x560] =	vst v17;
	v13 =	vadd.f32 v28, v13  }
0x1df: {  	v16 =	vadd.f32 v29, v16;
	[tilespmem:s23+$0x550] =	vst v12;
	v12 =	vld [tilespmem:s23+$0x940]  }
0x1e0: {  	v17 =	vld [tilespmem:s23+$0x950];
	[tilespmem:s23+$0x900] =	vst v13  }
0x1e1: {  	[tilespmem:s23+$0x910] =	vst v16;
	v16 =	vld [tilespmem:s23+$0x960];
	v13 =	vadd.f32 v30, v14  }
0x1e2: {  	v14 =	vld [tilespmem:s23+$0xD00];
	v15 =	vadd.f32 v31, v15  }
0x1e3: {  	[tilespmem:s23+$0x920] =	vst v13;
	v13 =	vld [tilespmem:s23+$0xD10]  }
0x1e4: {  	v12 =	vadd.f32 v32, v12;
	[tilespmem:s23+$0x930] =	vst v15;
	v15 =	vld [tilespmem:s23+$0xD20]  }
0x1e5: {  	v3 =	vld [tilespmem:s23+$0xD570];
	v17 =	vadd.f32 v33, v17  }
0x1e6: {  	v16 =	vadd.f32 v34, v16;
	[tilespmem:s23+$0x940] =	vst v12;
	v12 =	vld [tilespmem:s23+$0xD30]  }
0x1e7: {  	[tilespmem:s23+$0x950] =	vst v17;
	v17 =	vld [tilespmem:s23+$0xD40];
	v14 =	vadd.f32 v36, v14  }
0x1e8: {  	v18 =	vadd.f32 v35, v18;
	[tilespmem:s23+$0x960] =	vst v16;
	v16 =	vld [tilespmem:s23+$0xD50]  }
0x1e9: {  	v13 =	vadd.f32 v37, v13;
	[tilespmem:s23+$0xD00] =	vst v14;
	v14 =	vadd.f32 v38, v15;
	v15 =	vld [tilespmem:s23+$0xD60]  }
0x1ea: {  	[tilespmem:s23+$0x970] =	vst v18;
	v18 =	vld [tilespmem:s23+$0xD70]  }
0x1eb: {  	[tilespmem:s23+$0xD10] =	vst v13;
	v13 =	vld [tilespmem:s23+$0x1100];
	v12 =	vadd.f32 v39, v12  }
0x1ec: {  	v17 =	vadd.f32 v40, v17;
	[tilespmem:s23+$0xD20] =	vst v14;
	v14 =	vld [tilespmem:s23+$0x1110]  }
0x1ed: {  	v16 =	vadd.f32 v41, v16;
	[tilespmem:s23+$0xD30] =	vst v12;
	v12 =	vld [tilespmem:s23+$0x1120]  }
0x1ee: {  	[tilespmem:s23+$0xD40] =	vst v17;
	v17 =	vld [tilespmem:s23+$0x1130];
	v15 =	vadd.f32 v42, v15  }
0x1ef: {  	v19 =	vld [tilespmem:s23+$0x1140];
	[tilespmem:s23+$0xD50] =	vst v16;
	v16 =	vadd.f32 v43, v18  }
0x1f0: {  	v18 =	vld [tilespmem:s23+$0x1150];
	v13 =	vadd.f32 v44, v13;
	[tilespmem:s23+$0xD60] =	vst v15  }
0x1f1: {  	v20 =	vld [tilespmem:s23+$0x1160];
	[tilespmem:s23+$0xD70] =	vst v16;
	v14 =	vadd.f32 v45, v14  }
0x1f2: {  	v16 =	vld [tilespmem:s23+$0x1170];
	[tilespmem:s23+$0x1100] =	vst v13;
	v12 =	vadd.f32 v46, v12  }
0x1f3: {  	v15 =	vld [tilespmem:s23+$0x1500];
	v13 =	vadd.f32 v47, v17;
	[tilespmem:s23+$0x1110] =	vst v14  }
0x1f4: {  	v14 =	vld [tilespmem:s23+$0x1510];
	[tilespmem:s23+$0x1120] =	vst v12;
	v12 =	vadd.f32 v48, v19  }
0x1f5: {  	[tilespmem:s23+$0x1130] =	vst v13;
	v13 =	vld [tilespmem:s23+$0x1520];
	v18 =	vadd.f32 v49, v18  }
0x1f6: {  	s24 =	simm.s32 $0x1;
	v17 =	vadd.f32 v50, v20;
	[tilespmem:s23+$0x1140] =	vst v12;
	v12 =	vld [tilespmem:s23+$0x1530]  }
.LBB2_4:
0x1f7: {  	s25 =	sshrl.u32 s24, $0x3;
	p0 =	sne.s32 s24, $0x3F;
	[tilespmem:s23+$0x1150] =	vst v18;
	v11 =	vadd.f32 v11, v16;
	v16 =	vld [tilespmem:s23+$0x1540]  }
0x1f8: {  	s22 =	sadd.s32 $0x80, s22;
	s25 =	smul.u32 $0x1800, s25;
	[tilespmem:s23+$0x1160] =	vst v17;
	v10 =	vadd.f32 v10, v15;
	v15 =	vld [tilespmem:s23+$0x1550]  }
0x1f9: {  	s26 =	sand.u32 $0x380, s22;
	[tilespmem:s23+$0x1170] =	vst v11;
	v9 =	vadd.f32 v9, v14;
	v11 =	vld [tilespmem:s23+$0x1560]  }
0x1fa: {  	s25 =	sor.u32 s26, s25;
	[tilespmem:s23+$0x1500] =	vst v10;
	v8 =	vadd.f32 v8, v13;
	v10 =	vld [tilespmem:s23+$0x1570]  }
0x1fb: {  	v39 =	vld [tilespmem:s25+$0xC100];
	[tilespmem:s23+$0x1510] =	vst v9;
	v7 =	vadd.f32 v7, v12  }
0x1fc: {  	v40 =	vld [tilespmem:s25+$0xC110];
	[tilespmem:s23+$0x1520] =	vst v8;
	v6 =	vadd.f32 v6, v16  }
0x1fd: {  	v41 =	vld [tilespmem:s25+$0xC120];
	[tilespmem:s23+$0x1530] =	vst v7;
	v5 =	vadd.f32 v5, v15  }
0x1fe: {  	v42 =	vld [tilespmem:s25+$0xC130];
	[tilespmem:s23+$0x1540] =	vst v6;
	v4 =	vadd.f32 v4, v11  }
0x1ff: {  	v43 =	vld [tilespmem:s25+$0xC140];
	[tilespmem:s23+$0x1550] =	vst v5;
	v3 =	vadd.f32 v3, v10  }
0x200: {  	v44 =	vld [tilespmem:s25+$0xC150];
	[tilespmem:s23+$0x1560] =	vst v4  }
0x201: {  	v45 =	vld [tilespmem:s25+$0xC160];
	[tilespmem:s23+$0x1570] =	vst v3;
	s23 =	smov.u32 s25  }
0x202: {  	v46 =	vld [tilespmem:s23+$0xC170]  }
0x203: {  	v47 =	vld [tilespmem:s23+$0xC500]  }
0x204: {  	v48 =	vld [tilespmem:s23+$0xC510]  }
0x205: {  	v49 =	vld [tilespmem:s23+$0xC520]  }
0x206: {  	v50 =	vld [tilespmem:s23+$0xC530]  }
0x207: {  	v38 =	vld [tilespmem:s23+$0xC540]  }
0x208: {  	v37 =	vld [tilespmem:s23+$0xC550]  }
0x209: {  	v36 =	vld [tilespmem:s23+$0xC560]  }
0x20a: {  	v35 =	vld [tilespmem:s23+$0xC570]  }
0x20b: {  	v34 =	vld [tilespmem:s23+$0xC900]  }
0x20c: {  	v33 =	vld [tilespmem:s23+$0xC910]  }
0x20d: {  	v32 =	vld [tilespmem:s23+$0xC920]  }
0x20e: {  	v31 =	vld [tilespmem:s23+$0xC930]  }
0x20f: {  	v30 =	vld [tilespmem:s23+$0xC940]  }
0x210: {  	v29 =	vld [tilespmem:s23+$0xC950]  }
0x211: {  	v28 =	vld [tilespmem:s23+$0xC960]  }
0x212: {  	v27 =	vld [tilespmem:s23+$0xC970]  }
0x213: {  	v26 =	vld [tilespmem:s23+$0xCD00]  }
0x214: {  	v25 =	vld [tilespmem:s23+$0xCD10]  }
0x215: {  	v24 =	vld [tilespmem:s23+$0xCD20]  }
0x216: {  	v23 =	vld [tilespmem:s23+$0xCD30]  }
0x217: {  	v22 =	vld [tilespmem:s23+$0xCD40]  }
0x218: {  	v21 =	vld [tilespmem:s23+$0xCD50]  }
0x219: {  	v20 =	vld [tilespmem:s23+$0xCD60]  }
0x21a: {  	v19 =	vld [tilespmem:s23+$0xCD70]  }
0x21b: {  	v18 =	vld [tilespmem:s23+$0xD100]  }
0x21c: {  	v17 =	vld [tilespmem:s23+$0xD110]  }
0x21d: {  	v16 =	vld [tilespmem:s23+$0xD120]  }
0x21e: {  	v15 =	vld [tilespmem:s23+$0xD130]  }
0x21f: {  	v14 =	vld [tilespmem:s23+$0xD140]  }
0x220: {  	v13 =	vld [tilespmem:s23+$0xD150]  }
0x221: {  	v12 =	vld [tilespmem:s23+$0xD160]  }
0x222: {  	v11 =	vld [tilespmem:s23+$0xD170]  }
0x223: {  	v10 =	vld [tilespmem:s23+$0xD500]  }
0x224: {  	v9 =	vld [tilespmem:s23+$0xD510]  }
0x225: {  	v8 =	vld [tilespmem:s23+$0xD520]  }
0x226: {  	v7 =	vld [tilespmem:s23+$0xD530]  }
0x227: {  	v6 =	vld [tilespmem:s23+$0xD540]  }
0x228: {  	v5 =	vld [tilespmem:s23+$0xD550]  }
0x229: {  	v4 =	vld [tilespmem:s23+$0xD560]  }
0x22a: {  	v3 =	vld [tilespmem:s23+$0xD570]  }
0x22b: {  	v51 =	vld [tilespmem:s23+$0x100]  }
0x22c: {  	v52 =	vld [tilespmem:s23+$0x110]  }
0x22d: {  	v53 =	vld [tilespmem:s23+$0x120]  }
0x22e: {  	v54 =	vld [tilespmem:s23+$0x130]  }
0x22f: {  	v55 =	vld [tilespmem:s23+$0x140]  }
0x230: {  	v39 =	vadd.f32 v39, v51;
	v51 =	vld [tilespmem:s23+$0x150]  }
0x231: {  	v40 =	vadd.f32 v40, v52;
	v52 =	vld [tilespmem:s23+$0x160]  }
0x232: {  	[tilespmem:s23+$0x100] =	vst v39;
	v39 =	vadd.f32 v41, v53;
	v41 =	vld [tilespmem:s23+$0x170]  }
0x233: {  	[tilespmem:s23+$0x110] =	vst v40;
	v40 =	vadd.f32 v42, v54;
	v42 =	vld [tilespmem:s23+$0x500]  }
0x234: {  	[tilespmem:s23+$0x120] =	vst v39;
	v39 =	vadd.f32 v43, v55;
	v43 =	vld [tilespmem:s23+$0x510]  }
0x235: {  	[tilespmem:s23+$0x130] =	vst v40;
	v40 =	vadd.f32 v44, v51;
	v44 =	vld [tilespmem:s23+$0x520]  }
0x236: {  	[tilespmem:s23+$0x140] =	vst v39;
	v39 =	vadd.f32 v45, v52;
	v45 =	vld [tilespmem:s23+$0x530]  }
0x237: {  	[tilespmem:s23+$0x150] =	vst v40;
	v40 =	vadd.f32 v46, v41;
	v41 =	vld [tilespmem:s23+$0x540]  }
0x238: {  	[tilespmem:s23+$0x160] =	vst v39;
	v39 =	vadd.f32 v47, v42;
	v42 =	vld [tilespmem:s23+$0x550]  }
0x239: {  	[tilespmem:s23+$0x170] =	vst v40;
	v40 =	vadd.f32 v48, v43;
	v43 =	vld [tilespmem:s23+$0x560]  }
0x23a: {  	[tilespmem:s23+$0x500] =	vst v39;
	v39 =	vadd.f32 v49, v44;
	v44 =	vld [tilespmem:s23+$0x570]  }
0x23b: {  	[tilespmem:s23+$0x510] =	vst v40;
	v40 =	vadd.f32 v50, v45;
	v45 =	vld [tilespmem:s23+$0x900]  }
0x23c: {  	[tilespmem:s23+$0x520] =	vst v39;
	v38 =	vadd.f32 v38, v41;
	v39 =	vld [tilespmem:s23+$0x910]  }
0x23d: {  	[tilespmem:s23+$0x530] =	vst v40;
	v37 =	vadd.f32 v37, v42;
	v40 =	vld [tilespmem:s23+$0x920]  }
0x23e: {  	[tilespmem:s23+$0x540] =	vst v38;
	v36 =	vadd.f32 v36, v43;
	v38 =	vld [tilespmem:s23+$0x930]  }
0x23f: {  	[tilespmem:s23+$0x550] =	vst v37;
	v35 =	vadd.f32 v35, v44;
	v37 =	vld [tilespmem:s23+$0x940]  }
0x240: {  	[tilespmem:s23+$0x560] =	vst v36;
	v34 =	vadd.f32 v34, v45;
	v36 =	vld [tilespmem:s23+$0x950]  }
0x241: {  	[tilespmem:s23+$0x570] =	vst v35;
	v33 =	vadd.f32 v33, v39;
	v35 =	vld [tilespmem:s23+$0x960]  }
0x242: {  	[tilespmem:s23+$0x900] =	vst v34;
	v32 =	vadd.f32 v32, v40;
	v34 =	vld [tilespmem:s23+$0x970]  }
0x243: {  	[tilespmem:s23+$0x910] =	vst v33;
	v31 =	vadd.f32 v31, v38;
	v33 =	vld [tilespmem:s23+$0xD00]  }
0x244: {  	[tilespmem:s23+$0x920] =	vst v32;
	v30 =	vadd.f32 v30, v37;
	v32 =	vld [tilespmem:s23+$0xD10]  }
0x245: {  	[tilespmem:s23+$0x930] =	vst v31;
	v29 =	vadd.f32 v29, v36;
	v31 =	vld [tilespmem:s23+$0xD20]  }
0x246: {  	[tilespmem:s23+$0x940] =	vst v30;
	v28 =	vadd.f32 v28, v35;
	v30 =	vld [tilespmem:s23+$0xD30]  }
0x247: {  	[tilespmem:s23+$0x950] =	vst v29;
	v27 =	vadd.f32 v27, v34;
	v29 =	vld [tilespmem:s23+$0xD40]  }
0x248: {  	[tilespmem:s23+$0x960] =	vst v28;
	v26 =	vadd.f32 v26, v33;
	v28 =	vld [tilespmem:s23+$0xD50]  }
0x249: {  	[tilespmem:s23+$0x970] =	vst v27;
	v25 =	vadd.f32 v25, v32;
	v27 =	vld [tilespmem:s23+$0xD60]  }
0x24a: {  	[tilespmem:s23+$0xD00] =	vst v26;
	v24 =	vadd.f32 v24, v31;
	v26 =	vld [tilespmem:s23+$0xD70]  }
0x24b: {  	[tilespmem:s23+$0xD10] =	vst v25;
	v23 =	vadd.f32 v23, v30;
	v25 =	vld [tilespmem:s23+$0x1100]  }
0x24c: {  	[tilespmem:s23+$0xD20] =	vst v24;
	v22 =	vadd.f32 v22, v29;
	v24 =	vld [tilespmem:s23+$0x1110]  }
0x24d: {  	[tilespmem:s23+$0xD30] =	vst v23;
	v21 =	vadd.f32 v21, v28;
	v23 =	vld [tilespmem:s23+$0x1120]  }
0x24e: {  	[tilespmem:s23+$0xD40] =	vst v22;
	v20 =	vadd.f32 v20, v27;
	v22 =	vld [tilespmem:s23+$0x1130]  }
0x24f: {  	[tilespmem:s23+$0xD50] =	vst v21;
	v19 =	vadd.f32 v19, v26;
	v21 =	vld [tilespmem:s23+$0x1140]  }
0x250: {  	[tilespmem:s23+$0xD60] =	vst v20;
	v18 =	vadd.f32 v18, v25;
	v20 =	vld [tilespmem:s23+$0x1150]  }
0x251: {  	[tilespmem:s23+$0xD70] =	vst v19;
	v17 =	vadd.f32 v17, v24;
	v19 =	vld [tilespmem:s23+$0x1160]  }
.Ltmp1:
0x252: {  	[tilespmem:s23+$0x1100] =	vst v18;
	v18 =	vadd.f32 v16, v23;
	v16 =	vld [tilespmem:s23+$0x1170];
	(pc) =	sbr.rel @p0 .LBB2_4-.Ltmp1, $4  }
0x253: {  	[tilespmem:s23+$0x1110] =	vst v17;
	v17 =	vadd.f32 v15, v22;
	v15 =	vld [tilespmem:s23+$0x1500]  }
0x254: {  	[tilespmem:s23+$0x1120] =	vst v18;
	v21 =	vadd.f32 v14, v21;
	v14 =	vld [tilespmem:s23+$0x1510]  }
0x255: {  	[tilespmem:s23+$0x1130] =	vst v17;
	v18 =	vadd.f32 v13, v20;
	v13 =	vld [tilespmem:s23+$0x1520]  }
0x256: {  	s24 =	sadd.s32 $0x1, s24;
	[tilespmem:s23+$0x1140] =	vst v21;
	v17 =	vadd.f32 v12, v19;
	v12 =	vld [tilespmem:s23+$0x1530]  }
0x257: {  	[tilespmem:s23+$0x1150] =	vst v18;
	v18 =	vld [tilespmem:s23+$0x1540];
	v11 =	vadd.f32 v11, v16  }
0x258: {  	v16 =	vld [tilespmem:s23+$0x1550];
	[tilespmem:s23+$0x1160] =	vst v17;
	v10 =	vadd.f32 v10, v15  }
0x259: {  	[tilespmem:s23+$0x1170] =	vst v11;
	v9 =	vadd.f32 v9, v14;
	v11 =	vld [tilespmem:s23+$0x1560]  }
0x25a: {  	[tilespmem:s23+$0x1500] =	vst v10;
	v8 =	vadd.f32 v8, v13;
	v10 =	vld [tilespmem:s23+$0x1570]  }
0x25b: {  	[tilespmem:s23+$0x1510] =	vst v9;
	v7 =	vadd.f32 v7, v12  }
0x25c: {  	[tilespmem:s23+$0x1520] =	vst v8;
	v6 =	vadd.f32 v6, v18  }
0x25d: {  	v5 =	vadd.f32 v5, v16;
	[tilespmem:s23+$0x1530] =	vst v7  }
0x25e: {  	[tilespmem:s23+$0x1540] =	vst v6;
	v4 =	vadd.f32 v4, v11  }
0x25f: {  	[tilespmem:s23+$0x1550] =	vst v5;
	v3 =	vadd.f32 v3, v10  }
0x260: {  	[tilespmem:s23+$0x1560] =	vst v4  }
0x261: {  	s22 =	simm.s32 $0x0;
	s26 =	rddreg [dreg:$0xb];
	[tilespmem:s23+$0x1570] =	vst v3  }
0x262: {  	[hbm4b:s26+s22] =	stream.linear.scatter [tilespmem:s21], [sflag:$0x3], $0xC000, $0x38;
	[tilespmem:$0x18100] =	vst v63  }
0x263: {  	_ =	swait.ge [sflag:s15], $0xC000  }
0x264: {  	[sflag:s15] =	ssyncset.done $0x0  }
0x265: {  	[sflag:s15] =	ssyncadd.s32 $0xFFFF4000  }
0x266: {  	v3 =	vld [tilespmem:$0x80];
	_ =	sdelay $0x4  }
0x267: {  	v4 =	vshrl.u32 v3, $0x3  }
0x268: {  	v4 =	vmul.u32 $0x30, v4  }
0x269: {  	v3 =	vand.u32 $0x7, v3  }
0x26a: {  	v3 =	vor.u32 v3, v4  }
0x26b: {  	v4 =	vperm.xlane v3, v0;
	_ =	sdelay $0x1  }
0x26c: {  	v4 =	vadd.s32 v1, v4;
	_ =	sdelay $0x3  }
0x26d: {  	v3 =	vperm.xlane v3, v2  }
0x26e: {  	[tilespmem:s21], [sflag:$0x1] =	stream.indirect_vreg.gather [hbm4b:s1+s22], $0x80, v4, vm0, $0xb8;
	[tilespmem:$0x18100] =	vst v63  }
0x26f: {  	s24 =	simm.s32 $0x900;
	v3 =	vadd.s32 v1, v3  }
0x270: {  	[tilespmem:s24], [sflag:$0x1] =	stream.indirect_vreg.gather [hbm4b:s9+s22], $0x80, v4, vm0, $0xb8;
	[tilespmem:$0x18100] =	vst v63  }
0x271: {  	s25 =	simm.s32 $0x1100  }
0x272: {  	[tilespmem:s25], [sflag:$0x1] =	stream.indirect_vreg.gather [hbm4b:s10+s22], $0x80, v4, vm0, $0xb8;
	[tilespmem:$0x18100] =	vst v63  }
0x273: {  	s26 =	simm.s32 $0x1900  }
0x274: {  	[tilespmem:s26], [sflag:$0x1] =	stream.indirect_vreg.gather [hbm4b:s1+s22], $0x80, v3, vm0, $0xb8;
	[tilespmem:$0x18100] =	vst v63  }
0x275: {  	s24 =	simm.s32 $0x2100  }
0x276: {  	[tilespmem:s24], [sflag:$0x1] =	stream.indirect_vreg.gather [hbm4b:s9+s22], $0x80, v3, vm0, $0xb8;
	[tilespmem:$0x18100] =	vst v63  }
0x277: {  	s25 =	simm.s32 $0x2900  }
0x278: {  	[tilespmem:s25], [sflag:$0x1] =	stream.indirect_vreg.gather [hbm4b:s10+s22], $0x80, v3, vm0, $0xb8;
	[tilespmem:$0x18100] =	vst v63  }
0x279: {  	v3 =	vld [tilespmem:$0x90];
	_ =	sdelay $0x4  }
0x27a: {  	v4 =	vshrl.u32 v3, $0x3  }
0x27b: {  	v4 =	vmul.u32 $0x30, v4  }
0x27c: {  	v3 =	vand.u32 $0x7, v3  }
0x27d: {  	v3 =	vor.u32 v3, v4  }
0x27e: {  	v4 =	vperm.xlane v3, v0;
	_ =	sdelay $0x1  }
0x27f: {  	v4 =	vadd.s32 v1, v4;
	_ =	sdelay $0x3  }
0x280: {  	v3 =	vperm.xlane v3, v2  }
0x281: {  	[tilespmem:s28], [sflag:$0x1] =	stream.indirect_vreg.gather [hbm4b:s1+s22], $0x80, v4, vm0, $0xb8;
	[tilespmem:$0x18100] =	vst v63  }
0x282: {  	v3 =	vadd.s32 v1, v3  }
0x283: {  	[tilespmem:s29], [sflag:$0x1] =	stream.indirect_vreg.gather [hbm4b:s9+s22], $0x80, v4, vm0, $0xb8;
	[tilespmem:$0x18100] =	vst v63  }
0x284: {  	_ = 	snop  }
0x285: {  	[tilespmem:s30], [sflag:$0x1] =	stream.indirect_vreg.gather [hbm4b:s10+s22], $0x80, v4, vm0, $0xb8;
	[tilespmem:$0x18100] =	vst v63  }
0x286: {  	_ = 	snop  }
0x287: {  	[tilespmem:s31], [sflag:$0x1] =	stream.indirect_vreg.gather [hbm4b:s1+s22], $0x80, v3, vm0, $0xb8;
	[tilespmem:$0x18100] =	vst v63  }
0x288: {  	_ = 	snop  }
0x289: {  	[tilespmem:s2], [sflag:$0x1] =	stream.indirect_vreg.gather [hbm4b:s9+s22], $0x80, v3, vm0, $0xb8;
	[tilespmem:$0x18100] =	vst v63  }
0x28a: {  	_ = 	snop  }
0x28b: {  	[tilespmem:s0], [sflag:$0x1] =	stream.indirect_vreg.gather [hbm4b:s10+s22], $0x80, v3, vm0, $0xb8;
	[tilespmem:$0x18100] =	vst v63  }
0x28c: {  	v3 =	vld [tilespmem:$0xA0];
	_ =	sdelay $0x4  }
0x28d: {  	v4 =	vshrl.u32 v3, $0x3  }
0x28e: {  	v4 =	vmul.u32 $0x30, v4  }
0x28f: {  	v3 =	vand.u32 $0x7, v3  }
0x290: {  	v3 =	vor.u32 v3, v4  }
0x291: {  	v4 =	vperm.xlane v3, v0;
	_ =	sdelay $0x1  }
0x292: {  	v4 =	vadd.s32 v1, v4;
	_ =	sdelay $0x3  }
0x293: {  	v3 =	vperm.xlane v3, v2  }
0x294: {  	[tilespmem:s16], [sflag:$0x1] =	stream.indirect_vreg.gather [hbm4b:s1+s22], $0x80, v4, vm0, $0xb8;
	[tilespmem:$0x18100] =	vst v63  }
0x295: {  	v3 =	vadd.s32 v1, v3  }
0x296: {  	[tilespmem:s17], [sflag:$0x1] =	stream.indirect_vreg.gather [hbm4b:s9+s22], $0x80, v4, vm0, $0xb8;
	[tilespmem:$0x18100] =	vst v63  }
0x297: {  	_ = 	snop  }
0x298: {  	[tilespmem:s18], [sflag:$0x1] =	stream.indirect_vreg.gather [hbm4b:s10+s22], $0x80, v4, vm0, $0xb8;
	[tilespmem:$0x18100] =	vst v63  }
0x299: {  	_ = 	snop  }
0x29a: {  	[tilespmem:s19], [sflag:$0x1] =	stream.indirect_vreg.gather [hbm4b:s1+s22], $0x80, v3, vm0, $0xb8;
	[tilespmem:$0x18100] =	vst v63  }
0x29b: {  	_ = 	snop  }
0x29c: {  	[tilespmem:s4], [sflag:$0x1] =	stream.indirect_vreg.gather [hbm4b:s9+s22], $0x80, v3, vm0, $0xb8;
	[tilespmem:$0x18100] =	vst v63  }
0x29d: {  	_ = 	snop  }
0x29e: {  	[tilespmem:s5], [sflag:$0x1] =	stream.indirect_vreg.gather [hbm4b:s10+s22], $0x80, v3, vm0, $0xb8;
	[tilespmem:$0x18100] =	vst v63  }
0x29f: {  	v3 =	vld [tilespmem:$0xB0];
	_ =	sdelay $0x4  }
0x2a0: {  	v4 =	vshrl.u32 v3, $0x3  }
0x2a1: {  	v4 =	vmul.u32 $0x30, v4  }
0x2a2: {  	v3 =	vand.u32 $0x7, v3  }
0x2a3: {  	v3 =	vor.u32 v3, v4  }
0x2a4: {  	v4 =	vperm.xlane v3, v0;
	_ =	sdelay $0x1  }
0x2a5: {  	v4 =	vadd.s32 v1, v4;
	_ =	sdelay $0x3  }
0x2a6: {  	v3 =	vperm.xlane v3, v2  }
0x2a7: {  	[tilespmem:s6], [sflag:$0x1] =	stream.indirect_vreg.gather [hbm4b:s1+s22], $0x80, v4, vm0, $0xb8;
	[tilespmem:$0x18100] =	vst v63  }
0x2a8: {  	v3 =	vadd.s32 v1, v3  }
0x2a9: {  	[tilespmem:s7], [sflag:$0x1] =	stream.indirect_vreg.gather [hbm4b:s9+s22], $0x80, v4, vm0, $0xb8;
	[tilespmem:$0x18100] =	vst v63  }
0x2aa: {  	_ = 	snop  }
0x2ab: {  	[tilespmem:s8], [sflag:$0x1] =	stream.indirect_vreg.gather [hbm4b:s10+s22], $0x80, v4, vm0, $0xb8;
	[tilespmem:$0x18100] =	vst v63  }
0x2ac: {  	_ = 	snop  }
0x2ad: {  	[tilespmem:s11], [sflag:$0x1] =	stream.indirect_vreg.gather [hbm4b:s1+s22], $0x80, v3, vm0, $0xb8;
	[tilespmem:$0x18100] =	vst v63  }
0x2ae: {  	_ = 	snop  }
0x2af: {  	[tilespmem:s12], [sflag:$0x1] =	stream.indirect_vreg.gather [hbm4b:s9+s22], $0x80, v3, vm0, $0xb8;
	[tilespmem:$0x18100] =	vst v63  }
0x2b0: {  	s26 =	simm.s32 $0x0  }
0x2b1: {  	[tilespmem:s13], [sflag:$0x1] =	stream.indirect_vreg.gather [hbm4b:s10+s22], $0x80, v3, vm0, $0xb8;
	[tilespmem:$0x18100] =	vst v63  }
0x2b2: {  	s23 =	smul.u32 $0x1800, s26;
	_ =	swait.ge [sflag:s20], $0xC000  }
0x2b3: {  	s24 =	sand.u32 $0x380, s22;
	[sflag:s20] =	ssyncset.done $0x0  }
0x2b4: {  	s23 =	sor.u32 s24, s23;
	[sflag:s20] =	ssyncadd.s32 $0xFFFF4000  }
0x2b5: {  	v12 =	vld [tilespmem:s23+$0xC100]  }
0x2b6: {  	v13 =	vld [tilespmem:s23+$0xC110]  }
0x2b7: {  	v14 =	vld [tilespmem:s23+$0xC120]  }
0x2b8: {  	v15 =	vld [tilespmem:s23+$0xC130]  }
0x2b9: {  	v16 =	vld [tilespmem:s23+$0xC140]  }
0x2ba: {  	v17 =	vld [tilespmem:s23+$0xC150]  }
0x2bb: {  	v18 =	vld [tilespmem:s23+$0xC160]  }
0x2bc: {  	v19 =	vld [tilespmem:s23+$0xC170]  }
0x2bd: {  	v20 =	vld [tilespmem:s23+$0xC500]  }
0x2be: {  	v21 =	vld [tilespmem:s23+$0xC510]  }
0x2bf: {  	v22 =	vld [tilespmem:s23+$0xC520]  }
0x2c0: {  	v23 =	vld [tilespmem:s23+$0xC530]  }
0x2c1: {  	v24 =	vld [tilespmem:s23+$0xC540]  }
0x2c2: {  	v25 =	vld [tilespmem:s23+$0xC550]  }
0x2c3: {  	v26 =	vld [tilespmem:s23+$0xC560]  }
0x2c4: {  	v27 =	vld [tilespmem:s23+$0xC570]  }
0x2c5: {  	v28 =	vld [tilespmem:s23+$0xC900]  }
0x2c6: {  	v29 =	vld [tilespmem:s23+$0xC910]  }
0x2c7: {  	v30 =	vld [tilespmem:s23+$0xC920]  }
0x2c8: {  	v31 =	vld [tilespmem:s23+$0xC930]  }
0x2c9: {  	v32 =	vld [tilespmem:s23+$0xC940]  }
0x2ca: {  	v33 =	vld [tilespmem:s23+$0xC950]  }
0x2cb: {  	v34 =	vld [tilespmem:s23+$0xC960]  }
0x2cc: {  	v35 =	vld [tilespmem:s23+$0xC970]  }
0x2cd: {  	v36 =	vld [tilespmem:s23+$0xCD00]  }
0x2ce: {  	v37 =	vld [tilespmem:s23+$0xCD10]  }
0x2cf: {  	v38 =	vld [tilespmem:s23+$0xCD20]  }
0x2d0: {  	v39 =	vld [tilespmem:s23+$0xCD30]  }
0x2d1: {  	v40 =	vld [tilespmem:s23+$0xCD40]  }
0x2d2: {  	v41 =	vld [tilespmem:s23+$0xCD50]  }
0x2d3: {  	v42 =	vld [tilespmem:s23+$0xCD60]  }
0x2d4: {  	v43 =	vld [tilespmem:s23+$0xCD70]  }
0x2d5: {  	v44 =	vld [tilespmem:s23+$0xD100]  }
0x2d6: {  	v45 =	vld [tilespmem:s23+$0xD110]  }
0x2d7: {  	v46 =	vld [tilespmem:s23+$0xD120]  }
0x2d8: {  	v47 =	vld [tilespmem:s23+$0xD130]  }
0x2d9: {  	v48 =	vld [tilespmem:s23+$0xD140]  }
0x2da: {  	v49 =	vld [tilespmem:s23+$0xD150]  }
0x2db: {  	v50 =	vld [tilespmem:s23+$0xD160]  }
0x2dc: {  	v11 =	vld [tilespmem:s23+$0xD170]  }
0x2dd: {  	v10 =	vld [tilespmem:s23+$0xD500]  }
0x2de: {  	v9 =	vld [tilespmem:s23+$0xD510]  }
0x2df: {  	v8 =	vld [tilespmem:s23+$0xD520]  }
0x2e0: {  	v7 =	vld [tilespmem:s23+$0xD530]  }
0x2e1: {  	v6 =	vld [tilespmem:s23+$0xD540]  }
0x2e2: {  	v51 =	vld [tilespmem:s23+$0x100]  }
0x2e3: {  	v52 =	vld [tilespmem:s23+$0x110]  }
0x2e4: {  	v53 =	vld [tilespmem:s23+$0x120]  }
0x2e5: {  	v54 =	vld [tilespmem:s23+$0x130]  }
0x2e6: {  	v55 =	vld [tilespmem:s23+$0x140]  }
0x2e7: {  	v62 =	vld [tilespmem:s23+$0x150];
	v12 =	vadd.f32 v12, v51  }
0x2e8: {  	v63 =	vld [tilespmem:s23+$0x160];
	v13 =	vadd.f32 v13, v52  }
0x2e9: {  	[tilespmem:s23+$0x100] =	vst v12;
	v12 =	vadd.f32 v14, v53;
	v14 =	vld [tilespmem:s23+$0x170]  }
0x2ea: {  	[tilespmem:s23+$0x110] =	vst v13;
	v13 =	vadd.f32 v15, v54;
	v15 =	vld [tilespmem:s23+$0x500]  }
0x2eb: {  	[tilespmem:s23+$0x120] =	vst v12;
	v12 =	vadd.f32 v16, v55;
	v16 =	vld [tilespmem:s23+$0x510]  }
0x2ec: {  	[tilespmem:s23+$0x130] =	vst v13;
	v13 =	vadd.f32 v17, v62;
	v17 =	vld [tilespmem:s23+$0x520]  }
0x2ed: {  	v5 =	vld [tilespmem:s23+$0xD550]  }
0x2ee: {  	[tilespmem:s23+$0x140] =	vst v12;
	v12 =	vadd.f32 v18, v63;
	v18 =	vld [tilespmem:s23+$0x570]  }
0x2ef: {  	[tilespmem:s23+$0x150] =	vst v13;
	v13 =	vadd.f32 v19, v14;
	v14 =	vld [tilespmem:s23+$0x530]  }
0x2f0: {  	[tilespmem:s23+$0x160] =	vst v12;
	v12 =	vadd.f32 v20, v15;
	v15 =	vld [tilespmem:s23+$0x540]  }
0x2f1: {  	[tilespmem:s23+$0x170] =	vst v13;
	v13 =	vadd.f32 v21, v16;
	v16 =	vadd.f32 v22, v17;
	v17 =	vld [tilespmem:s23+$0x560]  }
0x2f2: {  	[tilespmem:s23+$0x500] =	vst v12;
	v12 =	vld [tilespmem:s23+$0x550]  }
0x2f3: {  	[tilespmem:s23+$0x510] =	vst v13;
	v13 =	vld [tilespmem:s23+$0x900];
	v18 =	vadd.f32 v27, v18  }
0x2f4: {  	[tilespmem:s23+$0x520] =	vst v16;
	v16 =	vld [tilespmem:s23+$0x910];
	v14 =	vadd.f32 v23, v14  }
0x2f5: {  	v4 =	vld [tilespmem:s23+$0xD560];
	v15 =	vadd.f32 v24, v15;
	[tilespmem:s23+$0x570] =	vst v18  }
0x2f6: {  	[tilespmem:s23+$0x530] =	vst v14;
	v14 =	vld [tilespmem:s23+$0x920];
	v17 =	vadd.f32 v26, v17  }
0x2f7: {  	v12 =	vadd.f32 v25, v12;
	[tilespmem:s23+$0x540] =	vst v15;
	v15 =	vld [tilespmem:s23+$0x930]  }
0x2f8: {  	v18 =	vld [tilespmem:s23+$0x970];
	[tilespmem:s23+$0x560] =	vst v17;
	v13 =	vadd.f32 v28, v13  }
0x2f9: {  	v16 =	vadd.f32 v29, v16;
	[tilespmem:s23+$0x550] =	vst v12;
	v12 =	vld [tilespmem:s23+$0x940]  }
0x2fa: {  	v17 =	vld [tilespmem:s23+$0x950];
	[tilespmem:s23+$0x900] =	vst v13  }
0x2fb: {  	[tilespmem:s23+$0x910] =	vst v16;
	v16 =	vld [tilespmem:s23+$0x960];
	v13 =	vadd.f32 v30, v14  }
0x2fc: {  	v14 =	vld [tilespmem:s23+$0xD00];
	v15 =	vadd.f32 v31, v15  }
0x2fd: {  	[tilespmem:s23+$0x920] =	vst v13;
	v13 =	vld [tilespmem:s23+$0xD10]  }
0x2fe: {  	v12 =	vadd.f32 v32, v12;
	[tilespmem:s23+$0x930] =	vst v15;
	v15 =	vld [tilespmem:s23+$0xD20]  }
0x2ff: {  	v3 =	vld [tilespmem:s23+$0xD570];
	v17 =	vadd.f32 v33, v17  }
0x300: {  	v16 =	vadd.f32 v34, v16;
	[tilespmem:s23+$0x940] =	vst v12;
	v12 =	vld [tilespmem:s23+$0xD30]  }
0x301: {  	[tilespmem:s23+$0x950] =	vst v17;
	v17 =	vld [tilespmem:s23+$0xD40];
	v14 =	vadd.f32 v36, v14  }
0x302: {  	v18 =	vadd.f32 v35, v18;
	[tilespmem:s23+$0x960] =	vst v16;
	v16 =	vld [tilespmem:s23+$0xD50]  }
0x303: {  	v13 =	vadd.f32 v37, v13;
	[tilespmem:s23+$0xD00] =	vst v14;
	v14 =	vadd.f32 v38, v15;
	v15 =	vld [tilespmem:s23+$0xD60]  }
0x304: {  	[tilespmem:s23+$0x970] =	vst v18;
	v18 =	vld [tilespmem:s23+$0xD70]  }
0x305: {  	[tilespmem:s23+$0xD10] =	vst v13;
	v13 =	vld [tilespmem:s23+$0x1100];
	v12 =	vadd.f32 v39, v12  }
0x306: {  	v17 =	vadd.f32 v40, v17;
	[tilespmem:s23+$0xD20] =	vst v14;
	v14 =	vld [tilespmem:s23+$0x1110]  }
0x307: {  	v16 =	vadd.f32 v41, v16;
	[tilespmem:s23+$0xD30] =	vst v12;
	v12 =	vld [tilespmem:s23+$0x1120]  }
0x308: {  	[tilespmem:s23+$0xD40] =	vst v17;
	v17 =	vld [tilespmem:s23+$0x1130];
	v15 =	vadd.f32 v42, v15  }
0x309: {  	v19 =	vld [tilespmem:s23+$0x1140];
	[tilespmem:s23+$0xD50] =	vst v16;
	v16 =	vadd.f32 v43, v18  }
0x30a: {  	v18 =	vld [tilespmem:s23+$0x1150];
	v13 =	vadd.f32 v44, v13;
	[tilespmem:s23+$0xD60] =	vst v15  }
0x30b: {  	v20 =	vld [tilespmem:s23+$0x1160];
	[tilespmem:s23+$0xD70] =	vst v16;
	v14 =	vadd.f32 v45, v14  }
0x30c: {  	v16 =	vld [tilespmem:s23+$0x1170];
	[tilespmem:s23+$0x1100] =	vst v13;
	v12 =	vadd.f32 v46, v12  }
0x30d: {  	v15 =	vld [tilespmem:s23+$0x1500];
	v13 =	vadd.f32 v47, v17;
	[tilespmem:s23+$0x1110] =	vst v14  }
0x30e: {  	v14 =	vld [tilespmem:s23+$0x1510];
	[tilespmem:s23+$0x1120] =	vst v12;
	v12 =	vadd.f32 v48, v19  }
0x30f: {  	[tilespmem:s23+$0x1130] =	vst v13;
	v13 =	vld [tilespmem:s23+$0x1520];
	v18 =	vadd.f32 v49, v18  }
0x310: {  	s24 =	simm.s32 $0x1;
	v17 =	vadd.f32 v50, v20;
	[tilespmem:s23+$0x1140] =	vst v12;
	v12 =	vld [tilespmem:s23+$0x1530]  }
.LBB2_6:
0x311: {  	s25 =	sshrl.u32 s24, $0x3;
	p0 =	sne.s32 s24, $0x3F;
	[tilespmem:s23+$0x1150] =	vst v18;
	v11 =	vadd.f32 v11, v16;
	v16 =	vld [tilespmem:s23+$0x1540]  }
0x312: {  	s22 =	sadd.s32 $0x80, s22;
	s25 =	smul.u32 $0x1800, s25;
	[tilespmem:s23+$0x1160] =	vst v17;
	v10 =	vadd.f32 v10, v15;
	v15 =	vld [tilespmem:s23+$0x1550]  }
0x313: {  	s26 =	sand.u32 $0x380, s22;
	[tilespmem:s23+$0x1170] =	vst v11;
	v9 =	vadd.f32 v9, v14;
	v11 =	vld [tilespmem:s23+$0x1560]  }
0x314: {  	s25 =	sor.u32 s26, s25;
	[tilespmem:s23+$0x1500] =	vst v10;
	v8 =	vadd.f32 v8, v13;
	v10 =	vld [tilespmem:s23+$0x1570]  }
0x315: {  	v39 =	vld [tilespmem:s25+$0xC100];
	[tilespmem:s23+$0x1510] =	vst v9;
	v7 =	vadd.f32 v7, v12  }
0x316: {  	v40 =	vld [tilespmem:s25+$0xC110];
	[tilespmem:s23+$0x1520] =	vst v8;
	v6 =	vadd.f32 v6, v16  }
0x317: {  	v41 =	vld [tilespmem:s25+$0xC120];
	[tilespmem:s23+$0x1530] =	vst v7;
	v5 =	vadd.f32 v5, v15  }
0x318: {  	v42 =	vld [tilespmem:s25+$0xC130];
	[tilespmem:s23+$0x1540] =	vst v6;
	v4 =	vadd.f32 v4, v11  }
0x319: {  	v43 =	vld [tilespmem:s25+$0xC140];
	[tilespmem:s23+$0x1550] =	vst v5;
	v3 =	vadd.f32 v3, v10  }
0x31a: {  	v44 =	vld [tilespmem:s25+$0xC150];
	[tilespmem:s23+$0x1560] =	vst v4  }
0x31b: {  	v45 =	vld [tilespmem:s25+$0xC160];
	[tilespmem:s23+$0x1570] =	vst v3;
	s23 =	smov.u32 s25  }
0x31c: {  	v46 =	vld [tilespmem:s23+$0xC170]  }
0x31d: {  	v47 =	vld [tilespmem:s23+$0xC500]  }
0x31e: {  	v48 =	vld [tilespmem:s23+$0xC510]  }
0x31f: {  	v49 =	vld [tilespmem:s23+$0xC520]  }
0x320: {  	v50 =	vld [tilespmem:s23+$0xC530]  }
0x321: {  	v38 =	vld [tilespmem:s23+$0xC540]  }
0x322: {  	v37 =	vld [tilespmem:s23+$0xC550]  }
0x323: {  	v36 =	vld [tilespmem:s23+$0xC560]  }
0x324: {  	v35 =	vld [tilespmem:s23+$0xC570]  }
0x325: {  	v34 =	vld [tilespmem:s23+$0xC900]  }
0x326: {  	v33 =	vld [tilespmem:s23+$0xC910]  }
0x327: {  	v32 =	vld [tilespmem:s23+$0xC920]  }
0x328: {  	v31 =	vld [tilespmem:s23+$0xC930]  }
0x329: {  	v30 =	vld [tilespmem:s23+$0xC940]  }
0x32a: {  	v29 =	vld [tilespmem:s23+$0xC950]  }
0x32b: {  	v28 =	vld [tilespmem:s23+$0xC960]  }
0x32c: {  	v27 =	vld [tilespmem:s23+$0xC970]  }
0x32d: {  	v26 =	vld [tilespmem:s23+$0xCD00]  }
0x32e: {  	v25 =	vld [tilespmem:s23+$0xCD10]  }
0x32f: {  	v24 =	vld [tilespmem:s23+$0xCD20]  }
0x330: {  	v23 =	vld [tilespmem:s23+$0xCD30]  }
0x331: {  	v22 =	vld [tilespmem:s23+$0xCD40]  }
0x332: {  	v21 =	vld [tilespmem:s23+$0xCD50]  }
0x333: {  	v20 =	vld [tilespmem:s23+$0xCD60]  }
0x334: {  	v19 =	vld [tilespmem:s23+$0xCD70]  }
0x335: {  	v18 =	vld [tilespmem:s23+$0xD100]  }
0x336: {  	v17 =	vld [tilespmem:s23+$0xD110]  }
0x337: {  	v16 =	vld [tilespmem:s23+$0xD120]  }
0x338: {  	v15 =	vld [tilespmem:s23+$0xD130]  }
0x339: {  	v14 =	vld [tilespmem:s23+$0xD140]  }
0x33a: {  	v13 =	vld [tilespmem:s23+$0xD150]  }
0x33b: {  	v12 =	vld [tilespmem:s23+$0xD160]  }
0x33c: {  	v11 =	vld [tilespmem:s23+$0xD170]  }
0x33d: {  	v10 =	vld [tilespmem:s23+$0xD500]  }
0x33e: {  	v9 =	vld [tilespmem:s23+$0xD510]  }
0x33f: {  	v8 =	vld [tilespmem:s23+$0xD520]  }
0x340: {  	v7 =	vld [tilespmem:s23+$0xD530]  }
0x341: {  	v6 =	vld [tilespmem:s23+$0xD540]  }
0x342: {  	v5 =	vld [tilespmem:s23+$0xD550]  }
0x343: {  	v4 =	vld [tilespmem:s23+$0xD560]  }
0x344: {  	v3 =	vld [tilespmem:s23+$0xD570]  }
0x345: {  	v51 =	vld [tilespmem:s23+$0x100]  }
0x346: {  	v52 =	vld [tilespmem:s23+$0x110]  }
0x347: {  	v53 =	vld [tilespmem:s23+$0x120]  }
0x348: {  	v54 =	vld [tilespmem:s23+$0x130]  }
0x349: {  	v55 =	vld [tilespmem:s23+$0x140]  }
0x34a: {  	v39 =	vadd.f32 v39, v51;
	v51 =	vld [tilespmem:s23+$0x150]  }
0x34b: {  	v40 =	vadd.f32 v40, v52;
	v52 =	vld [tilespmem:s23+$0x160]  }
0x34c: {  	[tilespmem:s23+$0x100] =	vst v39;
	v39 =	vadd.f32 v41, v53;
	v41 =	vld [tilespmem:s23+$0x170]  }
0x34d: {  	[tilespmem:s23+$0x110] =	vst v40;
	v40 =	vadd.f32 v42, v54;
	v42 =	vld [tilespmem:s23+$0x500]  }
0x34e: {  	[tilespmem:s23+$0x120] =	vst v39;
	v39 =	vadd.f32 v43, v55;
	v43 =	vld [tilespmem:s23+$0x510]  }
0x34f: {  	[tilespmem:s23+$0x130] =	vst v40;
	v40 =	vadd.f32 v44, v51;
	v44 =	vld [tilespmem:s23+$0x520]  }
0x350: {  	[tilespmem:s23+$0x140] =	vst v39;
	v39 =	vadd.f32 v45, v52;
	v45 =	vld [tilespmem:s23+$0x530]  }
0x351: {  	[tilespmem:s23+$0x150] =	vst v40;
	v40 =	vadd.f32 v46, v41;
	v41 =	vld [tilespmem:s23+$0x540]  }
0x352: {  	[tilespmem:s23+$0x160] =	vst v39;
	v39 =	vadd.f32 v47, v42;
	v42 =	vld [tilespmem:s23+$0x550]  }
0x353: {  	[tilespmem:s23+$0x170] =	vst v40;
	v40 =	vadd.f32 v48, v43;
	v43 =	vld [tilespmem:s23+$0x560]  }
0x354: {  	[tilespmem:s23+$0x500] =	vst v39;
	v39 =	vadd.f32 v49, v44;
	v44 =	vld [tilespmem:s23+$0x570]  }
0x355: {  	[tilespmem:s23+$0x510] =	vst v40;
	v40 =	vadd.f32 v50, v45;
	v45 =	vld [tilespmem:s23+$0x900]  }
0x356: {  	[tilespmem:s23+$0x520] =	vst v39;
	v38 =	vadd.f32 v38, v41;
	v39 =	vld [tilespmem:s23+$0x910]  }
0x357: {  	[tilespmem:s23+$0x530] =	vst v40;
	v37 =	vadd.f32 v37, v42;
	v40 =	vld [tilespmem:s23+$0x920]  }
0x358: {  	[tilespmem:s23+$0x540] =	vst v38;
	v36 =	vadd.f32 v36, v43;
	v38 =	vld [tilespmem:s23+$0x930]  }
0x359: {  	[tilespmem:s23+$0x550] =	vst v37;
	v35 =	vadd.f32 v35, v44;
	v37 =	vld [tilespmem:s23+$0x940]  }
0x35a: {  	[tilespmem:s23+$0x560] =	vst v36;
	v34 =	vadd.f32 v34, v45;
	v36 =	vld [tilespmem:s23+$0x950]  }
0x35b: {  	[tilespmem:s23+$0x570] =	vst v35;
	v33 =	vadd.f32 v33, v39;
	v35 =	vld [tilespmem:s23+$0x960]  }
0x35c: {  	[tilespmem:s23+$0x900] =	vst v34;
	v32 =	vadd.f32 v32, v40;
	v34 =	vld [tilespmem:s23+$0x970]  }
0x35d: {  	[tilespmem:s23+$0x910] =	vst v33;
	v31 =	vadd.f32 v31, v38;
	v33 =	vld [tilespmem:s23+$0xD00]  }
0x35e: {  	[tilespmem:s23+$0x920] =	vst v32;
	v30 =	vadd.f32 v30, v37;
	v32 =	vld [tilespmem:s23+$0xD10]  }
0x35f: {  	[tilespmem:s23+$0x930] =	vst v31;
	v29 =	vadd.f32 v29, v36;
	v31 =	vld [tilespmem:s23+$0xD20]  }
0x360: {  	[tilespmem:s23+$0x940] =	vst v30;
	v28 =	vadd.f32 v28, v35;
	v30 =	vld [tilespmem:s23+$0xD30]  }
0x361: {  	[tilespmem:s23+$0x950] =	vst v29;
	v27 =	vadd.f32 v27, v34;
	v29 =	vld [tilespmem:s23+$0xD40]  }
0x362: {  	[tilespmem:s23+$0x960] =	vst v28;
	v26 =	vadd.f32 v26, v33;
	v28 =	vld [tilespmem:s23+$0xD50]  }
0x363: {  	[tilespmem:s23+$0x970] =	vst v27;
	v25 =	vadd.f32 v25, v32;
	v27 =	vld [tilespmem:s23+$0xD60]  }
0x364: {  	[tilespmem:s23+$0xD00] =	vst v26;
	v24 =	vadd.f32 v24, v31;
	v26 =	vld [tilespmem:s23+$0xD70]  }
0x365: {  	[tilespmem:s23+$0xD10] =	vst v25;
	v23 =	vadd.f32 v23, v30;
	v25 =	vld [tilespmem:s23+$0x1100]  }
0x366: {  	[tilespmem:s23+$0xD20] =	vst v24;
	v22 =	vadd.f32 v22, v29;
	v24 =	vld [tilespmem:s23+$0x1110]  }
0x367: {  	[tilespmem:s23+$0xD30] =	vst v23;
	v21 =	vadd.f32 v21, v28;
	v23 =	vld [tilespmem:s23+$0x1120]  }
0x368: {  	[tilespmem:s23+$0xD40] =	vst v22;
	v20 =	vadd.f32 v20, v27;
	v22 =	vld [tilespmem:s23+$0x1130]  }
0x369: {  	[tilespmem:s23+$0xD50] =	vst v21;
	v19 =	vadd.f32 v19, v26;
	v21 =	vld [tilespmem:s23+$0x1140]  }
0x36a: {  	[tilespmem:s23+$0xD60] =	vst v20;
	v18 =	vadd.f32 v18, v25;
	v20 =	vld [tilespmem:s23+$0x1150]  }
0x36b: {  	[tilespmem:s23+$0xD70] =	vst v19;
	v17 =	vadd.f32 v17, v24;
	v19 =	vld [tilespmem:s23+$0x1160]  }
.Ltmp2:
0x36c: {  	[tilespmem:s23+$0x1100] =	vst v18;
	v18 =	vadd.f32 v16, v23;
	v16 =	vld [tilespmem:s23+$0x1170];
	(pc) =	sbr.rel @p0 .LBB2_6-.Ltmp2, $4  }
0x36d: {  	[tilespmem:s23+$0x1110] =	vst v17;
	v17 =	vadd.f32 v15, v22;
	v15 =	vld [tilespmem:s23+$0x1500]  }
0x36e: {  	[tilespmem:s23+$0x1120] =	vst v18;
	v21 =	vadd.f32 v14, v21;
	v14 =	vld [tilespmem:s23+$0x1510]  }
0x36f: {  	[tilespmem:s23+$0x1130] =	vst v17;
	v18 =	vadd.f32 v13, v20;
	v13 =	vld [tilespmem:s23+$0x1520]  }
0x370: {  	s24 =	sadd.s32 $0x1, s24;
	[tilespmem:s23+$0x1140] =	vst v21;
	v17 =	vadd.f32 v12, v19;
	v12 =	vld [tilespmem:s23+$0x1530]  }
0x371: {  	[tilespmem:s23+$0x1150] =	vst v18;
	v18 =	vld [tilespmem:s23+$0x1540];
	v11 =	vadd.f32 v11, v16  }
0x372: {  	v16 =	vld [tilespmem:s23+$0x1550];
	[tilespmem:s23+$0x1160] =	vst v17;
	v10 =	vadd.f32 v10, v15  }
0x373: {  	[tilespmem:s23+$0x1170] =	vst v11;
	v9 =	vadd.f32 v9, v14;
	v11 =	vld [tilespmem:s23+$0x1560]  }
0x374: {  	[tilespmem:s23+$0x1500] =	vst v10;
	v8 =	vadd.f32 v8, v13;
	v10 =	vld [tilespmem:s23+$0x1570]  }
0x375: {  	[tilespmem:s23+$0x1510] =	vst v9;
	v7 =	vadd.f32 v7, v12  }
0x376: {  	[tilespmem:s23+$0x1520] =	vst v8;
	v6 =	vadd.f32 v6, v18  }
0x377: {  	v5 =	vadd.f32 v5, v16;
	[tilespmem:s23+$0x1530] =	vst v7  }
0x378: {  	[tilespmem:s23+$0x1540] =	vst v6;
	v4 =	vadd.f32 v4, v11  }
0x379: {  	[tilespmem:s23+$0x1550] =	vst v5;
	v3 =	vadd.f32 v3, v10  }
0x37a: {  	[tilespmem:s23+$0x1560] =	vst v4  }
0x37b: {  	s22 =	simm.s32 $0x0;
	s26 =	rddreg [dreg:$0xc];
	[tilespmem:s23+$0x1570] =	vst v3  }
0x37c: {  	[hbm4b:s26+s22] =	stream.linear.scatter [tilespmem:s21], [sflag:$0x3], $0xC000, $0x38;
	[tilespmem:$0x18100] =	vst v63  }
0x37d: {  	_ =	swait.ge [sflag:s15], $0xC000  }
0x37e: {  	[sflag:s15] =	ssyncset.done $0x0  }
0x37f: {  	[sflag:s15] =	ssyncadd.s32 $0xFFFF4000  }
0x380: {  	v3 =	vld [tilespmem:$0xC0];
	_ =	sdelay $0x4  }
0x381: {  	v4 =	vshrl.u32 v3, $0x3  }
0x382: {  	v4 =	vmul.u32 $0x30, v4  }
0x383: {  	v3 =	vand.u32 $0x7, v3  }
0x384: {  	v3 =	vor.u32 v3, v4  }
0x385: {  	v4 =	vperm.xlane v3, v0;
	_ =	sdelay $0x1  }
0x386: {  	v4 =	vadd.s32 v1, v4;
	_ =	sdelay $0x3  }
0x387: {  	v3 =	vperm.xlane v3, v2  }
0x388: {  	[tilespmem:s21], [sflag:$0x1] =	stream.indirect_vreg.gather [hbm4b:s1+s22], $0x80, v4, vm0, $0xb8;
	[tilespmem:$0x18100] =	vst v63  }
0x389: {  	s24 =	simm.s32 $0x900;
	v3 =	vadd.s32 v1, v3  }
0x38a: {  	[tilespmem:s24], [sflag:$0x1] =	stream.indirect_vreg.gather [hbm4b:s9+s22], $0x80, v4, vm0, $0xb8;
	[tilespmem:$0x18100] =	vst v63  }
0x38b: {  	s25 =	simm.s32 $0x1100  }
0x38c: {  	[tilespmem:s25], [sflag:$0x1] =	stream.indirect_vreg.gather [hbm4b:s10+s22], $0x80, v4, vm0, $0xb8;
	[tilespmem:$0x18100] =	vst v63  }
0x38d: {  	s26 =	simm.s32 $0x1900  }
0x38e: {  	[tilespmem:s26], [sflag:$0x1] =	stream.indirect_vreg.gather [hbm4b:s1+s22], $0x80, v3, vm0, $0xb8;
	[tilespmem:$0x18100] =	vst v63  }
0x38f: {  	s24 =	simm.s32 $0x2100  }
0x390: {  	[tilespmem:s24], [sflag:$0x1] =	stream.indirect_vreg.gather [hbm4b:s9+s22], $0x80, v3, vm0, $0xb8;
	[tilespmem:$0x18100] =	vst v63  }
0x391: {  	s25 =	simm.s32 $0x2900  }
0x392: {  	[tilespmem:s25], [sflag:$0x1] =	stream.indirect_vreg.gather [hbm4b:s10+s22], $0x80, v3, vm0, $0xb8;
	[tilespmem:$0x18100] =	vst v63  }
0x393: {  	v3 =	vld [tilespmem:$0xD0];
	_ =	sdelay $0x4  }
0x394: {  	v4 =	vshrl.u32 v3, $0x3  }
0x395: {  	v4 =	vmul.u32 $0x30, v4  }
0x396: {  	v3 =	vand.u32 $0x7, v3  }
0x397: {  	v3 =	vor.u32 v3, v4  }
0x398: {  	v4 =	vperm.xlane v3, v0;
	_ =	sdelay $0x1  }
0x399: {  	v4 =	vadd.s32 v1, v4;
	_ =	sdelay $0x3  }
0x39a: {  	v3 =	vperm.xlane v3, v2  }
0x39b: {  	[tilespmem:s28], [sflag:$0x1] =	stream.indirect_vreg.gather [hbm4b:s1+s22], $0x80, v4, vm0, $0xb8;
	[tilespmem:$0x18100] =	vst v63  }
0x39c: {  	v3 =	vadd.s32 v1, v3  }
0x39d: {  	[tilespmem:s29], [sflag:$0x1] =	stream.indirect_vreg.gather [hbm4b:s9+s22], $0x80, v4, vm0, $0xb8;
	[tilespmem:$0x18100] =	vst v63  }
0x39e: {  	_ = 	snop  }
0x39f: {  	[tilespmem:s30], [sflag:$0x1] =	stream.indirect_vreg.gather [hbm4b:s10+s22], $0x80, v4, vm0, $0xb8;
	[tilespmem:$0x18100] =	vst v63  }
0x3a0: {  	_ = 	snop  }
0x3a1: {  	[tilespmem:s31], [sflag:$0x1] =	stream.indirect_vreg.gather [hbm4b:s1+s22], $0x80, v3, vm0, $0xb8;
	[tilespmem:$0x18100] =	vst v63  }
0x3a2: {  	_ = 	snop  }
0x3a3: {  	[tilespmem:s2], [sflag:$0x1] =	stream.indirect_vreg.gather [hbm4b:s9+s22], $0x80, v3, vm0, $0xb8;
	[tilespmem:$0x18100] =	vst v63  }
0x3a4: {  	_ = 	snop  }
0x3a5: {  	[tilespmem:s0], [sflag:$0x1] =	stream.indirect_vreg.gather [hbm4b:s10+s22], $0x80, v3, vm0, $0xb8;
	[tilespmem:$0x18100] =	vst v63  }
0x3a6: {  	v3 =	vld [tilespmem:$0xE0];
	_ =	sdelay $0x4  }
0x3a7: {  	v4 =	vshrl.u32 v3, $0x3  }
0x3a8: {  	v4 =	vmul.u32 $0x30, v4  }
0x3a9: {  	v3 =	vand.u32 $0x7, v3  }
0x3aa: {  	v3 =	vor.u32 v3, v4  }
0x3ab: {  	v4 =	vperm.xlane v3, v0;
	_ =	sdelay $0x1  }
0x3ac: {  	v4 =	vadd.s32 v1, v4;
	_ =	sdelay $0x3  }
0x3ad: {  	v3 =	vperm.xlane v3, v2  }
0x3ae: {  	[tilespmem:s16], [sflag:$0x1] =	stream.indirect_vreg.gather [hbm4b:s1+s22], $0x80, v4, vm0, $0xb8;
	[tilespmem:$0x18100] =	vst v63  }
0x3af: {  	v3 =	vadd.s32 v1, v3  }
0x3b0: {  	[tilespmem:s17], [sflag:$0x1] =	stream.indirect_vreg.gather [hbm4b:s9+s22], $0x80, v4, vm0, $0xb8;
	[tilespmem:$0x18100] =	vst v63  }
0x3b1: {  	_ = 	snop  }
0x3b2: {  	[tilespmem:s18], [sflag:$0x1] =	stream.indirect_vreg.gather [hbm4b:s10+s22], $0x80, v4, vm0, $0xb8;
	[tilespmem:$0x18100] =	vst v63  }
0x3b3: {  	_ = 	snop  }
0x3b4: {  	[tilespmem:s19], [sflag:$0x1] =	stream.indirect_vreg.gather [hbm4b:s1+s22], $0x80, v3, vm0, $0xb8;
	[tilespmem:$0x18100] =	vst v63  }
0x3b5: {  	_ = 	snop  }
0x3b6: {  	[tilespmem:s4], [sflag:$0x1] =	stream.indirect_vreg.gather [hbm4b:s9+s22], $0x80, v3, vm0, $0xb8;
	[tilespmem:$0x18100] =	vst v63  }
0x3b7: {  	_ = 	snop  }
0x3b8: {  	[tilespmem:s5], [sflag:$0x1] =	stream.indirect_vreg.gather [hbm4b:s10+s22], $0x80, v3, vm0, $0xb8;
	[tilespmem:$0x18100] =	vst v63  }
0x3b9: {  	v3 =	vld [tilespmem:$0xF0];
	_ =	sdelay $0x4  }
0x3ba: {  	v4 =	vshrl.u32 v3, $0x3  }
0x3bb: {  	v4 =	vmul.u32 $0x30, v4  }
0x3bc: {  	v3 =	vand.u32 $0x7, v3  }
0x3bd: {  	v3 =	vor.u32 v3, v4  }
0x3be: {  	v4 =	vperm.xlane v3, v0;
	_ =	sdelay $0x1  }
0x3bf: {  	v4 =	vadd.s32 v1, v4;
	_ =	sdelay $0x3  }
0x3c0: {  	v3 =	vperm.xlane v3, v2  }
0x3c1: {  	[tilespmem:s6], [sflag:$0x1] =	stream.indirect_vreg.gather [hbm4b:s1+s22], $0x80, v4, vm0, $0xb8;
	[tilespmem:$0x18100] =	vst v63  }
0x3c2: {  	v3 =	vadd.s32 v1, v3  }
0x3c3: {  	[tilespmem:s7], [sflag:$0x1] =	stream.indirect_vreg.gather [hbm4b:s9+s22], $0x80, v4, vm0, $0xb8;
	[tilespmem:$0x18100] =	vst v63  }
0x3c4: {  	_ = 	snop  }
0x3c5: {  	[tilespmem:s8], [sflag:$0x1] =	stream.indirect_vreg.gather [hbm4b:s10+s22], $0x80, v4, vm0, $0xb8;
	[tilespmem:$0x18100] =	vst v63  }
0x3c6: {  	_ = 	snop  }
0x3c7: {  	[tilespmem:s11], [sflag:$0x1] =	stream.indirect_vreg.gather [hbm4b:s1+s22], $0x80, v3, vm0, $0xb8;
	[tilespmem:$0x18100] =	vst v63  }
0x3c8: {  	_ = 	snop  }
0x3c9: {  	[tilespmem:s12], [sflag:$0x1] =	stream.indirect_vreg.gather [hbm4b:s9+s22], $0x80, v3, vm0, $0xb8;
	[tilespmem:$0x18100] =	vst v63  }
0x3ca: {  	s26 =	simm.s32 $0x0  }
0x3cb: {  	[tilespmem:s13], [sflag:$0x1] =	stream.indirect_vreg.gather [hbm4b:s10+s22], $0x80, v3, vm0, $0xb8;
	[tilespmem:$0x18100] =	vst v63  }
0x3cc: {  	s23 =	smul.u32 $0x1800, s26;
	_ =	swait.ge [sflag:s20], $0xC000  }
0x3cd: {  	s24 =	sand.u32 $0x380, s22;
	[sflag:s20] =	ssyncset.done $0x0  }
0x3ce: {  	s23 =	sor.u32 s24, s23;
	[sflag:s20] =	ssyncadd.s32 $0xFFFF4000  }
0x3cf: {  	v12 =	vld [tilespmem:s23+$0xC100]  }
0x3d0: {  	v13 =	vld [tilespmem:s23+$0xC110]  }
0x3d1: {  	v14 =	vld [tilespmem:s23+$0xC120]  }
0x3d2: {  	v15 =	vld [tilespmem:s23+$0xC130]  }
0x3d3: {  	v16 =	vld [tilespmem:s23+$0xC140]  }
0x3d4: {  	v17 =	vld [tilespmem:s23+$0xC150]  }
0x3d5: {  	v18 =	vld [tilespmem:s23+$0xC160]  }
0x3d6: {  	v19 =	vld [tilespmem:s23+$0xC170]  }
0x3d7: {  	v20 =	vld [tilespmem:s23+$0xC500]  }
0x3d8: {  	v21 =	vld [tilespmem:s23+$0xC510]  }
0x3d9: {  	v22 =	vld [tilespmem:s23+$0xC520]  }
0x3da: {  	v23 =	vld [tilespmem:s23+$0xC530]  }
0x3db: {  	v24 =	vld [tilespmem:s23+$0xC540]  }
0x3dc: {  	v25 =	vld [tilespmem:s23+$0xC550]  }
0x3dd: {  	v26 =	vld [tilespmem:s23+$0xC560]  }
0x3de: {  	v27 =	vld [tilespmem:s23+$0xC570]  }
0x3df: {  	v28 =	vld [tilespmem:s23+$0xC900]  }
0x3e0: {  	v29 =	vld [tilespmem:s23+$0xC910]  }
0x3e1: {  	v30 =	vld [tilespmem:s23+$0xC920]  }
0x3e2: {  	v31 =	vld [tilespmem:s23+$0xC930]  }
0x3e3: {  	v32 =	vld [tilespmem:s23+$0xC940]  }
0x3e4: {  	v33 =	vld [tilespmem:s23+$0xC950]  }
0x3e5: {  	v34 =	vld [tilespmem:s23+$0xC960]  }
0x3e6: {  	v35 =	vld [tilespmem:s23+$0xC970]  }
0x3e7: {  	v36 =	vld [tilespmem:s23+$0xCD00]  }
0x3e8: {  	v37 =	vld [tilespmem:s23+$0xCD10]  }
0x3e9: {  	v38 =	vld [tilespmem:s23+$0xCD20]  }
0x3ea: {  	v39 =	vld [tilespmem:s23+$0xCD30]  }
0x3eb: {  	v40 =	vld [tilespmem:s23+$0xCD40]  }
0x3ec: {  	v41 =	vld [tilespmem:s23+$0xCD50]  }
0x3ed: {  	v42 =	vld [tilespmem:s23+$0xCD60]  }
0x3ee: {  	v43 =	vld [tilespmem:s23+$0xCD70]  }
0x3ef: {  	v44 =	vld [tilespmem:s23+$0xD100]  }
0x3f0: {  	v45 =	vld [tilespmem:s23+$0xD110]  }
0x3f1: {  	v46 =	vld [tilespmem:s23+$0xD120]  }
0x3f2: {  	v47 =	vld [tilespmem:s23+$0xD130]  }
0x3f3: {  	v48 =	vld [tilespmem:s23+$0xD140]  }
0x3f4: {  	v49 =	vld [tilespmem:s23+$0xD150]  }
0x3f5: {  	v50 =	vld [tilespmem:s23+$0xD160]  }
0x3f6: {  	v11 =	vld [tilespmem:s23+$0xD170]  }
0x3f7: {  	v10 =	vld [tilespmem:s23+$0xD500]  }
0x3f8: {  	v9 =	vld [tilespmem:s23+$0xD510]  }
0x3f9: {  	v8 =	vld [tilespmem:s23+$0xD520]  }
0x3fa: {  	v7 =	vld [tilespmem:s23+$0xD530]  }
0x3fb: {  	v6 =	vld [tilespmem:s23+$0xD540]  }
0x3fc: {  	v51 =	vld [tilespmem:s23+$0x100]  }
0x3fd: {  	v52 =	vld [tilespmem:s23+$0x110]  }
0x3fe: {  	v53 =	vld [tilespmem:s23+$0x120]  }
0x3ff: {  	v54 =	vld [tilespmem:s23+$0x130]  }
0x400: {  	v55 =	vld [tilespmem:s23+$0x140]  }
0x401: {  	v62 =	vld [tilespmem:s23+$0x150];
	v12 =	vadd.f32 v12, v51  }
0x402: {  	v63 =	vld [tilespmem:s23+$0x160];
	v13 =	vadd.f32 v13, v52  }
0x403: {  	[tilespmem:s23+$0x100] =	vst v12;
	v12 =	vadd.f32 v14, v53;
	v14 =	vld [tilespmem:s23+$0x170]  }
0x404: {  	[tilespmem:s23+$0x110] =	vst v13;
	v13 =	vadd.f32 v15, v54;
	v15 =	vld [tilespmem:s23+$0x500]  }
0x405: {  	[tilespmem:s23+$0x120] =	vst v12;
	v12 =	vadd.f32 v16, v55;
	v16 =	vld [tilespmem:s23+$0x510]  }
0x406: {  	[tilespmem:s23+$0x130] =	vst v13;
	v13 =	vadd.f32 v17, v62;
	v17 =	vld [tilespmem:s23+$0x520]  }
0x407: {  	v5 =	vld [tilespmem:s23+$0xD550]  }
0x408: {  	[tilespmem:s23+$0x140] =	vst v12;
	v12 =	vadd.f32 v18, v63;
	v18 =	vld [tilespmem:s23+$0x570]  }
0x409: {  	[tilespmem:s23+$0x150] =	vst v13;
	v13 =	vadd.f32 v19, v14;
	v14 =	vld [tilespmem:s23+$0x530]  }
0x40a: {  	[tilespmem:s23+$0x160] =	vst v12;
	v12 =	vadd.f32 v20, v15;
	v15 =	vld [tilespmem:s23+$0x540]  }
0x40b: {  	[tilespmem:s23+$0x170] =	vst v13;
	v13 =	vadd.f32 v21, v16;
	v16 =	vadd.f32 v22, v17;
	v17 =	vld [tilespmem:s23+$0x560]  }
0x40c: {  	[tilespmem:s23+$0x500] =	vst v12;
	v12 =	vld [tilespmem:s23+$0x550]  }
0x40d: {  	[tilespmem:s23+$0x510] =	vst v13;
	v13 =	vld [tilespmem:s23+$0x900];
	v18 =	vadd.f32 v27, v18  }
0x40e: {  	[tilespmem:s23+$0x520] =	vst v16;
	v16 =	vld [tilespmem:s23+$0x910];
	v14 =	vadd.f32 v23, v14  }
0x40f: {  	v4 =	vld [tilespmem:s23+$0xD560];
	v15 =	vadd.f32 v24, v15;
	[tilespmem:s23+$0x570] =	vst v18  }
0x410: {  	[tilespmem:s23+$0x530] =	vst v14;
	v14 =	vld [tilespmem:s23+$0x920];
	v17 =	vadd.f32 v26, v17  }
0x411: {  	v12 =	vadd.f32 v25, v12;
	[tilespmem:s23+$0x540] =	vst v15;
	v15 =	vld [tilespmem:s23+$0x930]  }
0x412: {  	v18 =	vld [tilespmem:s23+$0x970];
	[tilespmem:s23+$0x560] =	vst v17;
	v13 =	vadd.f32 v28, v13  }
0x413: {  	v16 =	vadd.f32 v29, v16;
	[tilespmem:s23+$0x550] =	vst v12;
	v12 =	vld [tilespmem:s23+$0x940]  }
0x414: {  	v17 =	vld [tilespmem:s23+$0x950];
	[tilespmem:s23+$0x900] =	vst v13  }
0x415: {  	[tilespmem:s23+$0x910] =	vst v16;
	v16 =	vld [tilespmem:s23+$0x960];
	v13 =	vadd.f32 v30, v14  }
0x416: {  	v14 =	vld [tilespmem:s23+$0xD00];
	v15 =	vadd.f32 v31, v15  }
0x417: {  	[tilespmem:s23+$0x920] =	vst v13;
	v13 =	vld [tilespmem:s23+$0xD10]  }
0x418: {  	v12 =	vadd.f32 v32, v12;
	[tilespmem:s23+$0x930] =	vst v15;
	v15 =	vld [tilespmem:s23+$0xD20]  }
0x419: {  	v3 =	vld [tilespmem:s23+$0xD570];
	v17 =	vadd.f32 v33, v17  }
0x41a: {  	v16 =	vadd.f32 v34, v16;
	[tilespmem:s23+$0x940] =	vst v12;
	v12 =	vld [tilespmem:s23+$0xD30]  }
0x41b: {  	[tilespmem:s23+$0x950] =	vst v17;
	v17 =	vld [tilespmem:s23+$0xD40];
	v14 =	vadd.f32 v36, v14  }
0x41c: {  	v18 =	vadd.f32 v35, v18;
	[tilespmem:s23+$0x960] =	vst v16;
	v16 =	vld [tilespmem:s23+$0xD50]  }
0x41d: {  	v13 =	vadd.f32 v37, v13;
	[tilespmem:s23+$0xD00] =	vst v14;
	v14 =	vadd.f32 v38, v15;
	v15 =	vld [tilespmem:s23+$0xD60]  }
0x41e: {  	[tilespmem:s23+$0x970] =	vst v18;
	v18 =	vld [tilespmem:s23+$0xD70]  }
0x41f: {  	[tilespmem:s23+$0xD10] =	vst v13;
	v13 =	vld [tilespmem:s23+$0x1100];
	v12 =	vadd.f32 v39, v12  }
0x420: {  	v17 =	vadd.f32 v40, v17;
	[tilespmem:s23+$0xD20] =	vst v14;
	v14 =	vld [tilespmem:s23+$0x1110]  }
0x421: {  	v16 =	vadd.f32 v41, v16;
	[tilespmem:s23+$0xD30] =	vst v12;
	v12 =	vld [tilespmem:s23+$0x1120]  }
0x422: {  	[tilespmem:s23+$0xD40] =	vst v17;
	v17 =	vld [tilespmem:s23+$0x1130];
	v15 =	vadd.f32 v42, v15  }
0x423: {  	v19 =	vld [tilespmem:s23+$0x1140];
	[tilespmem:s23+$0xD50] =	vst v16;
	v16 =	vadd.f32 v43, v18  }
0x424: {  	v18 =	vld [tilespmem:s23+$0x1150];
	v13 =	vadd.f32 v44, v13;
	[tilespmem:s23+$0xD60] =	vst v15  }
0x425: {  	v20 =	vld [tilespmem:s23+$0x1160];
	[tilespmem:s23+$0xD70] =	vst v16;
	v14 =	vadd.f32 v45, v14  }
0x426: {  	v16 =	vld [tilespmem:s23+$0x1170];
	[tilespmem:s23+$0x1100] =	vst v13;
	v12 =	vadd.f32 v46, v12  }
0x427: {  	v15 =	vld [tilespmem:s23+$0x1500];
	v13 =	vadd.f32 v47, v17;
	[tilespmem:s23+$0x1110] =	vst v14  }
0x428: {  	v14 =	vld [tilespmem:s23+$0x1510];
	[tilespmem:s23+$0x1120] =	vst v12;
	v12 =	vadd.f32 v48, v19  }
0x429: {  	[tilespmem:s23+$0x1130] =	vst v13;
	v13 =	vld [tilespmem:s23+$0x1520];
	v18 =	vadd.f32 v49, v18  }
0x42a: {  	s24 =	simm.s32 $0x1;
	v17 =	vadd.f32 v50, v20;
	[tilespmem:s23+$0x1140] =	vst v12;
	v12 =	vld [tilespmem:s23+$0x1530]  }
.LBB2_8:
0x42b: {  	s25 =	sshrl.u32 s24, $0x3;
	p0 =	sne.s32 s24, $0x3F;
	[tilespmem:s23+$0x1150] =	vst v18;
	v11 =	vadd.f32 v11, v16;
	v16 =	vld [tilespmem:s23+$0x1540]  }
0x42c: {  	s22 =	sadd.s32 $0x80, s22;
	s25 =	smul.u32 $0x1800, s25;
	[tilespmem:s23+$0x1160] =	vst v17;
	v10 =	vadd.f32 v10, v15;
	v15 =	vld [tilespmem:s23+$0x1550]  }
0x42d: {  	s26 =	sand.u32 $0x380, s22;
	[tilespmem:s23+$0x1170] =	vst v11;
	v9 =	vadd.f32 v9, v14;
	v11 =	vld [tilespmem:s23+$0x1560]  }
0x42e: {  	s25 =	sor.u32 s26, s25;
	[tilespmem:s23+$0x1500] =	vst v10;
	v8 =	vadd.f32 v8, v13;
	v10 =	vld [tilespmem:s23+$0x1570]  }
0x42f: {  	v39 =	vld [tilespmem:s25+$0xC100];
	[tilespmem:s23+$0x1510] =	vst v9;
	v7 =	vadd.f32 v7, v12  }
0x430: {  	v40 =	vld [tilespmem:s25+$0xC110];
	[tilespmem:s23+$0x1520] =	vst v8;
	v6 =	vadd.f32 v6, v16  }
0x431: {  	v41 =	vld [tilespmem:s25+$0xC120];
	[tilespmem:s23+$0x1530] =	vst v7;
	v5 =	vadd.f32 v5, v15  }
0x432: {  	v42 =	vld [tilespmem:s25+$0xC130];
	[tilespmem:s23+$0x1540] =	vst v6;
	v4 =	vadd.f32 v4, v11  }
0x433: {  	v43 =	vld [tilespmem:s25+$0xC140];
	[tilespmem:s23+$0x1550] =	vst v5;
	v3 =	vadd.f32 v3, v10  }
0x434: {  	v44 =	vld [tilespmem:s25+$0xC150];
	[tilespmem:s23+$0x1560] =	vst v4  }
0x435: {  	v45 =	vld [tilespmem:s25+$0xC160];
	[tilespmem:s23+$0x1570] =	vst v3;
	s23 =	smov.u32 s25  }
0x436: {  	v46 =	vld [tilespmem:s23+$0xC170]  }
0x437: {  	v47 =	vld [tilespmem:s23+$0xC500]  }
0x438: {  	v48 =	vld [tilespmem:s23+$0xC510]  }
0x439: {  	v49 =	vld [tilespmem:s23+$0xC520]  }
0x43a: {  	v50 =	vld [tilespmem:s23+$0xC530]  }
0x43b: {  	v38 =	vld [tilespmem:s23+$0xC540]  }
0x43c: {  	v37 =	vld [tilespmem:s23+$0xC550]  }
0x43d: {  	v36 =	vld [tilespmem:s23+$0xC560]  }
0x43e: {  	v35 =	vld [tilespmem:s23+$0xC570]  }
0x43f: {  	v34 =	vld [tilespmem:s23+$0xC900]  }
0x440: {  	v33 =	vld [tilespmem:s23+$0xC910]  }
0x441: {  	v32 =	vld [tilespmem:s23+$0xC920]  }
0x442: {  	v31 =	vld [tilespmem:s23+$0xC930]  }
0x443: {  	v30 =	vld [tilespmem:s23+$0xC940]  }
0x444: {  	v29 =	vld [tilespmem:s23+$0xC950]  }
0x445: {  	v28 =	vld [tilespmem:s23+$0xC960]  }
0x446: {  	v27 =	vld [tilespmem:s23+$0xC970]  }
0x447: {  	v26 =	vld [tilespmem:s23+$0xCD00]  }
0x448: {  	v25 =	vld [tilespmem:s23+$0xCD10]  }
0x449: {  	v24 =	vld [tilespmem:s23+$0xCD20]  }
0x44a: {  	v23 =	vld [tilespmem:s23+$0xCD30]  }
0x44b: {  	v22 =	vld [tilespmem:s23+$0xCD40]  }
0x44c: {  	v21 =	vld [tilespmem:s23+$0xCD50]  }
0x44d: {  	v20 =	vld [tilespmem:s23+$0xCD60]  }
0x44e: {  	v19 =	vld [tilespmem:s23+$0xCD70]  }
0x44f: {  	v18 =	vld [tilespmem:s23+$0xD100]  }
0x450: {  	v17 =	vld [tilespmem:s23+$0xD110]  }
0x451: {  	v16 =	vld [tilespmem:s23+$0xD120]  }
0x452: {  	v15 =	vld [tilespmem:s23+$0xD130]  }
0x453: {  	v14 =	vld [tilespmem:s23+$0xD140]  }
0x454: {  	v13 =	vld [tilespmem:s23+$0xD150]  }
0x455: {  	v12 =	vld [tilespmem:s23+$0xD160]  }
0x456: {  	v11 =	vld [tilespmem:s23+$0xD170]  }
0x457: {  	v10 =	vld [tilespmem:s23+$0xD500]  }
0x458: {  	v9 =	vld [tilespmem:s23+$0xD510]  }
0x459: {  	v8 =	vld [tilespmem:s23+$0xD520]  }
0x45a: {  	v7 =	vld [tilespmem:s23+$0xD530]  }
0x45b: {  	v6 =	vld [tilespmem:s23+$0xD540]  }
0x45c: {  	v5 =	vld [tilespmem:s23+$0xD550]  }
0x45d: {  	v4 =	vld [tilespmem:s23+$0xD560]  }
0x45e: {  	v3 =	vld [tilespmem:s23+$0xD570]  }
0x45f: {  	v51 =	vld [tilespmem:s23+$0x100]  }
0x460: {  	v52 =	vld [tilespmem:s23+$0x110]  }
0x461: {  	v53 =	vld [tilespmem:s23+$0x120]  }
0x462: {  	v54 =	vld [tilespmem:s23+$0x130]  }
0x463: {  	v55 =	vld [tilespmem:s23+$0x140]  }
0x464: {  	v39 =	vadd.f32 v39, v51;
	v51 =	vld [tilespmem:s23+$0x150]  }
0x465: {  	v40 =	vadd.f32 v40, v52;
	v52 =	vld [tilespmem:s23+$0x160]  }
0x466: {  	[tilespmem:s23+$0x100] =	vst v39;
	v39 =	vadd.f32 v41, v53;
	v41 =	vld [tilespmem:s23+$0x170]  }
0x467: {  	[tilespmem:s23+$0x110] =	vst v40;
	v40 =	vadd.f32 v42, v54;
	v42 =	vld [tilespmem:s23+$0x500]  }
0x468: {  	[tilespmem:s23+$0x120] =	vst v39;
	v39 =	vadd.f32 v43, v55;
	v43 =	vld [tilespmem:s23+$0x510]  }
0x469: {  	[tilespmem:s23+$0x130] =	vst v40;
	v40 =	vadd.f32 v44, v51;
	v44 =	vld [tilespmem:s23+$0x520]  }
0x46a: {  	[tilespmem:s23+$0x140] =	vst v39;
	v39 =	vadd.f32 v45, v52;
	v45 =	vld [tilespmem:s23+$0x530]  }
0x46b: {  	[tilespmem:s23+$0x150] =	vst v40;
	v40 =	vadd.f32 v46, v41;
	v41 =	vld [tilespmem:s23+$0x540]  }
0x46c: {  	[tilespmem:s23+$0x160] =	vst v39;
	v39 =	vadd.f32 v47, v42;
	v42 =	vld [tilespmem:s23+$0x550]  }
0x46d: {  	[tilespmem:s23+$0x170] =	vst v40;
	v40 =	vadd.f32 v48, v43;
	v43 =	vld [tilespmem:s23+$0x560]  }
0x46e: {  	[tilespmem:s23+$0x500] =	vst v39;
	v39 =	vadd.f32 v49, v44;
	v44 =	vld [tilespmem:s23+$0x570]  }
0x46f: {  	[tilespmem:s23+$0x510] =	vst v40;
	v40 =	vadd.f32 v50, v45;
	v45 =	vld [tilespmem:s23+$0x900]  }
0x470: {  	[tilespmem:s23+$0x520] =	vst v39;
	v38 =	vadd.f32 v38, v41;
	v39 =	vld [tilespmem:s23+$0x910]  }
0x471: {  	[tilespmem:s23+$0x530] =	vst v40;
	v37 =	vadd.f32 v37, v42;
	v40 =	vld [tilespmem:s23+$0x920]  }
0x472: {  	[tilespmem:s23+$0x540] =	vst v38;
	v36 =	vadd.f32 v36, v43;
	v38 =	vld [tilespmem:s23+$0x930]  }
0x473: {  	[tilespmem:s23+$0x550] =	vst v37;
	v35 =	vadd.f32 v35, v44;
	v37 =	vld [tilespmem:s23+$0x940]  }
0x474: {  	[tilespmem:s23+$0x560] =	vst v36;
	v34 =	vadd.f32 v34, v45;
	v36 =	vld [tilespmem:s23+$0x950]  }
0x475: {  	[tilespmem:s23+$0x570] =	vst v35;
	v33 =	vadd.f32 v33, v39;
	v35 =	vld [tilespmem:s23+$0x960]  }
0x476: {  	[tilespmem:s23+$0x900] =	vst v34;
	v32 =	vadd.f32 v32, v40;
	v34 =	vld [tilespmem:s23+$0x970]  }
0x477: {  	[tilespmem:s23+$0x910] =	vst v33;
	v31 =	vadd.f32 v31, v38;
	v33 =	vld [tilespmem:s23+$0xD00]  }
0x478: {  	[tilespmem:s23+$0x920] =	vst v32;
	v30 =	vadd.f32 v30, v37;
	v32 =	vld [tilespmem:s23+$0xD10]  }
0x479: {  	[tilespmem:s23+$0x930] =	vst v31;
	v29 =	vadd.f32 v29, v36;
	v31 =	vld [tilespmem:s23+$0xD20]  }
0x47a: {  	[tilespmem:s23+$0x940] =	vst v30;
	v28 =	vadd.f32 v28, v35;
	v30 =	vld [tilespmem:s23+$0xD30]  }
0x47b: {  	[tilespmem:s23+$0x950] =	vst v29;
	v27 =	vadd.f32 v27, v34;
	v29 =	vld [tilespmem:s23+$0xD40]  }
0x47c: {  	[tilespmem:s23+$0x960] =	vst v28;
	v26 =	vadd.f32 v26, v33;
	v28 =	vld [tilespmem:s23+$0xD50]  }
0x47d: {  	[tilespmem:s23+$0x970] =	vst v27;
	v25 =	vadd.f32 v25, v32;
	v27 =	vld [tilespmem:s23+$0xD60]  }
0x47e: {  	[tilespmem:s23+$0xD00] =	vst v26;
	v24 =	vadd.f32 v24, v31;
	v26 =	vld [tilespmem:s23+$0xD70]  }
0x47f: {  	[tilespmem:s23+$0xD10] =	vst v25;
	v23 =	vadd.f32 v23, v30;
	v25 =	vld [tilespmem:s23+$0x1100]  }
0x480: {  	[tilespmem:s23+$0xD20] =	vst v24;
	v22 =	vadd.f32 v22, v29;
	v24 =	vld [tilespmem:s23+$0x1110]  }
0x481: {  	[tilespmem:s23+$0xD30] =	vst v23;
	v21 =	vadd.f32 v21, v28;
	v23 =	vld [tilespmem:s23+$0x1120]  }
0x482: {  	[tilespmem:s23+$0xD40] =	vst v22;
	v20 =	vadd.f32 v20, v27;
	v22 =	vld [tilespmem:s23+$0x1130]  }
0x483: {  	[tilespmem:s23+$0xD50] =	vst v21;
	v19 =	vadd.f32 v19, v26;
	v21 =	vld [tilespmem:s23+$0x1140]  }
0x484: {  	[tilespmem:s23+$0xD60] =	vst v20;
	v18 =	vadd.f32 v18, v25;
	v20 =	vld [tilespmem:s23+$0x1150]  }
0x485: {  	[tilespmem:s23+$0xD70] =	vst v19;
	v17 =	vadd.f32 v17, v24;
	v19 =	vld [tilespmem:s23+$0x1160]  }
.Ltmp3:
0x486: {  	[tilespmem:s23+$0x1100] =	vst v18;
	v18 =	vadd.f32 v16, v23;
	v16 =	vld [tilespmem:s23+$0x1170];
	(pc) =	sbr.rel @p0 .LBB2_8-.Ltmp3, $4  }
0x487: {  	[tilespmem:s23+$0x1110] =	vst v17;
	v17 =	vadd.f32 v15, v22;
	v15 =	vld [tilespmem:s23+$0x1500]  }
0x488: {  	[tilespmem:s23+$0x1120] =	vst v18;
	v21 =	vadd.f32 v14, v21;
	v14 =	vld [tilespmem:s23+$0x1510]  }
0x489: {  	[tilespmem:s23+$0x1130] =	vst v17;
	v18 =	vadd.f32 v13, v20;
	v13 =	vld [tilespmem:s23+$0x1520]  }
0x48a: {  	s24 =	sadd.s32 $0x1, s24;
	[tilespmem:s23+$0x1140] =	vst v21;
	v17 =	vadd.f32 v12, v19;
	v12 =	vld [tilespmem:s23+$0x1530]  }
0x48b: {  	[tilespmem:s23+$0x1150] =	vst v18;
	v60 =	vld [tilespmem:s23+$0x1540];
	v11 =	vadd.f32 v11, v16  }
0x48c: {  	v61 =	vld [tilespmem:s23+$0x1550];
	[tilespmem:s23+$0x1160] =	vst v17;
	v10 =	vadd.f32 v10, v15  }
0x48d: {  	v62 =	vld [tilespmem:s23+$0x1560];
	[tilespmem:s23+$0x1170] =	vst v11;
	v9 =	vadd.f32 v9, v14  }
0x48e: {  	v63 =	vld [tilespmem:s23+$0x1570];
	[tilespmem:s23+$0x1500] =	vst v10;
	v8 =	vadd.f32 v8, v13  }
0x48f: {  	[tilespmem:s23+$0x1510] =	vst v9;
	v7 =	vadd.f32 v7, v12  }
0x490: {  	[tilespmem:s23+$0x1520] =	vst v8;
	v6 =	vadd.f32 v6, v60  }
0x491: {  	v5 =	vadd.f32 v5, v61;
	[tilespmem:s23+$0x1530] =	vst v7  }
0x492: {  	v4 =	vadd.f32 v4, v62;
	[tilespmem:s23+$0x1540] =	vst v6  }
0x493: {  	v3 =	vadd.f32 v3, v63;
	[tilespmem:s23+$0x1550] =	vst v5  }
0x494: {  	[tilespmem:s23+$0x1560] =	vst v4  }
0x495: {  	s22 =	rddreg [dreg:$0xd];
	[tilespmem:s23+$0x1570] =	vst v3  }
0x496: {  	[hbm4b:s22+s3] =	stream.linear.scatter [tilespmem:s21], [sflag:$0x3], $0xC000, $0x38;
	[tilespmem:$0x18100] =	vst v63  }
0x497: {  	_ =	swait.ge [sflag:s15], $0xC000  }
0x498: {  	s14 =	sadd.s32 $0x1, s14;
	s26 =	rddreg [dreg:$0xe]  }
0x499: {  	p0 =	sne.s32 s14, s26  }
.Ltmp4:
0x49a: {  	_ = 	snop;
	(pc) =	sbr.rel @p0 .LBB2_1-.Ltmp4, $3  }
0x49b: {  	_ =	sdelay $0x1  }
0x49c: {  	[sflag:s15] =	ssyncset.done $0x0  }
0x49d: {  	[sflag:s15] =	ssyncadd.s32 $0xFFFF4000  }
0x49e: {  	_ =	sfence.sel $0x180000  }
0x49f: {  	[bflag:$0x0] =	sbarrier.arrive $0xFFFF  }
0x4a0: {  	_ =	strace $0x90000047  }
0x4a1: {  	s0 =	stileid.u32;
	[bflag:$0x2] =	sbarrier.arrive $0xFFFF  }
0x4a2: {  	p0 =	sne.s32 s0, $0x0;
	s0 =	rddreg [dreg:$0x4]  }
0x4a3: {  	s0 =	sadd.s32 @!p0 $0x100000, s0  }
0x4a4: {  	[sflag:s0] =	ssyncadd.tile.s32 @!p0 $0x1;
	_ =	shalt  }
.Lfunc_end2:
_tile_overlayer_lowered:
.L_overlay_start_2:
0x4a5: {  	(tag) =	ssettag $0x2  }
0x4a6: {  	s0 =	rddreg [dreg:$0x0];
	s2 =	stileid.u32  }
0x4a7: {  	s1 =	rddreg [dreg:$0x1];
	p0 =	sne.s32 s2, $0x0  }
0x4a8: {  	s3 =	rddreg [dreg:$0x2];
	[bflag:$0x3] =	sbarrier.arrive $0xFFFF;
	s2 =	simm.s32 @!p0 $0x1C03  }
0x4a9: {  	[timem:s3], [sflag:s2] =	dma.local @!p0 [hbm:s0], s1  }
0x4aa: {  	s0 =	simm.s32 @!p0 $0x3  }
0x4ab: {  	_ =	swait.ge @!p0 [sflag:s0], s1  }
0x4ac: {  	s1 =	ssub.s32 @!p0 $0x0, s1;
	[sflag:s0] =	ssyncset.done @!p0 $0x0  }
0x4ad: {  	[sflag:s0] =	ssyncadd.s32 @!p0 s1  }
0x4ae: {  	[bflag:$0x3] =	sbarrier.arrive $0xFFFF  }
0x4af: {  	_ =	shalt  }

</sc_bundles>
